<compile_context>
chip_gen: v7x
topology: tpu7x:2x2x1
jax: 0.10.2.dev20260603
libtpu: 0.0.44.dev20260713+nightly
codegen_flags: <defaults>
</compile_context>

<pallas_src>
import functools

import jax
import jax.numpy as jnp
from jax import lax
from jax.experimental import pallas as pl
from jax.experimental.pallas import tpu as pltpu
from jax.experimental.pallas import tpu_sc as plsc

N_NODES = 10000
R = 16
K = 4
C = 128
LANES = 16
_SEGS = ((0, 1), (1, 3), (4, 5), (9, 7))
_SCALES = (1.0, 1.0 / 3.0, 1.0 / 5.0, 1.0 / 7.0)

TN = 984
N_TC = 5904
N_SC = N_NODES - N_TC

NB = 16
NBLK = N_SC // NB
NC = 2
NS = 16
NW = NC * NS



def _compute_block(in_v, out_v):
    def n_body(n, carry):
        for cg in range(C // LANES):
            sl = pl.ds(cg * LANES, LANES)
            sq = [None] * R
            for r in range(R):
                x = in_v[n, r, sl]
                sq[r] = x * x
            s1 = (sq[1] + sq[2]) + sq[3]
            s2 = ((sq[4] + sq[5]) + (sq[6] + sq[7])) + sq[8]
            s3 = (((sq[9] + sq[10]) + (sq[11] + sq[12]))
                  + ((sq[13] + sq[14]) + sq[15]))
            out_v[n, 0, sl] = sq[0]
            out_v[n, 1, sl] = s1 * _SCALES[1]
            out_v[n, 2, sl] = s2 * _SCALES[2]
            out_v[n, 3, sl] = s3 * _SCALES[3]
        return carry

    lax.fori_loop(0, NB, n_body, 0)


def _sc_body(x_hbm, out_hbm, in_a, in_b, out_a, out_b,
             in_sem_a, in_sem_b, out_sem_a, out_sem_b):
    wid = lax.axis_index("s") * NC + lax.axis_index("c")
    n_mine = (NBLK - wid + NW - 1) // NW
    pairs = n_mine // 2

    def in_base(i):
        return N_TC + (wid + i * NW) * NB

    def out_base(i):
        return (wid + i * NW) * NB

    def wait_in(buf, sem):
        pltpu.make_async_copy(x_hbm.at[pl.ds(0, NB)], buf, sem).wait()

    def wait_out(buf, sem):
        pltpu.make_async_copy(buf, out_hbm.at[pl.ds(0, NB)], sem).wait()

    pltpu.async_copy(x_hbm.at[pl.ds(in_base(0), NB)], in_a, in_sem_a)
    pltpu.async_copy(x_hbm.at[pl.ds(in_base(1), NB)], in_b, in_sem_b)

    def half(j, i, in_v, in_sem, out_v, out_sem):
        wait_in(in_v, in_sem)

        @pl.when(j > 0)
        def _():
            wait_out(out_v, out_sem)

        _compute_block(in_v, out_v)
        pltpu.async_copy(out_v, out_hbm.at[pl.ds(out_base(i), NB)], out_sem)

        @pl.when(i + 2 < n_mine)
        def _():
            pltpu.async_copy(x_hbm.at[pl.ds(in_base(i + 2), NB)], in_v, in_sem)

    def pair_body(j, carry):
        half(j, 2 * j, in_a, in_sem_a, out_a, out_sem_a)
        half(j, 2 * j + 1, in_b, in_sem_b, out_b, out_sem_b)
        return carry

    lax.fori_loop(0, pairs, pair_body, 0)

    wait_out(out_a, out_sem_a)
    wait_out(out_b, out_sem_b)


def _sc_call(input_tensor):
    mesh = plsc.VectorSubcoreMesh(core_axis_name="c", subcore_axis_name="s")
    f = functools.partial(
        pl.kernel,
        out_type=jax.ShapeDtypeStruct((N_SC, K, C), jnp.float32),
        mesh=mesh,
        scratch_types=[
            pltpu.VMEM((NB, R, C), jnp.float32),
            pltpu.VMEM((NB, R, C), jnp.float32),
            pltpu.VMEM((NB, K, C), jnp.float32),
            pltpu.VMEM((NB, K, C), jnp.float32),
            pltpu.SemaphoreType.DMA,
            pltpu.SemaphoreType.DMA,
            pltpu.SemaphoreType.DMA,
            pltpu.SemaphoreType.DMA,
        ],
    )(_sc_body)
    return f(input_tensor)



def _tc_body(x_ref, o_ref):
    x = x_ref[...]
    sq = x * x
    for k, (r0, d) in enumerate(_SEGS):
        acc = sq[:, r0, :]
        for r in range(r0 + 1, r0 + d):
            acc = acc + sq[:, r, :]
        o_ref[:, k, :] = acc * _SCALES[k]


def _tc_call(input_tensor):
    return pl.pallas_call(
        _tc_body,
        grid=(N_TC // TN,),
        in_specs=[pl.BlockSpec((TN, R, C), lambda i: (i, 0, 0))],
        out_specs=pl.BlockSpec((TN, K, C), lambda i: (i, 0, 0)),
        out_shape=jax.ShapeDtypeStruct((N_NODES, K, C), jnp.float32),
    )(input_tensor)


@jax.jit
def kernel(input_tensor):
    sc_out = _sc_call(input_tensor)
    tc_out = _tc_call(input_tensor)
    return lax.dynamic_update_slice(tc_out, sc_out, (N_TC, 0, 0))

# --- scband reference (transcript-rebuilt; emitter-appended) ---
"""Pipeline reference for scband-squared-norm-7232724927063 (READ-ONLY COPY).

The authoritative reference and input builder live on the scoring server;
editing this copy changes nothing except your own understanding.
"""

import jax, jax.numpy as jnp
import numpy as np

# irreps = '0e + 1o + 2e + 3o' -> per-irrep dims (2l+1): [1, 3, 5, 7], total dim 16, 4 irreps
_IRREP_DIMS = np.array([1, 3, 5, 7], dtype=np.int64)
_SEG_IDS = np.concatenate([np.full(d, i, dtype=np.int64) for i, d in enumerate(_IRREP_DIMS)])  # shape [16]
_INV_DIMS = (1.0 / _IRREP_DIMS).astype(np.float32)  # scaled=True

N_NODES = 10000
IRREPS_DIM = 16
NUM_IRREPS = 4
CHANNELS = 128


def setup_inputs(seed: int = 0) -> dict:
    key = jax.random.key(seed)
    input_tensor = jax.random.normal(key, (N_NODES, IRREPS_DIM, CHANNELS), dtype=jnp.float32)
    return {"input_tensor": input_tensor}


def reference(input_tensor):
    # SquaredNorm: for each irrep block k, sum_{m in block} x_{km}^2, then scale by 1/dim_k (scaled=True)
    seg = jnp.asarray(_SEG_IDS)
    sq = input_tensor * input_tensor  # (N, irreps_dim, C)
    out = jnp.zeros((input_tensor.shape[0], NUM_IRREPS, input_tensor.shape[2]), dtype=input_tensor.dtype)
    out = out.at[:, seg, :].add(sq)  # segment-sum over the irreps axis
    scale = jnp.asarray(_INV_DIMS, dtype=input_tensor.dtype)
    return out * scale[None, :, None]  # (N, num_irreps, C)

if __name__ == "__main__":
    import jax
    _d = setup_inputs()
    print(jax.jit(kernel)(*tuple(_d.values())))

</pallas_src>

<mosaic_0001>
#map = affine_map<(d0, d1) -> (0, 0, 0)>
module attributes {stable_mosaic.version = 14 : i64} {
  func.func @_sc_body(%arg0: i32, %arg1: i32, %arg2: memref<10000x16x128xf32, #tpu.memory_space<hbm>>, %arg3: memref<4096x4x128xf32, #tpu.memory_space<hbm>>, %arg4: memref<16x16x128xf32, #tpu.memory_space<vmem>>, %arg5: memref<16x16x128xf32, #tpu.memory_space<vmem>>, %arg6: memref<16x4x128xf32, #tpu.memory_space<vmem>>, %arg7: memref<16x4x128xf32, #tpu.memory_space<vmem>>, %arg8: memref<!tpu.dma_semaphore, #tpu.memory_space<semaphore_mem>>, %arg9: memref<!tpu.dma_semaphore, #tpu.memory_space<semaphore_mem>>, %arg10: memref<!tpu.dma_semaphore, #tpu.memory_space<semaphore_mem>>, %arg11: memref<!tpu.dma_semaphore, #tpu.memory_space<semaphore_mem>>) attributes {dimension_semantics = [#tpu.dimension_semantics<core_parallel>, #tpu.dimension_semantics<subcore_parallel>], iteration_bounds = array<i64: 2, 16>, scalar_prefetch = 0 : i64, scratch_operands = 8 : i64, tpu.core_type = #tpu.core_type<sc_vector_subcore>, window_params = [{transform_indices = #map}, {transform_indices = #map}]} {
    %mul3A = arith.constant 2 : i32
    %mul3A_0 = arith.muli %arg1, %mul3A : i32
    %add3A = arith.addi %mul3A_0, %arg0 : i32
    %sub3A = arith.constant 256 : i32
    %sub3A_1 = arith.subi %sub3A, %add3A : i32
    %add3A_2 = arith.constant 32 : i32
    %add3A_3 = arith.addi %sub3A_1, %add3A_2 : i32
    %sub3A_4 = arith.constant 1 : i32
    %sub3A_5 = arith.subi %add3A_3, %sub3A_4 : i32
    %jit3A = arith.constant 32 : i32
    %div3A = arith.divsi %sub3A_5, %jit3A : i32
    %sign3A = arith.constant 0 : i32
    %sign3A_6 = arith.cmpi sgt, %sub3A_5, %sign3A : i32
    %sign3A_7 = arith.extui %sign3A_6 : i1 to i32
    %sign3A_8 = arith.constant 0 : i32
    %sign3A_9 = arith.cmpi slt, %sub3A_5, %sign3A_8 : i32
    %sign3A_10 = arith.extui %sign3A_9 : i1 to i32
    %sign3A_11 = arith.subi %sign3A_7, %sign3A_10 : i32
    %sign3A_12 = arith.constant 0 : i32
    %sign3A_13 = arith.cmpi sgt, %jit3A, %sign3A_12 : i32
    %sign3A_14 = arith.extui %sign3A_13 : i1 to i32
    %sign3A_15 = arith.constant 0 : i32
    %sign3A_16 = arith.cmpi slt, %jit3A, %sign3A_15 : i32
    %sign3A_17 = arith.extui %sign3A_16 : i1 to i32
    %sign3A_18 = arith.subi %sign3A_14, %sign3A_17 : i32
    %ne3A = arith.cmpi ne, %sign3A_11, %sign3A_18 : i32
    %rem3A = arith.remsi %sub3A_5, %jit3A : i32
    %ne3A_19 = arith.constant 0 : i32
    %ne3A_20 = arith.cmpi ne, %rem3A, %ne3A_19 : i32
    %and3A = arith.andi %ne3A, %ne3A_20 : i1
    %sub3A_21 = arith.constant 1 : i32
    %sub3A_22 = arith.subi %div3A, %sub3A_21 : i32
    %select_n3A = arith.select %and3A, %sub3A_22, %div3A : i32
    %jit3A_23 = arith.constant 2 : i32
    %div3A_24 = arith.divsi %select_n3A, %jit3A_23 : i32
    %sign3A_25 = arith.constant 0 : i32
    %sign3A_26 = arith.cmpi sgt, %select_n3A, %sign3A_25 : i32
    %sign3A_27 = arith.extui %sign3A_26 : i1 to i32
    %sign3A_28 = arith.constant 0 : i32
    %sign3A_29 = arith.cmpi slt, %select_n3A, %sign3A_28 : i32
    %sign3A_30 = arith.extui %sign3A_29 : i1 to i32
    %sign3A_31 = arith.subi %sign3A_27, %sign3A_30 : i32
    %sign3A_32 = arith.constant 0 : i32
    %sign3A_33 = arith.cmpi sgt, %jit3A_23, %sign3A_32 : i32
    %sign3A_34 = arith.extui %sign3A_33 : i1 to i32
    %sign3A_35 = arith.constant 0 : i32
    %sign3A_36 = arith.cmpi slt, %jit3A_23, %sign3A_35 : i32
    %sign3A_37 = arith.extui %sign3A_36 : i1 to i32
    %sign3A_38 = arith.subi %sign3A_34, %sign3A_37 : i32
    %ne3A_39 = arith.cmpi ne, %sign3A_31, %sign3A_38 : i32
    %rem3A_40 = arith.remsi %select_n3A, %jit3A_23 : i32
    %ne3A_41 = arith.constant 0 : i32
    %ne3A_42 = arith.cmpi ne, %rem3A_40, %ne3A_41 : i32
    %and3A_43 = arith.andi %ne3A_39, %ne3A_42 : i1
    %sub3A_44 = arith.constant 1 : i32
    %sub3A_45 = arith.subi %div3A_24, %sub3A_44 : i32
    %select_n3A_46 = arith.select %and3A_43, %sub3A_45, %div3A_24 : i32
    %add3A_47 = arith.constant 0 : i32
    %add3A_48 = arith.addi %add3A, %add3A_47 : i32
    %mul3A_49 = arith.constant 16 : i32
    %mul3A_50 = arith.muli %add3A_48, %mul3A_49 : i32
    %add3A_51 = arith.constant 5904 : i32
    %add3A_52 = arith.addi %add3A_51, %mul3A_50 : i32
    %dma_start3A = arith.constant 0 : i32
    %dma_start3A_53 = arith.constant 0 : i32
    %dma_start3A_54 = tpu.memref_slice %arg2[%add3A_52, %dma_start3A, %dma_start3A_53] : memref<10000x16x128xf32, #tpu.memory_space<hbm>> -> memref<16x16x128xf32, #tpu.memory_space<hbm>>
    %dma_start3A_55 = arith.constant 0 : i32
    %dma_start3A_56 = arith.constant 0 : i32
    %dma_start3A_57 = tpu.memref_slice %arg2[%add3A_52, %dma_start3A_55, %dma_start3A_56] : memref<10000x16x128xf32, #tpu.memory_space<hbm>> -> memref<16x16x128xf32, #tpu.memory_space<hbm>>
    tpu.enqueue_dma source(%dma_start3A_57 : memref<16x16x128xf32, #tpu.memory_space<hbm>>) target(%arg4 : memref<16x16x128xf32, #tpu.memory_space<vmem>>) target_semaphore(%arg8 : memref<!tpu.dma_semaphore, #tpu.memory_space<semaphore_mem>>)
    %add3A_58 = arith.constant 32 : i32
    %add3A_59 = arith.addi %add3A, %add3A_58 : i32
    %mul3A_60 = arith.constant 16 : i32
    %mul3A_61 = arith.muli %add3A_59, %mul3A_60 : i32
    %add3A_62 = arith.constant 5904 : i32
    %add3A_63 = arith.addi %add3A_62, %mul3A_61 : i32
    %dma_start3A_64 = arith.constant 0 : i32
    %dma_start3A_65 = arith.constant 0 : i32
    %dma_start3A_66 = tpu.memref_slice %arg2[%add3A_63, %dma_start3A_64, %dma_start3A_65] : memref<10000x16x128xf32, #tpu.memory_space<hbm>> -> memref<16x16x128xf32, #tpu.memory_space<hbm>>
    %dma_start3A_67 = arith.constant 0 : i32
    %dma_start3A_68 = arith.constant 0 : i32
    %dma_start3A_69 = tpu.memref_slice %arg2[%add3A_63, %dma_start3A_67, %dma_start3A_68] : memref<10000x16x128xf32, #tpu.memory_space<hbm>> -> memref<16x16x128xf32, #tpu.memory_space<hbm>>
    tpu.enqueue_dma source(%dma_start3A_69 : memref<16x16x128xf32, #tpu.memory_space<hbm>>) target(%arg5 : memref<16x16x128xf32, #tpu.memory_space<vmem>>) target_semaphore(%arg9 : memref<!tpu.dma_semaphore, #tpu.memory_space<semaphore_mem>>)
    %while3A = arith.constant 0 : i32
    %while3A_70 = arith.constant 0 : i32
    %while3A_71 = arith.subi %select_n3A_46, %while3A_70 : i32
    %while3A_72 = arith.addi %while3A_70, %while3A_71 : i32
    %while3A_73 = arith.constant 1 : i32
    %while3A_74 = arith.divsi %while3A_71, %while3A_73 : i32
    %while3A_75 = arith.muli %while3A_74, %while3A_73 : i32
    %while3A_76 = arith.addi %while3A_70, %while3A_75 : i32
    %while3A_77 = arith.constant 1 : i32
    scf.for %while3A_94 = %while3A_70 to %while3A_76 step %while3A_77  : i32 {
      %mul3A_95 = arith.constant 2 : i32
      %mul3A_96 = arith.muli %mul3A_95, %while3A_94 : i32
      %dma_wait3A_97 = arith.constant 0 : i32
      %dma_wait3A_98 = arith.constant 0 : i32
      %dma_wait3A_99 = arith.constant 0 : i32
      %dma_wait3A_100 = tpu.memref_slice %arg2[%dma_wait3A_97, %dma_wait3A_98, %dma_wait3A_99] : memref<10000x16x128xf32, #tpu.memory_space<hbm>> -> memref<16x16x128xf32, #tpu.memory_space<hbm>>
      %dma_wait3A_101 = arith.constant 0 : i32
      %dma_wait3A_102 = arith.constant 0 : i32
      %dma_wait3A_103 = arith.constant 0 : i32
      %dma_wait3A_104 = tpu.memref_slice %arg2[%dma_wait3A_101, %dma_wait3A_102, %dma_wait3A_103] : memref<10000x16x128xf32, #tpu.memory_space<hbm>> -> memref<16x16x128xf32, #tpu.memory_space<hbm>>
      tpu.wait_dma2 semaphore(%arg8 : memref<!tpu.dma_semaphore, #tpu.memory_space<semaphore_mem>>) src(%dma_wait3A_104 : memref<16x16x128xf32, #tpu.memory_space<hbm>>) dst(%arg4 : memref<16x16x128xf32, #tpu.memory_space<vmem>>)
      %gt3A = arith.constant 0 : i32
      %gt3A_105 = arith.cmpi sgt, %while3A_94, %gt3A : i32
      %convert_element_type3A = arith.extui %gt3A_105 : i1 to i32
      %cond3A = arith.constant 0 : i32
      %cond3A_106 = arith.cmpi ne, %convert_element_type3A, %cond3A : i32
      scf.if %cond3A_106 {
        %dma_wait3A_168 = arith.constant 0 : i32
        %dma_wait3A_169 = arith.constant 0 : i32
        %dma_wait3A_170 = arith.constant 0 : i32
        %dma_wait3A_171 = tpu.memref_slice %arg3[%dma_wait3A_168, %dma_wait3A_169, %dma_wait3A_170] : memref<4096x4x128xf32, #tpu.memory_space<hbm>> -> memref<16x4x128xf32, #tpu.memory_space<hbm>>
        %dma_wait3A_172 = arith.constant 0 : i32
        %dma_wait3A_173 = arith.constant 0 : i32
        %dma_wait3A_174 = arith.constant 0 : i32
        %dma_wait3A_175 = tpu.memref_slice %arg3[%dma_wait3A_172, %dma_wait3A_173, %dma_wait3A_174] : memref<4096x4x128xf32, #tpu.memory_space<hbm>> -> memref<16x4x128xf32, #tpu.memory_space<hbm>>
        tpu.wait_dma2 semaphore(%arg10 : memref<!tpu.dma_semaphore, #tpu.memory_space<semaphore_mem>>) src(%arg6 : memref<16x4x128xf32, #tpu.memory_space<vmem>>) dst(%dma_wait3A_175 : memref<16x4x128xf32, #tpu.memory_space<hbm>>)
      } else {
      }
      %scan3A = arith.constant 0 : i32
      %scan3A_107 = arith.constant 0 : i32
      %scan3A_108 = arith.constant 16 : i32
      %scan3A_109 = arith.addi %scan3A_107, %scan3A_108 : i32
      %scan3A_110 = arith.constant 1 : i32
      scf.for %scan3A_168 = %scan3A_107 to %scan3A_109 step %scan3A_110  : i32 {
        %get3A = arith.constant 0 : i32
        %get3A_169 = arith.index_cast %scan3A_168 : i32 to index
        %get3A_170 = arith.index_cast %get3A : i32 to index
        %get3A_171 = arith.constant 0 : index
        %get3A_172 = tpu.vector_load %arg4[%get3A_169, %get3A_170, %get3A_171] {strides = array<i32>} : memref<16x16x128xf32, #tpu.memory_space<vmem>>, vector<1x1x16xf32>,
        %get3A_173 = vector.shape_cast %get3A_172 : vector<1x1x16xf32> to vector<16xf32>
        %mul3A_174 = arith.mulf %get3A_173, %get3A_173 : vector<16xf32>
        %get3A_175 = arith.constant 1 : i32
        %get3A_176 = arith.index_cast %scan3A_168 : i32 to index
        %get3A_177 = arith.index_cast %get3A_175 : i32 to index
        %get3A_178 = arith.constant 0 : index
        %get3A_179 = tpu.vector_load %arg4[%get3A_176, %get3A_177, %get3A_178] {strides = array<i32>} : memref<16x16x128xf32, #tpu.memory_space<vmem>>, vector<1x1x16xf32>,
        %get3A_180 = vector.shape_cast %get3A_179 : vector<1x1x16xf32> to vector<16xf32>
        %mul3A_181 = arith.mulf %get3A_180, %get3A_180 : vector<16xf32>
        %get3A_182 = arith.constant 2 : i32
        %get3A_183 = arith.index_cast %scan3A_168 : i32 to index
        %get3A_184 = arith.index_cast %get3A_182 : i32 to index
        %get3A_185 = arith.constant 0 : index
        %get3A_186 = tpu.vector_load %arg4[%get3A_183, %get3A_184, %get3A_185] {strides = array<i32>} : memref<16x16x128xf32, #tpu.memory_space<vmem>>, vector<1x1x16xf32>,
        %get3A_187 = vector.shape_cast %get3A_186 : vector<1x1x16xf32> to vector<16xf32>
        %mul3A_188 = arith.mulf %get3A_187, %get3A_187 : vector<16xf32>
        %get3A_189 = arith.constant 3 : i32
        %get3A_190 = arith.index_cast %scan3A_168 : i32 to index
        %get3A_191 = arith.index_cast %get3A_189 : i32 to index
        %get3A_192 = arith.constant 0 : index
        %get3A_193 = tpu.vector_load %arg4[%get3A_190, %get3A_191, %get3A_192] {strides = array<i32>} : memref<16x16x128xf32, #tpu.memory_space<vmem>>, vector<1x1x16xf32>,
        %get3A_194 = vector.shape_cast %get3A_193 : vector<1x1x16xf32> to vector<16xf32>
        %mul3A_195 = arith.mulf %get3A_194, %get3A_194 : vector<16xf32>
        %get3A_196 = arith.constant 4 : i32
        %get3A_197 = arith.index_cast %scan3A_168 : i32 to index
        %get3A_198 = arith.index_cast %get3A_196 : i32 to index
        %get3A_199 = arith.constant 0 : index
        %get3A_200 = tpu.vector_load %arg4[%get3A_197, %get3A_198, %get3A_199] {strides = array<i32>} : memref<16x16x128xf32, #tpu.memory_space<vmem>>, vector<1x1x16xf32>,
        %get3A_201 = vector.shape_cast %get3A_200 : vector<1x1x16xf32> to vector<16xf32>
        %mul3A_202 = arith.mulf %get3A_201, %get3A_201 : vector<16xf32>
        %get3A_203 = arith.constant 5 : i32
        %get3A_204 = arith.index_cast %scan3A_168 : i32 to index
        %get3A_205 = arith.index_cast %get3A_203 : i32 to index
        %get3A_206 = arith.constant 0 : index
        %get3A_207 = tpu.vector_load %arg4[%get3A_204, %get3A_205, %get3A_206] {strides = array<i32>} : memref<16x16x128xf32, #tpu.memory_space<vmem>>, vector<1x1x16xf32>,
        %get3A_208 = vector.shape_cast %get3A_207 : vector<1x1x16xf32> to vector<16xf32>
        %mul3A_209 = arith.mulf %get3A_208, %get3A_208 : vector<16xf32>
        %get3A_210 = arith.constant 6 : i32
        %get3A_211 = arith.index_cast %scan3A_168 : i32 to index
        %get3A_212 = arith.index_cast %get3A_210 : i32 to index
        %get3A_213 = arith.constant 0 : index
        %get3A_214 = tpu.vector_load %arg4[%get3A_211, %get3A_212, %get3A_213] {strides = array<i32>} : memref<16x16x128xf32, #tpu.memory_space<vmem>>, vector<1x1x16xf32>,
        %get3A_215 = vector.shape_cast %get3A_214 : vector<1x1x16xf32> to vector<16xf32>
        %mul3A_216 = arith.mulf %get3A_215, %get3A_215 : vector<16xf32>
        %get3A_217 = arith.constant 7 : i32
        %get3A_218 = arith.index_cast %scan3A_168 : i32 to index
        %get3A_219 = arith.index_cast %get3A_217 : i32 to index
        %get3A_220 = arith.constant 0 : index
        %get3A_221 = tpu.vector_load %arg4[%get3A_218, %get3A_219, %get3A_220] {strides = array<i32>} : memref<16x16x128xf32, #tpu.memory_space<vmem>>, vector<1x1x16xf32>,
        %get3A_222 = vector.shape_cast %get3A_221 : vector<1x1x16xf32> to vector<16xf32>
        %mul3A_223 = arith.mulf %get3A_222, %get3A_222 : vector<16xf32>
        %get3A_224 = arith.constant 8 : i32
        %get3A_225 = arith.index_cast %scan3A_168 : i32 to index
        %get3A_226 = arith.index_cast %get3A_224 : i32 to index
        %get3A_227 = arith.constant 0 : index
        %get3A_228 = tpu.vector_load %arg4[%get3A_225, %get3A_226, %get3A_227] {strides = array<i32>} : memref<16x16x128xf32, #tpu.memory_space<vmem>>, vector<1x1x16xf32>,
        %get3A_229 = vector.shape_cast %get3A_228 : vector<1x1x16xf32> to vector<16xf32>
        %mul3A_230 = arith.mulf %get3A_229, %get3A_229 : vector<16xf32>
        %get3A_231 = arith.constant 9 : i32
        %get3A_232 = arith.index_cast %scan3A_168 : i32 to index
        %get3A_233 = arith.index_cast %get3A_231 : i32 to index
        %get3A_234 = arith.constant 0 : index
        %get3A_235 = tpu.vector_load %arg4[%get3A_232, %get3A_233, %get3A_234] {strides = array<i32>} : memref<16x16x128xf32, #tpu.memory_space<vmem>>, vector<1x1x16xf32>,
        %get3A_236 = vector.shape_cast %get3A_235 : vector<1x1x16xf32> to vector<16xf32>
        %mul3A_237 = arith.mulf %get3A_236, %get3A_236 : vector<16xf32>
        %get3A_238 = arith.constant 10 : i32
        %get3A_239 = arith.index_cast %scan3A_168 : i32 to index
        %get3A_240 = arith.index_cast %get3A_238 : i32 to index
        %get3A_241 = arith.constant 0 : index
        %get3A_242 = tpu.vector_load %arg4[%get3A_239, %get3A_240, %get3A_241] {strides = array<i32>} : memref<16x16x128xf32, #tpu.memory_space<vmem>>, vector<1x1x16xf32>,
        %get3A_243 = vector.shape_cast %get3A_242 : vector<1x1x16xf32> to vector<16xf32>
        %mul3A_244 = arith.mulf %get3A_243, %get3A_243 : vector<16xf32>
        %get3A_245 = arith.constant 11 : i32
        %get3A_246 = arith.index_cast %scan3A_168 : i32 to index
        %get3A_247 = arith.index_cast %get3A_245 : i32 to index
        %get3A_248 = arith.constant 0 : index
        %get3A_249 = tpu.vector_load %arg4[%get3A_246, %get3A_247, %get3A_248] {strides = array<i32>} : memref<16x16x128xf32, #tpu.memory_space<vmem>>, vector<1x1x16xf32>,
        %get3A_250 = vector.shape_cast %get3A_249 : vector<1x1x16xf32> to vector<16xf32>
        %mul3A_251 = arith.mulf %get3A_250, %get3A_250 : vector<16xf32>
        %get3A_252 = arith.constant 12 : i32
        %get3A_253 = arith.index_cast %scan3A_168 : i32 to index
        %get3A_254 = arith.index_cast %get3A_252 : i32 to index
        %get3A_255 = arith.constant 0 : index
        %get3A_256 = tpu.vector_load %arg4[%get3A_253, %get3A_254, %get3A_255] {strides = array<i32>} : memref<16x16x128xf32, #tpu.memory_space<vmem>>, vector<1x1x16xf32>,
        %get3A_257 = vector.shape_cast %get3A_256 : vector<1x1x16xf32> to vector<16xf32>
        %mul3A_258 = arith.mulf %get3A_257, %get3A_257 : vector<16xf32>
        %get3A_259 = arith.constant 13 : i32
        %get3A_260 = arith.index_cast %scan3A_168 : i32 to index
        %get3A_261 = arith.index_cast %get3A_259 : i32 to index
        %get3A_262 = arith.constant 0 : index
        %get3A_263 = tpu.vector_load %arg4[%get3A_260, %get3A_261, %get3A_262] {strides = array<i32>} : memref<16x16x128xf32, #tpu.memory_space<vmem>>, vector<1x1x16xf32>,
        %get3A_264 = vector.shape_cast %get3A_263 : vector<1x1x16xf32> to vector<16xf32>
        %mul3A_265 = arith.mulf %get3A_264, %get3A_264 : vector<16xf32>
        %get3A_266 = arith.constant 14 : i32
        %get3A_267 = arith.index_cast %scan3A_168 : i32 to index
        %get3A_268 = arith.index_cast %get3A_266 : i32 to index
        %get3A_269 = arith.constant 0 : index
        %get3A_270 = tpu.vector_load %arg4[%get3A_267, %get3A_268, %get3A_269] {strides = array<i32>} : memref<16x16x128xf32, #tpu.memory_space<vmem>>, vector<1x1x16xf32>,
        %get3A_271 = vector.shape_cast %get3A_270 : vector<1x1x16xf32> to vector<16xf32>
        %mul3A_272 = arith.mulf %get3A_271, %get3A_271 : vector<16xf32>
        %get3A_273 = arith.constant 15 : i32
        %get3A_274 = arith.index_cast %scan3A_168 : i32 to index
        %get3A_275 = arith.index_cast %get3A_273 : i32 to index
        %get3A_276 = arith.constant 0 : index
        %get3A_277 = tpu.vector_load %arg4[%get3A_274, %get3A_275, %get3A_276] {strides = array<i32>} : memref<16x16x128xf32, #tpu.memory_space<vmem>>, vector<1x1x16xf32>,
        %get3A_278 = vector.shape_cast %get3A_277 : vector<1x1x16xf32> to vector<16xf32>
        %mul3A_279 = arith.mulf %get3A_278, %get3A_278 : vector<16xf32>
        %add3A_280 = arith.addf %mul3A_181, %mul3A_188 : vector<16xf32>
        %add3A_281 = arith.addf %add3A_280, %mul3A_195 : vector<16xf32>
        %add3A_282 = arith.addf %mul3A_202, %mul3A_209 : vector<16xf32>
        %add3A_283 = arith.addf %mul3A_216, %mul3A_223 : vector<16xf32>
        %add3A_284 = arith.addf %add3A_282, %add3A_283 : vector<16xf32>
        %add3A_285 = arith.addf %add3A_284, %mul3A_230 : vector<16xf32>
        %add3A_286 = arith.addf %mul3A_237, %mul3A_244 : vector<16xf32>
        %add3A_287 = arith.addf %mul3A_251, %mul3A_258 : vector<16xf32>
        %add3A_288 = arith.addf %add3A_286, %add3A_287 : vector<16xf32>
        %add3A_289 = arith.addf %mul3A_265, %mul3A_272 : vector<16xf32>
        %add3A_290 = arith.addf %add3A_289, %mul3A_279 : vector<16xf32>
        %add3A_291 = arith.addf %add3A_288, %add3A_290 : vector<16xf32>
        %swap3A = arith.constant 0 : i32
        %swap3A_292 = arith.index_cast %scan3A_168 : i32 to index
        %swap3A_293 = arith.index_cast %swap3A : i32 to index
        %swap3A_294 = arith.constant 0 : index
        %swap3A_295 = tpu.vector_load %arg6[%swap3A_292, %swap3A_293, %swap3A_294] {strides = array<i32>} : memref<16x4x128xf32, #tpu.memory_space<vmem>>, vector<1x1x16xf32>,
        %swap3A_296 = vector.shape_cast %swap3A_295 : vector<1x1x16xf32> to vector<16xf32>
        %swap3A_297 = vector.shape_cast %mul3A_174 : vector<16xf32> to vector<1x1x16xf32>
        tpu.vector_store %arg6[%swap3A_292, %swap3A_293, %swap3A_294], %swap3A_297 {strides = array<i32>} : memref<16x4x128xf32, #tpu.memory_space<vmem>>, vector<1x1x16xf32>,
        %mul3A_298 = arith.constant 0.333333343 : f32
        %mul3A_299 = vector.broadcast %mul3A_298 : f32 to vector<16xf32>
        %mul3A_300 = arith.mulf %add3A_281, %mul3A_299 : vector<16xf32>
        %swap3A_301 = arith.constant 1 : i32
        %swap3A_302 = arith.index_cast %scan3A_168 : i32 to index
        %swap3A_303 = arith.index_cast %swap3A_301 : i32 to index
        %swap3A_304 = arith.constant 0 : index
        %swap3A_305 = tpu.vector_load %arg6[%swap3A_302, %swap3A_303, %swap3A_304] {strides = array<i32>} : memref<16x4x128xf32, #tpu.memory_space<vmem>>, vector<1x1x16xf32>,
        %swap3A_306 = vector.shape_cast %swap3A_305 : vector<1x1x16xf32> to vector<16xf32>
        %swap3A_307 = vector.shape_cast %mul3A_300 : vector<16xf32> to vector<1x1x16xf32>
        tpu.vector_store %arg6[%swap3A_302, %swap3A_303, %swap3A_304], %swap3A_307 {strides = array<i32>} : memref<16x4x128xf32, #tpu.memory_space<vmem>>, vector<1x1x16xf32>,
        %mul3A_308 = arith.constant 2.000000e-01 : f32
        %mul3A_309 = vector.broadcast %mul3A_308 : f32 to vector<16xf32>
        %mul3A_310 = arith.mulf %add3A_285, %mul3A_309 : vector<16xf32>
        %swap3A_311 = arith.constant 2 : i32
        %swap3A_312 = arith.index_cast %scan3A_168 : i32 to index
        %swap3A_313 = arith.index_cast %swap3A_311 : i32 to index
        %swap3A_314 = arith.constant 0 : index
        %swap3A_315 = tpu.vector_load %arg6[%swap3A_312, %swap3A_313, %swap3A_314] {strides = array<i32>} : memref<16x4x128xf32, #tpu.memory_space<vmem>>, vector<1x1x16xf32>,
        %swap3A_316 = vector.shape_cast %swap3A_315 : vector<1x1x16xf32> to vector<16xf32>
        %swap3A_317 = vector.shape_cast %mul3A_310 : vector<16xf32> to vector<1x1x16xf32>
        tpu.vector_store %arg6[%swap3A_312, %swap3A_313, %swap3A_314], %swap3A_317 {strides = array<i32>} : memref<16x4x128xf32, #tpu.memory_space<vmem>>, vector<1x1x16xf32>,
        %mul3A_318 = arith.constant 0.142857149 : f32
        %mul3A_319 = vector.broadcast %mul3A_318 : f32 to vector<16xf32>
        %mul3A_320 = arith.mulf %add3A_291, %mul3A_319 : vector<16xf32>
        %swap3A_321 = arith.constant 3 : i32
        %swap3A_322 = arith.index_cast %scan3A_168 : i32 to index
        %swap3A_323 = arith.index_cast %swap3A_321 : i32 to index
        %swap3A_324 = arith.constant 0 : index
        %swap3A_325 = tpu.vector_load %arg6[%swap3A_322, %swap3A_323, %swap3A_324] {strides = array<i32>} : memref<16x4x128xf32, #tpu.memory_space<vmem>>, vector<1x1x16xf32>,
        %swap3A_326 = vector.shape_cast %swap3A_325 : vector<1x1x16xf32> to vector<16xf32>
        %swap3A_327 = vector.shape_cast %mul3A_320 : vector<16xf32> to vector<1x1x16xf32>
        tpu.vector_store %arg6[%swap3A_322, %swap3A_323, %swap3A_324], %swap3A_327 {strides = array<i32>} : memref<16x4x128xf32, #tpu.memory_space<vmem>>, vector<1x1x16xf32>,
        %get3A_328 = arith.constant 0 : i32
        %get3A_329 = arith.index_cast %scan3A_168 : i32 to index
        %get3A_330 = arith.index_cast %get3A_328 : i32 to index
        %get3A_331 = arith.constant 16 : index
        %get3A_332 = tpu.vector_load %arg4[%get3A_329, %get3A_330, %get3A_331] {strides = array<i32>} : memref<16x16x128xf32, #tpu.memory_space<vmem>>, vector<1x1x16xf32>,
        %get3A_333 = vector.shape_cast %get3A_332 : vector<1x1x16xf32> to vector<16xf32>
        %mul3A_334 = arith.mulf %get3A_333, %get3A_333 : vector<16xf32>
        %get3A_335 = arith.constant 1 : i32
        %get3A_336 = arith.index_cast %scan3A_168 : i32 to index
        %get3A_337 = arith.index_cast %get3A_335 : i32 to index
        %get3A_338 = arith.constant 16 : index
        %get3A_339 = tpu.vector_load %arg4[%get3A_336, %get3A_337, %get3A_338] {strides = array<i32>} : memref<16x16x128xf32, #tpu.memory_space<vmem>>, vector<1x1x16xf32>,
        %get3A_340 = vector.shape_cast %get3A_339 : vector<1x1x16xf32> to vector<16xf32>
        %mul3A_341 = arith.mulf %get3A_340, %get3A_340 : vector<16xf32>
        %get3A_342 = arith.constant 2 : i32
        %get3A_343 = arith.index_cast %scan3A_168 : i32 to index
        %get3A_344 = arith.index_cast %get3A_342 : i32 to index
        %get3A_345 = arith.constant 16 : index
        %get3A_346 = tpu.vector_load %arg4[%get3A_343, %get3A_344, %get3A_345] {strides = array<i32>} : memref<16x16x128xf32, #tpu.memory_space<vmem>>, vector<1x1x16xf32>,
        %get3A_347 = vector.shape_cast %get3A_346 : vector<1x1x16xf32> to vector<16xf32>
        %mul3A_348 = arith.mulf %get3A_347, %get3A_347 : vector<16xf32>
        %get3A_349 = arith.constant 3 : i32
        %get3A_350 = arith.index_cast %scan3A_168 : i32 to index
        %get3A_351 = arith.index_cast %get3A_349 : i32 to index
        %get3A_352 = arith.constant 16 : index
        %get3A_353 = tpu.vector_load %arg4[%get3A_350, %get3A_351, %get3A_352] {strides = array<i32>} : memref<16x16x128xf32, #tpu.memory_space<vmem>>, vector<1x1x16xf32>,
        %get3A_354 = vector.shape_cast %get3A_353 : vector<1x1x16xf32> to vector<16xf32>
        %mul3A_355 = arith.mulf %get3A_354, %get3A_354 : vector<16xf32>
        %get3A_356 = arith.constant 4 : i32
        %get3A_357 = arith.index_cast %scan3A_168 : i32 to index
        %get3A_358 = arith.index_cast %get3A_356 : i32 to index
        %get3A_359 = arith.constant 16 : index
        %get3A_360 = tpu.vector_load %arg4[%get3A_357, %get3A_358, %get3A_359] {strides = array<i32>} : memref<16x16x128xf32, #tpu.memory_space<vmem>>, vector<1x1x16xf32>,
        %get3A_361 = vector.shape_cast %get3A_360 : vector<1x1x16xf32> to vector<16xf32>
        %mul3A_362 = arith.mulf %get3A_361, %get3A_361 : vector<16xf32>
        %get3A_363 = arith.constant 5 : i32
        %get3A_364 = arith.index_cast %scan3A_168 : i32 to index
        %get3A_365 = arith.index_cast %get3A_363 : i32 to index
        %get3A_366 = arith.constant 16 : index
        %get3A_367 = tpu.vector_load %arg4[%get3A_364, %get3A_365, %get3A_366] {strides = array<i32>} : memref<16x16x128xf32, #tpu.memory_space<vmem>>, vector<1x1x16xf32>,
        %get3A_368 = vector.shape_cast %get3A_367 : vector<1x1x16xf32> to vector<16xf32>
        %mul3A_369 = arith.mulf %get3A_368, %get3A_368 : vector<16xf32>
        %get3A_370 = arith.constant 6 : i32
        %get3A_371 = arith.index_cast %scan3A_168 : i32 to index
        %get3A_372 = arith.index_cast %get3A_370 : i32 to index
        %get3A_373 = arith.constant 16 : index
        %get3A_374 = tpu.vector_load %arg4[%get3A_371, %get3A_372, %get3A_373] {strides = array<i32>} : memref<16x16x128xf32, #tpu.memory_space<vmem>>, vector<1x1x16xf32>,
        %get3A_375 = vector.shape_cast %get3A_374 : vector<1x1x16xf32> to vector<16xf32>
        %mul3A_376 = arith.mulf %get3A_375, %get3A_375 : vector<16xf32>
        %get3A_377 = arith.constant 7 : i32
        %get3A_378 = arith.index_cast %scan3A_168 : i32 to index
        %get3A_379 = arith.index_cast %get3A_377 : i32 to index
        %get3A_380 = arith.constant 16 : index
        %get3A_381 = tpu.vector_load %arg4[%get3A_378, %get3A_379, %get3A_380] {strides = array<i32>} : memref<16x16x128xf32, #tpu.memory_space<vmem>>, vector<1x1x16xf32>,
        %get3A_382 = vector.shape_cast %get3A_381 : vector<1x1x16xf32> to vector<16xf32>
        %mul3A_383 = arith.mulf %get3A_382, %get3A_382 : vector<16xf32>
        %get3A_384 = arith.constant 8 : i32
        %get3A_385 = arith.index_cast %scan3A_168 : i32 to index
        %get3A_386 = arith.index_cast %get3A_384 : i32 to index
        %get3A_387 = arith.constant 16 : index
        %get3A_388 = tpu.vector_load %arg4[%get3A_385, %get3A_386, %get3A_387] {strides = array<i32>} : memref<16x16x128xf32, #tpu.memory_space<vmem>>, vector<1x1x16xf32>,
        %get3A_389 = vector.shape_cast %get3A_388 : vector<1x1x16xf32> to vector<16xf32>
        %mul3A_390 = arith.mulf %get3A_389, %get3A_389 : vector<16xf32>
        %get3A_391 = arith.constant 9 : i32
        %get3A_392 = arith.index_cast %scan3A_168 : i32 to index
        %get3A_393 = arith.index_cast %get3A_391 : i32 to index
        %get3A_394 = arith.constant 16 : index
        %get3A_395 = tpu.vector_load %arg4[%get3A_392, %get3A_393, %get3A_394] {strides = array<i32>} : memref<16x16x128xf32, #tpu.memory_space<vmem>>, vector<1x1x16xf32>,
        %get3A_396 = vector.shape_cast %get3A_395 : vector<1x1x16xf32> to vector<16xf32>
        %mul3A_397 = arith.mulf %get3A_396, %get3A_396 : vector<16xf32>
        %get3A_398 = arith.constant 10 : i32
        %get3A_399 = arith.index_cast %scan3A_168 : i32 to index
        %get3A_400 = arith.index_cast %get3A_398 : i32 to index
        %get3A_401 = arith.constant 16 : index
        %get3A_402 = tpu.vector_load %arg4[%get3A_399, %get3A_400, %get3A_401] {strides = array<i32>} : memref<16x16x128xf32, #tpu.memory_space<vmem>>, vector<1x1x16xf32>,
        %get3A_403 = vector.shape_cast %get3A_402 : vector<1x1x16xf32> to vector<16xf32>
        %mul3A_404 = arith.mulf %get3A_403, %get3A_403 : vector<16xf32>
        %get3A_405 = arith.constant 11 : i32
        %get3A_406 = arith.index_cast %scan3A_168 : i32 to index
        %get3A_407 = arith.index_cast %get3A_405 : i32 to index
        %get3A_408 = arith.constant 16 : index
        %get3A_409 = tpu.vector_load %arg4[%get3A_406, %get3A_407, %get3A_408] {strides = array<i32>} : memref<16x16x128xf32, #tpu.memory_space<vmem>>, vector<1x1x16xf32>,
        %get3A_410 = vector.shape_cast %get3A_409 : vector<1x1x16xf32> to vector<16xf32>
        %mul3A_411 = arith.mulf %get3A_410, %get3A_410 : vector<16xf32>
        %get3A_412 = arith.constant 12 : i32
        %get3A_413 = arith.index_cast %scan3A_168 : i32 to index
        %get3A_414 = arith.index_cast %get3A_412 : i32 to index
        %get3A_415 = arith.constant 16 : index
        %get3A_416 = tpu.vector_load %arg4[%get3A_413, %get3A_414, %get3A_415] {strides = array<i32>} : memref<16x16x128xf32, #tpu.memory_space<vmem>>, vector<1x1x16xf32>,
        %get3A_417 = vector.shape_cast %get3A_416 : vector<1x1x16xf32> to vector<16xf32>
        %mul3A_418 = arith.mulf %get3A_417, %get3A_417 : vector<16xf32>
        %get3A_419 = arith.constant 13 : i32
        %get3A_420 = arith.index_cast %scan3A_168 : i32 to index
        %get3A_421 = arith.index_cast %get3A_419 : i32 to index
        %get3A_422 = arith.constant 16 : index
        %get3A_423 = tpu.vector_load %arg4[%get3A_420, %get3A_421, %get3A_422] {strides = array<i32>} : memref<16x16x128xf32, #tpu.memory_space<vmem>>, vector<1x1x16xf32>,
        %get3A_424 = vector.shape_cast %get3A_423 : vector<1x1x16xf32> to vector<16xf32>
        %mul3A_425 = arith.mulf %get3A_424, %get3A_424 : vector<16xf32>
        %get3A_426 = arith.constant 14 : i32
        %get3A_427 = arith.index_cast %scan3A_168 : i32 to index
        %get3A_428 = arith.index_cast %get3A_426 : i32 to index
        %get3A_429 = arith.constant 16 : index
        %get3A_430 = tpu.vector_load %arg4[%get3A_427, %get3A_428, %get3A_429] {strides = array<i32>} : memref<16x16x128xf32, #tpu.memory_space<vmem>>, vector<1x1x16xf32>,
        %get3A_431 = vector.shape_cast %get3A_430 : vector<1x1x16xf32> to vector<16xf32>
        %mul3A_432 = arith.mulf %get3A_431, %get3A_431 : vector<16xf32>
        %get3A_433 = arith.constant 15 : i32
        %get3A_434 = arith.index_cast %scan3A_168 : i32 to index
        %get3A_435 = arith.index_cast %get3A_433 : i32 to index
        %get3A_436 = arith.constant 16 : index
        %get3A_437 = tpu.vector_load %arg4[%get3A_434, %get3A_435, %get3A_436] {strides = array<i32>} : memref<16x16x128xf32, #tpu.memory_space<vmem>>, vector<1x1x16xf32>,
        %get3A_438 = vector.shape_cast %get3A_437 : vector<1x1x16xf32> to vector<16xf32>
        %mul3A_439 = arith.mulf %get3A_438, %get3A_438 : vector<16xf32>
        %add3A_440 = arith.addf %mul3A_341, %mul3A_348 : vector<16xf32>
        %add3A_441 = arith.addf %add3A_440, %mul3A_355 : vector<16xf32>
        %add3A_442 = arith.addf %mul3A_362, %mul3A_369 : vector<16xf32>
        %add3A_443 = arith.addf %mul3A_376, %mul3A_383 : vector<16xf32>
        %add3A_444 = arith.addf %add3A_442, %add3A_443 : vector<16xf32>
        %add3A_445 = arith.addf %add3A_444, %mul3A_390 : vector<16xf32>
        %add3A_446 = arith.addf %mul3A_397, %mul3A_404 : vector<16xf32>
        %add3A_447 = arith.addf %mul3A_411, %mul3A_418 : vector<16xf32>
        %add3A_448 = arith.addf %add3A_446, %add3A_447 : vector<16xf32>
        %add3A_449 = arith.addf %mul3A_425, %mul3A_432 : vector<16xf32>
        %add3A_450 = arith.addf %add3A_449, %mul3A_439 : vector<16xf32>
        %add3A_451 = arith.addf %add3A_448, %add3A_450 : vector<16xf32>
        %swap3A_452 = arith.constant 0 : i32
        %swap3A_453 = arith.index_cast %scan3A_168 : i32 to index
        %swap3A_454 = arith.index_cast %swap3A_452 : i32 to index
        %swap3A_455 = arith.constant 16 : index
        %swap3A_456 = tpu.vector_load %arg6[%swap3A_453, %swap3A_454, %swap3A_455] {strides = array<i32>} : memref<16x4x128xf32, #tpu.memory_space<vmem>>, vector<1x1x16xf32>,
        %swap3A_457 = vector.shape_cast %swap3A_456 : vector<1x1x16xf32> to vector<16xf32>
        %swap3A_458 = vector.shape_cast %mul3A_334 : vector<16xf32> to vector<1x1x16xf32>
        tpu.vector_store %arg6[%swap3A_453, %swap3A_454, %swap3A_455], %swap3A_458 {strides = array<i32>} : memref<16x4x128xf32, #tpu.memory_space<vmem>>, vector<1x1x16xf32>,
        %mul3A_459 = arith.constant 0.333333343 : f32
        %mul3A_460 = vector.broadcast %mul3A_459 : f32 to vector<16xf32>
        %mul3A_461 = arith.mulf %add3A_441, %mul3A_460 : vector<16xf32>
        %swap3A_462 = arith.constant 1 : i32
        %swap3A_463 = arith.index_cast %scan3A_168 : i32 to index
        %swap3A_464 = arith.index_cast %swap3A_462 : i32 to index
        %swap3A_465 = arith.constant 16 : index
        %swap3A_466 = tpu.vector_load %arg6[%swap3A_463, %swap3A_464, %swap3A_465] {strides = array<i32>} : memref<16x4x128xf32, #tpu.memory_space<vmem>>, vector<1x1x16xf32>,
        %swap3A_467 = vector.shape_cast %swap3A_466 : vector<1x1x16xf32> to vector<16xf32>
        %swap3A_468 = vector.shape_cast %mul3A_461 : vector<16xf32> to vector<1x1x16xf32>
        tpu.vector_store %arg6[%swap3A_463, %swap3A_464, %swap3A_465], %swap3A_468 {strides = array<i32>} : memref<16x4x128xf32, #tpu.memory_space<vmem>>, vector<1x1x16xf32>,
        %mul3A_469 = arith.constant 2.000000e-01 : f32
        %mul3A_470 = vector.broadcast %mul3A_469 : f32 to vector<16xf32>
        %mul3A_471 = arith.mulf %add3A_445, %mul3A_470 : vector<16xf32>
        %swap3A_472 = arith.constant 2 : i32
        %swap3A_473 = arith.index_cast %scan3A_168 : i32 to index
        %swap3A_474 = arith.index_cast %swap3A_472 : i32 to index
        %swap3A_475 = arith.constant 16 : index
        %swap3A_476 = tpu.vector_load %arg6[%swap3A_473, %swap3A_474, %swap3A_475] {strides = array<i32>} : memref<16x4x128xf32, #tpu.memory_space<vmem>>, vector<1x1x16xf32>,
        %swap3A_477 = vector.shape_cast %swap3A_476 : vector<1x1x16xf32> to vector<16xf32>
        %swap3A_478 = vector.shape_cast %mul3A_471 : vector<16xf32> to vector<1x1x16xf32>
        tpu.vector_store %arg6[%swap3A_473, %swap3A_474, %swap3A_475], %swap3A_478 {strides = array<i32>} : memref<16x4x128xf32, #tpu.memory_space<vmem>>, vector<1x1x16xf32>,
        %mul3A_479 = arith.constant 0.142857149 : f32
        %mul3A_480 = vector.broadcast %mul3A_479 : f32 to vector<16xf32>
        %mul3A_481 = arith.mulf %add3A_451, %mul3A_480 : vector<16xf32>
        %swap3A_482 = arith.constant 3 : i32
        %swap3A_483 = arith.index_cast %scan3A_168 : i32 to index
        %swap3A_484 = arith.index_cast %swap3A_482 : i32 to index
        %swap3A_485 = arith.constant 16 : index
        %swap3A_486 = tpu.vector_load %arg6[%swap3A_483, %swap3A_484, %swap3A_485] {strides = array<i32>} : memref<16x4x128xf32, #tpu.memory_space<vmem>>, vector<1x1x16xf32>,
        %swap3A_487 = vector.shape_cast %swap3A_486 : vector<1x1x16xf32> to vector<16xf32>
        %swap3A_488 = vector.shape_cast %mul3A_481 : vector<16xf32> to vector<1x1x16xf32>
        tpu.vector_store %arg6[%swap3A_483, %swap3A_484, %swap3A_485], %swap3A_488 {strides = array<i32>} : memref<16x4x128xf32, #tpu.memory_space<vmem>>, vector<1x1x16xf32>,
        %get3A_489 = arith.constant 0 : i32
        %get3A_490 = arith.index_cast %scan3A_168 : i32 to index
        %get3A_491 = arith.index_cast %get3A_489 : i32 to index
        %get3A_492 = arith.constant 32 : index
        %get3A_493 = tpu.vector_load %arg4[%get3A_490, %get3A_491, %get3A_492] {strides = array<i32>} : memref<16x16x128xf32, #tpu.memory_space<vmem>>, vector<1x1x16xf32>,
        %get3A_494 = vector.shape_cast %get3A_493 : vector<1x1x16xf32> to vector<16xf32>
        %mul3A_495 = arith.mulf %get3A_494, %get3A_494 : vector<16xf32>
        %get3A_496 = arith.constant 1 : i32
        %get3A_497 = arith.index_cast %scan3A_168 : i32 to index
        %get3A_498 = arith.index_cast %get3A_496 : i32 to index
        %get3A_499 = arith.constant 32 : index
        %get3A_500 = tpu.vector_load %arg4[%get3A_497, %get3A_498, %get3A_499] {strides = array<i32>} : memref<16x16x128xf32, #tpu.memory_space<vmem>>, vector<1x1x16xf32>,
        %get3A_501 = vector.shape_cast %get3A_500 : vector<1x1x16xf32> to vector<16xf32>
        %mul3A_502 = arith.mulf %get3A_501, %get3A_501 : vector<16xf32>
        %get3A_503 = arith.constant 2 : i32
        %get3A_504 = arith.index_cast %scan3A_168 : i32 to index
        %get3A_505 = arith.index_cast %get3A_503 : i32 to index
        %get3A_506 = arith.constant 32 : index
        %get3A_507 = tpu.vector_load %arg4[%get3A_504, %get3A_505, %get3A_506] {strides = array<i32>} : memref<16x16x128xf32, #tpu.memory_space<vmem>>, vector<1x1x16xf32>,
        %get3A_508 = vector.shape_cast %get3A_507 : vector<1x1x16xf32> to vector<16xf32>
        %mul3A_509 = arith.mulf %get3A_508, %get3A_508 : vector<16xf32>
        %get3A_510 = arith.constant 3 : i32
        %get3A_511 = arith.index_cast %scan3A_168 : i32 to index
        %get3A_512 = arith.index_cast %get3A_510 : i32 to index
        %get3A_513 = arith.constant 32 : index
        %get3A_514 = tpu.vector_load %arg4[%get3A_511, %get3A_512, %get3A_513] {strides = array<i32>} : memref<16x16x128xf32, #tpu.memory_space<vmem>>, vector<1x1x16xf32>,
        %get3A_515 = vector.shape_cast %get3A_514 : vector<1x1x16xf32> to vector<16xf32>
        %mul3A_516 = arith.mulf %get3A_515, %get3A_515 : vector<16xf32>
        %get3A_517 = arith.constant 4 : i32
        %get3A_518 = arith.index_cast %scan3A_168 : i32 to index
        %get3A_519 = arith.index_cast %get3A_517 : i32 to index
        %get3A_520 = arith.constant 32 : index
        %get3A_521 = tpu.vector_load %arg4[%get3A_518, %get3A_519, %get3A_520] {strides = array<i32>} : memref<16x16x128xf32, #tpu.memory_space<vmem>>, vector<1x1x16xf32>,
        %get3A_522 = vector.shape_cast %get3A_521 : vector<1x1x16xf32> to vector<16xf32>
        %mul3A_523 = arith.mulf %get3A_522, %get3A_522 : vector<16xf32>
        %get3A_524 = arith.constant 5 : i32
        %get3A_525 = arith.index_cast %scan3A_168 : i32 to index
        %get3A_526 = arith.index_cast %get3A_524 : i32 to index
        %get3A_527 = arith.constant 32 : index
        %get3A_528 = tpu.vector_load %arg4[%get3A_525, %get3A_526, %get3A_527] {strides = array<i32>} : memref<16x16x128xf32, #tpu.memory_space<vmem>>, vector<1x1x16xf32>,
        %get3A_529 = vector.shape_cast %get3A_528 : vector<1x1x16xf32> to vector<16xf32>
        %mul3A_530 = arith.mulf %get3A_529, %get3A_529 : vector<16xf32>
        %get3A_531 = arith.constant 6 : i32
        %get3A_532 = arith.index_cast %scan3A_168 : i32 to index
        %get3A_533 = arith.index_cast %get3A_531 : i32 to index
        %get3A_534 = arith.constant 32 : index
        %get3A_535 = tpu.vector_load %arg4[%get3A_532, %get3A_533, %get3A_534] {strides = array<i32>} : memref<16x16x128xf32, #tpu.memory_space<vmem>>, vector<1x1x16xf32>,
        %get3A_536 = vector.shape_cast %get3A_535 : vector<1x1x16xf32> to vector<16xf32>
        %mul3A_537 = arith.mulf %get3A_536, %get3A_536 : vector<16xf32>
        %get3A_538 = arith.constant 7 : i32
        %get3A_539 = arith.index_cast %scan3A_168 : i32 to index
        %get3A_540 = arith.index_cast %get3A_538 : i32 to index
        %get3A_541 = arith.constant 32 : index
        %get3A_542 = tpu.vector_load %arg4[%get3A_539, %get3A_540, %get3A_541] {strides = array<i32>} : memref<16x16x128xf32, #tpu.memory_space<vmem>>, vector<1x1x16xf32>,
        %get3A_543 = vector.shape_cast %get3A_542 : vector<1x1x16xf32> to vector<16xf32>
        %mul3A_544 = arith.mulf %get3A_543, %get3A_543 : vector<16xf32>
        %get3A_545 = arith.constant 8 : i32
        %get3A_546 = arith.index_cast %scan3A_168 : i32 to index
        %get3A_547 = arith.index_cast %get3A_545 : i32 to index
        %get3A_548 = arith.constant 32 : index
        %get3A_549 = tpu.vector_load %arg4[%get3A_546, %get3A_547, %get3A_548] {strides = array<i32>} : memref<16x16x128xf32, #tpu.memory_space<vmem>>, vector<1x1x16xf32>,
        %get3A_550 = vector.shape_cast %get3A_549 : vector<1x1x16xf32> to vector<16xf32>
        %mul3A_551 = arith.mulf %get3A_550, %get3A_550 : vector<16xf32>
        %get3A_552 = arith.constant 9 : i32
        %get3A_553 = arith.index_cast %scan3A_168 : i32 to index
        %get3A_554 = arith.index_cast %get3A_552 : i32 to index
        %get3A_555 = arith.constant 32 : index
        %get3A_556 = tpu.vector_load %arg4[%get3A_553, %get3A_554, %get3A_555] {strides = array<i32>} : memref<16x16x128xf32, #tpu.memory_space<vmem>>, vector<1x1x16xf32>,
        %get3A_557 = vector.shape_cast %get3A_556 : vector<1x1x16xf32> to vector<16xf32>
        %mul3A_558 = arith.mulf %get3A_557, %get3A_557 : vector<16xf32>
        %get3A_559 = arith.constant 10 : i32
        %get3A_560 = arith.index_cast %scan3A_168 : i32 to index
        %get3A_561 = arith.index_cast %get3A_559 : i32 to index
        %get3A_562 = arith.constant 32 : index
        %get3A_563 = tpu.vector_load %arg4[%get3A_560, %get3A_561, %get3A_562] {strides = array<i32>} : memref<16x16x128xf32, #tpu.memory_space<vmem>>, vector<1x1x16xf32>,
        %get3A_564 = vector.shape_cast %get3A_563 : vector<1x1x16xf32> to vector<16xf32>
        %mul3A_565 = arith.mulf %get3A_564, %get3A_564 : vector<16xf32>
        %get3A_566 = arith.constant 11 : i32
        %get3A_567 = arith.index_cast %scan3A_168 : i32 to index
        %get3A_568 = arith.index_cast %get3A_566 : i32 to index
        %get3A_569 = arith.constant 32 : index
        %get3A_570 = tpu.vector_load %arg4[%get3A_567, %get3A_568, %get3A_569] {strides = array<i32>} : memref<16x16x128xf32, #tpu.memory_space<vmem>>, vector<1x1x16xf32>,
        %get3A_571 = vector.shape_cast %get3A_570 : vector<1x1x16xf32> to vector<16xf32>
        %mul3A_572 = arith.mulf %get3A_571, %get3A_571 : vector<16xf32>
        %get3A_573 = arith.constant 12 : i32
        %get3A_574 = arith.index_cast %scan3A_168 : i32 to index
        %get3A_575 = arith.index_cast %get3A_573 : i32 to index
        %get3A_576 = arith.constant 32 : index
        %get3A_577 = tpu.vector_load %arg4[%get3A_574, %get3A_575, %get3A_576] {strides = array<i32>} : memref<16x16x128xf32, #tpu.memory_space<vmem>>, vector<1x1x16xf32>,
        %get3A_578 = vector.shape_cast %get3A_577 : vector<1x1x16xf32> to vector<16xf32>
        %mul3A_579 = arith.mulf %get3A_578, %get3A_578 : vector<16xf32>
        %get3A_580 = arith.constant 13 : i32
        %get3A_581 = arith.index_cast %scan3A_168 : i32 to index
        %get3A_582 = arith.index_cast %get3A_580 : i32 to index
        %get3A_583 = arith.constant 32 : index
        %get3A_584 = tpu.vector_load %arg4[%get3A_581, %get3A_582, %get3A_583] {strides = array<i32>} : memref<16x16x128xf32, #tpu.memory_space<vmem>>, vector<1x1x16xf32>,
        %get3A_585 = vector.shape_cast %get3A_584 : vector<1x1x16xf32> to vector<16xf32>
        %mul3A_586 = arith.mulf %get3A_585, %get3A_585 : vector<16xf32>
        %get3A_587 = arith.constant 14 : i32
        %get3A_588 = arith.index_cast %scan3A_168 : i32 to index
        %get3A_589 = arith.index_cast %get3A_587 : i32 to index
        %get3A_590 = arith.constant 32 : index
        %get3A_591 = tpu.vector_load %arg4[%get3A_588, %get3A_589, %get3A_590] {strides = array<i32>} : memref<16x16x128xf32, #tpu.memory_space<vmem>>, vector<1x1x16xf32>,
        %get3A_592 = vector.shape_cast %get3A_591 : vector<1x1x16xf32> to vector<16xf32>
        %mul3A_593 = arith.mulf %get3A_592, %get3A_592 : vector<16xf32>
        %get3A_594 = arith.constant 15 : i32
        %get3A_595 = arith.index_cast %scan3A_168 : i32 to index
        %get3A_596 = arith.index_cast %get3A_594 : i32 to index
        %get3A_597 = arith.constant 32 : index
        %get3A_598 = tpu.vector_load %arg4[%get3A_595, %get3A_596, %get3A_597] {strides = array<i32>} : memref<16x16x128xf32, #tpu.memory_space<vmem>>, vector<1x1x16xf32>,
        %get3A_599 = vector.shape_cast %get3A_598 : vector<1x1x16xf32> to vector<16xf32>
        %mul3A_600 = arith.mulf %get3A_599, %get3A_599 : vector<16xf32>
        %add3A_601 = arith.addf %mul3A_502, %mul3A_509 : vector<16xf32>
        %add3A_602 = arith.addf %add3A_601, %mul3A_516 : vector<16xf32>
        %add3A_603 = arith.addf %mul3A_523, %mul3A_530 : vector<16xf32>
        %add3A_604 = arith.addf %mul3A_537, %mul3A_544 : vector<16xf32>
        %add3A_605 = arith.addf %add3A_603, %add3A_604 : vector<16xf32>
        %add3A_606 = arith.addf %add3A_605, %mul3A_551 : vector<16xf32>
        %add3A_607 = arith.addf %mul3A_558, %mul3A_565 : vector<16xf32>
        %add3A_608 = arith.addf %mul3A_572, %mul3A_579 : vector<16xf32>
        %add3A_609 = arith.addf %add3A_607, %add3A_608 : vector<16xf32>
        %add3A_610 = arith.addf %mul3A_586, %mul3A_593 : vector<16xf32>
        %add3A_611 = arith.addf %add3A_610, %mul3A_600 : vector<16xf32>
        %add3A_612 = arith.addf %add3A_609, %add3A_611 : vector<16xf32>
        %swap3A_613 = arith.constant 0 : i32
        %swap3A_614 = arith.index_cast %scan3A_168 : i32 to index
        %swap3A_615 = arith.index_cast %swap3A_613 : i32 to index
        %swap3A_616 = arith.constant 32 : index
        %swap3A_617 = tpu.vector_load %arg6[%swap3A_614, %swap3A_615, %swap3A_616] {strides = array<i32>} : memref<16x4x128xf32, #tpu.memory_space<vmem>>, vector<1x1x16xf32>,
        %swap3A_618 = vector.shape_cast %swap3A_617 : vector<1x1x16xf32> to vector<16xf32>
        %swap3A_619 = vector.shape_cast %mul3A_495 : vector<16xf32> to vector<1x1x16xf32>
        tpu.vector_store %arg6[%swap3A_614, %swap3A_615, %swap3A_616], %swap3A_619 {strides = array<i32>} : memref<16x4x128xf32, #tpu.memory_space<vmem>>, vector<1x1x16xf32>,
        %mul3A_620 = arith.constant 0.333333343 : f32
        %mul3A_621 = vector.broadcast %mul3A_620 : f32 to vector<16xf32>
        %mul3A_622 = arith.mulf %add3A_602, %mul3A_621 : vector<16xf32>
        %swap3A_623 = arith.constant 1 : i32
        %swap3A_624 = arith.index_cast %scan3A_168 : i32 to index
        %swap3A_625 = arith.index_cast %swap3A_623 : i32 to index
        %swap3A_626 = arith.constant 32 : index
        %swap3A_627 = tpu.vector_load %arg6[%swap3A_624, %swap3A_625, %swap3A_626] {strides = array<i32>} : memref<16x4x128xf32, #tpu.memory_space<vmem>>, vector<1x1x16xf32>,
        %swap3A_628 = vector.shape_cast %swap3A_627 : vector<1x1x16xf32> to vector<16xf32>
        %swap3A_629 = vector.shape_cast %mul3A_622 : vector<16xf32> to vector<1x1x16xf32>
        tpu.vector_store %arg6[%swap3A_624, %swap3A_625, %swap3A_626], %swap3A_629 {strides = array<i32>} : memref<16x4x128xf32, #tpu.memory_space<vmem>>, vector<1x1x16xf32>,
        %mul3A_630 = arith.constant 2.000000e-01 : f32
        %mul3A_631 = vector.broadcast %mul3A_630 : f32 to vector<16xf32>
        %mul3A_632 = arith.mulf %add3A_606, %mul3A_631 : vector<16xf32>
        %swap3A_633 = arith.constant 2 : i32
        %swap3A_634 = arith.index_cast %scan3A_168 : i32 to index
        %swap3A_635 = arith.index_cast %swap3A_633 : i32 to index
        %swap3A_636 = arith.constant 32 : index
        %swap3A_637 = tpu.vector_load %arg6[%swap3A_634, %swap3A_635, %swap3A_636] {strides = array<i32>} : memref<16x4x128xf32, #tpu.memory_space<vmem>>, vector<1x1x16xf32>,
        %swap3A_638 = vector.shape_cast %swap3A_637 : vector<1x1x16xf32> to vector<16xf32>
        %swap3A_639 = vector.shape_cast %mul3A_632 : vector<16xf32> to vector<1x1x16xf32>
        tpu.vector_store %arg6[%swap3A_634, %swap3A_635, %swap3A_636], %swap3A_639 {strides = array<i32>} : memref<16x4x128xf32, #tpu.memory_space<vmem>>, vector<1x1x16xf32>,
        %mul3A_640 = arith.constant 0.142857149 : f32
        %mul3A_641 = vector.broadcast %mul3A_640 : f32 to vector<16xf32>
        %mul3A_642 = arith.mulf %add3A_612, %mul3A_641 : vector<16xf32>
        %swap3A_643 = arith.constant 3 : i32
        %swap3A_644 = arith.index_cast %scan3A_168 : i32 to index
        %swap3A_645 = arith.index_cast %swap3A_643 : i32 to index
        %swap3A_646 = arith.constant 32 : index
        %swap3A_647 = tpu.vector_load %arg6[%swap3A_644, %swap3A_645, %swap3A_646] {strides = array<i32>} : memref<16x4x128xf32, #tpu.memory_space<vmem>>, vector<1x1x16xf32>,
        %swap3A_648 = vector.shape_cast %swap3A_647 : vector<1x1x16xf32> to vector<16xf32>
        %swap3A_649 = vector.shape_cast %mul3A_642 : vector<16xf32> to vector<1x1x16xf32>
        tpu.vector_store %arg6[%swap3A_644, %swap3A_645, %swap3A_646], %swap3A_649 {strides = array<i32>} : memref<16x4x128xf32, #tpu.memory_space<vmem>>, vector<1x1x16xf32>,
        %get3A_650 = arith.constant 0 : i32
        %get3A_651 = arith.index_cast %scan3A_168 : i32 to index
        %get3A_652 = arith.index_cast %get3A_650 : i32 to index
        %get3A_653 = arith.constant 48 : index
        %get3A_654 = tpu.vector_load %arg4[%get3A_651, %get3A_652, %get3A_653] {strides = array<i32>} : memref<16x16x128xf32, #tpu.memory_space<vmem>>, vector<1x1x16xf32>,
        %get3A_655 = vector.shape_cast %get3A_654 : vector<1x1x16xf32> to vector<16xf32>
        %mul3A_656 = arith.mulf %get3A_655, %get3A_655 : vector<16xf32>
        %get3A_657 = arith.constant 1 : i32
        %get3A_658 = arith.index_cast %scan3A_168 : i32 to index
        %get3A_659 = arith.index_cast %get3A_657 : i32 to index
        %get3A_660 = arith.constant 48 : index
        %get3A_661 = tpu.vector_load %arg4[%get3A_658, %get3A_659, %get3A_660] {strides = array<i32>} : memref<16x16x128xf32, #tpu.memory_space<vmem>>, vector<1x1x16xf32>,
        %get3A_662 = vector.shape_cast %get3A_661 : vector<1x1x16xf32> to vector<16xf32>
        %mul3A_663 = arith.mulf %get3A_662, %get3A_662 : vector<16xf32>
        %get3A_664 = arith.constant 2 : i32
        %get3A_665 = arith.index_cast %scan3A_168 : i32 to index
        %get3A_666 = arith.index_cast %get3A_664 : i32 to index
        %get3A_667 = arith.constant 48 : index
        %get3A_668 = tpu.vector_load %arg4[%get3A_665, %get3A_666, %get3A_667] {strides = array<i32>} : memref<16x16x128xf32, #tpu.memory_space<vmem>>, vector<1x1x16xf32>,
        %get3A_669 = vector.shape_cast %get3A_668 : vector<1x1x16xf32> to vector<16xf32>
        %mul3A_670 = arith.mulf %get3A_669, %get3A_669 : vector<16xf32>
        %get3A_671 = arith.constant 3 : i32
        %get3A_672 = arith.index_cast %scan3A_168 : i32 to index
        %get3A_673 = arith.index_cast %get3A_671 : i32 to index
        %get3A_674 = arith.constant 48 : index
        %get3A_675 = tpu.vector_load %arg4[%get3A_672, %get3A_673, %get3A_674] {strides = array<i32>} : memref<16x16x128xf32, #tpu.memory_space<vmem>>, vector<1x1x16xf32>,
        %get3A_676 = vector.shape_cast %get3A_675 : vector<1x1x16xf32> to vector<16xf32>
        %mul3A_677 = arith.mulf %get3A_676, %get3A_676 : vector<16xf32>
        %get3A_678 = arith.constant 4 : i32
        %get3A_679 = arith.index_cast %scan3A_168 : i32 to index
        %get3A_680 = arith.index_cast %get3A_678 : i32 to index
        %get3A_681 = arith.constant 48 : index
        %get3A_682 = tpu.vector_load %arg4[%get3A_679, %get3A_680, %get3A_681] {strides = array<i32>} : memref<16x16x128xf32, #tpu.memory_space<vmem>>, vector<1x1x16xf32>,
        %get3A_683 = vector.shape_cast %get3A_682 : vector<1x1x16xf32> to vector<16xf32>
        %mul3A_684 = arith.mulf %get3A_683, %get3A_683 : vector<16xf32>
        %get3A_685 = arith.constant 5 : i32
        %get3A_686 = arith.index_cast %scan3A_168 : i32 to index
        %get3A_687 = arith.index_cast %get3A_685 : i32 to index
        %get3A_688 = arith.constant 48 : index
        %get3A_689 = tpu.vector_load %arg4[%get3A_686, %get3A_687, %get3A_688] {strides = array<i32>} : memref<16x16x128xf32, #tpu.memory_space<vmem>>, vector<1x1x16xf32>,
        %get3A_690 = vector.shape_cast %get3A_689 : vector<1x1x16xf32> to vector<16xf32>
        %mul3A_691 = arith.mulf %get3A_690, %get3A_690 : vector<16xf32>
        %get3A_692 = arith.constant 6 : i32
        %get3A_693 = arith.index_cast %scan3A_168 : i32 to index
        %get3A_694 = arith.index_cast %get3A_692 : i32 to index
        %get3A_695 = arith.constant 48 : index
        %get3A_696 = tpu.vector_load %arg4[%get3A_693, %get3A_694, %get3A_695] {strides = array<i32>} : memref<16x16x128xf32, #tpu.memory_space<vmem>>, vector<1x1x16xf32>,
        %get3A_697 = vector.shape_cast %get3A_696 : vector<1x1x16xf32> to vector<16xf32>
        %mul3A_698 = arith.mulf %get3A_697, %get3A_697 : vector<16xf32>
        %get3A_699 = arith.constant 7 : i32
        %get3A_700 = arith.index_cast %scan3A_168 : i32 to index
        %get3A_701 = arith.index_cast %get3A_699 : i32 to index
        %get3A_702 = arith.constant 48 : index
        %get3A_703 = tpu.vector_load %arg4[%get3A_700, %get3A_701, %get3A_702] {strides = array<i32>} : memref<16x16x128xf32, #tpu.memory_space<vmem>>, vector<1x1x16xf32>,
        %get3A_704 = vector.shape_cast %get3A_703 : vector<1x1x16xf32> to vector<16xf32>
        %mul3A_705 = arith.mulf %get3A_704, %get3A_704 : vector<16xf32>
        %get3A_706 = arith.constant 8 : i32
        %get3A_707 = arith.index_cast %scan3A_168 : i32 to index
        %get3A_708 = arith.index_cast %get3A_706 : i32 to index
        %get3A_709 = arith.constant 48 : index
        %get3A_710 = tpu.vector_load %arg4[%get3A_707, %get3A_708, %get3A_709] {strides = array<i32>} : memref<16x16x128xf32, #tpu.memory_space<vmem>>, vector<1x1x16xf32>,
        %get3A_711 = vector.shape_cast %get3A_710 : vector<1x1x16xf32> to vector<16xf32>
        %mul3A_712 = arith.mulf %get3A_711, %get3A_711 : vector<16xf32>
        %get3A_713 = arith.constant 9 : i32
        %get3A_714 = arith.index_cast %scan3A_168 : i32 to index
        %get3A_715 = arith.index_cast %get3A_713 : i32 to index
        %get3A_716 = arith.constant 48 : index
        %get3A_717 = tpu.vector_load %arg4[%get3A_714, %get3A_715, %get3A_716] {strides = array<i32>} : memref<16x16x128xf32, #tpu.memory_space<vmem>>, vector<1x1x16xf32>,
        %get3A_718 = vector.shape_cast %get3A_717 : vector<1x1x16xf32> to vector<16xf32>
        %mul3A_719 = arith.mulf %get3A_718, %get3A_718 : vector<16xf32>
        %get3A_720 = arith.constant 10 : i32
        %get3A_721 = arith.index_cast %scan3A_168 : i32 to index
        %get3A_722 = arith.index_cast %get3A_720 : i32 to index
        %get3A_723 = arith.constant 48 : index
        %get3A_724 = tpu.vector_load %arg4[%get3A_721, %get3A_722, %get3A_723] {strides = array<i32>} : memref<16x16x128xf32, #tpu.memory_space<vmem>>, vector<1x1x16xf32>,
        %get3A_725 = vector.shape_cast %get3A_724 : vector<1x1x16xf32> to vector<16xf32>
        %mul3A_726 = arith.mulf %get3A_725, %get3A_725 : vector<16xf32>
        %get3A_727 = arith.constant 11 : i32
        %get3A_728 = arith.index_cast %scan3A_168 : i32 to index
        %get3A_729 = arith.index_cast %get3A_727 : i32 to index
        %get3A_730 = arith.constant 48 : index
        %get3A_731 = tpu.vector_load %arg4[%get3A_728, %get3A_729, %get3A_730] {strides = array<i32>} : memref<16x16x128xf32, #tpu.memory_space<vmem>>, vector<1x1x16xf32>,
        %get3A_732 = vector.shape_cast %get3A_731 : vector<1x1x16xf32> to vector<16xf32>
        %mul3A_733 = arith.mulf %get3A_732, %get3A_732 : vector<16xf32>
        %get3A_734 = arith.constant 12 : i32
        %get3A_735 = arith.index_cast %scan3A_168 : i32 to index
        %get3A_736 = arith.index_cast %get3A_734 : i32 to index
        %get3A_737 = arith.constant 48 : index
        %get3A_738 = tpu.vector_load %arg4[%get3A_735, %get3A_736, %get3A_737] {strides = array<i32>} : memref<16x16x128xf32, #tpu.memory_space<vmem>>, vector<1x1x16xf32>,
        %get3A_739 = vector.shape_cast %get3A_738 : vector<1x1x16xf32> to vector<16xf32>
        %mul3A_740 = arith.mulf %get3A_739, %get3A_739 : vector<16xf32>
        %get3A_741 = arith.constant 13 : i32
        %get3A_742 = arith.index_cast %scan3A_168 : i32 to index
        %get3A_743 = arith.index_cast %get3A_741 : i32 to index
        %get3A_744 = arith.constant 48 : index
        %get3A_745 = tpu.vector_load %arg4[%get3A_742, %get3A_743, %get3A_744] {strides = array<i32>} : memref<16x16x128xf32, #tpu.memory_space<vmem>>, vector<1x1x16xf32>,
        %get3A_746 = vector.shape_cast %get3A_745 : vector<1x1x16xf32> to vector<16xf32>
        %mul3A_747 = arith.mulf %get3A_746, %get3A_746 : vector<16xf32>
        %get3A_748 = arith.constant 14 : i32
        %get3A_749 = arith.index_cast %scan3A_168 : i32 to index
        %get3A_750 = arith.index_cast %get3A_748 : i32 to index
        %get3A_751 = arith.constant 48 : index
        %get3A_752 = tpu.vector_load %arg4[%get3A_749, %get3A_750, %get3A_751] {strides = array<i32>} : memref<16x16x128xf32, #tpu.memory_space<vmem>>, vector<1x1x16xf32>,
        %get3A_753 = vector.shape_cast %get3A_752 : vector<1x1x16xf32> to vector<16xf32>
        %mul3A_754 = arith.mulf %get3A_753, %get3A_753 : vector<16xf32>
        %get3A_755 = arith.constant 15 : i32
        %get3A_756 = arith.index_cast %scan3A_168 : i32 to index
        %get3A_757 = arith.index_cast %get3A_755 : i32 to index
        %get3A_758 = arith.constant 48 : index
        %get3A_759 = tpu.vector_load %arg4[%get3A_756, %get3A_757, %get3A_758] {strides = array<i32>} : memref<16x16x128xf32, #tpu.memory_space<vmem>>, vector<1x1x16xf32>,
        %get3A_760 = vector.shape_cast %get3A_759 : vector<1x1x16xf32> to vector<16xf32>
        %mul3A_761 = arith.mulf %get3A_760, %get3A_760 : vector<16xf32>
        %add3A_762 = arith.addf %mul3A_663, %mul3A_670 : vector<16xf32>
        %add3A_763 = arith.addf %add3A_762, %mul3A_677 : vector<16xf32>
        %add3A_764 = arith.addf %mul3A_684, %mul3A_691 : vector<16xf32>
        %add3A_765 = arith.addf %mul3A_698, %mul3A_705 : vector<16xf32>
        %add3A_766 = arith.addf %add3A_764, %add3A_765 : vector<16xf32>
        %add3A_767 = arith.addf %add3A_766, %mul3A_712 : vector<16xf32>
        %add3A_768 = arith.addf %mul3A_719, %mul3A_726 : vector<16xf32>
        %add3A_769 = arith.addf %mul3A_733, %mul3A_740 : vector<16xf32>
        %add3A_770 = arith.addf %add3A_768, %add3A_769 : vector<16xf32>
        %add3A_771 = arith.addf %mul3A_747, %mul3A_754 : vector<16xf32>
        %add3A_772 = arith.addf %add3A_771, %mul3A_761 : vector<16xf32>
        %add3A_773 = arith.addf %add3A_770, %add3A_772 : vector<16xf32>
        %swap3A_774 = arith.constant 0 : i32
        %swap3A_775 = arith.index_cast %scan3A_168 : i32 to index
        %swap3A_776 = arith.index_cast %swap3A_774 : i32 to index
        %swap3A_777 = arith.constant 48 : index
        %swap3A_778 = tpu.vector_load %arg6[%swap3A_775, %swap3A_776, %swap3A_777] {strides = array<i32>} : memref<16x4x128xf32, #tpu.memory_space<vmem>>, vector<1x1x16xf32>,
        %swap3A_779 = vector.shape_cast %swap3A_778 : vector<1x1x16xf32> to vector<16xf32>
        %swap3A_780 = vector.shape_cast %mul3A_656 : vector<16xf32> to vector<1x1x16xf32>
        tpu.vector_store %arg6[%swap3A_775, %swap3A_776, %swap3A_777], %swap3A_780 {strides = array<i32>} : memref<16x4x128xf32, #tpu.memory_space<vmem>>, vector<1x1x16xf32>,
        %mul3A_781 = arith.constant 0.333333343 : f32
        %mul3A_782 = vector.broadcast %mul3A_781 : f32 to vector<16xf32>
        %mul3A_783 = arith.mulf %add3A_763, %mul3A_782 : vector<16xf32>
        %swap3A_784 = arith.constant 1 : i32
        %swap3A_785 = arith.index_cast %scan3A_168 : i32 to index
        %swap3A_786 = arith.index_cast %swap3A_784 : i32 to index
        %swap3A_787 = arith.constant 48 : index
        %swap3A_788 = tpu.vector_load %arg6[%swap3A_785, %swap3A_786, %swap3A_787] {strides = array<i32>} : memref<16x4x128xf32, #tpu.memory_space<vmem>>, vector<1x1x16xf32>,
        %swap3A_789 = vector.shape_cast %swap3A_788 : vector<1x1x16xf32> to vector<16xf32>
        %swap3A_790 = vector.shape_cast %mul3A_783 : vector<16xf32> to vector<1x1x16xf32>
        tpu.vector_store %arg6[%swap3A_785, %swap3A_786, %swap3A_787], %swap3A_790 {strides = array<i32>} : memref<16x4x128xf32, #tpu.memory_space<vmem>>, vector<1x1x16xf32>,
        %mul3A_791 = arith.constant 2.000000e-01 : f32
        %mul3A_792 = vector.broadcast %mul3A_791 : f32 to vector<16xf32>
        %mul3A_793 = arith.mulf %add3A_767, %mul3A_792 : vector<16xf32>
        %swap3A_794 = arith.constant 2 : i32
        %swap3A_795 = arith.index_cast %scan3A_168 : i32 to index
        %swap3A_796 = arith.index_cast %swap3A_794 : i32 to index
        %swap3A_797 = arith.constant 48 : index
        %swap3A_798 = tpu.vector_load %arg6[%swap3A_795, %swap3A_796, %swap3A_797] {strides = array<i32>} : memref<16x4x128xf32, #tpu.memory_space<vmem>>, vector<1x1x16xf32>,
        %swap3A_799 = vector.shape_cast %swap3A_798 : vector<1x1x16xf32> to vector<16xf32>
        %swap3A_800 = vector.shape_cast %mul3A_793 : vector<16xf32> to vector<1x1x16xf32>
        tpu.vector_store %arg6[%swap3A_795, %swap3A_796, %swap3A_797], %swap3A_800 {strides = array<i32>} : memref<16x4x128xf32, #tpu.memory_space<vmem>>, vector<1x1x16xf32>,
        %mul3A_801 = arith.constant 0.142857149 : f32
        %mul3A_802 = vector.broadcast %mul3A_801 : f32 to vector<16xf32>
        %mul3A_803 = arith.mulf %add3A_773, %mul3A_802 : vector<16xf32>
        %swap3A_804 = arith.constant 3 : i32
        %swap3A_805 = arith.index_cast %scan3A_168 : i32 to index
        %swap3A_806 = arith.index_cast %swap3A_804 : i32 to index
        %swap3A_807 = arith.constant 48 : index
        %swap3A_808 = tpu.vector_load %arg6[%swap3A_805, %swap3A_806, %swap3A_807] {strides = array<i32>} : memref<16x4x128xf32, #tpu.memory_space<vmem>>, vector<1x1x16xf32>,
        %swap3A_809 = vector.shape_cast %swap3A_808 : vector<1x1x16xf32> to vector<16xf32>
        %swap3A_810 = vector.shape_cast %mul3A_803 : vector<16xf32> to vector<1x1x16xf32>
        tpu.vector_store %arg6[%swap3A_805, %swap3A_806, %swap3A_807], %swap3A_810 {strides = array<i32>} : memref<16x4x128xf32, #tpu.memory_space<vmem>>, vector<1x1x16xf32>,
        %get3A_811 = arith.constant 0 : i32
        %get3A_812 = arith.index_cast %scan3A_168 : i32 to index
        %get3A_813 = arith.index_cast %get3A_811 : i32 to index
        %get3A_814 = arith.constant 64 : index
        %get3A_815 = tpu.vector_load %arg4[%get3A_812, %get3A_813, %get3A_814] {strides = array<i32>} : memref<16x16x128xf32, #tpu.memory_space<vmem>>, vector<1x1x16xf32>,
        %get3A_816 = vector.shape_cast %get3A_815 : vector<1x1x16xf32> to vector<16xf32>
        %mul3A_817 = arith.mulf %get3A_816, %get3A_816 : vector<16xf32>
        %get3A_818 = arith.constant 1 : i32
        %get3A_819 = arith.index_cast %scan3A_168 : i32 to index
        %get3A_820 = arith.index_cast %get3A_818 : i32 to index
        %get3A_821 = arith.constant 64 : index
        %get3A_822 = tpu.vector_load %arg4[%get3A_819, %get3A_820, %get3A_821] {strides = array<i32>} : memref<16x16x128xf32, #tpu.memory_space<vmem>>, vector<1x1x16xf32>,
        %get3A_823 = vector.shape_cast %get3A_822 : vector<1x1x16xf32> to vector<16xf32>
        %mul3A_824 = arith.mulf %get3A_823, %get3A_823 : vector<16xf32>
        %get3A_825 = arith.constant 2 : i32
        %get3A_826 = arith.index_cast %scan3A_168 : i32 to index
        %get3A_827 = arith.index_cast %get3A_825 : i32 to index
        %get3A_828 = arith.constant 64 : index
        %get3A_829 = tpu.vector_load %arg4[%get3A_826, %get3A_827, %get3A_828] {strides = array<i32>} : memref<16x16x128xf32, #tpu.memory_space<vmem>>, vector<1x1x16xf32>,
        %get3A_830 = vector.shape_cast %get3A_829 : vector<1x1x16xf32> to vector<16xf32>
        %mul3A_831 = arith.mulf %get3A_830, %get3A_830 : vector<16xf32>
        %get3A_832 = arith.constant 3 : i32
        %get3A_833 = arith.index_cast %scan3A_168 : i32 to index
        %get3A_834 = arith.index_cast %get3A_832 : i32 to index
        %get3A_835 = arith.constant 64 : index
        %get3A_836 = tpu.vector_load %arg4[%get3A_833, %get3A_834, %get3A_835] {strides = array<i32>} : memref<16x16x128xf32, #tpu.memory_space<vmem>>, vector<1x1x16xf32>,
        %get3A_837 = vector.shape_cast %get3A_836 : vector<1x1x16xf32> to vector<16xf32>
        %mul3A_838 = arith.mulf %get3A_837, %get3A_837 : vector<16xf32>
        %get3A_839 = arith.constant 4 : i32
        %get3A_840 = arith.index_cast %scan3A_168 : i32 to index
        %get3A_841 = arith.index_cast %get3A_839 : i32 to index
        %get3A_842 = arith.constant 64 : index
        %get3A_843 = tpu.vector_load %arg4[%get3A_840, %get3A_841, %get3A_842] {strides = array<i32>} : memref<16x16x128xf32, #tpu.memory_space<vmem>>, vector<1x1x16xf32>,
        %get3A_844 = vector.shape_cast %get3A_843 : vector<1x1x16xf32> to vector<16xf32>
        %mul3A_845 = arith.mulf %get3A_844, %get3A_844 : vector<16xf32>
        %get3A_846 = arith.constant 5 : i32
        %get3A_847 = arith.index_cast %scan3A_168 : i32 to index
        %get3A_848 = arith.index_cast %get3A_846 : i32 to index
        %get3A_849 = arith.constant 64 : index
        %get3A_850 = tpu.vector_load %arg4[%get3A_847, %get3A_848, %get3A_849] {strides = array<i32>} : memref<16x16x128xf32, #tpu.memory_space<vmem>>, vector<1x1x16xf32>,
        %get3A_851 = vector.shape_cast %get3A_850 : vector<1x1x16xf32> to vector<16xf32>
        %mul3A_852 = arith.mulf %get3A_851, %get3A_851 : vector<16xf32>
        %get3A_853 = arith.constant 6 : i32
        %get3A_854 = arith.index_cast %scan3A_168 : i32 to index
        %get3A_855 = arith.index_cast %get3A_853 : i32 to index
        %get3A_856 = arith.constant 64 : index
        %get3A_857 = tpu.vector_load %arg4[%get3A_854, %get3A_855, %get3A_856] {strides = array<i32>} : memref<16x16x128xf32, #tpu.memory_space<vmem>>, vector<1x1x16xf32>,
        %get3A_858 = vector.shape_cast %get3A_857 : vector<1x1x16xf32> to vector<16xf32>
        %mul3A_859 = arith.mulf %get3A_858, %get3A_858 : vector<16xf32>
        %get3A_860 = arith.constant 7 : i32
        %get3A_861 = arith.index_cast %scan3A_168 : i32 to index
        %get3A_862 = arith.index_cast %get3A_860 : i32 to index
        %get3A_863 = arith.constant 64 : index
        %get3A_864 = tpu.vector_load %arg4[%get3A_861, %get3A_862, %get3A_863] {strides = array<i32>} : memref<16x16x128xf32, #tpu.memory_space<vmem>>, vector<1x1x16xf32>,
        %get3A_865 = vector.shape_cast %get3A_864 : vector<1x1x16xf32> to vector<16xf32>
        %mul3A_866 = arith.mulf %get3A_865, %get3A_865 : vector<16xf32>
        %get3A_867 = arith.constant 8 : i32
        %get3A_868 = arith.index_cast %scan3A_168 : i32 to index
        %get3A_869 = arith.index_cast %get3A_867 : i32 to index
        %get3A_870 = arith.constant 64 : index
        %get3A_871 = tpu.vector_load %arg4[%get3A_868, %get3A_869, %get3A_870] {strides = array<i32>} : memref<16x16x128xf32, #tpu.memory_space<vmem>>, vector<1x1x16xf32>,
        %get3A_872 = vector.shape_cast %get3A_871 : vector<1x1x16xf32> to vector<16xf32>
        %mul3A_873 = arith.mulf %get3A_872, %get3A_872 : vector<16xf32>
        %get3A_874 = arith.constant 9 : i32
        %get3A_875 = arith.index_cast %scan3A_168 : i32 to index
        %get3A_876 = arith.index_cast %get3A_874 : i32 to index
        %get3A_877 = arith.constant 64 : index
        %get3A_878 = tpu.vector_load %arg4[%get3A_875, %get3A_876, %get3A_877] {strides = array<i32>} : memref<16x16x128xf32, #tpu.memory_space<vmem>>, vector<1x1x16xf32>,
        %get3A_879 = vector.shape_cast %get3A_878 : vector<1x1x16xf32> to vector<16xf32>
        %mul3A_880 = arith.mulf %get3A_879, %get3A_879 : vector<16xf32>
        %get3A_881 = arith.constant 10 : i32
        %get3A_882 = arith.index_cast %scan3A_168 : i32 to index
        %get3A_883 = arith.index_cast %get3A_881 : i32 to index
        %get3A_884 = arith.constant 64 : index
        %get3A_885 = tpu.vector_load %arg4[%get3A_882, %get3A_883, %get3A_884] {strides = array<i32>} : memref<16x16x128xf32, #tpu.memory_space<vmem>>, vector<1x1x16xf32>,
        %get3A_886 = vector.shape_cast %get3A_885 : vector<1x1x16xf32> to vector<16xf32>
        %mul3A_887 = arith.mulf %get3A_886, %get3A_886 : vector<16xf32>
        %get3A_888 = arith.constant 11 : i32
        %get3A_889 = arith.index_cast %scan3A_168 : i32 to index
        %get3A_890 = arith.index_cast %get3A_888 : i32 to index
        %get3A_891 = arith.constant 64 : index
        %get3A_892 = tpu.vector_load %arg4[%get3A_889, %get3A_890, %get3A_891] {strides = array<i32>} : memref<16x16x128xf32, #tpu.memory_space<vmem>>, vector<1x1x16xf32>,
        %get3A_893 = vector.shape_cast %get3A_892 : vector<1x1x16xf32> to vector<16xf32>
        %mul3A_894 = arith.mulf %get3A_893, %get3A_893 : vector<16xf32>
        %get3A_895 = arith.constant 12 : i32
        %get3A_896 = arith.index_cast %scan3A_168 : i32 to index
        %get3A_897 = arith.index_cast %get3A_895 : i32 to index
        %get3A_898 = arith.constant 64 : index
        %get3A_899 = tpu.vector_load %arg4[%get3A_896, %get3A_897, %get3A_898] {strides = array<i32>} : memref<16x16x128xf32, #tpu.memory_space<vmem>>, vector<1x1x16xf32>,
        %get3A_900 = vector.shape_cast %get3A_899 : vector<1x1x16xf32> to vector<16xf32>
        %mul3A_901 = arith.mulf %get3A_900, %get3A_900 : vector<16xf32>
        %get3A_902 = arith.constant 13 : i32
        %get3A_903 = arith.index_cast %scan3A_168 : i32 to index
        %get3A_904 = arith.index_cast %get3A_902 : i32 to index
        %get3A_905 = arith.constant 64 : index
        %get3A_906 = tpu.vector_load %arg4[%get3A_903, %get3A_904, %get3A_905] {strides = array<i32>} : memref<16x16x128xf32, #tpu.memory_space<vmem>>, vector<1x1x16xf32>,
        %get3A_907 = vector.shape_cast %get3A_906 : vector<1x1x16xf32> to vector<16xf32>
        %mul3A_908 = arith.mulf %get3A_907, %get3A_907 : vector<16xf32>
        %get3A_909 = arith.constant 14 : i32
        %get3A_910 = arith.index_cast %scan3A_168 : i32 to index
        %get3A_911 = arith.index_cast %get3A_909 : i32 to index
        %get3A_912 = arith.constant 64 : index
        %get3A_913 = tpu.vector_load %arg4[%get3A_910, %get3A_911, %get3A_912] {strides = array<i32>} : memref<16x16x128xf32, #tpu.memory_space<vmem>>, vector<1x1x16xf32>,
        %get3A_914 = vector.shape_cast %get3A_913 : vector<1x1x16xf32> to vector<16xf32>
        %mul3A_915 = arith.mulf %get3A_914, %get3A_914 : vector<16xf32>
        %get3A_916 = arith.constant 15 : i32
        %get3A_917 = arith.index_cast %scan3A_168 : i32 to index
        %get3A_918 = arith.index_cast %get3A_916 : i32 to index
        %get3A_919 = arith.constant 64 : index
        %get3A_920 = tpu.vector_load %arg4[%get3A_917, %get3A_918, %get3A_919] {strides = array<i32>} : memref<16x16x128xf32, #tpu.memory_space<vmem>>, vector<1x1x16xf32>,
        %get3A_921 = vector.shape_cast %get3A_920 : vector<1x1x16xf32> to vector<16xf32>
        %mul3A_922 = arith.mulf %get3A_921, %get3A_921 : vector<16xf32>
        %add3A_923 = arith.addf %mul3A_824, %mul3A_831 : vector<16xf32>
        %add3A_924 = arith.addf %add3A_923, %mul3A_838 : vector<16xf32>
        %add3A_925 = arith.addf %mul3A_845, %mul3A_852 : vector<16xf32>
        %add3A_926 = arith.addf %mul3A_859, %mul3A_866 : vector<16xf32>
        %add3A_927 = arith.addf %add3A_925, %add3A_926 : vector<16xf32>
        %add3A_928 = arith.addf %add3A_927, %mul3A_873 : vector<16xf32>
        %add3A_929 = arith.addf %mul3A_880, %mul3A_887 : vector<16xf32>
        %add3A_930 = arith.addf %mul3A_894, %mul3A_901 : vector<16xf32>
        %add3A_931 = arith.addf %add3A_929, %add3A_930 : vector<16xf32>
        %add3A_932 = arith.addf %mul3A_908, %mul3A_915 : vector<16xf32>
        %add3A_933 = arith.addf %add3A_932, %mul3A_922 : vector<16xf32>
        %add3A_934 = arith.addf %add3A_931, %add3A_933 : vector<16xf32>
        %swap3A_935 = arith.constant 0 : i32
        %swap3A_936 = arith.index_cast %scan3A_168 : i32 to index
        %swap3A_937 = arith.index_cast %swap3A_935 : i32 to index
        %swap3A_938 = arith.constant 64 : index
        %swap3A_939 = tpu.vector_load %arg6[%swap3A_936, %swap3A_937, %swap3A_938] {strides = array<i32>} : memref<16x4x128xf32, #tpu.memory_space<vmem>>, vector<1x1x16xf32>,
        %swap3A_940 = vector.shape_cast %swap3A_939 : vector<1x1x16xf32> to vector<16xf32>
        %swap3A_941 = vector.shape_cast %mul3A_817 : vector<16xf32> to vector<1x1x16xf32>
        tpu.vector_store %arg6[%swap3A_936, %swap3A_937, %swap3A_938], %swap3A_941 {strides = array<i32>} : memref<16x4x128xf32, #tpu.memory_space<vmem>>, vector<1x1x16xf32>,
        %mul3A_942 = arith.constant 0.333333343 : f32
        %mul3A_943 = vector.broadcast %mul3A_942 : f32 to vector<16xf32>
        %mul3A_944 = arith.mulf %add3A_924, %mul3A_943 : vector<16xf32>
        %swap3A_945 = arith.constant 1 : i32
        %swap3A_946 = arith.index_cast %scan3A_168 : i32 to index
        %swap3A_947 = arith.index_cast %swap3A_945 : i32 to index
        %swap3A_948 = arith.constant 64 : index
        %swap3A_949 = tpu.vector_load %arg6[%swap3A_946, %swap3A_947, %swap3A_948] {strides = array<i32>} : memref<16x4x128xf32, #tpu.memory_space<vmem>>, vector<1x1x16xf32>,
        %swap3A_950 = vector.shape_cast %swap3A_949 : vector<1x1x16xf32> to vector<16xf32>
        %swap3A_951 = vector.shape_cast %mul3A_944 : vector<16xf32> to vector<1x1x16xf32>
        tpu.vector_store %arg6[%swap3A_946, %swap3A_947, %swap3A_948], %swap3A_951 {strides = array<i32>} : memref<16x4x128xf32, #tpu.memory_space<vmem>>, vector<1x1x16xf32>,
        %mul3A_952 = arith.constant 2.000000e-01 : f32
        %mul3A_953 = vector.broadcast %mul3A_952 : f32 to vector<16xf32>
        %mul3A_954 = arith.mulf %add3A_928, %mul3A_953 : vector<16xf32>
        %swap3A_955 = arith.constant 2 : i32
        %swap3A_956 = arith.index_cast %scan3A_168 : i32 to index
        %swap3A_957 = arith.index_cast %swap3A_955 : i32 to index
        %swap3A_958 = arith.constant 64 : index
        %swap3A_959 = tpu.vector_load %arg6[%swap3A_956, %swap3A_957, %swap3A_958] {strides = array<i32>} : memref<16x4x128xf32, #tpu.memory_space<vmem>>, vector<1x1x16xf32>,
        %swap3A_960 = vector.shape_cast %swap3A_959 : vector<1x1x16xf32> to vector<16xf32>
        %swap3A_961 = vector.shape_cast %mul3A_954 : vector<16xf32> to vector<1x1x16xf32>
        tpu.vector_store %arg6[%swap3A_956, %swap3A_957, %swap3A_958], %swap3A_961 {strides = array<i32>} : memref<16x4x128xf32, #tpu.memory_space<vmem>>, vector<1x1x16xf32>,
        %mul3A_962 = arith.constant 0.142857149 : f32
        %mul3A_963 = vector.broadcast %mul3A_962 : f32 to vector<16xf32>
        %mul3A_964 = arith.mulf %add3A_934, %mul3A_963 : vector<16xf32>
        %swap3A_965 = arith.constant 3 : i32
        %swap3A_966 = arith.index_cast %scan3A_168 : i32 to index
        %swap3A_967 = arith.index_cast %swap3A_965 : i32 to index
        %swap3A_968 = arith.constant 64 : index
        %swap3A_969 = tpu.vector_load %arg6[%swap3A_966, %swap3A_967, %swap3A_968] {strides = array<i32>} : memref<16x4x128xf32, #tpu.memory_space<vmem>>, vector<1x1x16xf32>,
        %swap3A_970 = vector.shape_cast %swap3A_969 : vector<1x1x16xf32> to vector<16xf32>
        %swap3A_971 = vector.shape_cast %mul3A_964 : vector<16xf32> to vector<1x1x16xf32>
        tpu.vector_store %arg6[%swap3A_966, %swap3A_967, %swap3A_968], %swap3A_971 {strides = array<i32>} : memref<16x4x128xf32, #tpu.memory_space<vmem>>, vector<1x1x16xf32>,
        %get3A_972 = arith.constant 0 : i32
        %get3A_973 = arith.index_cast %scan3A_168 : i32 to index
        %get3A_974 = arith.index_cast %get3A_972 : i32 to index
        %get3A_975 = arith.constant 80 : index
        %get3A_976 = tpu.vector_load %arg4[%get3A_973, %get3A_974, %get3A_975] {strides = array<i32>} : memref<16x16x128xf32, #tpu.memory_space<vmem>>, vector<1x1x16xf32>,
        %get3A_977 = vector.shape_cast %get3A_976 : vector<1x1x16xf32> to vector<16xf32>
        %mul3A_978 = arith.mulf %get3A_977, %get3A_977 : vector<16xf32>
        %get3A_979 = arith.constant 1 : i32
        %get3A_980 = arith.index_cast %scan3A_168 : i32 to index
        %get3A_981 = arith.index_cast %get3A_979 : i32 to index
        %get3A_982 = arith.constant 80 : index
        %get3A_983 = tpu.vector_load %arg4[%get3A_980, %get3A_981, %get3A_982] {strides = array<i32>} : memref<16x16x128xf32, #tpu.memory_space<vmem>>, vector<1x1x16xf32>,
        %get3A_984 = vector.shape_cast %get3A_983 : vector<1x1x16xf32> to vector<16xf32>
        %mul3A_985 = arith.mulf %get3A_984, %get3A_984 : vector<16xf32>
        %get3A_986 = arith.constant 2 : i32
        %get3A_987 = arith.index_cast %scan3A_168 : i32 to index
        %get3A_988 = arith.index_cast %get3A_986 : i32 to index
        %get3A_989 = arith.constant 80 : index
        %get3A_990 = tpu.vector_load %arg4[%get3A_987, %get3A_988, %get3A_989] {strides = array<i32>} : memref<16x16x128xf32, #tpu.memory_space<vmem>>, vector<1x1x16xf32>,
        %get3A_991 = vector.shape_cast %get3A_990 : vector<1x1x16xf32> to vector<16xf32>
        %mul3A_992 = arith.mulf %get3A_991, %get3A_991 : vector<16xf32>
        %get3A_993 = arith.constant 3 : i32
        %get3A_994 = arith.index_cast %scan3A_168 : i32 to index
        %get3A_995 = arith.index_cast %get3A_993 : i32 to index
        %get3A_996 = arith.constant 80 : index
        %get3A_997 = tpu.vector_load %arg4[%get3A_994, %get3A_995, %get3A_996] {strides = array<i32>} : memref<16x16x128xf32, #tpu.memory_space<vmem>>, vector<1x1x16xf32>,
        %get3A_998 = vector.shape_cast %get3A_997 : vector<1x1x16xf32> to vector<16xf32>
        %mul3A_999 = arith.mulf %get3A_998, %get3A_998 : vector<16xf32>
        %get3A_1000 = arith.constant 4 : i32
        %get3A_1001 = arith.index_cast %scan3A_168 : i32 to index
        %get3A_1002 = arith.index_cast %get3A_1000 : i32 to index
        %get3A_1003 = arith.constant 80 : index
        %get3A_1004 = tpu.vector_load %arg4[%get3A_1001, %get3A_1002, %get3A_1003] {strides = array<i32>} : memref<16x16x128xf32, #tpu.memory_space<vmem>>, vector<1x1x16xf32>,
        %get3A_1005 = vector.shape_cast %get3A_1004 : vector<1x1x16xf32> to vector<16xf32>
        %mul3A_1006 = arith.mulf %get3A_1005, %get3A_1005 : vector<16xf32>
        %get3A_1007 = arith.constant 5 : i32
        %get3A_1008 = arith.index_cast %scan3A_168 : i32 to index
        %get3A_1009 = arith.index_cast %get3A_1007 : i32 to index
        %get3A_1010 = arith.constant 80 : index
        %get3A_1011 = tpu.vector_load %arg4[%get3A_1008, %get3A_1009, %get3A_1010] {strides = array<i32>} : memref<16x16x128xf32, #tpu.memory_space<vmem>>, vector<1x1x16xf32>,
        %get3A_1012 = vector.shape_cast %get3A_1011 : vector<1x1x16xf32> to vector<16xf32>
        %mul3A_1013 = arith.mulf %get3A_1012, %get3A_1012 : vector<16xf32>
        %get3A_1014 = arith.constant 6 : i32
        %get3A_1015 = arith.index_cast %scan3A_168 : i32 to index
        %get3A_1016 = arith.index_cast %get3A_1014 : i32 to index
        %get3A_1017 = arith.constant 80 : index
        %get3A_1018 = tpu.vector_load %arg4[%get3A_1015, %get3A_1016, %get3A_1017] {strides = array<i32>} : memref<16x16x128xf32, #tpu.memory_space<vmem>>, vector<1x1x16xf32>,
        %get3A_1019 = vector.shape_cast %get3A_1018 : vector<1x1x16xf32> to vector<16xf32>
        %mul3A_1020 = arith.mulf %get3A_1019, %get3A_1019 : vector<16xf32>
        %get3A_1021 = arith.constant 7 : i32
        %get3A_1022 = arith.index_cast %scan3A_168 : i32 to index
        %get3A_1023 = arith.index_cast %get3A_1021 : i32 to index
        %get3A_1024 = arith.constant 80 : index
        %get3A_1025 = tpu.vector_load %arg4[%get3A_1022, %get3A_1023, %get3A_1024] {strides = array<i32>} : memref<16x16x128xf32, #tpu.memory_space<vmem>>, vector<1x1x16xf32>,
        %get3A_1026 = vector.shape_cast %get3A_1025 : vector<1x1x16xf32> to vector<16xf32>
        %mul3A_1027 = arith.mulf %get3A_1026, %get3A_1026 : vector<16xf32>
        %get3A_1028 = arith.constant 8 : i32
        %get3A_1029 = arith.index_cast %scan3A_168 : i32 to index
        %get3A_1030 = arith.index_cast %get3A_1028 : i32 to index
        %get3A_1031 = arith.constant 80 : index
        %get3A_1032 = tpu.vector_load %arg4[%get3A_1029, %get3A_1030, %get3A_1031] {strides = array<i32>} : memref<16x16x128xf32, #tpu.memory_space<vmem>>, vector<1x1x16xf32>,
        %get3A_1033 = vector.shape_cast %get3A_1032 : vector<1x1x16xf32> to vector<16xf32>
        %mul3A_1034 = arith.mulf %get3A_1033, %get3A_1033 : vector<16xf32>
        %get3A_1035 = arith.constant 9 : i32
        %get3A_1036 = arith.index_cast %scan3A_168 : i32 to index
        %get3A_1037 = arith.index_cast %get3A_1035 : i32 to index
        %get3A_1038 = arith.constant 80 : index
        %get3A_1039 = tpu.vector_load %arg4[%get3A_1036, %get3A_1037, %get3A_1038] {strides = array<i32>} : memref<16x16x128xf32, #tpu.memory_space<vmem>>, vector<1x1x16xf32>,
        %get3A_1040 = vector.shape_cast %get3A_1039 : vector<1x1x16xf32> to vector<16xf32>
        %mul3A_1041 = arith.mulf %get3A_1040, %get3A_1040 : vector<16xf32>
        %get3A_1042 = arith.constant 10 : i32
        %get3A_1043 = arith.index_cast %scan3A_168 : i32 to index
        %get3A_1044 = arith.index_cast %get3A_1042 : i32 to index
        %get3A_1045 = arith.constant 80 : index
        %get3A_1046 = tpu.vector_load %arg4[%get3A_1043, %get3A_1044, %get3A_1045] {strides = array<i32>} : memref<16x16x128xf32, #tpu.memory_space<vmem>>, vector<1x1x16xf32>,
        %get3A_1047 = vector.shape_cast %get3A_1046 : vector<1x1x16xf32> to vector<16xf32>
        %mul3A_1048 = arith.mulf %get3A_1047, %get3A_1047 : vector<16xf32>
        %get3A_1049 = arith.constant 11 : i32
        %get3A_1050 = arith.index_cast %scan3A_168 : i32 to index
        %get3A_1051 = arith.index_cast %get3A_1049 : i32 to index
        %get3A_1052 = arith.constant 80 : index
        %get3A_1053 = tpu.vector_load %arg4[%get3A_1050, %get3A_1051, %get3A_1052] {strides = array<i32>} : memref<16x16x128xf32, #tpu.memory_space<vmem>>, vector<1x1x16xf32>,
        %get3A_1054 = vector.shape_cast %get3A_1053 : vector<1x1x16xf32> to vector<16xf32>
        %mul3A_1055 = arith.mulf %get3A_1054, %get3A_1054 : vector<16xf32>
        %get3A_1056 = arith.constant 12 : i32
        %get3A_1057 = arith.index_cast %scan3A_168 : i32 to index
        %get3A_1058 = arith.index_cast %get3A_1056 : i32 to index
        %get3A_1059 = arith.constant 80 : index
        %get3A_1060 = tpu.vector_load %arg4[%get3A_1057, %get3A_1058, %get3A_1059] {strides = array<i32>} : memref<16x16x128xf32, #tpu.memory_space<vmem>>, vector<1x1x16xf32>,
        %get3A_1061 = vector.shape_cast %get3A_1060 : vector<1x1x16xf32> to vector<16xf32>
        %mul3A_1062 = arith.mulf %get3A_1061, %get3A_1061 : vector<16xf32>
        %get3A_1063 = arith.constant 13 : i32
        %get3A_1064 = arith.index_cast %scan3A_168 : i32 to index
        %get3A_1065 = arith.index_cast %get3A_1063 : i32 to index
        %get3A_1066 = arith.constant 80 : index
        %get3A_1067 = tpu.vector_load %arg4[%get3A_1064, %get3A_1065, %get3A_1066] {strides = array<i32>} : memref<16x16x128xf32, #tpu.memory_space<vmem>>, vector<1x1x16xf32>,
        %get3A_1068 = vector.shape_cast %get3A_1067 : vector<1x1x16xf32> to vector<16xf32>
        %mul3A_1069 = arith.mulf %get3A_1068, %get3A_1068 : vector<16xf32>
        %get3A_1070 = arith.constant 14 : i32
        %get3A_1071 = arith.index_cast %scan3A_168 : i32 to index
        %get3A_1072 = arith.index_cast %get3A_1070 : i32 to index
        %get3A_1073 = arith.constant 80 : index
        %get3A_1074 = tpu.vector_load %arg4[%get3A_1071, %get3A_1072, %get3A_1073] {strides = array<i32>} : memref<16x16x128xf32, #tpu.memory_space<vmem>>, vector<1x1x16xf32>,
        %get3A_1075 = vector.shape_cast %get3A_1074 : vector<1x1x16xf32> to vector<16xf32>
        %mul3A_1076 = arith.mulf %get3A_1075, %get3A_1075 : vector<16xf32>
        %get3A_1077 = arith.constant 15 : i32
        %get3A_1078 = arith.index_cast %scan3A_168 : i32 to index
        %get3A_1079 = arith.index_cast %get3A_1077 : i32 to index
        %get3A_1080 = arith.constant 80 : index
        %get3A_1081 = tpu.vector_load %arg4[%get3A_1078, %get3A_1079, %get3A_1080] {strides = array<i32>} : memref<16x16x128xf32, #tpu.memory_space<vmem>>, vector<1x1x16xf32>,
        %get3A_1082 = vector.shape_cast %get3A_1081 : vector<1x1x16xf32> to vector<16xf32>
        %mul3A_1083 = arith.mulf %get3A_1082, %get3A_1082 : vector<16xf32>
        %add3A_1084 = arith.addf %mul3A_985, %mul3A_992 : vector<16xf32>
        %add3A_1085 = arith.addf %add3A_1084, %mul3A_999 : vector<16xf32>
        %add3A_1086 = arith.addf %mul3A_1006, %mul3A_1013 : vector<16xf32>
        %add3A_1087 = arith.addf %mul3A_1020, %mul3A_1027 : vector<16xf32>
        %add3A_1088 = arith.addf %add3A_1086, %add3A_1087 : vector<16xf32>
        %add3A_1089 = arith.addf %add3A_1088, %mul3A_1034 : vector<16xf32>
        %add3A_1090 = arith.addf %mul3A_1041, %mul3A_1048 : vector<16xf32>
        %add3A_1091 = arith.addf %mul3A_1055, %mul3A_1062 : vector<16xf32>
        %add3A_1092 = arith.addf %add3A_1090, %add3A_1091 : vector<16xf32>
        %add3A_1093 = arith.addf %mul3A_1069, %mul3A_1076 : vector<16xf32>
        %add3A_1094 = arith.addf %add3A_1093, %mul3A_1083 : vector<16xf32>
        %add3A_1095 = arith.addf %add3A_1092, %add3A_1094 : vector<16xf32>
        %swap3A_1096 = arith.constant 0 : i32
        %swap3A_1097 = arith.index_cast %scan3A_168 : i32 to index
        %swap3A_1098 = arith.index_cast %swap3A_1096 : i32 to index
        %swap3A_1099 = arith.constant 80 : index
        %swap3A_1100 = tpu.vector_load %arg6[%swap3A_1097, %swap3A_1098, %swap3A_1099] {strides = array<i32>} : memref<16x4x128xf32, #tpu.memory_space<vmem>>, vector<1x1x16xf32>,
        %swap3A_1101 = vector.shape_cast %swap3A_1100 : vector<1x1x16xf32> to vector<16xf32>
        %swap3A_1102 = vector.shape_cast %mul3A_978 : vector<16xf32> to vector<1x1x16xf32>
        tpu.vector_store %arg6[%swap3A_1097, %swap3A_1098, %swap3A_1099], %swap3A_1102 {strides = array<i32>} : memref<16x4x128xf32, #tpu.memory_space<vmem>>, vector<1x1x16xf32>,
        %mul3A_1103 = arith.constant 0.333333343 : f32
        %mul3A_1104 = vector.broadcast %mul3A_1103 : f32 to vector<16xf32>
        %mul3A_1105 = arith.mulf %add3A_1085, %mul3A_1104 : vector<16xf32>
        %swap3A_1106 = arith.constant 1 : i32
        %swap3A_1107 = arith.index_cast %scan3A_168 : i32 to index
        %swap3A_1108 = arith.index_cast %swap3A_1106 : i32 to index
        %swap3A_1109 = arith.constant 80 : index
        %swap3A_1110 = tpu.vector_load %arg6[%swap3A_1107, %swap3A_1108, %swap3A_1109] {strides = array<i32>} : memref<16x4x128xf32, #tpu.memory_space<vmem>>, vector<1x1x16xf32>,
        %swap3A_1111 = vector.shape_cast %swap3A_1110 : vector<1x1x16xf32> to vector<16xf32>
        %swap3A_1112 = vector.shape_cast %mul3A_1105 : vector<16xf32> to vector<1x1x16xf32>
        tpu.vector_store %arg6[%swap3A_1107, %swap3A_1108, %swap3A_1109], %swap3A_1112 {strides = array<i32>} : memref<16x4x128xf32, #tpu.memory_space<vmem>>, vector<1x1x16xf32>,
        %mul3A_1113 = arith.constant 2.000000e-01 : f32
        %mul3A_1114 = vector.broadcast %mul3A_1113 : f32 to vector<16xf32>
        %mul3A_1115 = arith.mulf %add3A_1089, %mul3A_1114 : vector<16xf32>
        %swap3A_1116 = arith.constant 2 : i32
        %swap3A_1117 = arith.index_cast %scan3A_168 : i32 to index
        %swap3A_1118 = arith.index_cast %swap3A_1116 : i32 to index
        %swap3A_1119 = arith.constant 80 : index
        %swap3A_1120 = tpu.vector_load %arg6[%swap3A_1117, %swap3A_1118, %swap3A_1119] {strides = array<i32>} : memref<16x4x128xf32, #tpu.memory_space<vmem>>, vector<1x1x16xf32>,
        %swap3A_1121 = vector.shape_cast %swap3A_1120 : vector<1x1x16xf32> to vector<16xf32>
        %swap3A_1122 = vector.shape_cast %mul3A_1115 : vector<16xf32> to vector<1x1x16xf32>
        tpu.vector_store %arg6[%swap3A_1117, %swap3A_1118, %swap3A_1119], %swap3A_1122 {strides = array<i32>} : memref<16x4x128xf32, #tpu.memory_space<vmem>>, vector<1x1x16xf32>,
        %mul3A_1123 = arith.constant 0.142857149 : f32
        %mul3A_1124 = vector.broadcast %mul3A_1123 : f32 to vector<16xf32>
        %mul3A_1125 = arith.mulf %add3A_1095, %mul3A_1124 : vector<16xf32>
        %swap3A_1126 = arith.constant 3 : i32
        %swap3A_1127 = arith.index_cast %scan3A_168 : i32 to index
        %swap3A_1128 = arith.index_cast %swap3A_1126 : i32 to index
        %swap3A_1129 = arith.constant 80 : index
        %swap3A_1130 = tpu.vector_load %arg6[%swap3A_1127, %swap3A_1128, %swap3A_1129] {strides = array<i32>} : memref<16x4x128xf32, #tpu.memory_space<vmem>>, vector<1x1x16xf32>,
        %swap3A_1131 = vector.shape_cast %swap3A_1130 : vector<1x1x16xf32> to vector<16xf32>
        %swap3A_1132 = vector.shape_cast %mul3A_1125 : vector<16xf32> to vector<1x1x16xf32>
        tpu.vector_store %arg6[%swap3A_1127, %swap3A_1128, %swap3A_1129], %swap3A_1132 {strides = array<i32>} : memref<16x4x128xf32, #tpu.memory_space<vmem>>, vector<1x1x16xf32>,
        %get3A_1133 = arith.constant 0 : i32
        %get3A_1134 = arith.index_cast %scan3A_168 : i32 to index
        %get3A_1135 = arith.index_cast %get3A_1133 : i32 to index
        %get3A_1136 = arith.constant 96 : index
        %get3A_1137 = tpu.vector_load %arg4[%get3A_1134, %get3A_1135, %get3A_1136] {strides = array<i32>} : memref<16x16x128xf32, #tpu.memory_space<vmem>>, vector<1x1x16xf32>,
        %get3A_1138 = vector.shape_cast %get3A_1137 : vector<1x1x16xf32> to vector<16xf32>
        %mul3A_1139 = arith.mulf %get3A_1138, %get3A_1138 : vector<16xf32>
        %get3A_1140 = arith.constant 1 : i32
        %get3A_1141 = arith.index_cast %scan3A_168 : i32 to index
        %get3A_1142 = arith.index_cast %get3A_1140 : i32 to index
        %get3A_1143 = arith.constant 96 : index
        %get3A_1144 = tpu.vector_load %arg4[%get3A_1141, %get3A_1142, %get3A_1143] {strides = array<i32>} : memref<16x16x128xf32, #tpu.memory_space<vmem>>, vector<1x1x16xf32>,
        %get3A_1145 = vector.shape_cast %get3A_1144 : vector<1x1x16xf32> to vector<16xf32>
        %mul3A_1146 = arith.mulf %get3A_1145, %get3A_1145 : vector<16xf32>
        %get3A_1147 = arith.constant 2 : i32
        %get3A_1148 = arith.index_cast %scan3A_168 : i32 to index
        %get3A_1149 = arith.index_cast %get3A_1147 : i32 to index
        %get3A_1150 = arith.constant 96 : index
        %get3A_1151 = tpu.vector_load %arg4[%get3A_1148, %get3A_1149, %get3A_1150] {strides = array<i32>} : memref<16x16x128xf32, #tpu.memory_space<vmem>>, vector<1x1x16xf32>,
        %get3A_1152 = vector.shape_cast %get3A_1151 : vector<1x1x16xf32> to vector<16xf32>
        %mul3A_1153 = arith.mulf %get3A_1152, %get3A_1152 : vector<16xf32>
        %get3A_1154 = arith.constant 3 : i32
        %get3A_1155 = arith.index_cast %scan3A_168 : i32 to index
        %get3A_1156 = arith.index_cast %get3A_1154 : i32 to index
        %get3A_1157 = arith.constant 96 : index
        %get3A_1158 = tpu.vector_load %arg4[%get3A_1155, %get3A_1156, %get3A_1157] {strides = array<i32>} : memref<16x16x128xf32, #tpu.memory_space<vmem>>, vector<1x1x16xf32>,
        %get3A_1159 = vector.shape_cast %get3A_1158 : vector<1x1x16xf32> to vector<16xf32>
        %mul3A_1160 = arith.mulf %get3A_1159, %get3A_1159 : vector<16xf32>
        %get3A_1161 = arith.constant 4 : i32
        %get3A_1162 = arith.index_cast %scan3A_168 : i32 to index
        %get3A_1163 = arith.index_cast %get3A_1161 : i32 to index
        %get3A_1164 = arith.constant 96 : index
        %get3A_1165 = tpu.vector_load %arg4[%get3A_1162, %get3A_1163, %get3A_1164] {strides = array<i32>} : memref<16x16x128xf32, #tpu.memory_space<vmem>>, vector<1x1x16xf32>,
        %get3A_1166 = vector.shape_cast %get3A_1165 : vector<1x1x16xf32> to vector<16xf32>
        %mul3A_1167 = arith.mulf %get3A_1166, %get3A_1166 : vector<16xf32>
        %get3A_1168 = arith.constant 5 : i32
        %get3A_1169 = arith.index_cast %scan3A_168 : i32 to index
        %get3A_1170 = arith.index_cast %get3A_1168 : i32 to index
        %get3A_1171 = arith.constant 96 : index
        %get3A_1172 = tpu.vector_load %arg4[%get3A_1169, %get3A_1170, %get3A_1171] {strides = array<i32>} : memref<16x16x128xf32, #tpu.memory_space<vmem>>, vector<1x1x16xf32>,
        %get3A_1173 = vector.shape_cast %get3A_1172 : vector<1x1x16xf32> to vector<16xf32>
        %mul3A_1174 = arith.mulf %get3A_1173, %get3A_1173 : vector<16xf32>
        %get3A_1175 = arith.constant 6 : i32
        %get3A_1176 = arith.index_cast %scan3A_168 : i32 to index
        %get3A_1177 = arith.index_cast %get3A_1175 : i32 to index
        %get3A_1178 = arith.constant 96 : index
        %get3A_1179 = tpu.vector_load %arg4[%get3A_1176, %get3A_1177, %get3A_1178] {strides = array<i32>} : memref<16x16x128xf32, #tpu.memory_space<vmem>>, vector<1x1x16xf32>,
        %get3A_1180 = vector.shape_cast %get3A_1179 : vector<1x1x16xf32> to vector<16xf32>
        %mul3A_1181 = arith.mulf %get3A_1180, %get3A_1180 : vector<16xf32>
        %get3A_1182 = arith.constant 7 : i32
        %get3A_1183 = arith.index_cast %scan3A_168 : i32 to index
        %get3A_1184 = arith.index_cast %get3A_1182 : i32 to index
        %get3A_1185 = arith.constant 96 : index
        %get3A_1186 = tpu.vector_load %arg4[%get3A_1183, %get3A_1184, %get3A_1185] {strides = array<i32>} : memref<16x16x128xf32, #tpu.memory_space<vmem>>, vector<1x1x16xf32>,
        %get3A_1187 = vector.shape_cast %get3A_1186 : vector<1x1x16xf32> to vector<16xf32>
        %mul3A_1188 = arith.mulf %get3A_1187, %get3A_1187 : vector<16xf32>
        %get3A_1189 = arith.constant 8 : i32
        %get3A_1190 = arith.index_cast %scan3A_168 : i32 to index
        %get3A_1191 = arith.index_cast %get3A_1189 : i32 to index
        %get3A_1192 = arith.constant 96 : index
        %get3A_1193 = tpu.vector_load %arg4[%get3A_1190, %get3A_1191, %get3A_1192] {strides = array<i32>} : memref<16x16x128xf32, #tpu.memory_space<vmem>>, vector<1x1x16xf32>,
        %get3A_1194 = vector.shape_cast %get3A_1193 : vector<1x1x16xf32> to vector<16xf32>
        %mul3A_1195 = arith.mulf %get3A_1194, %get3A_1194 : vector<16xf32>
        %get3A_1196 = arith.constant 9 : i32
        %get3A_1197 = arith.index_cast %scan3A_168 : i32 to index
        %get3A_1198 = arith.index_cast %get3A_1196 : i32 to index
        %get3A_1199 = arith.constant 96 : index
        %get3A_1200 = tpu.vector_load %arg4[%get3A_1197, %get3A_1198, %get3A_1199] {strides = array<i32>} : memref<16x16x128xf32, #tpu.memory_space<vmem>>, vector<1x1x16xf32>,
        %get3A_1201 = vector.shape_cast %get3A_1200 : vector<1x1x16xf32> to vector<16xf32>
        %mul3A_1202 = arith.mulf %get3A_1201, %get3A_1201 : vector<16xf32>
        %get3A_1203 = arith.constant 10 : i32
        %get3A_1204 = arith.index_cast %scan3A_168 : i32 to index
        %get3A_1205 = arith.index_cast %get3A_1203 : i32 to index
        %get3A_1206 = arith.constant 96 : index
        %get3A_1207 = tpu.vector_load %arg4[%get3A_1204, %get3A_1205, %get3A_1206] {strides = array<i32>} : memref<16x16x128xf32, #tpu.memory_space<vmem>>, vector<1x1x16xf32>,
        %get3A_1208 = vector.shape_cast %get3A_1207 : vector<1x1x16xf32> to vector<16xf32>
        %mul3A_1209 = arith.mulf %get3A_1208, %get3A_1208 : vector<16xf32>
        %get3A_1210 = arith.constant 11 : i32
        %get3A_1211 = arith.index_cast %scan3A_168 : i32 to index
        %get3A_1212 = arith.index_cast %get3A_1210 : i32 to index
        %get3A_1213 = arith.constant 96 : index
        %get3A_1214 = tpu.vector_load %arg4[%get3A_1211, %get3A_1212, %get3A_1213] {strides = array<i32>} : memref<16x16x128xf32, #tpu.memory_space<vmem>>, vector<1x1x16xf32>,
        %get3A_1215 = vector.shape_cast %get3A_1214 : vector<1x1x16xf32> to vector<16xf32>
        %mul3A_1216 = arith.mulf %get3A_1215, %get3A_1215 : vector<16xf32>
        %get3A_1217 = arith.constant 12 : i32
        %get3A_1218 = arith.index_cast %scan3A_168 : i32 to index
        %get3A_1219 = arith.index_cast %get3A_1217 : i32 to index
        %get3A_1220 = arith.constant 96 : index
        %get3A_1221 = tpu.vector_load %arg4[%get3A_1218, %get3A_1219, %get3A_1220] {strides = array<i32>} : memref<16x16x128xf32, #tpu.memory_space<vmem>>, vector<1x1x16xf32>,
        %get3A_1222 = vector.shape_cast %get3A_1221 : vector<1x1x16xf32> to vector<16xf32>
        %mul3A_1223 = arith.mulf %get3A_1222, %get3A_1222 : vector<16xf32>
        %get3A_1224 = arith.constant 13 : i32
        %get3A_1225 = arith.index_cast %scan3A_168 : i32 to index
        %get3A_1226 = arith.index_cast %get3A_1224 : i32 to index
        %get3A_1227 = arith.constant 96 : index
        %get3A_1228 = tpu.vector_load %arg4[%get3A_1225, %get3A_1226, %get3A_1227] {strides = array<i32>} : memref<16x16x128xf32, #tpu.memory_space<vmem>>, vector<1x1x16xf32>,
        %get3A_1229 = vector.shape_cast %get3A_1228 : vector<1x1x16xf32> to vector<16xf32>
        %mul3A_1230 = arith.mulf %get3A_1229, %get3A_1229 : vector<16xf32>
        %get3A_1231 = arith.constant 14 : i32
        %get3A_1232 = arith.index_cast %scan3A_168 : i32 to index
        %get3A_1233 = arith.index_cast %get3A_1231 : i32 to index
        %get3A_1234 = arith.constant 96 : index
        %get3A_1235 = tpu.vector_load %arg4[%get3A_1232, %get3A_1233, %get3A_1234] {strides = array<i32>} : memref<16x16x128xf32, #tpu.memory_space<vmem>>, vector<1x1x16xf32>,
        %get3A_1236 = vector.shape_cast %get3A_1235 : vector<1x1x16xf32> to vector<16xf32>
        %mul3A_1237 = arith.mulf %get3A_1236, %get3A_1236 : vector<16xf32>
        %get3A_1238 = arith.constant 15 : i32
        %get3A_1239 = arith.index_cast %scan3A_168 : i32 to index
        %get3A_1240 = arith.index_cast %get3A_1238 : i32 to index
        %get3A_1241 = arith.constant 96 : index
        %get3A_1242 = tpu.vector_load %arg4[%get3A_1239, %get3A_1240, %get3A_1241] {strides = array<i32>} : memref<16x16x128xf32, #tpu.memory_space<vmem>>, vector<1x1x16xf32>,
        %get3A_1243 = vector.shape_cast %get3A_1242 : vector<1x1x16xf32> to vector<16xf32>
        %mul3A_1244 = arith.mulf %get3A_1243, %get3A_1243 : vector<16xf32>
        %add3A_1245 = arith.addf %mul3A_1146, %mul3A_1153 : vector<16xf32>
        %add3A_1246 = arith.addf %add3A_1245, %mul3A_1160 : vector<16xf32>
        %add3A_1247 = arith.addf %mul3A_1167, %mul3A_1174 : vector<16xf32>
        %add3A_1248 = arith.addf %mul3A_1181, %mul3A_1188 : vector<16xf32>
        %add3A_1249 = arith.addf %add3A_1247, %add3A_1248 : vector<16xf32>
        %add3A_1250 = arith.addf %add3A_1249, %mul3A_1195 : vector<16xf32>
        %add3A_1251 = arith.addf %mul3A_1202, %mul3A_1209 : vector<16xf32>
        %add3A_1252 = arith.addf %mul3A_1216, %mul3A_1223 : vector<16xf32>
        %add3A_1253 = arith.addf %add3A_1251, %add3A_1252 : vector<16xf32>
        %add3A_1254 = arith.addf %mul3A_1230, %mul3A_1237 : vector<16xf32>
        %add3A_1255 = arith.addf %add3A_1254, %mul3A_1244 : vector<16xf32>
        %add3A_1256 = arith.addf %add3A_1253, %add3A_1255 : vector<16xf32>
        %swap3A_1257 = arith.constant 0 : i32
        %swap3A_1258 = arith.index_cast %scan3A_168 : i32 to index
        %swap3A_1259 = arith.index_cast %swap3A_1257 : i32 to index
        %swap3A_1260 = arith.constant 96 : index
        %swap3A_1261 = tpu.vector_load %arg6[%swap3A_1258, %swap3A_1259, %swap3A_1260] {strides = array<i32>} : memref<16x4x128xf32, #tpu.memory_space<vmem>>, vector<1x1x16xf32>,
        %swap3A_1262 = vector.shape_cast %swap3A_1261 : vector<1x1x16xf32> to vector<16xf32>
        %swap3A_1263 = vector.shape_cast %mul3A_1139 : vector<16xf32> to vector<1x1x16xf32>
        tpu.vector_store %arg6[%swap3A_1258, %swap3A_1259, %swap3A_1260], %swap3A_1263 {strides = array<i32>} : memref<16x4x128xf32, #tpu.memory_space<vmem>>, vector<1x1x16xf32>,
        %mul3A_1264 = arith.constant 0.333333343 : f32
        %mul3A_1265 = vector.broadcast %mul3A_1264 : f32 to vector<16xf32>
        %mul3A_1266 = arith.mulf %add3A_1246, %mul3A_1265 : vector<16xf32>
        %swap3A_1267 = arith.constant 1 : i32
        %swap3A_1268 = arith.index_cast %scan3A_168 : i32 to index
        %swap3A_1269 = arith.index_cast %swap3A_1267 : i32 to index
        %swap3A_1270 = arith.constant 96 : index
        %swap3A_1271 = tpu.vector_load %arg6[%swap3A_1268, %swap3A_1269, %swap3A_1270] {strides = array<i32>} : memref<16x4x128xf32, #tpu.memory_space<vmem>>, vector<1x1x16xf32>,
        %swap3A_1272 = vector.shape_cast %swap3A_1271 : vector<1x1x16xf32> to vector<16xf32>
        %swap3A_1273 = vector.shape_cast %mul3A_1266 : vector<16xf32> to vector<1x1x16xf32>
        tpu.vector_store %arg6[%swap3A_1268, %swap3A_1269, %swap3A_1270], %swap3A_1273 {strides = array<i32>} : memref<16x4x128xf32, #tpu.memory_space<vmem>>, vector<1x1x16xf32>,
        %mul3A_1274 = arith.constant 2.000000e-01 : f32
        %mul3A_1275 = vector.broadcast %mul3A_1274 : f32 to vector<16xf32>
        %mul3A_1276 = arith.mulf %add3A_1250, %mul3A_1275 : vector<16xf32>
        %swap3A_1277 = arith.constant 2 : i32
        %swap3A_1278 = arith.index_cast %scan3A_168 : i32 to index
        %swap3A_1279 = arith.index_cast %swap3A_1277 : i32 to index
        %swap3A_1280 = arith.constant 96 : index
        %swap3A_1281 = tpu.vector_load %arg6[%swap3A_1278, %swap3A_1279, %swap3A_1280] {strides = array<i32>} : memref<16x4x128xf32, #tpu.memory_space<vmem>>, vector<1x1x16xf32>,
        %swap3A_1282 = vector.shape_cast %swap3A_1281 : vector<1x1x16xf32> to vector<16xf32>
        %swap3A_1283 = vector.shape_cast %mul3A_1276 : vector<16xf32> to vector<1x1x16xf32>
        tpu.vector_store %arg6[%swap3A_1278, %swap3A_1279, %swap3A_1280], %swap3A_1283 {strides = array<i32>} : memref<16x4x128xf32, #tpu.memory_space<vmem>>, vector<1x1x16xf32>,
        %mul3A_1284 = arith.constant 0.142857149 : f32
        %mul3A_1285 = vector.broadcast %mul3A_1284 : f32 to vector<16xf32>
        %mul3A_1286 = arith.mulf %add3A_1256, %mul3A_1285 : vector<16xf32>
        %swap3A_1287 = arith.constant 3 : i32
        %swap3A_1288 = arith.index_cast %scan3A_168 : i32 to index
        %swap3A_1289 = arith.index_cast %swap3A_1287 : i32 to index
        %swap3A_1290 = arith.constant 96 : index
        %swap3A_1291 = tpu.vector_load %arg6[%swap3A_1288, %swap3A_1289, %swap3A_1290] {strides = array<i32>} : memref<16x4x128xf32, #tpu.memory_space<vmem>>, vector<1x1x16xf32>,
        %swap3A_1292 = vector.shape_cast %swap3A_1291 : vector<1x1x16xf32> to vector<16xf32>
        %swap3A_1293 = vector.shape_cast %mul3A_1286 : vector<16xf32> to vector<1x1x16xf32>
        tpu.vector_store %arg6[%swap3A_1288, %swap3A_1289, %swap3A_1290], %swap3A_1293 {strides = array<i32>} : memref<16x4x128xf32, #tpu.memory_space<vmem>>, vector<1x1x16xf32>,
        %get3A_1294 = arith.constant 0 : i32
        %get3A_1295 = arith.index_cast %scan3A_168 : i32 to index
        %get3A_1296 = arith.index_cast %get3A_1294 : i32 to index
        %get3A_1297 = arith.constant 112 : index
        %get3A_1298 = tpu.vector_load %arg4[%get3A_1295, %get3A_1296, %get3A_1297] {strides = array<i32>} : memref<16x16x128xf32, #tpu.memory_space<vmem>>, vector<1x1x16xf32>,
        %get3A_1299 = vector.shape_cast %get3A_1298 : vector<1x1x16xf32> to vector<16xf32>
        %mul3A_1300 = arith.mulf %get3A_1299, %get3A_1299 : vector<16xf32>
        %get3A_1301 = arith.constant 1 : i32
        %get3A_1302 = arith.index_cast %scan3A_168 : i32 to index
        %get3A_1303 = arith.index_cast %get3A_1301 : i32 to index
        %get3A_1304 = arith.constant 112 : index
        %get3A_1305 = tpu.vector_load %arg4[%get3A_1302, %get3A_1303, %get3A_1304] {strides = array<i32>} : memref<16x16x128xf32, #tpu.memory_space<vmem>>, vector<1x1x16xf32>,
        %get3A_1306 = vector.shape_cast %get3A_1305 : vector<1x1x16xf32> to vector<16xf32>
        %mul3A_1307 = arith.mulf %get3A_1306, %get3A_1306 : vector<16xf32>
        %get3A_1308 = arith.constant 2 : i32
        %get3A_1309 = arith.index_cast %scan3A_168 : i32 to index
        %get3A_1310 = arith.index_cast %get3A_1308 : i32 to index
        %get3A_1311 = arith.constant 112 : index
        %get3A_1312 = tpu.vector_load %arg4[%get3A_1309, %get3A_1310, %get3A_1311] {strides = array<i32>} : memref<16x16x128xf32, #tpu.memory_space<vmem>>, vector<1x1x16xf32>,
        %get3A_1313 = vector.shape_cast %get3A_1312 : vector<1x1x16xf32> to vector<16xf32>
        %mul3A_1314 = arith.mulf %get3A_1313, %get3A_1313 : vector<16xf32>
        %get3A_1315 = arith.constant 3 : i32
        %get3A_1316 = arith.index_cast %scan3A_168 : i32 to index
        %get3A_1317 = arith.index_cast %get3A_1315 : i32 to index
        %get3A_1318 = arith.constant 112 : index
        %get3A_1319 = tpu.vector_load %arg4[%get3A_1316, %get3A_1317, %get3A_1318] {strides = array<i32>} : memref<16x16x128xf32, #tpu.memory_space<vmem>>, vector<1x1x16xf32>,
        %get3A_1320 = vector.shape_cast %get3A_1319 : vector<1x1x16xf32> to vector<16xf32>
        %mul3A_1321 = arith.mulf %get3A_1320, %get3A_1320 : vector<16xf32>
        %get3A_1322 = arith.constant 4 : i32
        %get3A_1323 = arith.index_cast %scan3A_168 : i32 to index
        %get3A_1324 = arith.index_cast %get3A_1322 : i32 to index
        %get3A_1325 = arith.constant 112 : index
        %get3A_1326 = tpu.vector_load %arg4[%get3A_1323, %get3A_1324, %get3A_1325] {strides = array<i32>} : memref<16x16x128xf32, #tpu.memory_space<vmem>>, vector<1x1x16xf32>,
        %get3A_1327 = vector.shape_cast %get3A_1326 : vector<1x1x16xf32> to vector<16xf32>
        %mul3A_1328 = arith.mulf %get3A_1327, %get3A_1327 : vector<16xf32>
        %get3A_1329 = arith.constant 5 : i32
        %get3A_1330 = arith.index_cast %scan3A_168 : i32 to index
        %get3A_1331 = arith.index_cast %get3A_1329 : i32 to index
        %get3A_1332 = arith.constant 112 : index
        %get3A_1333 = tpu.vector_load %arg4[%get3A_1330, %get3A_1331, %get3A_1332] {strides = array<i32>} : memref<16x16x128xf32, #tpu.memory_space<vmem>>, vector<1x1x16xf32>,
        %get3A_1334 = vector.shape_cast %get3A_1333 : vector<1x1x16xf32> to vector<16xf32>
        %mul3A_1335 = arith.mulf %get3A_1334, %get3A_1334 : vector<16xf32>
        %get3A_1336 = arith.constant 6 : i32
        %get3A_1337 = arith.index_cast %scan3A_168 : i32 to index
        %get3A_1338 = arith.index_cast %get3A_1336 : i32 to index
        %get3A_1339 = arith.constant 112 : index
        %get3A_1340 = tpu.vector_load %arg4[%get3A_1337, %get3A_1338, %get3A_1339] {strides = array<i32>} : memref<16x16x128xf32, #tpu.memory_space<vmem>>, vector<1x1x16xf32>,
        %get3A_1341 = vector.shape_cast %get3A_1340 : vector<1x1x16xf32> to vector<16xf32>
        %mul3A_1342 = arith.mulf %get3A_1341, %get3A_1341 : vector<16xf32>
        %get3A_1343 = arith.constant 7 : i32
        %get3A_1344 = arith.index_cast %scan3A_168 : i32 to index
        %get3A_1345 = arith.index_cast %get3A_1343 : i32 to index
        %get3A_1346 = arith.constant 112 : index
        %get3A_1347 = tpu.vector_load %arg4[%get3A_1344, %get3A_1345, %get3A_1346] {strides = array<i32>} : memref<16x16x128xf32, #tpu.memory_space<vmem>>, vector<1x1x16xf32>,
        %get3A_1348 = vector.shape_cast %get3A_1347 : vector<1x1x16xf32> to vector<16xf32>
        %mul3A_1349 = arith.mulf %get3A_1348, %get3A_1348 : vector<16xf32>
        %get3A_1350 = arith.constant 8 : i32
        %get3A_1351 = arith.index_cast %scan3A_168 : i32 to index
        %get3A_1352 = arith.index_cast %get3A_1350 : i32 to index
        %get3A_1353 = arith.constant 112 : index
        %get3A_1354 = tpu.vector_load %arg4[%get3A_1351, %get3A_1352, %get3A_1353] {strides = array<i32>} : memref<16x16x128xf32, #tpu.memory_space<vmem>>, vector<1x1x16xf32>,
        %get3A_1355 = vector.shape_cast %get3A_1354 : vector<1x1x16xf32> to vector<16xf32>
        %mul3A_1356 = arith.mulf %get3A_1355, %get3A_1355 : vector<16xf32>
        %get3A_1357 = arith.constant 9 : i32
        %get3A_1358 = arith.index_cast %scan3A_168 : i32 to index
        %get3A_1359 = arith.index_cast %get3A_1357 : i32 to index
        %get3A_1360 = arith.constant 112 : index
        %get3A_1361 = tpu.vector_load %arg4[%get3A_1358, %get3A_1359, %get3A_1360] {strides = array<i32>} : memref<16x16x128xf32, #tpu.memory_space<vmem>>, vector<1x1x16xf32>,
        %get3A_1362 = vector.shape_cast %get3A_1361 : vector<1x1x16xf32> to vector<16xf32>
        %mul3A_1363 = arith.mulf %get3A_1362, %get3A_1362 : vector<16xf32>
        %get3A_1364 = arith.constant 10 : i32
        %get3A_1365 = arith.index_cast %scan3A_168 : i32 to index
        %get3A_1366 = arith.index_cast %get3A_1364 : i32 to index
        %get3A_1367 = arith.constant 112 : index
        %get3A_1368 = tpu.vector_load %arg4[%get3A_1365, %get3A_1366, %get3A_1367] {strides = array<i32>} : memref<16x16x128xf32, #tpu.memory_space<vmem>>, vector<1x1x16xf32>,
        %get3A_1369 = vector.shape_cast %get3A_1368 : vector<1x1x16xf32> to vector<16xf32>
        %mul3A_1370 = arith.mulf %get3A_1369, %get3A_1369 : vector<16xf32>
        %get3A_1371 = arith.constant 11 : i32
        %get3A_1372 = arith.index_cast %scan3A_168 : i32 to index
        %get3A_1373 = arith.index_cast %get3A_1371 : i32 to index
        %get3A_1374 = arith.constant 112 : index
        %get3A_1375 = tpu.vector_load %arg4[%get3A_1372, %get3A_1373, %get3A_1374] {strides = array<i32>} : memref<16x16x128xf32, #tpu.memory_space<vmem>>, vector<1x1x16xf32>,
        %get3A_1376 = vector.shape_cast %get3A_1375 : vector<1x1x16xf32> to vector<16xf32>
        %mul3A_1377 = arith.mulf %get3A_1376, %get3A_1376 : vector<16xf32>
        %get3A_1378 = arith.constant 12 : i32
        %get3A_1379 = arith.index_cast %scan3A_168 : i32 to index
        %get3A_1380 = arith.index_cast %get3A_1378 : i32 to index
        %get3A_1381 = arith.constant 112 : index
        %get3A_1382 = tpu.vector_load %arg4[%get3A_1379, %get3A_1380, %get3A_1381] {strides = array<i32>} : memref<16x16x128xf32, #tpu.memory_space<vmem>>, vector<1x1x16xf32>,
        %get3A_1383 = vector.shape_cast %get3A_1382 : vector<1x1x16xf32> to vector<16xf32>
        %mul3A_1384 = arith.mulf %get3A_1383, %get3A_1383 : vector<16xf32>
        %get3A_1385 = arith.constant 13 : i32
        %get3A_1386 = arith.index_cast %scan3A_168 : i32 to index
        %get3A_1387 = arith.index_cast %get3A_1385 : i32 to index
        %get3A_1388 = arith.constant 112 : index
        %get3A_1389 = tpu.vector_load %arg4[%get3A_1386, %get3A_1387, %get3A_1388] {strides = array<i32>} : memref<16x16x128xf32, #tpu.memory_space<vmem>>, vector<1x1x16xf32>,
        %get3A_1390 = vector.shape_cast %get3A_1389 : vector<1x1x16xf32> to vector<16xf32>
        %mul3A_1391 = arith.mulf %get3A_1390, %get3A_1390 : vector<16xf32>
        %get3A_1392 = arith.constant 14 : i32
        %get3A_1393 = arith.index_cast %scan3A_168 : i32 to index
        %get3A_1394 = arith.index_cast %get3A_1392 : i32 to index
        %get3A_1395 = arith.constant 112 : index
        %get3A_1396 = tpu.vector_load %arg4[%get3A_1393, %get3A_1394, %get3A_1395] {strides = array<i32>} : memref<16x16x128xf32, #tpu.memory_space<vmem>>, vector<1x1x16xf32>,
        %get3A_1397 = vector.shape_cast %get3A_1396 : vector<1x1x16xf32> to vector<16xf32>
        %mul3A_1398 = arith.mulf %get3A_1397, %get3A_1397 : vector<16xf32>
        %get3A_1399 = arith.constant 15 : i32
        %get3A_1400 = arith.index_cast %scan3A_168 : i32 to index
        %get3A_1401 = arith.index_cast %get3A_1399 : i32 to index
        %get3A_1402 = arith.constant 112 : index
        %get3A_1403 = tpu.vector_load %arg4[%get3A_1400, %get3A_1401, %get3A_1402] {strides = array<i32>} : memref<16x16x128xf32, #tpu.memory_space<vmem>>, vector<1x1x16xf32>,
        %get3A_1404 = vector.shape_cast %get3A_1403 : vector<1x1x16xf32> to vector<16xf32>
        %mul3A_1405 = arith.mulf %get3A_1404, %get3A_1404 : vector<16xf32>
        %add3A_1406 = arith.addf %mul3A_1307, %mul3A_1314 : vector<16xf32>
        %add3A_1407 = arith.addf %add3A_1406, %mul3A_1321 : vector<16xf32>
        %add3A_1408 = arith.addf %mul3A_1328, %mul3A_1335 : vector<16xf32>
        %add3A_1409 = arith.addf %mul3A_1342, %mul3A_1349 : vector<16xf32>
        %add3A_1410 = arith.addf %add3A_1408, %add3A_1409 : vector<16xf32>
        %add3A_1411 = arith.addf %add3A_1410, %mul3A_1356 : vector<16xf32>
        %add3A_1412 = arith.addf %mul3A_1363, %mul3A_1370 : vector<16xf32>
        %add3A_1413 = arith.addf %mul3A_1377, %mul3A_1384 : vector<16xf32>
        %add3A_1414 = arith.addf %add3A_1412, %add3A_1413 : vector<16xf32>
        %add3A_1415 = arith.addf %mul3A_1391, %mul3A_1398 : vector<16xf32>
        %add3A_1416 = arith.addf %add3A_1415, %mul3A_1405 : vector<16xf32>
        %add3A_1417 = arith.addf %add3A_1414, %add3A_1416 : vector<16xf32>
        %swap3A_1418 = arith.constant 0 : i32
        %swap3A_1419 = arith.index_cast %scan3A_168 : i32 to index
        %swap3A_1420 = arith.index_cast %swap3A_1418 : i32 to index
        %swap3A_1421 = arith.constant 112 : index
        %swap3A_1422 = tpu.vector_load %arg6[%swap3A_1419, %swap3A_1420, %swap3A_1421] {strides = array<i32>} : memref<16x4x128xf32, #tpu.memory_space<vmem>>, vector<1x1x16xf32>,
        %swap3A_1423 = vector.shape_cast %swap3A_1422 : vector<1x1x16xf32> to vector<16xf32>
        %swap3A_1424 = vector.shape_cast %mul3A_1300 : vector<16xf32> to vector<1x1x16xf32>
        tpu.vector_store %arg6[%swap3A_1419, %swap3A_1420, %swap3A_1421], %swap3A_1424 {strides = array<i32>} : memref<16x4x128xf32, #tpu.memory_space<vmem>>, vector<1x1x16xf32>,
        %mul3A_1425 = arith.constant 0.333333343 : f32
        %mul3A_1426 = vector.broadcast %mul3A_1425 : f32 to vector<16xf32>
        %mul3A_1427 = arith.mulf %add3A_1407, %mul3A_1426 : vector<16xf32>
        %swap3A_1428 = arith.constant 1 : i32
        %swap3A_1429 = arith.index_cast %scan3A_168 : i32 to index
        %swap3A_1430 = arith.index_cast %swap3A_1428 : i32 to index
        %swap3A_1431 = arith.constant 112 : index
        %swap3A_1432 = tpu.vector_load %arg6[%swap3A_1429, %swap3A_1430, %swap3A_1431] {strides = array<i32>} : memref<16x4x128xf32, #tpu.memory_space<vmem>>, vector<1x1x16xf32>,
        %swap3A_1433 = vector.shape_cast %swap3A_1432 : vector<1x1x16xf32> to vector<16xf32>
        %swap3A_1434 = vector.shape_cast %mul3A_1427 : vector<16xf32> to vector<1x1x16xf32>
        tpu.vector_store %arg6[%swap3A_1429, %swap3A_1430, %swap3A_1431], %swap3A_1434 {strides = array<i32>} : memref<16x4x128xf32, #tpu.memory_space<vmem>>, vector<1x1x16xf32>,
        %mul3A_1435 = arith.constant 2.000000e-01 : f32
        %mul3A_1436 = vector.broadcast %mul3A_1435 : f32 to vector<16xf32>
        %mul3A_1437 = arith.mulf %add3A_1411, %mul3A_1436 : vector<16xf32>
        %swap3A_1438 = arith.constant 2 : i32
        %swap3A_1439 = arith.index_cast %scan3A_168 : i32 to index
        %swap3A_1440 = arith.index_cast %swap3A_1438 : i32 to index
        %swap3A_1441 = arith.constant 112 : index
        %swap3A_1442 = tpu.vector_load %arg6[%swap3A_1439, %swap3A_1440, %swap3A_1441] {strides = array<i32>} : memref<16x4x128xf32, #tpu.memory_space<vmem>>, vector<1x1x16xf32>,
        %swap3A_1443 = vector.shape_cast %swap3A_1442 : vector<1x1x16xf32> to vector<16xf32>
        %swap3A_1444 = vector.shape_cast %mul3A_1437 : vector<16xf32> to vector<1x1x16xf32>
        tpu.vector_store %arg6[%swap3A_1439, %swap3A_1440, %swap3A_1441], %swap3A_1444 {strides = array<i32>} : memref<16x4x128xf32, #tpu.memory_space<vmem>>, vector<1x1x16xf32>,
        %mul3A_1445 = arith.constant 0.142857149 : f32
        %mul3A_1446 = vector.broadcast %mul3A_1445 : f32 to vector<16xf32>
        %mul3A_1447 = arith.mulf %add3A_1417, %mul3A_1446 : vector<16xf32>
        %swap3A_1448 = arith.constant 3 : i32
        %swap3A_1449 = arith.index_cast %scan3A_168 : i32 to index
        %swap3A_1450 = arith.index_cast %swap3A_1448 : i32 to index
        %swap3A_1451 = arith.constant 112 : index
        %swap3A_1452 = tpu.vector_load %arg6[%swap3A_1449, %swap3A_1450, %swap3A_1451] {strides = array<i32>} : memref<16x4x128xf32, #tpu.memory_space<vmem>>, vector<1x1x16xf32>,
        %swap3A_1453 = vector.shape_cast %swap3A_1452 : vector<1x1x16xf32> to vector<16xf32>
        %swap3A_1454 = vector.shape_cast %mul3A_1447 : vector<16xf32> to vector<1x1x16xf32>
        tpu.vector_store %arg6[%swap3A_1449, %swap3A_1450, %swap3A_1451], %swap3A_1454 {strides = array<i32>} : memref<16x4x128xf32, #tpu.memory_space<vmem>>, vector<1x1x16xf32>,
      }
      %scan3A_111 = arith.constant 16 : i32
      %mul3A_112 = arith.constant 32 : i32
      %mul3A_113 = arith.muli %mul3A_96, %mul3A_112 : i32
      %add3A_114 = arith.addi %add3A, %mul3A_113 : i32
      %mul3A_115 = arith.constant 16 : i32
      %mul3A_116 = arith.muli %add3A_114, %mul3A_115 : i32
      %dma_start3A_117 = arith.constant 0 : i32
      %dma_start3A_118 = arith.constant 0 : i32
      %dma_start3A_119 = tpu.memref_slice %arg3[%mul3A_116, %dma_start3A_117, %dma_start3A_118] : memref<4096x4x128xf32, #tpu.memory_space<hbm>> -> memref<16x4x128xf32, #tpu.memory_space<hbm>>
      %dma_start3A_120 = arith.constant 0 : i32
      %dma_start3A_121 = arith.constant 0 : i32
      %dma_start3A_122 = tpu.memref_slice %arg3[%mul3A_116, %dma_start3A_120, %dma_start3A_121] : memref<4096x4x128xf32, #tpu.memory_space<hbm>> -> memref<16x4x128xf32, #tpu.memory_space<hbm>>
      tpu.enqueue_dma source(%arg6 : memref<16x4x128xf32, #tpu.memory_space<vmem>>) target(%dma_start3A_122 : memref<16x4x128xf32, #tpu.memory_space<hbm>>) target_semaphore(%arg10 : memref<!tpu.dma_semaphore, #tpu.memory_space<semaphore_mem>>)
      %add3A_123 = arith.constant 2 : i32
      %add3A_124 = arith.addi %mul3A_96, %add3A_123 : i32
      %lt3A = arith.cmpi slt, %add3A_124, %select_n3A : i32
      %convert_element_type3A_125 = arith.extui %lt3A : i1 to i32
      %cond3A_126 = arith.constant 0 : i32
      %cond3A_127 = arith.cmpi ne, %convert_element_type3A_125, %cond3A_126 : i32
      scf.if %cond3A_127 {
        %add3A_168 = arith.constant 2 : i32
        %add3A_169 = arith.addi %mul3A_96, %add3A_168 : i32
        %mul3A_170 = arith.constant 32 : i32
        %mul3A_171 = arith.muli %add3A_169, %mul3A_170 : i32
        %add3A_172 = arith.addi %add3A, %mul3A_171 : i32
        %mul3A_173 = arith.constant 16 : i32
        %mul3A_174 = arith.muli %add3A_172, %mul3A_173 : i32
        %add3A_175 = arith.constant 5904 : i32
        %add3A_176 = arith.addi %add3A_175, %mul3A_174 : i32
        %dma_start3A_177 = arith.constant 0 : i32
        %dma_start3A_178 = arith.constant 0 : i32
        %dma_start3A_179 = tpu.memref_slice %arg2[%add3A_176, %dma_start3A_177, %dma_start3A_178] : memref<10000x16x128xf32, #tpu.memory_space<hbm>> -> memref<16x16x128xf32, #tpu.memory_space<hbm>>
        %dma_start3A_180 = arith.constant 0 : i32
        %dma_start3A_181 = arith.constant 0 : i32
        %dma_start3A_182 = tpu.memref_slice %arg2[%add3A_176, %dma_start3A_180, %dma_start3A_181] : memref<10000x16x128xf32, #tpu.memory_space<hbm>> -> memref<16x16x128xf32, #tpu.memory_space<hbm>>
        tpu.enqueue_dma source(%dma_start3A_182 : memref<16x16x128xf32, #tpu.memory_space<hbm>>) target(%arg4 : memref<16x16x128xf32, #tpu.memory_space<vmem>>) target_semaphore(%arg8 : memref<!tpu.dma_semaphore, #tpu.memory_space<semaphore_mem>>)
      } else {
      }
      %mul3A_128 = arith.constant 2 : i32
      %mul3A_129 = arith.muli %mul3A_128, %while3A_94 : i32
      %add3A_130 = arith.constant 1 : i32
      %add3A_131 = arith.addi %mul3A_129, %add3A_130 : i32
      %dma_wait3A_132 = arith.constant 0 : i32
      %dma_wait3A_133 = arith.constant 0 : i32
      %dma_wait3A_134 = arith.constant 0 : i32
      %dma_wait3A_135 = tpu.memref_slice %arg2[%dma_wait3A_132, %dma_wait3A_133, %dma_wait3A_134] : memref<10000x16x128xf32, #tpu.memory_space<hbm>> -> memref<16x16x128xf32, #tpu.memory_space<hbm>>
      %dma_wait3A_136 = arith.constant 0 : i32
      %dma_wait3A_137 = arith.constant 0 : i32
      %dma_wait3A_138 = arith.constant 0 : i32
      %dma_wait3A_139 = tpu.memref_slice %arg2[%dma_wait3A_136, %dma_wait3A_137, %dma_wait3A_138] : memref<10000x16x128xf32, #tpu.memory_space<hbm>> -> memref<16x16x128xf32, #tpu.memory_space<hbm>>
      tpu.wait_dma2 semaphore(%arg9 : memref<!tpu.dma_semaphore, #tpu.memory_space<semaphore_mem>>) src(%dma_wait3A_139 : memref<16x16x128xf32, #tpu.memory_space<hbm>>) dst(%arg5 : memref<16x16x128xf32, #tpu.memory_space<vmem>>)
      %gt3A_140 = arith.constant 0 : i32
      %gt3A_141 = arith.cmpi sgt, %while3A_94, %gt3A_140 : i32
      %convert_element_type3A_142 = arith.extui %gt3A_141 : i1 to i32
      %cond3A_143 = arith.constant 0 : i32
      %cond3A_144 = arith.cmpi ne, %convert_element_type3A_142, %cond3A_143 : i32
      scf.if %cond3A_144 {
        %dma_wait3A_168 = arith.constant 0 : i32
        %dma_wait3A_169 = arith.constant 0 : i32
        %dma_wait3A_170 = arith.constant 0 : i32
        %dma_wait3A_171 = tpu.memref_slice %arg3[%dma_wait3A_168, %dma_wait3A_169, %dma_wait3A_170] : memref<4096x4x128xf32, #tpu.memory_space<hbm>> -> memref<16x4x128xf32, #tpu.memory_space<hbm>>
        %dma_wait3A_172 = arith.constant 0 : i32
        %dma_wait3A_173 = arith.constant 0 : i32
        %dma_wait3A_174 = arith.constant 0 : i32
        %dma_wait3A_175 = tpu.memref_slice %arg3[%dma_wait3A_172, %dma_wait3A_173, %dma_wait3A_174] : memref<4096x4x128xf32, #tpu.memory_space<hbm>> -> memref<16x4x128xf32, #tpu.memory_space<hbm>>
        tpu.wait_dma2 semaphore(%arg11 : memref<!tpu.dma_semaphore, #tpu.memory_space<semaphore_mem>>) src(%arg7 : memref<16x4x128xf32, #tpu.memory_space<vmem>>) dst(%dma_wait3A_175 : memref<16x4x128xf32, #tpu.memory_space<hbm>>)
      } else {
      }
      %scan3A_145 = arith.constant 0 : i32
      %scan3A_146 = arith.constant 0 : i32
      %scan3A_147 = arith.constant 16 : i32
      %scan3A_148 = arith.addi %scan3A_146, %scan3A_147 : i32
      %scan3A_149 = arith.constant 1 : i32
      scf.for %scan3A_168 = %scan3A_146 to %scan3A_148 step %scan3A_149  : i32 {
        %get3A = arith.constant 0 : i32
        %get3A_169 = arith.index_cast %scan3A_168 : i32 to index
        %get3A_170 = arith.index_cast %get3A : i32 to index
        %get3A_171 = arith.constant 0 : index
        %get3A_172 = tpu.vector_load %arg5[%get3A_169, %get3A_170, %get3A_171] {strides = array<i32>} : memref<16x16x128xf32, #tpu.memory_space<vmem>>, vector<1x1x16xf32>,
        %get3A_173 = vector.shape_cast %get3A_172 : vector<1x1x16xf32> to vector<16xf32>
        %mul3A_174 = arith.mulf %get3A_173, %get3A_173 : vector<16xf32>
        %get3A_175 = arith.constant 1 : i32
        %get3A_176 = arith.index_cast %scan3A_168 : i32 to index
        %get3A_177 = arith.index_cast %get3A_175 : i32 to index
        %get3A_178 = arith.constant 0 : index
        %get3A_179 = tpu.vector_load %arg5[%get3A_176, %get3A_177, %get3A_178] {strides = array<i32>} : memref<16x16x128xf32, #tpu.memory_space<vmem>>, vector<1x1x16xf32>,
        %get3A_180 = vector.shape_cast %get3A_179 : vector<1x1x16xf32> to vector<16xf32>
        %mul3A_181 = arith.mulf %get3A_180, %get3A_180 : vector<16xf32>
        %get3A_182 = arith.constant 2 : i32
        %get3A_183 = arith.index_cast %scan3A_168 : i32 to index
        %get3A_184 = arith.index_cast %get3A_182 : i32 to index
        %get3A_185 = arith.constant 0 : index
        %get3A_186 = tpu.vector_load %arg5[%get3A_183, %get3A_184, %get3A_185] {strides = array<i32>} : memref<16x16x128xf32, #tpu.memory_space<vmem>>, vector<1x1x16xf32>,
        %get3A_187 = vector.shape_cast %get3A_186 : vector<1x1x16xf32> to vector<16xf32>
        %mul3A_188 = arith.mulf %get3A_187, %get3A_187 : vector<16xf32>
        %get3A_189 = arith.constant 3 : i32
        %get3A_190 = arith.index_cast %scan3A_168 : i32 to index
        %get3A_191 = arith.index_cast %get3A_189 : i32 to index
        %get3A_192 = arith.constant 0 : index
        %get3A_193 = tpu.vector_load %arg5[%get3A_190, %get3A_191, %get3A_192] {strides = array<i32>} : memref<16x16x128xf32, #tpu.memory_space<vmem>>, vector<1x1x16xf32>,
        %get3A_194 = vector.shape_cast %get3A_193 : vector<1x1x16xf32> to vector<16xf32>
        %mul3A_195 = arith.mulf %get3A_194, %get3A_194 : vector<16xf32>
        %get3A_196 = arith.constant 4 : i32
        %get3A_197 = arith.index_cast %scan3A_168 : i32 to index
        %get3A_198 = arith.index_cast %get3A_196 : i32 to index
        %get3A_199 = arith.constant 0 : index
        %get3A_200 = tpu.vector_load %arg5[%get3A_197, %get3A_198, %get3A_199] {strides = array<i32>} : memref<16x16x128xf32, #tpu.memory_space<vmem>>, vector<1x1x16xf32>,
        %get3A_201 = vector.shape_cast %get3A_200 : vector<1x1x16xf32> to vector<16xf32>
        %mul3A_202 = arith.mulf %get3A_201, %get3A_201 : vector<16xf32>
        %get3A_203 = arith.constant 5 : i32
        %get3A_204 = arith.index_cast %scan3A_168 : i32 to index
        %get3A_205 = arith.index_cast %get3A_203 : i32 to index
        %get3A_206 = arith.constant 0 : index
        %get3A_207 = tpu.vector_load %arg5[%get3A_204, %get3A_205, %get3A_206] {strides = array<i32>} : memref<16x16x128xf32, #tpu.memory_space<vmem>>, vector<1x1x16xf32>,
        %get3A_208 = vector.shape_cast %get3A_207 : vector<1x1x16xf32> to vector<16xf32>
        %mul3A_209 = arith.mulf %get3A_208, %get3A_208 : vector<16xf32>
        %get3A_210 = arith.constant 6 : i32
        %get3A_211 = arith.index_cast %scan3A_168 : i32 to index
        %get3A_212 = arith.index_cast %get3A_210 : i32 to index
        %get3A_213 = arith.constant 0 : index
        %get3A_214 = tpu.vector_load %arg5[%get3A_211, %get3A_212, %get3A_213] {strides = array<i32>} : memref<16x16x128xf32, #tpu.memory_space<vmem>>, vector<1x1x16xf32>,
        %get3A_215 = vector.shape_cast %get3A_214 : vector<1x1x16xf32> to vector<16xf32>
        %mul3A_216 = arith.mulf %get3A_215, %get3A_215 : vector<16xf32>
        %get3A_217 = arith.constant 7 : i32
        %get3A_218 = arith.index_cast %scan3A_168 : i32 to index
        %get3A_219 = arith.index_cast %get3A_217 : i32 to index
        %get3A_220 = arith.constant 0 : index
        %get3A_221 = tpu.vector_load %arg5[%get3A_218, %get3A_219, %get3A_220] {strides = array<i32>} : memref<16x16x128xf32, #tpu.memory_space<vmem>>, vector<1x1x16xf32>,
        %get3A_222 = vector.shape_cast %get3A_221 : vector<1x1x16xf32> to vector<16xf32>
        %mul3A_223 = arith.mulf %get3A_222, %get3A_222 : vector<16xf32>
        %get3A_224 = arith.constant 8 : i32
        %get3A_225 = arith.index_cast %scan3A_168 : i32 to index
        %get3A_226 = arith.index_cast %get3A_224 : i32 to index
        %get3A_227 = arith.constant 0 : index
        %get3A_228 = tpu.vector_load %arg5[%get3A_225, %get3A_226, %get3A_227] {strides = array<i32>} : memref<16x16x128xf32, #tpu.memory_space<vmem>>, vector<1x1x16xf32>,
        %get3A_229 = vector.shape_cast %get3A_228 : vector<1x1x16xf32> to vector<16xf32>
        %mul3A_230 = arith.mulf %get3A_229, %get3A_229 : vector<16xf32>
        %get3A_231 = arith.constant 9 : i32
        %get3A_232 = arith.index_cast %scan3A_168 : i32 to index
        %get3A_233 = arith.index_cast %get3A_231 : i32 to index
        %get3A_234 = arith.constant 0 : index
        %get3A_235 = tpu.vector_load %arg5[%get3A_232, %get3A_233, %get3A_234] {strides = array<i32>} : memref<16x16x128xf32, #tpu.memory_space<vmem>>, vector<1x1x16xf32>,
        %get3A_236 = vector.shape_cast %get3A_235 : vector<1x1x16xf32> to vector<16xf32>
        %mul3A_237 = arith.mulf %get3A_236, %get3A_236 : vector<16xf32>
        %get3A_238 = arith.constant 10 : i32
        %get3A_239 = arith.index_cast %scan3A_168 : i32 to index
        %get3A_240 = arith.index_cast %get3A_238 : i32 to index
        %get3A_241 = arith.constant 0 : index
        %get3A_242 = tpu.vector_load %arg5[%get3A_239, %get3A_240, %get3A_241] {strides = array<i32>} : memref<16x16x128xf32, #tpu.memory_space<vmem>>, vector<1x1x16xf32>,
        %get3A_243 = vector.shape_cast %get3A_242 : vector<1x1x16xf32> to vector<16xf32>
        %mul3A_244 = arith.mulf %get3A_243, %get3A_243 : vector<16xf32>
        %get3A_245 = arith.constant 11 : i32
        %get3A_246 = arith.index_cast %scan3A_168 : i32 to index
        %get3A_247 = arith.index_cast %get3A_245 : i32 to index
        %get3A_248 = arith.constant 0 : index
        %get3A_249 = tpu.vector_load %arg5[%get3A_246, %get3A_247, %get3A_248] {strides = array<i32>} : memref<16x16x128xf32, #tpu.memory_space<vmem>>, vector<1x1x16xf32>,
        %get3A_250 = vector.shape_cast %get3A_249 : vector<1x1x16xf32> to vector<16xf32>
        %mul3A_251 = arith.mulf %get3A_250, %get3A_250 : vector<16xf32>
        %get3A_252 = arith.constant 12 : i32
        %get3A_253 = arith.index_cast %scan3A_168 : i32 to index
        %get3A_254 = arith.index_cast %get3A_252 : i32 to index
        %get3A_255 = arith.constant 0 : index
        %get3A_256 = tpu.vector_load %arg5[%get3A_253, %get3A_254, %get3A_255] {strides = array<i32>} : memref<16x16x128xf32, #tpu.memory_space<vmem>>, vector<1x1x16xf32>,
        %get3A_257 = vector.shape_cast %get3A_256 : vector<1x1x16xf32> to vector<16xf32>
        %mul3A_258 = arith.mulf %get3A_257, %get3A_257 : vector<16xf32>
        %get3A_259 = arith.constant 13 : i32
        %get3A_260 = arith.index_cast %scan3A_168 : i32 to index
        %get3A_261 = arith.index_cast %get3A_259 : i32 to index
        %get3A_262 = arith.constant 0 : index
        %get3A_263 = tpu.vector_load %arg5[%get3A_260, %get3A_261, %get3A_262] {strides = array<i32>} : memref<16x16x128xf32, #tpu.memory_space<vmem>>, vector<1x1x16xf32>,
        %get3A_264 = vector.shape_cast %get3A_263 : vector<1x1x16xf32> to vector<16xf32>
        %mul3A_265 = arith.mulf %get3A_264, %get3A_264 : vector<16xf32>
        %get3A_266 = arith.constant 14 : i32
        %get3A_267 = arith.index_cast %scan3A_168 : i32 to index
        %get3A_268 = arith.index_cast %get3A_266 : i32 to index
        %get3A_269 = arith.constant 0 : index
        %get3A_270 = tpu.vector_load %arg5[%get3A_267, %get3A_268, %get3A_269] {strides = array<i32>} : memref<16x16x128xf32, #tpu.memory_space<vmem>>, vector<1x1x16xf32>,
        %get3A_271 = vector.shape_cast %get3A_270 : vector<1x1x16xf32> to vector<16xf32>
        %mul3A_272 = arith.mulf %get3A_271, %get3A_271 : vector<16xf32>
        %get3A_273 = arith.constant 15 : i32
        %get3A_274 = arith.index_cast %scan3A_168 : i32 to index
        %get3A_275 = arith.index_cast %get3A_273 : i32 to index
        %get3A_276 = arith.constant 0 : index
        %get3A_277 = tpu.vector_load %arg5[%get3A_274, %get3A_275, %get3A_276] {strides = array<i32>} : memref<16x16x128xf32, #tpu.memory_space<vmem>>, vector<1x1x16xf32>,
        %get3A_278 = vector.shape_cast %get3A_277 : vector<1x1x16xf32> to vector<16xf32>
        %mul3A_279 = arith.mulf %get3A_278, %get3A_278 : vector<16xf32>
        %add3A_280 = arith.addf %mul3A_181, %mul3A_188 : vector<16xf32>
        %add3A_281 = arith.addf %add3A_280, %mul3A_195 : vector<16xf32>
        %add3A_282 = arith.addf %mul3A_202, %mul3A_209 : vector<16xf32>
        %add3A_283 = arith.addf %mul3A_216, %mul3A_223 : vector<16xf32>
        %add3A_284 = arith.addf %add3A_282, %add3A_283 : vector<16xf32>
        %add3A_285 = arith.addf %add3A_284, %mul3A_230 : vector<16xf32>
        %add3A_286 = arith.addf %mul3A_237, %mul3A_244 : vector<16xf32>
        %add3A_287 = arith.addf %mul3A_251, %mul3A_258 : vector<16xf32>
        %add3A_288 = arith.addf %add3A_286, %add3A_287 : vector<16xf32>
        %add3A_289 = arith.addf %mul3A_265, %mul3A_272 : vector<16xf32>
        %add3A_290 = arith.addf %add3A_289, %mul3A_279 : vector<16xf32>
        %add3A_291 = arith.addf %add3A_288, %add3A_290 : vector<16xf32>
        %swap3A = arith.constant 0 : i32
        %swap3A_292 = arith.index_cast %scan3A_168 : i32 to index
        %swap3A_293 = arith.index_cast %swap3A : i32 to index
        %swap3A_294 = arith.constant 0 : index
        %swap3A_295 = tpu.vector_load %arg7[%swap3A_292, %swap3A_293, %swap3A_294] {strides = array<i32>} : memref<16x4x128xf32, #tpu.memory_space<vmem>>, vector<1x1x16xf32>,
        %swap3A_296 = vector.shape_cast %swap3A_295 : vector<1x1x16xf32> to vector<16xf32>
        %swap3A_297 = vector.shape_cast %mul3A_174 : vector<16xf32> to vector<1x1x16xf32>
        tpu.vector_store %arg7[%swap3A_292, %swap3A_293, %swap3A_294], %swap3A_297 {strides = array<i32>} : memref<16x4x128xf32, #tpu.memory_space<vmem>>, vector<1x1x16xf32>,
        %mul3A_298 = arith.constant 0.333333343 : f32
        %mul3A_299 = vector.broadcast %mul3A_298 : f32 to vector<16xf32>
        %mul3A_300 = arith.mulf %add3A_281, %mul3A_299 : vector<16xf32>
        %swap3A_301 = arith.constant 1 : i32
        %swap3A_302 = arith.index_cast %scan3A_168 : i32 to index
        %swap3A_303 = arith.index_cast %swap3A_301 : i32 to index
        %swap3A_304 = arith.constant 0 : index
        %swap3A_305 = tpu.vector_load %arg7[%swap3A_302, %swap3A_303, %swap3A_304] {strides = array<i32>} : memref<16x4x128xf32, #tpu.memory_space<vmem>>, vector<1x1x16xf32>,
        %swap3A_306 = vector.shape_cast %swap3A_305 : vector<1x1x16xf32> to vector<16xf32>
        %swap3A_307 = vector.shape_cast %mul3A_300 : vector<16xf32> to vector<1x1x16xf32>
        tpu.vector_store %arg7[%swap3A_302, %swap3A_303, %swap3A_304], %swap3A_307 {strides = array<i32>} : memref<16x4x128xf32, #tpu.memory_space<vmem>>, vector<1x1x16xf32>,
        %mul3A_308 = arith.constant 2.000000e-01 : f32
        %mul3A_309 = vector.broadcast %mul3A_308 : f32 to vector<16xf32>
        %mul3A_310 = arith.mulf %add3A_285, %mul3A_309 : vector<16xf32>
        %swap3A_311 = arith.constant 2 : i32
        %swap3A_312 = arith.index_cast %scan3A_168 : i32 to index
        %swap3A_313 = arith.index_cast %swap3A_311 : i32 to index
        %swap3A_314 = arith.constant 0 : index
        %swap3A_315 = tpu.vector_load %arg7[%swap3A_312, %swap3A_313, %swap3A_314] {strides = array<i32>} : memref<16x4x128xf32, #tpu.memory_space<vmem>>, vector<1x1x16xf32>,
        %swap3A_316 = vector.shape_cast %swap3A_315 : vector<1x1x16xf32> to vector<16xf32>
        %swap3A_317 = vector.shape_cast %mul3A_310 : vector<16xf32> to vector<1x1x16xf32>
        tpu.vector_store %arg7[%swap3A_312, %swap3A_313, %swap3A_314], %swap3A_317 {strides = array<i32>} : memref<16x4x128xf32, #tpu.memory_space<vmem>>, vector<1x1x16xf32>,
        %mul3A_318 = arith.constant 0.142857149 : f32
        %mul3A_319 = vector.broadcast %mul3A_318 : f32 to vector<16xf32>
        %mul3A_320 = arith.mulf %add3A_291, %mul3A_319 : vector<16xf32>
        %swap3A_321 = arith.constant 3 : i32
        %swap3A_322 = arith.index_cast %scan3A_168 : i32 to index
        %swap3A_323 = arith.index_cast %swap3A_321 : i32 to index
        %swap3A_324 = arith.constant 0 : index
        %swap3A_325 = tpu.vector_load %arg7[%swap3A_322, %swap3A_323, %swap3A_324] {strides = array<i32>} : memref<16x4x128xf32, #tpu.memory_space<vmem>>, vector<1x1x16xf32>,
        %swap3A_326 = vector.shape_cast %swap3A_325 : vector<1x1x16xf32> to vector<16xf32>
        %swap3A_327 = vector.shape_cast %mul3A_320 : vector<16xf32> to vector<1x1x16xf32>
        tpu.vector_store %arg7[%swap3A_322, %swap3A_323, %swap3A_324], %swap3A_327 {strides = array<i32>} : memref<16x4x128xf32, #tpu.memory_space<vmem>>, vector<1x1x16xf32>,
        %get3A_328 = arith.constant 0 : i32
        %get3A_329 = arith.index_cast %scan3A_168 : i32 to index
        %get3A_330 = arith.index_cast %get3A_328 : i32 to index
        %get3A_331 = arith.constant 16 : index
        %get3A_332 = tpu.vector_load %arg5[%get3A_329, %get3A_330, %get3A_331] {strides = array<i32>} : memref<16x16x128xf32, #tpu.memory_space<vmem>>, vector<1x1x16xf32>,
        %get3A_333 = vector.shape_cast %get3A_332 : vector<1x1x16xf32> to vector<16xf32>
        %mul3A_334 = arith.mulf %get3A_333, %get3A_333 : vector<16xf32>
        %get3A_335 = arith.constant 1 : i32
        %get3A_336 = arith.index_cast %scan3A_168 : i32 to index
        %get3A_337 = arith.index_cast %get3A_335 : i32 to index
        %get3A_338 = arith.constant 16 : index
        %get3A_339 = tpu.vector_load %arg5[%get3A_336, %get3A_337, %get3A_338] {strides = array<i32>} : memref<16x16x128xf32, #tpu.memory_space<vmem>>, vector<1x1x16xf32>,
        %get3A_340 = vector.shape_cast %get3A_339 : vector<1x1x16xf32> to vector<16xf32>
        %mul3A_341 = arith.mulf %get3A_340, %get3A_340 : vector<16xf32>
        %get3A_342 = arith.constant 2 : i32
        %get3A_343 = arith.index_cast %scan3A_168 : i32 to index
        %get3A_344 = arith.index_cast %get3A_342 : i32 to index
        %get3A_345 = arith.constant 16 : index
        %get3A_346 = tpu.vector_load %arg5[%get3A_343, %get3A_344, %get3A_345] {strides = array<i32>} : memref<16x16x128xf32, #tpu.memory_space<vmem>>, vector<1x1x16xf32>,
        %get3A_347 = vector.shape_cast %get3A_346 : vector<1x1x16xf32> to vector<16xf32>
        %mul3A_348 = arith.mulf %get3A_347, %get3A_347 : vector<16xf32>
        %get3A_349 = arith.constant 3 : i32
        %get3A_350 = arith.index_cast %scan3A_168 : i32 to index
        %get3A_351 = arith.index_cast %get3A_349 : i32 to index
        %get3A_352 = arith.constant 16 : index
        %get3A_353 = tpu.vector_load %arg5[%get3A_350, %get3A_351, %get3A_352] {strides = array<i32>} : memref<16x16x128xf32, #tpu.memory_space<vmem>>, vector<1x1x16xf32>,
        %get3A_354 = vector.shape_cast %get3A_353 : vector<1x1x16xf32> to vector<16xf32>
        %mul3A_355 = arith.mulf %get3A_354, %get3A_354 : vector<16xf32>
        %get3A_356 = arith.constant 4 : i32
        %get3A_357 = arith.index_cast %scan3A_168 : i32 to index
        %get3A_358 = arith.index_cast %get3A_356 : i32 to index
        %get3A_359 = arith.constant 16 : index
        %get3A_360 = tpu.vector_load %arg5[%get3A_357, %get3A_358, %get3A_359] {strides = array<i32>} : memref<16x16x128xf32, #tpu.memory_space<vmem>>, vector<1x1x16xf32>,
        %get3A_361 = vector.shape_cast %get3A_360 : vector<1x1x16xf32> to vector<16xf32>
        %mul3A_362 = arith.mulf %get3A_361, %get3A_361 : vector<16xf32>
        %get3A_363 = arith.constant 5 : i32
        %get3A_364 = arith.index_cast %scan3A_168 : i32 to index
        %get3A_365 = arith.index_cast %get3A_363 : i32 to index
        %get3A_366 = arith.constant 16 : index
        %get3A_367 = tpu.vector_load %arg5[%get3A_364, %get3A_365, %get3A_366] {strides = array<i32>} : memref<16x16x128xf32, #tpu.memory_space<vmem>>, vector<1x1x16xf32>,
        %get3A_368 = vector.shape_cast %get3A_367 : vector<1x1x16xf32> to vector<16xf32>
        %mul3A_369 = arith.mulf %get3A_368, %get3A_368 : vector<16xf32>
        %get3A_370 = arith.constant 6 : i32
        %get3A_371 = arith.index_cast %scan3A_168 : i32 to index
        %get3A_372 = arith.index_cast %get3A_370 : i32 to index
        %get3A_373 = arith.constant 16 : index
        %get3A_374 = tpu.vector_load %arg5[%get3A_371, %get3A_372, %get3A_373] {strides = array<i32>} : memref<16x16x128xf32, #tpu.memory_space<vmem>>, vector<1x1x16xf32>,
        %get3A_375 = vector.shape_cast %get3A_374 : vector<1x1x16xf32> to vector<16xf32>
        %mul3A_376 = arith.mulf %get3A_375, %get3A_375 : vector<16xf32>
        %get3A_377 = arith.constant 7 : i32
        %get3A_378 = arith.index_cast %scan3A_168 : i32 to index
        %get3A_379 = arith.index_cast %get3A_377 : i32 to index
        %get3A_380 = arith.constant 16 : index
        %get3A_381 = tpu.vector_load %arg5[%get3A_378, %get3A_379, %get3A_380] {strides = array<i32>} : memref<16x16x128xf32, #tpu.memory_space<vmem>>, vector<1x1x16xf32>,
        %get3A_382 = vector.shape_cast %get3A_381 : vector<1x1x16xf32> to vector<16xf32>
        %mul3A_383 = arith.mulf %get3A_382, %get3A_382 : vector<16xf32>
        %get3A_384 = arith.constant 8 : i32
        %get3A_385 = arith.index_cast %scan3A_168 : i32 to index
        %get3A_386 = arith.index_cast %get3A_384 : i32 to index
        %get3A_387 = arith.constant 16 : index
        %get3A_388 = tpu.vector_load %arg5[%get3A_385, %get3A_386, %get3A_387] {strides = array<i32>} : memref<16x16x128xf32, #tpu.memory_space<vmem>>, vector<1x1x16xf32>,
        %get3A_389 = vector.shape_cast %get3A_388 : vector<1x1x16xf32> to vector<16xf32>
        %mul3A_390 = arith.mulf %get3A_389, %get3A_389 : vector<16xf32>
        %get3A_391 = arith.constant 9 : i32
        %get3A_392 = arith.index_cast %scan3A_168 : i32 to index
        %get3A_393 = arith.index_cast %get3A_391 : i32 to index
        %get3A_394 = arith.constant 16 : index
        %get3A_395 = tpu.vector_load %arg5[%get3A_392, %get3A_393, %get3A_394] {strides = array<i32>} : memref<16x16x128xf32, #tpu.memory_space<vmem>>, vector<1x1x16xf32>,
        %get3A_396 = vector.shape_cast %get3A_395 : vector<1x1x16xf32> to vector<16xf32>
        %mul3A_397 = arith.mulf %get3A_396, %get3A_396 : vector<16xf32>
        %get3A_398 = arith.constant 10 : i32
        %get3A_399 = arith.index_cast %scan3A_168 : i32 to index
        %get3A_400 = arith.index_cast %get3A_398 : i32 to index
        %get3A_401 = arith.constant 16 : index
        %get3A_402 = tpu.vector_load %arg5[%get3A_399, %get3A_400, %get3A_401] {strides = array<i32>} : memref<16x16x128xf32, #tpu.memory_space<vmem>>, vector<1x1x16xf32>,
        %get3A_403 = vector.shape_cast %get3A_402 : vector<1x1x16xf32> to vector<16xf32>
        %mul3A_404 = arith.mulf %get3A_403, %get3A_403 : vector<16xf32>
        %get3A_405 = arith.constant 11 : i32
        %get3A_406 = arith.index_cast %scan3A_168 : i32 to index
        %get3A_407 = arith.index_cast %get3A_405 : i32 to index
        %get3A_408 = arith.constant 16 : index
        %get3A_409 = tpu.vector_load %arg5[%get3A_406, %get3A_407, %get3A_408] {strides = array<i32>} : memref<16x16x128xf32, #tpu.memory_space<vmem>>, vector<1x1x16xf32>,
        %get3A_410 = vector.shape_cast %get3A_409 : vector<1x1x16xf32> to vector<16xf32>
        %mul3A_411 = arith.mulf %get3A_410, %get3A_410 : vector<16xf32>
        %get3A_412 = arith.constant 12 : i32
        %get3A_413 = arith.index_cast %scan3A_168 : i32 to index
        %get3A_414 = arith.index_cast %get3A_412 : i32 to index
        %get3A_415 = arith.constant 16 : index
        %get3A_416 = tpu.vector_load %arg5[%get3A_413, %get3A_414, %get3A_415] {strides = array<i32>} : memref<16x16x128xf32, #tpu.memory_space<vmem>>, vector<1x1x16xf32>,
        %get3A_417 = vector.shape_cast %get3A_416 : vector<1x1x16xf32> to vector<16xf32>
        %mul3A_418 = arith.mulf %get3A_417, %get3A_417 : vector<16xf32>
        %get3A_419 = arith.constant 13 : i32
        %get3A_420 = arith.index_cast %scan3A_168 : i32 to index
        %get3A_421 = arith.index_cast %get3A_419 : i32 to index
        %get3A_422 = arith.constant 16 : index
        %get3A_423 = tpu.vector_load %arg5[%get3A_420, %get3A_421, %get3A_422] {strides = array<i32>} : memref<16x16x128xf32, #tpu.memory_space<vmem>>, vector<1x1x16xf32>,
        %get3A_424 = vector.shape_cast %get3A_423 : vector<1x1x16xf32> to vector<16xf32>
        %mul3A_425 = arith.mulf %get3A_424, %get3A_424 : vector<16xf32>
        %get3A_426 = arith.constant 14 : i32
        %get3A_427 = arith.index_cast %scan3A_168 : i32 to index
        %get3A_428 = arith.index_cast %get3A_426 : i32 to index
        %get3A_429 = arith.constant 16 : index
        %get3A_430 = tpu.vector_load %arg5[%get3A_427, %get3A_428, %get3A_429] {strides = array<i32>} : memref<16x16x128xf32, #tpu.memory_space<vmem>>, vector<1x1x16xf32>,
        %get3A_431 = vector.shape_cast %get3A_430 : vector<1x1x16xf32> to vector<16xf32>
        %mul3A_432 = arith.mulf %get3A_431, %get3A_431 : vector<16xf32>
        %get3A_433 = arith.constant 15 : i32
        %get3A_434 = arith.index_cast %scan3A_168 : i32 to index
        %get3A_435 = arith.index_cast %get3A_433 : i32 to index
        %get3A_436 = arith.constant 16 : index
        %get3A_437 = tpu.vector_load %arg5[%get3A_434, %get3A_435, %get3A_436] {strides = array<i32>} : memref<16x16x128xf32, #tpu.memory_space<vmem>>, vector<1x1x16xf32>,
        %get3A_438 = vector.shape_cast %get3A_437 : vector<1x1x16xf32> to vector<16xf32>
        %mul3A_439 = arith.mulf %get3A_438, %get3A_438 : vector<16xf32>
        %add3A_440 = arith.addf %mul3A_341, %mul3A_348 : vector<16xf32>
        %add3A_441 = arith.addf %add3A_440, %mul3A_355 : vector<16xf32>
        %add3A_442 = arith.addf %mul3A_362, %mul3A_369 : vector<16xf32>
        %add3A_443 = arith.addf %mul3A_376, %mul3A_383 : vector<16xf32>
        %add3A_444 = arith.addf %add3A_442, %add3A_443 : vector<16xf32>
        %add3A_445 = arith.addf %add3A_444, %mul3A_390 : vector<16xf32>
        %add3A_446 = arith.addf %mul3A_397, %mul3A_404 : vector<16xf32>
        %add3A_447 = arith.addf %mul3A_411, %mul3A_418 : vector<16xf32>
        %add3A_448 = arith.addf %add3A_446, %add3A_447 : vector<16xf32>
        %add3A_449 = arith.addf %mul3A_425, %mul3A_432 : vector<16xf32>
        %add3A_450 = arith.addf %add3A_449, %mul3A_439 : vector<16xf32>
        %add3A_451 = arith.addf %add3A_448, %add3A_450 : vector<16xf32>
        %swap3A_452 = arith.constant 0 : i32
        %swap3A_453 = arith.index_cast %scan3A_168 : i32 to index
        %swap3A_454 = arith.index_cast %swap3A_452 : i32 to index
        %swap3A_455 = arith.constant 16 : index
        %swap3A_456 = tpu.vector_load %arg7[%swap3A_453, %swap3A_454, %swap3A_455] {strides = array<i32>} : memref<16x4x128xf32, #tpu.memory_space<vmem>>, vector<1x1x16xf32>,
        %swap3A_457 = vector.shape_cast %swap3A_456 : vector<1x1x16xf32> to vector<16xf32>
        %swap3A_458 = vector.shape_cast %mul3A_334 : vector<16xf32> to vector<1x1x16xf32>
        tpu.vector_store %arg7[%swap3A_453, %swap3A_454, %swap3A_455], %swap3A_458 {strides = array<i32>} : memref<16x4x128xf32, #tpu.memory_space<vmem>>, vector<1x1x16xf32>,
        %mul3A_459 = arith.constant 0.333333343 : f32
        %mul3A_460 = vector.broadcast %mul3A_459 : f32 to vector<16xf32>
        %mul3A_461 = arith.mulf %add3A_441, %mul3A_460 : vector<16xf32>
        %swap3A_462 = arith.constant 1 : i32
        %swap3A_463 = arith.index_cast %scan3A_168 : i32 to index
        %swap3A_464 = arith.index_cast %swap3A_462 : i32 to index
        %swap3A_465 = arith.constant 16 : index
        %swap3A_466 = tpu.vector_load %arg7[%swap3A_463, %swap3A_464, %swap3A_465] {strides = array<i32>} : memref<16x4x128xf32, #tpu.memory_space<vmem>>, vector<1x1x16xf32>,
        %swap3A_467 = vector.shape_cast %swap3A_466 : vector<1x1x16xf32> to vector<16xf32>
        %swap3A_468 = vector.shape_cast %mul3A_461 : vector<16xf32> to vector<1x1x16xf32>
        tpu.vector_store %arg7[%swap3A_463, %swap3A_464, %swap3A_465], %swap3A_468 {strides = array<i32>} : memref<16x4x128xf32, #tpu.memory_space<vmem>>, vector<1x1x16xf32>,
        %mul3A_469 = arith.constant 2.000000e-01 : f32
        %mul3A_470 = vector.broadcast %mul3A_469 : f32 to vector<16xf32>
        %mul3A_471 = arith.mulf %add3A_445, %mul3A_470 : vector<16xf32>
        %swap3A_472 = arith.constant 2 : i32
        %swap3A_473 = arith.index_cast %scan3A_168 : i32 to index
        %swap3A_474 = arith.index_cast %swap3A_472 : i32 to index
        %swap3A_475 = arith.constant 16 : index
        %swap3A_476 = tpu.vector_load %arg7[%swap3A_473, %swap3A_474, %swap3A_475] {strides = array<i32>} : memref<16x4x128xf32, #tpu.memory_space<vmem>>, vector<1x1x16xf32>,
        %swap3A_477 = vector.shape_cast %swap3A_476 : vector<1x1x16xf32> to vector<16xf32>
        %swap3A_478 = vector.shape_cast %mul3A_471 : vector<16xf32> to vector<1x1x16xf32>
        tpu.vector_store %arg7[%swap3A_473, %swap3A_474, %swap3A_475], %swap3A_478 {strides = array<i32>} : memref<16x4x128xf32, #tpu.memory_space<vmem>>, vector<1x1x16xf32>,
        %mul3A_479 = arith.constant 0.142857149 : f32
        %mul3A_480 = vector.broadcast %mul3A_479 : f32 to vector<16xf32>
        %mul3A_481 = arith.mulf %add3A_451, %mul3A_480 : vector<16xf32>
        %swap3A_482 = arith.constant 3 : i32
        %swap3A_483 = arith.index_cast %scan3A_168 : i32 to index
        %swap3A_484 = arith.index_cast %swap3A_482 : i32 to index
        %swap3A_485 = arith.constant 16 : index
        %swap3A_486 = tpu.vector_load %arg7[%swap3A_483, %swap3A_484, %swap3A_485] {strides = array<i32>} : memref<16x4x128xf32, #tpu.memory_space<vmem>>, vector<1x1x16xf32>,
        %swap3A_487 = vector.shape_cast %swap3A_486 : vector<1x1x16xf32> to vector<16xf32>
        %swap3A_488 = vector.shape_cast %mul3A_481 : vector<16xf32> to vector<1x1x16xf32>
        tpu.vector_store %arg7[%swap3A_483, %swap3A_484, %swap3A_485], %swap3A_488 {strides = array<i32>} : memref<16x4x128xf32, #tpu.memory_space<vmem>>, vector<1x1x16xf32>,
        %get3A_489 = arith.constant 0 : i32
        %get3A_490 = arith.index_cast %scan3A_168 : i32 to index
        %get3A_491 = arith.index_cast %get3A_489 : i32 to index
        %get3A_492 = arith.constant 32 : index
        %get3A_493 = tpu.vector_load %arg5[%get3A_490, %get3A_491, %get3A_492] {strides = array<i32>} : memref<16x16x128xf32, #tpu.memory_space<vmem>>, vector<1x1x16xf32>,
        %get3A_494 = vector.shape_cast %get3A_493 : vector<1x1x16xf32> to vector<16xf32>
        %mul3A_495 = arith.mulf %get3A_494, %get3A_494 : vector<16xf32>
        %get3A_496 = arith.constant 1 : i32
        %get3A_497 = arith.index_cast %scan3A_168 : i32 to index
        %get3A_498 = arith.index_cast %get3A_496 : i32 to index
        %get3A_499 = arith.constant 32 : index
        %get3A_500 = tpu.vector_load %arg5[%get3A_497, %get3A_498, %get3A_499] {strides = array<i32>} : memref<16x16x128xf32, #tpu.memory_space<vmem>>, vector<1x1x16xf32>,
        %get3A_501 = vector.shape_cast %get3A_500 : vector<1x1x16xf32> to vector<16xf32>
        %mul3A_502 = arith.mulf %get3A_501, %get3A_501 : vector<16xf32>
        %get3A_503 = arith.constant 2 : i32
        %get3A_504 = arith.index_cast %scan3A_168 : i32 to index
        %get3A_505 = arith.index_cast %get3A_503 : i32 to index
        %get3A_506 = arith.constant 32 : index
        %get3A_507 = tpu.vector_load %arg5[%get3A_504, %get3A_505, %get3A_506] {strides = array<i32>} : memref<16x16x128xf32, #tpu.memory_space<vmem>>, vector<1x1x16xf32>,
        %get3A_508 = vector.shape_cast %get3A_507 : vector<1x1x16xf32> to vector<16xf32>
        %mul3A_509 = arith.mulf %get3A_508, %get3A_508 : vector<16xf32>
        %get3A_510 = arith.constant 3 : i32
        %get3A_511 = arith.index_cast %scan3A_168 : i32 to index
        %get3A_512 = arith.index_cast %get3A_510 : i32 to index
        %get3A_513 = arith.constant 32 : index
        %get3A_514 = tpu.vector_load %arg5[%get3A_511, %get3A_512, %get3A_513] {strides = array<i32>} : memref<16x16x128xf32, #tpu.memory_space<vmem>>, vector<1x1x16xf32>,
        %get3A_515 = vector.shape_cast %get3A_514 : vector<1x1x16xf32> to vector<16xf32>
        %mul3A_516 = arith.mulf %get3A_515, %get3A_515 : vector<16xf32>
        %get3A_517 = arith.constant 4 : i32
        %get3A_518 = arith.index_cast %scan3A_168 : i32 to index
        %get3A_519 = arith.index_cast %get3A_517 : i32 to index
        %get3A_520 = arith.constant 32 : index
        %get3A_521 = tpu.vector_load %arg5[%get3A_518, %get3A_519, %get3A_520] {strides = array<i32>} : memref<16x16x128xf32, #tpu.memory_space<vmem>>, vector<1x1x16xf32>,
        %get3A_522 = vector.shape_cast %get3A_521 : vector<1x1x16xf32> to vector<16xf32>
        %mul3A_523 = arith.mulf %get3A_522, %get3A_522 : vector<16xf32>
        %get3A_524 = arith.constant 5 : i32
        %get3A_525 = arith.index_cast %scan3A_168 : i32 to index
        %get3A_526 = arith.index_cast %get3A_524 : i32 to index
        %get3A_527 = arith.constant 32 : index
        %get3A_528 = tpu.vector_load %arg5[%get3A_525, %get3A_526, %get3A_527] {strides = array<i32>} : memref<16x16x128xf32, #tpu.memory_space<vmem>>, vector<1x1x16xf32>,
        %get3A_529 = vector.shape_cast %get3A_528 : vector<1x1x16xf32> to vector<16xf32>
        %mul3A_530 = arith.mulf %get3A_529, %get3A_529 : vector<16xf32>
        %get3A_531 = arith.constant 6 : i32
        %get3A_532 = arith.index_cast %scan3A_168 : i32 to index
        %get3A_533 = arith.index_cast %get3A_531 : i32 to index
        %get3A_534 = arith.constant 32 : index
        %get3A_535 = tpu.vector_load %arg5[%get3A_532, %get3A_533, %get3A_534] {strides = array<i32>} : memref<16x16x128xf32, #tpu.memory_space<vmem>>, vector<1x1x16xf32>,
        %get3A_536 = vector.shape_cast %get3A_535 : vector<1x1x16xf32> to vector<16xf32>
        %mul3A_537 = arith.mulf %get3A_536, %get3A_536 : vector<16xf32>
        %get3A_538 = arith.constant 7 : i32
        %get3A_539 = arith.index_cast %scan3A_168 : i32 to index
        %get3A_540 = arith.index_cast %get3A_538 : i32 to index
        %get3A_541 = arith.constant 32 : index
        %get3A_542 = tpu.vector_load %arg5[%get3A_539, %get3A_540, %get3A_541] {strides = array<i32>} : memref<16x16x128xf32, #tpu.memory_space<vmem>>, vector<1x1x16xf32>,
        %get3A_543 = vector.shape_cast %get3A_542 : vector<1x1x16xf32> to vector<16xf32>
        %mul3A_544 = arith.mulf %get3A_543, %get3A_543 : vector<16xf32>
        %get3A_545 = arith.constant 8 : i32
        %get3A_546 = arith.index_cast %scan3A_168 : i32 to index
        %get3A_547 = arith.index_cast %get3A_545 : i32 to index
        %get3A_548 = arith.constant 32 : index
        %get3A_549 = tpu.vector_load %arg5[%get3A_546, %get3A_547, %get3A_548] {strides = array<i32>} : memref<16x16x128xf32, #tpu.memory_space<vmem>>, vector<1x1x16xf32>,
        %get3A_550 = vector.shape_cast %get3A_549 : vector<1x1x16xf32> to vector<16xf32>
        %mul3A_551 = arith.mulf %get3A_550, %get3A_550 : vector<16xf32>
        %get3A_552 = arith.constant 9 : i32
        %get3A_553 = arith.index_cast %scan3A_168 : i32 to index
        %get3A_554 = arith.index_cast %get3A_552 : i32 to index
        %get3A_555 = arith.constant 32 : index
        %get3A_556 = tpu.vector_load %arg5[%get3A_553, %get3A_554, %get3A_555] {strides = array<i32>} : memref<16x16x128xf32, #tpu.memory_space<vmem>>, vector<1x1x16xf32>,
        %get3A_557 = vector.shape_cast %get3A_556 : vector<1x1x16xf32> to vector<16xf32>
        %mul3A_558 = arith.mulf %get3A_557, %get3A_557 : vector<16xf32>
        %get3A_559 = arith.constant 10 : i32
        %get3A_560 = arith.index_cast %scan3A_168 : i32 to index
        %get3A_561 = arith.index_cast %get3A_559 : i32 to index
        %get3A_562 = arith.constant 32 : index
        %get3A_563 = tpu.vector_load %arg5[%get3A_560, %get3A_561, %get3A_562] {strides = array<i32>} : memref<16x16x128xf32, #tpu.memory_space<vmem>>, vector<1x1x16xf32>,
        %get3A_564 = vector.shape_cast %get3A_563 : vector<1x1x16xf32> to vector<16xf32>
        %mul3A_565 = arith.mulf %get3A_564, %get3A_564 : vector<16xf32>
        %get3A_566 = arith.constant 11 : i32
        %get3A_567 = arith.index_cast %scan3A_168 : i32 to index
        %get3A_568 = arith.index_cast %get3A_566 : i32 to index
        %get3A_569 = arith.constant 32 : index
        %get3A_570 = tpu.vector_load %arg5[%get3A_567, %get3A_568, %get3A_569] {strides = array<i32>} : memref<16x16x128xf32, #tpu.memory_space<vmem>>, vector<1x1x16xf32>,
        %get3A_571 = vector.shape_cast %get3A_570 : vector<1x1x16xf32> to vector<16xf32>
        %mul3A_572 = arith.mulf %get3A_571, %get3A_571 : vector<16xf32>
        %get3A_573 = arith.constant 12 : i32
        %get3A_574 = arith.index_cast %scan3A_168 : i32 to index
        %get3A_575 = arith.index_cast %get3A_573 : i32 to index
        %get3A_576 = arith.constant 32 : index
        %get3A_577 = tpu.vector_load %arg5[%get3A_574, %get3A_575, %get3A_576] {strides = array<i32>} : memref<16x16x128xf32, #tpu.memory_space<vmem>>, vector<1x1x16xf32>,
        %get3A_578 = vector.shape_cast %get3A_577 : vector<1x1x16xf32> to vector<16xf32>
        %mul3A_579 = arith.mulf %get3A_578, %get3A_578 : vector<16xf32>
        %get3A_580 = arith.constant 13 : i32
        %get3A_581 = arith.index_cast %scan3A_168 : i32 to index
        %get3A_582 = arith.index_cast %get3A_580 : i32 to index
        %get3A_583 = arith.constant 32 : index
        %get3A_584 = tpu.vector_load %arg5[%get3A_581, %get3A_582, %get3A_583] {strides = array<i32>} : memref<16x16x128xf32, #tpu.memory_space<vmem>>, vector<1x1x16xf32>,
        %get3A_585 = vector.shape_cast %get3A_584 : vector<1x1x16xf32> to vector<16xf32>
        %mul3A_586 = arith.mulf %get3A_585, %get3A_585 : vector<16xf32>
        %get3A_587 = arith.constant 14 : i32
        %get3A_588 = arith.index_cast %scan3A_168 : i32 to index
        %get3A_589 = arith.index_cast %get3A_587 : i32 to index
        %get3A_590 = arith.constant 32 : index
        %get3A_591 = tpu.vector_load %arg5[%get3A_588, %get3A_589, %get3A_590] {strides = array<i32>} : memref<16x16x128xf32, #tpu.memory_space<vmem>>, vector<1x1x16xf32>,
        %get3A_592 = vector.shape_cast %get3A_591 : vector<1x1x16xf32> to vector<16xf32>
        %mul3A_593 = arith.mulf %get3A_592, %get3A_592 : vector<16xf32>
        %get3A_594 = arith.constant 15 : i32
        %get3A_595 = arith.index_cast %scan3A_168 : i32 to index
        %get3A_596 = arith.index_cast %get3A_594 : i32 to index
        %get3A_597 = arith.constant 32 : index
        %get3A_598 = tpu.vector_load %arg5[%get3A_595, %get3A_596, %get3A_597] {strides = array<i32>} : memref<16x16x128xf32, #tpu.memory_space<vmem>>, vector<1x1x16xf32>,
        %get3A_599 = vector.shape_cast %get3A_598 : vector<1x1x16xf32> to vector<16xf32>
        %mul3A_600 = arith.mulf %get3A_599, %get3A_599 : vector<16xf32>
        %add3A_601 = arith.addf %mul3A_502, %mul3A_509 : vector<16xf32>
        %add3A_602 = arith.addf %add3A_601, %mul3A_516 : vector<16xf32>
        %add3A_603 = arith.addf %mul3A_523, %mul3A_530 : vector<16xf32>
        %add3A_604 = arith.addf %mul3A_537, %mul3A_544 : vector<16xf32>
        %add3A_605 = arith.addf %add3A_603, %add3A_604 : vector<16xf32>
        %add3A_606 = arith.addf %add3A_605, %mul3A_551 : vector<16xf32>
        %add3A_607 = arith.addf %mul3A_558, %mul3A_565 : vector<16xf32>
        %add3A_608 = arith.addf %mul3A_572, %mul3A_579 : vector<16xf32>
        %add3A_609 = arith.addf %add3A_607, %add3A_608 : vector<16xf32>
        %add3A_610 = arith.addf %mul3A_586, %mul3A_593 : vector<16xf32>
        %add3A_611 = arith.addf %add3A_610, %mul3A_600 : vector<16xf32>
        %add3A_612 = arith.addf %add3A_609, %add3A_611 : vector<16xf32>
        %swap3A_613 = arith.constant 0 : i32
        %swap3A_614 = arith.index_cast %scan3A_168 : i32 to index
        %swap3A_615 = arith.index_cast %swap3A_613 : i32 to index
        %swap3A_616 = arith.constant 32 : index
        %swap3A_617 = tpu.vector_load %arg7[%swap3A_614, %swap3A_615, %swap3A_616] {strides = array<i32>} : memref<16x4x128xf32, #tpu.memory_space<vmem>>, vector<1x1x16xf32>,
        %swap3A_618 = vector.shape_cast %swap3A_617 : vector<1x1x16xf32> to vector<16xf32>
        %swap3A_619 = vector.shape_cast %mul3A_495 : vector<16xf32> to vector<1x1x16xf32>
        tpu.vector_store %arg7[%swap3A_614, %swap3A_615, %swap3A_616], %swap3A_619 {strides = array<i32>} : memref<16x4x128xf32, #tpu.memory_space<vmem>>, vector<1x1x16xf32>,
        %mul3A_620 = arith.constant 0.333333343 : f32
        %mul3A_621 = vector.broadcast %mul3A_620 : f32 to vector<16xf32>
        %mul3A_622 = arith.mulf %add3A_602, %mul3A_621 : vector<16xf32>
        %swap3A_623 = arith.constant 1 : i32
        %swap3A_624 = arith.index_cast %scan3A_168 : i32 to index
        %swap3A_625 = arith.index_cast %swap3A_623 : i32 to index
        %swap3A_626 = arith.constant 32 : index
        %swap3A_627 = tpu.vector_load %arg7[%swap3A_624, %swap3A_625, %swap3A_626] {strides = array<i32>} : memref<16x4x128xf32, #tpu.memory_space<vmem>>, vector<1x1x16xf32>,
        %swap3A_628 = vector.shape_cast %swap3A_627 : vector<1x1x16xf32> to vector<16xf32>
        %swap3A_629 = vector.shape_cast %mul3A_622 : vector<16xf32> to vector<1x1x16xf32>
        tpu.vector_store %arg7[%swap3A_624, %swap3A_625, %swap3A_626], %swap3A_629 {strides = array<i32>} : memref<16x4x128xf32, #tpu.memory_space<vmem>>, vector<1x1x16xf32>,
        %mul3A_630 = arith.constant 2.000000e-01 : f32
        %mul3A_631 = vector.broadcast %mul3A_630 : f32 to vector<16xf32>
        %mul3A_632 = arith.mulf %add3A_606, %mul3A_631 : vector<16xf32>
        %swap3A_633 = arith.constant 2 : i32
        %swap3A_634 = arith.index_cast %scan3A_168 : i32 to index
        %swap3A_635 = arith.index_cast %swap3A_633 : i32 to index
        %swap3A_636 = arith.constant 32 : index
        %swap3A_637 = tpu.vector_load %arg7[%swap3A_634, %swap3A_635, %swap3A_636] {strides = array<i32>} : memref<16x4x128xf32, #tpu.memory_space<vmem>>, vector<1x1x16xf32>,
        %swap3A_638 = vector.shape_cast %swap3A_637 : vector<1x1x16xf32> to vector<16xf32>
        %swap3A_639 = vector.shape_cast %mul3A_632 : vector<16xf32> to vector<1x1x16xf32>
        tpu.vector_store %arg7[%swap3A_634, %swap3A_635, %swap3A_636], %swap3A_639 {strides = array<i32>} : memref<16x4x128xf32, #tpu.memory_space<vmem>>, vector<1x1x16xf32>,
        %mul3A_640 = arith.constant 0.142857149 : f32
        %mul3A_641 = vector.broadcast %mul3A_640 : f32 to vector<16xf32>
        %mul3A_642 = arith.mulf %add3A_612, %mul3A_641 : vector<16xf32>
        %swap3A_643 = arith.constant 3 : i32
        %swap3A_644 = arith.index_cast %scan3A_168 : i32 to index
        %swap3A_645 = arith.index_cast %swap3A_643 : i32 to index
        %swap3A_646 = arith.constant 32 : index
        %swap3A_647 = tpu.vector_load %arg7[%swap3A_644, %swap3A_645, %swap3A_646] {strides = array<i32>} : memref<16x4x128xf32, #tpu.memory_space<vmem>>, vector<1x1x16xf32>,
        %swap3A_648 = vector.shape_cast %swap3A_647 : vector<1x1x16xf32> to vector<16xf32>
        %swap3A_649 = vector.shape_cast %mul3A_642 : vector<16xf32> to vector<1x1x16xf32>
        tpu.vector_store %arg7[%swap3A_644, %swap3A_645, %swap3A_646], %swap3A_649 {strides = array<i32>} : memref<16x4x128xf32, #tpu.memory_space<vmem>>, vector<1x1x16xf32>,
        %get3A_650 = arith.constant 0 : i32
        %get3A_651 = arith.index_cast %scan3A_168 : i32 to index
        %get3A_652 = arith.index_cast %get3A_650 : i32 to index
        %get3A_653 = arith.constant 48 : index
        %get3A_654 = tpu.vector_load %arg5[%get3A_651, %get3A_652, %get3A_653] {strides = array<i32>} : memref<16x16x128xf32, #tpu.memory_space<vmem>>, vector<1x1x16xf32>,
        %get3A_655 = vector.shape_cast %get3A_654 : vector<1x1x16xf32> to vector<16xf32>
        %mul3A_656 = arith.mulf %get3A_655, %get3A_655 : vector<16xf32>
        %get3A_657 = arith.constant 1 : i32
        %get3A_658 = arith.index_cast %scan3A_168 : i32 to index
        %get3A_659 = arith.index_cast %get3A_657 : i32 to index
        %get3A_660 = arith.constant 48 : index
        %get3A_661 = tpu.vector_load %arg5[%get3A_658, %get3A_659, %get3A_660] {strides = array<i32>} : memref<16x16x128xf32, #tpu.memory_space<vmem>>, vector<1x1x16xf32>,
        %get3A_662 = vector.shape_cast %get3A_661 : vector<1x1x16xf32> to vector<16xf32>
        %mul3A_663 = arith.mulf %get3A_662, %get3A_662 : vector<16xf32>
        %get3A_664 = arith.constant 2 : i32
        %get3A_665 = arith.index_cast %scan3A_168 : i32 to index
        %get3A_666 = arith.index_cast %get3A_664 : i32 to index
        %get3A_667 = arith.constant 48 : index
        %get3A_668 = tpu.vector_load %arg5[%get3A_665, %get3A_666, %get3A_667] {strides = array<i32>} : memref<16x16x128xf32, #tpu.memory_space<vmem>>, vector<1x1x16xf32>,
        %get3A_669 = vector.shape_cast %get3A_668 : vector<1x1x16xf32> to vector<16xf32>
        %mul3A_670 = arith.mulf %get3A_669, %get3A_669 : vector<16xf32>
        %get3A_671 = arith.constant 3 : i32
        %get3A_672 = arith.index_cast %scan3A_168 : i32 to index
        %get3A_673 = arith.index_cast %get3A_671 : i32 to index
        %get3A_674 = arith.constant 48 : index
        %get3A_675 = tpu.vector_load %arg5[%get3A_672, %get3A_673, %get3A_674] {strides = array<i32>} : memref<16x16x128xf32, #tpu.memory_space<vmem>>, vector<1x1x16xf32>,
        %get3A_676 = vector.shape_cast %get3A_675 : vector<1x1x16xf32> to vector<16xf32>
        %mul3A_677 = arith.mulf %get3A_676, %get3A_676 : vector<16xf32>
        %get3A_678 = arith.constant 4 : i32
        %get3A_679 = arith.index_cast %scan3A_168 : i32 to index
        %get3A_680 = arith.index_cast %get3A_678 : i32 to index
        %get3A_681 = arith.constant 48 : index
        %get3A_682 = tpu.vector_load %arg5[%get3A_679, %get3A_680, %get3A_681] {strides = array<i32>} : memref<16x16x128xf32, #tpu.memory_space<vmem>>, vector<1x1x16xf32>,
        %get3A_683 = vector.shape_cast %get3A_682 : vector<1x1x16xf32> to vector<16xf32>
        %mul3A_684 = arith.mulf %get3A_683, %get3A_683 : vector<16xf32>
        %get3A_685 = arith.constant 5 : i32
        %get3A_686 = arith.index_cast %scan3A_168 : i32 to index
        %get3A_687 = arith.index_cast %get3A_685 : i32 to index
        %get3A_688 = arith.constant 48 : index
        %get3A_689 = tpu.vector_load %arg5[%get3A_686, %get3A_687, %get3A_688] {strides = array<i32>} : memref<16x16x128xf32, #tpu.memory_space<vmem>>, vector<1x1x16xf32>,
        %get3A_690 = vector.shape_cast %get3A_689 : vector<1x1x16xf32> to vector<16xf32>
        %mul3A_691 = arith.mulf %get3A_690, %get3A_690 : vector<16xf32>
        %get3A_692 = arith.constant 6 : i32
        %get3A_693 = arith.index_cast %scan3A_168 : i32 to index
        %get3A_694 = arith.index_cast %get3A_692 : i32 to index
        %get3A_695 = arith.constant 48 : index
        %get3A_696 = tpu.vector_load %arg5[%get3A_693, %get3A_694, %get3A_695] {strides = array<i32>} : memref<16x16x128xf32, #tpu.memory_space<vmem>>, vector<1x1x16xf32>,
        %get3A_697 = vector.shape_cast %get3A_696 : vector<1x1x16xf32> to vector<16xf32>
        %mul3A_698 = arith.mulf %get3A_697, %get3A_697 : vector<16xf32>
        %get3A_699 = arith.constant 7 : i32
        %get3A_700 = arith.index_cast %scan3A_168 : i32 to index
        %get3A_701 = arith.index_cast %get3A_699 : i32 to index
        %get3A_702 = arith.constant 48 : index
        %get3A_703 = tpu.vector_load %arg5[%get3A_700, %get3A_701, %get3A_702] {strides = array<i32>} : memref<16x16x128xf32, #tpu.memory_space<vmem>>, vector<1x1x16xf32>,
        %get3A_704 = vector.shape_cast %get3A_703 : vector<1x1x16xf32> to vector<16xf32>
        %mul3A_705 = arith.mulf %get3A_704, %get3A_704 : vector<16xf32>
        %get3A_706 = arith.constant 8 : i32
        %get3A_707 = arith.index_cast %scan3A_168 : i32 to index
        %get3A_708 = arith.index_cast %get3A_706 : i32 to index
        %get3A_709 = arith.constant 48 : index
        %get3A_710 = tpu.vector_load %arg5[%get3A_707, %get3A_708, %get3A_709] {strides = array<i32>} : memref<16x16x128xf32, #tpu.memory_space<vmem>>, vector<1x1x16xf32>,
        %get3A_711 = vector.shape_cast %get3A_710 : vector<1x1x16xf32> to vector<16xf32>
        %mul3A_712 = arith.mulf %get3A_711, %get3A_711 : vector<16xf32>
        %get3A_713 = arith.constant 9 : i32
        %get3A_714 = arith.index_cast %scan3A_168 : i32 to index
        %get3A_715 = arith.index_cast %get3A_713 : i32 to index
        %get3A_716 = arith.constant 48 : index
        %get3A_717 = tpu.vector_load %arg5[%get3A_714, %get3A_715, %get3A_716] {strides = array<i32>} : memref<16x16x128xf32, #tpu.memory_space<vmem>>, vector<1x1x16xf32>,
        %get3A_718 = vector.shape_cast %get3A_717 : vector<1x1x16xf32> to vector<16xf32>
        %mul3A_719 = arith.mulf %get3A_718, %get3A_718 : vector<16xf32>
        %get3A_720 = arith.constant 10 : i32
        %get3A_721 = arith.index_cast %scan3A_168 : i32 to index
        %get3A_722 = arith.index_cast %get3A_720 : i32 to index
        %get3A_723 = arith.constant 48 : index
        %get3A_724 = tpu.vector_load %arg5[%get3A_721, %get3A_722, %get3A_723] {strides = array<i32>} : memref<16x16x128xf32, #tpu.memory_space<vmem>>, vector<1x1x16xf32>,
        %get3A_725 = vector.shape_cast %get3A_724 : vector<1x1x16xf32> to vector<16xf32>
        %mul3A_726 = arith.mulf %get3A_725, %get3A_725 : vector<16xf32>
        %get3A_727 = arith.constant 11 : i32
        %get3A_728 = arith.index_cast %scan3A_168 : i32 to index
        %get3A_729 = arith.index_cast %get3A_727 : i32 to index
        %get3A_730 = arith.constant 48 : index
        %get3A_731 = tpu.vector_load %arg5[%get3A_728, %get3A_729, %get3A_730] {strides = array<i32>} : memref<16x16x128xf32, #tpu.memory_space<vmem>>, vector<1x1x16xf32>,
        %get3A_732 = vector.shape_cast %get3A_731 : vector<1x1x16xf32> to vector<16xf32>
        %mul3A_733 = arith.mulf %get3A_732, %get3A_732 : vector<16xf32>
        %get3A_734 = arith.constant 12 : i32
        %get3A_735 = arith.index_cast %scan3A_168 : i32 to index
        %get3A_736 = arith.index_cast %get3A_734 : i32 to index
        %get3A_737 = arith.constant 48 : index
        %get3A_738 = tpu.vector_load %arg5[%get3A_735, %get3A_736, %get3A_737] {strides = array<i32>} : memref<16x16x128xf32, #tpu.memory_space<vmem>>, vector<1x1x16xf32>,
        %get3A_739 = vector.shape_cast %get3A_738 : vector<1x1x16xf32> to vector<16xf32>
        %mul3A_740 = arith.mulf %get3A_739, %get3A_739 : vector<16xf32>
        %get3A_741 = arith.constant 13 : i32
        %get3A_742 = arith.index_cast %scan3A_168 : i32 to index
        %get3A_743 = arith.index_cast %get3A_741 : i32 to index
        %get3A_744 = arith.constant 48 : index
        %get3A_745 = tpu.vector_load %arg5[%get3A_742, %get3A_743, %get3A_744] {strides = array<i32>} : memref<16x16x128xf32, #tpu.memory_space<vmem>>, vector<1x1x16xf32>,
        %get3A_746 = vector.shape_cast %get3A_745 : vector<1x1x16xf32> to vector<16xf32>
        %mul3A_747 = arith.mulf %get3A_746, %get3A_746 : vector<16xf32>
        %get3A_748 = arith.constant 14 : i32
        %get3A_749 = arith.index_cast %scan3A_168 : i32 to index
        %get3A_750 = arith.index_cast %get3A_748 : i32 to index
        %get3A_751 = arith.constant 48 : index
        %get3A_752 = tpu.vector_load %arg5[%get3A_749, %get3A_750, %get3A_751] {strides = array<i32>} : memref<16x16x128xf32, #tpu.memory_space<vmem>>, vector<1x1x16xf32>,
        %get3A_753 = vector.shape_cast %get3A_752 : vector<1x1x16xf32> to vector<16xf32>
        %mul3A_754 = arith.mulf %get3A_753, %get3A_753 : vector<16xf32>
        %get3A_755 = arith.constant 15 : i32
        %get3A_756 = arith.index_cast %scan3A_168 : i32 to index
        %get3A_757 = arith.index_cast %get3A_755 : i32 to index
        %get3A_758 = arith.constant 48 : index
        %get3A_759 = tpu.vector_load %arg5[%get3A_756, %get3A_757, %get3A_758] {strides = array<i32>} : memref<16x16x128xf32, #tpu.memory_space<vmem>>, vector<1x1x16xf32>,
        %get3A_760 = vector.shape_cast %get3A_759 : vector<1x1x16xf32> to vector<16xf32>
        %mul3A_761 = arith.mulf %get3A_760, %get3A_760 : vector<16xf32>
        %add3A_762 = arith.addf %mul3A_663, %mul3A_670 : vector<16xf32>
        %add3A_763 = arith.addf %add3A_762, %mul3A_677 : vector<16xf32>
        %add3A_764 = arith.addf %mul3A_684, %mul3A_691 : vector<16xf32>
        %add3A_765 = arith.addf %mul3A_698, %mul3A_705 : vector<16xf32>
        %add3A_766 = arith.addf %add3A_764, %add3A_765 : vector<16xf32>
        %add3A_767 = arith.addf %add3A_766, %mul3A_712 : vector<16xf32>
        %add3A_768 = arith.addf %mul3A_719, %mul3A_726 : vector<16xf32>
        %add3A_769 = arith.addf %mul3A_733, %mul3A_740 : vector<16xf32>
        %add3A_770 = arith.addf %add3A_768, %add3A_769 : vector<16xf32>
        %add3A_771 = arith.addf %mul3A_747, %mul3A_754 : vector<16xf32>
        %add3A_772 = arith.addf %add3A_771, %mul3A_761 : vector<16xf32>
        %add3A_773 = arith.addf %add3A_770, %add3A_772 : vector<16xf32>
        %swap3A_774 = arith.constant 0 : i32
        %swap3A_775 = arith.index_cast %scan3A_168 : i32 to index
        %swap3A_776 = arith.index_cast %swap3A_774 : i32 to index
        %swap3A_777 = arith.constant 48 : index
        %swap3A_778 = tpu.vector_load %arg7[%swap3A_775, %swap3A_776, %swap3A_777] {strides = array<i32>} : memref<16x4x128xf32, #tpu.memory_space<vmem>>, vector<1x1x16xf32>,
        %swap3A_779 = vector.shape_cast %swap3A_778 : vector<1x1x16xf32> to vector<16xf32>
        %swap3A_780 = vector.shape_cast %mul3A_656 : vector<16xf32> to vector<1x1x16xf32>
        tpu.vector_store %arg7[%swap3A_775, %swap3A_776, %swap3A_777], %swap3A_780 {strides = array<i32>} : memref<16x4x128xf32, #tpu.memory_space<vmem>>, vector<1x1x16xf32>,
        %mul3A_781 = arith.constant 0.333333343 : f32
        %mul3A_782 = vector.broadcast %mul3A_781 : f32 to vector<16xf32>
        %mul3A_783 = arith.mulf %add3A_763, %mul3A_782 : vector<16xf32>
        %swap3A_784 = arith.constant 1 : i32
        %swap3A_785 = arith.index_cast %scan3A_168 : i32 to index
        %swap3A_786 = arith.index_cast %swap3A_784 : i32 to index
        %swap3A_787 = arith.constant 48 : index
        %swap3A_788 = tpu.vector_load %arg7[%swap3A_785, %swap3A_786, %swap3A_787] {strides = array<i32>} : memref<16x4x128xf32, #tpu.memory_space<vmem>>, vector<1x1x16xf32>,
        %swap3A_789 = vector.shape_cast %swap3A_788 : vector<1x1x16xf32> to vector<16xf32>
        %swap3A_790 = vector.shape_cast %mul3A_783 : vector<16xf32> to vector<1x1x16xf32>
        tpu.vector_store %arg7[%swap3A_785, %swap3A_786, %swap3A_787], %swap3A_790 {strides = array<i32>} : memref<16x4x128xf32, #tpu.memory_space<vmem>>, vector<1x1x16xf32>,
        %mul3A_791 = arith.constant 2.000000e-01 : f32
        %mul3A_792 = vector.broadcast %mul3A_791 : f32 to vector<16xf32>
        %mul3A_793 = arith.mulf %add3A_767, %mul3A_792 : vector<16xf32>
        %swap3A_794 = arith.constant 2 : i32
        %swap3A_795 = arith.index_cast %scan3A_168 : i32 to index
        %swap3A_796 = arith.index_cast %swap3A_794 : i32 to index
        %swap3A_797 = arith.constant 48 : index
        %swap3A_798 = tpu.vector_load %arg7[%swap3A_795, %swap3A_796, %swap3A_797] {strides = array<i32>} : memref<16x4x128xf32, #tpu.memory_space<vmem>>, vector<1x1x16xf32>,
        %swap3A_799 = vector.shape_cast %swap3A_798 : vector<1x1x16xf32> to vector<16xf32>
        %swap3A_800 = vector.shape_cast %mul3A_793 : vector<16xf32> to vector<1x1x16xf32>
        tpu.vector_store %arg7[%swap3A_795, %swap3A_796, %swap3A_797], %swap3A_800 {strides = array<i32>} : memref<16x4x128xf32, #tpu.memory_space<vmem>>, vector<1x1x16xf32>,
        %mul3A_801 = arith.constant 0.142857149 : f32
        %mul3A_802 = vector.broadcast %mul3A_801 : f32 to vector<16xf32>
        %mul3A_803 = arith.mulf %add3A_773, %mul3A_802 : vector<16xf32>
        %swap3A_804 = arith.constant 3 : i32
        %swap3A_805 = arith.index_cast %scan3A_168 : i32 to index
        %swap3A_806 = arith.index_cast %swap3A_804 : i32 to index
        %swap3A_807 = arith.constant 48 : index
        %swap3A_808 = tpu.vector_load %arg7[%swap3A_805, %swap3A_806, %swap3A_807] {strides = array<i32>} : memref<16x4x128xf32, #tpu.memory_space<vmem>>, vector<1x1x16xf32>,
        %swap3A_809 = vector.shape_cast %swap3A_808 : vector<1x1x16xf32> to vector<16xf32>
        %swap3A_810 = vector.shape_cast %mul3A_803 : vector<16xf32> to vector<1x1x16xf32>
        tpu.vector_store %arg7[%swap3A_805, %swap3A_806, %swap3A_807], %swap3A_810 {strides = array<i32>} : memref<16x4x128xf32, #tpu.memory_space<vmem>>, vector<1x1x16xf32>,
        %get3A_811 = arith.constant 0 : i32
        %get3A_812 = arith.index_cast %scan3A_168 : i32 to index
        %get3A_813 = arith.index_cast %get3A_811 : i32 to index
        %get3A_814 = arith.constant 64 : index
        %get3A_815 = tpu.vector_load %arg5[%get3A_812, %get3A_813, %get3A_814] {strides = array<i32>} : memref<16x16x128xf32, #tpu.memory_space<vmem>>, vector<1x1x16xf32>,
        %get3A_816 = vector.shape_cast %get3A_815 : vector<1x1x16xf32> to vector<16xf32>
        %mul3A_817 = arith.mulf %get3A_816, %get3A_816 : vector<16xf32>
        %get3A_818 = arith.constant 1 : i32
        %get3A_819 = arith.index_cast %scan3A_168 : i32 to index
        %get3A_820 = arith.index_cast %get3A_818 : i32 to index
        %get3A_821 = arith.constant 64 : index
        %get3A_822 = tpu.vector_load %arg5[%get3A_819, %get3A_820, %get3A_821] {strides = array<i32>} : memref<16x16x128xf32, #tpu.memory_space<vmem>>, vector<1x1x16xf32>,
        %get3A_823 = vector.shape_cast %get3A_822 : vector<1x1x16xf32> to vector<16xf32>
        %mul3A_824 = arith.mulf %get3A_823, %get3A_823 : vector<16xf32>
        %get3A_825 = arith.constant 2 : i32
        %get3A_826 = arith.index_cast %scan3A_168 : i32 to index
        %get3A_827 = arith.index_cast %get3A_825 : i32 to index
        %get3A_828 = arith.constant 64 : index
        %get3A_829 = tpu.vector_load %arg5[%get3A_826, %get3A_827, %get3A_828] {strides = array<i32>} : memref<16x16x128xf32, #tpu.memory_space<vmem>>, vector<1x1x16xf32>,
        %get3A_830 = vector.shape_cast %get3A_829 : vector<1x1x16xf32> to vector<16xf32>
        %mul3A_831 = arith.mulf %get3A_830, %get3A_830 : vector<16xf32>
        %get3A_832 = arith.constant 3 : i32
        %get3A_833 = arith.index_cast %scan3A_168 : i32 to index
        %get3A_834 = arith.index_cast %get3A_832 : i32 to index
        %get3A_835 = arith.constant 64 : index
        %get3A_836 = tpu.vector_load %arg5[%get3A_833, %get3A_834, %get3A_835] {strides = array<i32>} : memref<16x16x128xf32, #tpu.memory_space<vmem>>, vector<1x1x16xf32>,
        %get3A_837 = vector.shape_cast %get3A_836 : vector<1x1x16xf32> to vector<16xf32>
        %mul3A_838 = arith.mulf %get3A_837, %get3A_837 : vector<16xf32>
        %get3A_839 = arith.constant 4 : i32
        %get3A_840 = arith.index_cast %scan3A_168 : i32 to index
        %get3A_841 = arith.index_cast %get3A_839 : i32 to index
        %get3A_842 = arith.constant 64 : index
        %get3A_843 = tpu.vector_load %arg5[%get3A_840, %get3A_841, %get3A_842] {strides = array<i32>} : memref<16x16x128xf32, #tpu.memory_space<vmem>>, vector<1x1x16xf32>,
        %get3A_844 = vector.shape_cast %get3A_843 : vector<1x1x16xf32> to vector<16xf32>
        %mul3A_845 = arith.mulf %get3A_844, %get3A_844 : vector<16xf32>
        %get3A_846 = arith.constant 5 : i32
        %get3A_847 = arith.index_cast %scan3A_168 : i32 to index
        %get3A_848 = arith.index_cast %get3A_846 : i32 to index
        %get3A_849 = arith.constant 64 : index
        %get3A_850 = tpu.vector_load %arg5[%get3A_847, %get3A_848, %get3A_849] {strides = array<i32>} : memref<16x16x128xf32, #tpu.memory_space<vmem>>, vector<1x1x16xf32>,
        %get3A_851 = vector.shape_cast %get3A_850 : vector<1x1x16xf32> to vector<16xf32>
        %mul3A_852 = arith.mulf %get3A_851, %get3A_851 : vector<16xf32>
        %get3A_853 = arith.constant 6 : i32
        %get3A_854 = arith.index_cast %scan3A_168 : i32 to index
        %get3A_855 = arith.index_cast %get3A_853 : i32 to index
        %get3A_856 = arith.constant 64 : index
        %get3A_857 = tpu.vector_load %arg5[%get3A_854, %get3A_855, %get3A_856] {strides = array<i32>} : memref<16x16x128xf32, #tpu.memory_space<vmem>>, vector<1x1x16xf32>,
        %get3A_858 = vector.shape_cast %get3A_857 : vector<1x1x16xf32> to vector<16xf32>
        %mul3A_859 = arith.mulf %get3A_858, %get3A_858 : vector<16xf32>
        %get3A_860 = arith.constant 7 : i32
        %get3A_861 = arith.index_cast %scan3A_168 : i32 to index
        %get3A_862 = arith.index_cast %get3A_860 : i32 to index
        %get3A_863 = arith.constant 64 : index
        %get3A_864 = tpu.vector_load %arg5[%get3A_861, %get3A_862, %get3A_863] {strides = array<i32>} : memref<16x16x128xf32, #tpu.memory_space<vmem>>, vector<1x1x16xf32>,
        %get3A_865 = vector.shape_cast %get3A_864 : vector<1x1x16xf32> to vector<16xf32>
        %mul3A_866 = arith.mulf %get3A_865, %get3A_865 : vector<16xf32>
        %get3A_867 = arith.constant 8 : i32
        %get3A_868 = arith.index_cast %scan3A_168 : i32 to index
        %get3A_869 = arith.index_cast %get3A_867 : i32 to index
        %get3A_870 = arith.constant 64 : index
        %get3A_871 = tpu.vector_load %arg5[%get3A_868, %get3A_869, %get3A_870] {strides = array<i32>} : memref<16x16x128xf32, #tpu.memory_space<vmem>>, vector<1x1x16xf32>,
        %get3A_872 = vector.shape_cast %get3A_871 : vector<1x1x16xf32> to vector<16xf32>
        %mul3A_873 = arith.mulf %get3A_872, %get3A_872 : vector<16xf32>
        %get3A_874 = arith.constant 9 : i32
        %get3A_875 = arith.index_cast %scan3A_168 : i32 to index
        %get3A_876 = arith.index_cast %get3A_874 : i32 to index
        %get3A_877 = arith.constant 64 : index
        %get3A_878 = tpu.vector_load %arg5[%get3A_875, %get3A_876, %get3A_877] {strides = array<i32>} : memref<16x16x128xf32, #tpu.memory_space<vmem>>, vector<1x1x16xf32>,
        %get3A_879 = vector.shape_cast %get3A_878 : vector<1x1x16xf32> to vector<16xf32>
        %mul3A_880 = arith.mulf %get3A_879, %get3A_879 : vector<16xf32>
        %get3A_881 = arith.constant 10 : i32
        %get3A_882 = arith.index_cast %scan3A_168 : i32 to index
        %get3A_883 = arith.index_cast %get3A_881 : i32 to index
        %get3A_884 = arith.constant 64 : index
        %get3A_885 = tpu.vector_load %arg5[%get3A_882, %get3A_883, %get3A_884] {strides = array<i32>} : memref<16x16x128xf32, #tpu.memory_space<vmem>>, vector<1x1x16xf32>,
        %get3A_886 = vector.shape_cast %get3A_885 : vector<1x1x16xf32> to vector<16xf32>
        %mul3A_887 = arith.mulf %get3A_886, %get3A_886 : vector<16xf32>
        %get3A_888 = arith.constant 11 : i32
        %get3A_889 = arith.index_cast %scan3A_168 : i32 to index
        %get3A_890 = arith.index_cast %get3A_888 : i32 to index
        %get3A_891 = arith.constant 64 : index
        %get3A_892 = tpu.vector_load %arg5[%get3A_889, %get3A_890, %get3A_891] {strides = array<i32>} : memref<16x16x128xf32, #tpu.memory_space<vmem>>, vector<1x1x16xf32>,
        %get3A_893 = vector.shape_cast %get3A_892 : vector<1x1x16xf32> to vector<16xf32>
        %mul3A_894 = arith.mulf %get3A_893, %get3A_893 : vector<16xf32>
        %get3A_895 = arith.constant 12 : i32
        %get3A_896 = arith.index_cast %scan3A_168 : i32 to index
        %get3A_897 = arith.index_cast %get3A_895 : i32 to index
        %get3A_898 = arith.constant 64 : index
        %get3A_899 = tpu.vector_load %arg5[%get3A_896, %get3A_897, %get3A_898] {strides = array<i32>} : memref<16x16x128xf32, #tpu.memory_space<vmem>>, vector<1x1x16xf32>,
        %get3A_900 = vector.shape_cast %get3A_899 : vector<1x1x16xf32> to vector<16xf32>
        %mul3A_901 = arith.mulf %get3A_900, %get3A_900 : vector<16xf32>
        %get3A_902 = arith.constant 13 : i32
        %get3A_903 = arith.index_cast %scan3A_168 : i32 to index
        %get3A_904 = arith.index_cast %get3A_902 : i32 to index
        %get3A_905 = arith.constant 64 : index
        %get3A_906 = tpu.vector_load %arg5[%get3A_903, %get3A_904, %get3A_905] {strides = array<i32>} : memref<16x16x128xf32, #tpu.memory_space<vmem>>, vector<1x1x16xf32>,
        %get3A_907 = vector.shape_cast %get3A_906 : vector<1x1x16xf32> to vector<16xf32>
        %mul3A_908 = arith.mulf %get3A_907, %get3A_907 : vector<16xf32>
        %get3A_909 = arith.constant 14 : i32
        %get3A_910 = arith.index_cast %scan3A_168 : i32 to index
        %get3A_911 = arith.index_cast %get3A_909 : i32 to index
        %get3A_912 = arith.constant 64 : index
        %get3A_913 = tpu.vector_load %arg5[%get3A_910, %get3A_911, %get3A_912] {strides = array<i32>} : memref<16x16x128xf32, #tpu.memory_space<vmem>>, vector<1x1x16xf32>,
        %get3A_914 = vector.shape_cast %get3A_913 : vector<1x1x16xf32> to vector<16xf32>
        %mul3A_915 = arith.mulf %get3A_914, %get3A_914 : vector<16xf32>
        %get3A_916 = arith.constant 15 : i32
        %get3A_917 = arith.index_cast %scan3A_168 : i32 to index
        %get3A_918 = arith.index_cast %get3A_916 : i32 to index
        %get3A_919 = arith.constant 64 : index
        %get3A_920 = tpu.vector_load %arg5[%get3A_917, %get3A_918, %get3A_919] {strides = array<i32>} : memref<16x16x128xf32, #tpu.memory_space<vmem>>, vector<1x1x16xf32>,
        %get3A_921 = vector.shape_cast %get3A_920 : vector<1x1x16xf32> to vector<16xf32>
        %mul3A_922 = arith.mulf %get3A_921, %get3A_921 : vector<16xf32>
        %add3A_923 = arith.addf %mul3A_824, %mul3A_831 : vector<16xf32>
        %add3A_924 = arith.addf %add3A_923, %mul3A_838 : vector<16xf32>
        %add3A_925 = arith.addf %mul3A_845, %mul3A_852 : vector<16xf32>
        %add3A_926 = arith.addf %mul3A_859, %mul3A_866 : vector<16xf32>
        %add3A_927 = arith.addf %add3A_925, %add3A_926 : vector<16xf32>
        %add3A_928 = arith.addf %add3A_927, %mul3A_873 : vector<16xf32>
        %add3A_929 = arith.addf %mul3A_880, %mul3A_887 : vector<16xf32>
        %add3A_930 = arith.addf %mul3A_894, %mul3A_901 : vector<16xf32>
        %add3A_931 = arith.addf %add3A_929, %add3A_930 : vector<16xf32>
        %add3A_932 = arith.addf %mul3A_908, %mul3A_915 : vector<16xf32>
        %add3A_933 = arith.addf %add3A_932, %mul3A_922 : vector<16xf32>
        %add3A_934 = arith.addf %add3A_931, %add3A_933 : vector<16xf32>
        %swap3A_935 = arith.constant 0 : i32
        %swap3A_936 = arith.index_cast %scan3A_168 : i32 to index
        %swap3A_937 = arith.index_cast %swap3A_935 : i32 to index
        %swap3A_938 = arith.constant 64 : index
        %swap3A_939 = tpu.vector_load %arg7[%swap3A_936, %swap3A_937, %swap3A_938] {strides = array<i32>} : memref<16x4x128xf32, #tpu.memory_space<vmem>>, vector<1x1x16xf32>,
        %swap3A_940 = vector.shape_cast %swap3A_939 : vector<1x1x16xf32> to vector<16xf32>
        %swap3A_941 = vector.shape_cast %mul3A_817 : vector<16xf32> to vector<1x1x16xf32>
        tpu.vector_store %arg7[%swap3A_936, %swap3A_937, %swap3A_938], %swap3A_941 {strides = array<i32>} : memref<16x4x128xf32, #tpu.memory_space<vmem>>, vector<1x1x16xf32>,
        %mul3A_942 = arith.constant 0.333333343 : f32
        %mul3A_943 = vector.broadcast %mul3A_942 : f32 to vector<16xf32>
        %mul3A_944 = arith.mulf %add3A_924, %mul3A_943 : vector<16xf32>
        %swap3A_945 = arith.constant 1 : i32
        %swap3A_946 = arith.index_cast %scan3A_168 : i32 to index
        %swap3A_947 = arith.index_cast %swap3A_945 : i32 to index
        %swap3A_948 = arith.constant 64 : index
        %swap3A_949 = tpu.vector_load %arg7[%swap3A_946, %swap3A_947, %swap3A_948] {strides = array<i32>} : memref<16x4x128xf32, #tpu.memory_space<vmem>>, vector<1x1x16xf32>,
        %swap3A_950 = vector.shape_cast %swap3A_949 : vector<1x1x16xf32> to vector<16xf32>
        %swap3A_951 = vector.shape_cast %mul3A_944 : vector<16xf32> to vector<1x1x16xf32>
        tpu.vector_store %arg7[%swap3A_946, %swap3A_947, %swap3A_948], %swap3A_951 {strides = array<i32>} : memref<16x4x128xf32, #tpu.memory_space<vmem>>, vector<1x1x16xf32>,
        %mul3A_952 = arith.constant 2.000000e-01 : f32
        %mul3A_953 = vector.broadcast %mul3A_952 : f32 to vector<16xf32>
        %mul3A_954 = arith.mulf %add3A_928, %mul3A_953 : vector<16xf32>
        %swap3A_955 = arith.constant 2 : i32
        %swap3A_956 = arith.index_cast %scan3A_168 : i32 to index
        %swap3A_957 = arith.index_cast %swap3A_955 : i32 to index
        %swap3A_958 = arith.constant 64 : index
        %swap3A_959 = tpu.vector_load %arg7[%swap3A_956, %swap3A_957, %swap3A_958] {strides = array<i32>} : memref<16x4x128xf32, #tpu.memory_space<vmem>>, vector<1x1x16xf32>,
        %swap3A_960 = vector.shape_cast %swap3A_959 : vector<1x1x16xf32> to vector<16xf32>
        %swap3A_961 = vector.shape_cast %mul3A_954 : vector<16xf32> to vector<1x1x16xf32>
        tpu.vector_store %arg7[%swap3A_956, %swap3A_957, %swap3A_958], %swap3A_961 {strides = array<i32>} : memref<16x4x128xf32, #tpu.memory_space<vmem>>, vector<1x1x16xf32>,
        %mul3A_962 = arith.constant 0.142857149 : f32
        %mul3A_963 = vector.broadcast %mul3A_962 : f32 to vector<16xf32>
        %mul3A_964 = arith.mulf %add3A_934, %mul3A_963 : vector<16xf32>
        %swap3A_965 = arith.constant 3 : i32
        %swap3A_966 = arith.index_cast %scan3A_168 : i32 to index
        %swap3A_967 = arith.index_cast %swap3A_965 : i32 to index
        %swap3A_968 = arith.constant 64 : index
        %swap3A_969 = tpu.vector_load %arg7[%swap3A_966, %swap3A_967, %swap3A_968] {strides = array<i32>} : memref<16x4x128xf32, #tpu.memory_space<vmem>>, vector<1x1x16xf32>,
        %swap3A_970 = vector.shape_cast %swap3A_969 : vector<1x1x16xf32> to vector<16xf32>
        %swap3A_971 = vector.shape_cast %mul3A_964 : vector<16xf32> to vector<1x1x16xf32>
        tpu.vector_store %arg7[%swap3A_966, %swap3A_967, %swap3A_968], %swap3A_971 {strides = array<i32>} : memref<16x4x128xf32, #tpu.memory_space<vmem>>, vector<1x1x16xf32>,
        %get3A_972 = arith.constant 0 : i32
        %get3A_973 = arith.index_cast %scan3A_168 : i32 to index
        %get3A_974 = arith.index_cast %get3A_972 : i32 to index
        %get3A_975 = arith.constant 80 : index
        %get3A_976 = tpu.vector_load %arg5[%get3A_973, %get3A_974, %get3A_975] {strides = array<i32>} : memref<16x16x128xf32, #tpu.memory_space<vmem>>, vector<1x1x16xf32>,
        %get3A_977 = vector.shape_cast %get3A_976 : vector<1x1x16xf32> to vector<16xf32>
        %mul3A_978 = arith.mulf %get3A_977, %get3A_977 : vector<16xf32>
        %get3A_979 = arith.constant 1 : i32
        %get3A_980 = arith.index_cast %scan3A_168 : i32 to index
        %get3A_981 = arith.index_cast %get3A_979 : i32 to index
        %get3A_982 = arith.constant 80 : index
        %get3A_983 = tpu.vector_load %arg5[%get3A_980, %get3A_981, %get3A_982] {strides = array<i32>} : memref<16x16x128xf32, #tpu.memory_space<vmem>>, vector<1x1x16xf32>,
        %get3A_984 = vector.shape_cast %get3A_983 : vector<1x1x16xf32> to vector<16xf32>
        %mul3A_985 = arith.mulf %get3A_984, %get3A_984 : vector<16xf32>
        %get3A_986 = arith.constant 2 : i32
        %get3A_987 = arith.index_cast %scan3A_168 : i32 to index
        %get3A_988 = arith.index_cast %get3A_986 : i32 to index
        %get3A_989 = arith.constant 80 : index
        %get3A_990 = tpu.vector_load %arg5[%get3A_987, %get3A_988, %get3A_989] {strides = array<i32>} : memref<16x16x128xf32, #tpu.memory_space<vmem>>, vector<1x1x16xf32>,
        %get3A_991 = vector.shape_cast %get3A_990 : vector<1x1x16xf32> to vector<16xf32>
        %mul3A_992 = arith.mulf %get3A_991, %get3A_991 : vector<16xf32>
        %get3A_993 = arith.constant 3 : i32
        %get3A_994 = arith.index_cast %scan3A_168 : i32 to index
        %get3A_995 = arith.index_cast %get3A_993 : i32 to index
        %get3A_996 = arith.constant 80 : index
        %get3A_997 = tpu.vector_load %arg5[%get3A_994, %get3A_995, %get3A_996] {strides = array<i32>} : memref<16x16x128xf32, #tpu.memory_space<vmem>>, vector<1x1x16xf32>,
        %get3A_998 = vector.shape_cast %get3A_997 : vector<1x1x16xf32> to vector<16xf32>
        %mul3A_999 = arith.mulf %get3A_998, %get3A_998 : vector<16xf32>
        %get3A_1000 = arith.constant 4 : i32
        %get3A_1001 = arith.index_cast %scan3A_168 : i32 to index
        %get3A_1002 = arith.index_cast %get3A_1000 : i32 to index
        %get3A_1003 = arith.constant 80 : index
        %get3A_1004 = tpu.vector_load %arg5[%get3A_1001, %get3A_1002, %get3A_1003] {strides = array<i32>} : memref<16x16x128xf32, #tpu.memory_space<vmem>>, vector<1x1x16xf32>,
        %get3A_1005 = vector.shape_cast %get3A_1004 : vector<1x1x16xf32> to vector<16xf32>
        %mul3A_1006 = arith.mulf %get3A_1005, %get3A_1005 : vector<16xf32>
        %get3A_1007 = arith.constant 5 : i32
        %get3A_1008 = arith.index_cast %scan3A_168 : i32 to index
        %get3A_1009 = arith.index_cast %get3A_1007 : i32 to index
        %get3A_1010 = arith.constant 80 : index
        %get3A_1011 = tpu.vector_load %arg5[%get3A_1008, %get3A_1009, %get3A_1010] {strides = array<i32>} : memref<16x16x128xf32, #tpu.memory_space<vmem>>, vector<1x1x16xf32>,
        %get3A_1012 = vector.shape_cast %get3A_1011 : vector<1x1x16xf32> to vector<16xf32>
        %mul3A_1013 = arith.mulf %get3A_1012, %get3A_1012 : vector<16xf32>
        %get3A_1014 = arith.constant 6 : i32
        %get3A_1015 = arith.index_cast %scan3A_168 : i32 to index
        %get3A_1016 = arith.index_cast %get3A_1014 : i32 to index
        %get3A_1017 = arith.constant 80 : index
        %get3A_1018 = tpu.vector_load %arg5[%get3A_1015, %get3A_1016, %get3A_1017] {strides = array<i32>} : memref<16x16x128xf32, #tpu.memory_space<vmem>>, vector<1x1x16xf32>,
        %get3A_1019 = vector.shape_cast %get3A_1018 : vector<1x1x16xf32> to vector<16xf32>
        %mul3A_1020 = arith.mulf %get3A_1019, %get3A_1019 : vector<16xf32>
        %get3A_1021 = arith.constant 7 : i32
        %get3A_1022 = arith.index_cast %scan3A_168 : i32 to index
        %get3A_1023 = arith.index_cast %get3A_1021 : i32 to index
        %get3A_1024 = arith.constant 80 : index
        %get3A_1025 = tpu.vector_load %arg5[%get3A_1022, %get3A_1023, %get3A_1024] {strides = array<i32>} : memref<16x16x128xf32, #tpu.memory_space<vmem>>, vector<1x1x16xf32>,
        %get3A_1026 = vector.shape_cast %get3A_1025 : vector<1x1x16xf32> to vector<16xf32>
        %mul3A_1027 = arith.mulf %get3A_1026, %get3A_1026 : vector<16xf32>
        %get3A_1028 = arith.constant 8 : i32
        %get3A_1029 = arith.index_cast %scan3A_168 : i32 to index
        %get3A_1030 = arith.index_cast %get3A_1028 : i32 to index
        %get3A_1031 = arith.constant 80 : index
        %get3A_1032 = tpu.vector_load %arg5[%get3A_1029, %get3A_1030, %get3A_1031] {strides = array<i32>} : memref<16x16x128xf32, #tpu.memory_space<vmem>>, vector<1x1x16xf32>,
        %get3A_1033 = vector.shape_cast %get3A_1032 : vector<1x1x16xf32> to vector<16xf32>
        %mul3A_1034 = arith.mulf %get3A_1033, %get3A_1033 : vector<16xf32>
        %get3A_1035 = arith.constant 9 : i32
        %get3A_1036 = arith.index_cast %scan3A_168 : i32 to index
        %get3A_1037 = arith.index_cast %get3A_1035 : i32 to index
        %get3A_1038 = arith.constant 80 : index
        %get3A_1039 = tpu.vector_load %arg5[%get3A_1036, %get3A_1037, %get3A_1038] {strides = array<i32>} : memref<16x16x128xf32, #tpu.memory_space<vmem>>, vector<1x1x16xf32>,
        %get3A_1040 = vector.shape_cast %get3A_1039 : vector<1x1x16xf32> to vector<16xf32>
        %mul3A_1041 = arith.mulf %get3A_1040, %get3A_1040 : vector<16xf32>
        %get3A_1042 = arith.constant 10 : i32
        %get3A_1043 = arith.index_cast %scan3A_168 : i32 to index
        %get3A_1044 = arith.index_cast %get3A_1042 : i32 to index
        %get3A_1045 = arith.constant 80 : index
        %get3A_1046 = tpu.vector_load %arg5[%get3A_1043, %get3A_1044, %get3A_1045] {strides = array<i32>} : memref<16x16x128xf32, #tpu.memory_space<vmem>>, vector<1x1x16xf32>,
        %get3A_1047 = vector.shape_cast %get3A_1046 : vector<1x1x16xf32> to vector<16xf32>
        %mul3A_1048 = arith.mulf %get3A_1047, %get3A_1047 : vector<16xf32>
        %get3A_1049 = arith.constant 11 : i32
        %get3A_1050 = arith.index_cast %scan3A_168 : i32 to index
        %get3A_1051 = arith.index_cast %get3A_1049 : i32 to index
        %get3A_1052 = arith.constant 80 : index
        %get3A_1053 = tpu.vector_load %arg5[%get3A_1050, %get3A_1051, %get3A_1052] {strides = array<i32>} : memref<16x16x128xf32, #tpu.memory_space<vmem>>, vector<1x1x16xf32>,
        %get3A_1054 = vector.shape_cast %get3A_1053 : vector<1x1x16xf32> to vector<16xf32>
        %mul3A_1055 = arith.mulf %get3A_1054, %get3A_1054 : vector<16xf32>
        %get3A_1056 = arith.constant 12 : i32
        %get3A_1057 = arith.index_cast %scan3A_168 : i32 to index
        %get3A_1058 = arith.index_cast %get3A_1056 : i32 to index
        %get3A_1059 = arith.constant 80 : index
        %get3A_1060 = tpu.vector_load %arg5[%get3A_1057, %get3A_1058, %get3A_1059] {strides = array<i32>} : memref<16x16x128xf32, #tpu.memory_space<vmem>>, vector<1x1x16xf32>,
        %get3A_1061 = vector.shape_cast %get3A_1060 : vector<1x1x16xf32> to vector<16xf32>
        %mul3A_1062 = arith.mulf %get3A_1061, %get3A_1061 : vector<16xf32>
        %get3A_1063 = arith.constant 13 : i32
        %get3A_1064 = arith.index_cast %scan3A_168 : i32 to index
        %get3A_1065 = arith.index_cast %get3A_1063 : i32 to index
        %get3A_1066 = arith.constant 80 : index
        %get3A_1067 = tpu.vector_load %arg5[%get3A_1064, %get3A_1065, %get3A_1066] {strides = array<i32>} : memref<16x16x128xf32, #tpu.memory_space<vmem>>, vector<1x1x16xf32>,
        %get3A_1068 = vector.shape_cast %get3A_1067 : vector<1x1x16xf32> to vector<16xf32>
        %mul3A_1069 = arith.mulf %get3A_1068, %get3A_1068 : vector<16xf32>
        %get3A_1070 = arith.constant 14 : i32
        %get3A_1071 = arith.index_cast %scan3A_168 : i32 to index
        %get3A_1072 = arith.index_cast %get3A_1070 : i32 to index
        %get3A_1073 = arith.constant 80 : index
        %get3A_1074 = tpu.vector_load %arg5[%get3A_1071, %get3A_1072, %get3A_1073] {strides = array<i32>} : memref<16x16x128xf32, #tpu.memory_space<vmem>>, vector<1x1x16xf32>,
        %get3A_1075 = vector.shape_cast %get3A_1074 : vector<1x1x16xf32> to vector<16xf32>
        %mul3A_1076 = arith.mulf %get3A_1075, %get3A_1075 : vector<16xf32>
        %get3A_1077 = arith.constant 15 : i32
        %get3A_1078 = arith.index_cast %scan3A_168 : i32 to index
        %get3A_1079 = arith.index_cast %get3A_1077 : i32 to index
        %get3A_1080 = arith.constant 80 : index
        %get3A_1081 = tpu.vector_load %arg5[%get3A_1078, %get3A_1079, %get3A_1080] {strides = array<i32>} : memref<16x16x128xf32, #tpu.memory_space<vmem>>, vector<1x1x16xf32>,
        %get3A_1082 = vector.shape_cast %get3A_1081 : vector<1x1x16xf32> to vector<16xf32>
        %mul3A_1083 = arith.mulf %get3A_1082, %get3A_1082 : vector<16xf32>
        %add3A_1084 = arith.addf %mul3A_985, %mul3A_992 : vector<16xf32>
        %add3A_1085 = arith.addf %add3A_1084, %mul3A_999 : vector<16xf32>
        %add3A_1086 = arith.addf %mul3A_1006, %mul3A_1013 : vector<16xf32>
        %add3A_1087 = arith.addf %mul3A_1020, %mul3A_1027 : vector<16xf32>
        %add3A_1088 = arith.addf %add3A_1086, %add3A_1087 : vector<16xf32>
        %add3A_1089 = arith.addf %add3A_1088, %mul3A_1034 : vector<16xf32>
        %add3A_1090 = arith.addf %mul3A_1041, %mul3A_1048 : vector<16xf32>
        %add3A_1091 = arith.addf %mul3A_1055, %mul3A_1062 : vector<16xf32>
        %add3A_1092 = arith.addf %add3A_1090, %add3A_1091 : vector<16xf32>
        %add3A_1093 = arith.addf %mul3A_1069, %mul3A_1076 : vector<16xf32>
        %add3A_1094 = arith.addf %add3A_1093, %mul3A_1083 : vector<16xf32>
        %add3A_1095 = arith.addf %add3A_1092, %add3A_1094 : vector<16xf32>
        %swap3A_1096 = arith.constant 0 : i32
        %swap3A_1097 = arith.index_cast %scan3A_168 : i32 to index
        %swap3A_1098 = arith.index_cast %swap3A_1096 : i32 to index
        %swap3A_1099 = arith.constant 80 : index
        %swap3A_1100 = tpu.vector_load %arg7[%swap3A_1097, %swap3A_1098, %swap3A_1099] {strides = array<i32>} : memref<16x4x128xf32, #tpu.memory_space<vmem>>, vector<1x1x16xf32>,
        %swap3A_1101 = vector.shape_cast %swap3A_1100 : vector<1x1x16xf32> to vector<16xf32>
        %swap3A_1102 = vector.shape_cast %mul3A_978 : vector<16xf32> to vector<1x1x16xf32>
        tpu.vector_store %arg7[%swap3A_1097, %swap3A_1098, %swap3A_1099], %swap3A_1102 {strides = array<i32>} : memref<16x4x128xf32, #tpu.memory_space<vmem>>, vector<1x1x16xf32>,
        %mul3A_1103 = arith.constant 0.333333343 : f32
        %mul3A_1104 = vector.broadcast %mul3A_1103 : f32 to vector<16xf32>
        %mul3A_1105 = arith.mulf %add3A_1085, %mul3A_1104 : vector<16xf32>
        %swap3A_1106 = arith.constant 1 : i32
        %swap3A_1107 = arith.index_cast %scan3A_168 : i32 to index
        %swap3A_1108 = arith.index_cast %swap3A_1106 : i32 to index
        %swap3A_1109 = arith.constant 80 : index
        %swap3A_1110 = tpu.vector_load %arg7[%swap3A_1107, %swap3A_1108, %swap3A_1109] {strides = array<i32>} : memref<16x4x128xf32, #tpu.memory_space<vmem>>, vector<1x1x16xf32>,
        %swap3A_1111 = vector.shape_cast %swap3A_1110 : vector<1x1x16xf32> to vector<16xf32>
        %swap3A_1112 = vector.shape_cast %mul3A_1105 : vector<16xf32> to vector<1x1x16xf32>
        tpu.vector_store %arg7[%swap3A_1107, %swap3A_1108, %swap3A_1109], %swap3A_1112 {strides = array<i32>} : memref<16x4x128xf32, #tpu.memory_space<vmem>>, vector<1x1x16xf32>,
        %mul3A_1113 = arith.constant 2.000000e-01 : f32
        %mul3A_1114 = vector.broadcast %mul3A_1113 : f32 to vector<16xf32>
        %mul3A_1115 = arith.mulf %add3A_1089, %mul3A_1114 : vector<16xf32>
        %swap3A_1116 = arith.constant 2 : i32
        %swap3A_1117 = arith.index_cast %scan3A_168 : i32 to index
        %swap3A_1118 = arith.index_cast %swap3A_1116 : i32 to index
        %swap3A_1119 = arith.constant 80 : index
        %swap3A_1120 = tpu.vector_load %arg7[%swap3A_1117, %swap3A_1118, %swap3A_1119] {strides = array<i32>} : memref<16x4x128xf32, #tpu.memory_space<vmem>>, vector<1x1x16xf32>,
        %swap3A_1121 = vector.shape_cast %swap3A_1120 : vector<1x1x16xf32> to vector<16xf32>
        %swap3A_1122 = vector.shape_cast %mul3A_1115 : vector<16xf32> to vector<1x1x16xf32>
        tpu.vector_store %arg7[%swap3A_1117, %swap3A_1118, %swap3A_1119], %swap3A_1122 {strides = array<i32>} : memref<16x4x128xf32, #tpu.memory_space<vmem>>, vector<1x1x16xf32>,
        %mul3A_1123 = arith.constant 0.142857149 : f32
        %mul3A_1124 = vector.broadcast %mul3A_1123 : f32 to vector<16xf32>
        %mul3A_1125 = arith.mulf %add3A_1095, %mul3A_1124 : vector<16xf32>
        %swap3A_1126 = arith.constant 3 : i32
        %swap3A_1127 = arith.index_cast %scan3A_168 : i32 to index
        %swap3A_1128 = arith.index_cast %swap3A_1126 : i32 to index
        %swap3A_1129 = arith.constant 80 : index
        %swap3A_1130 = tpu.vector_load %arg7[%swap3A_1127, %swap3A_1128, %swap3A_1129] {strides = array<i32>} : memref<16x4x128xf32, #tpu.memory_space<vmem>>, vector<1x1x16xf32>,
        %swap3A_1131 = vector.shape_cast %swap3A_1130 : vector<1x1x16xf32> to vector<16xf32>
        %swap3A_1132 = vector.shape_cast %mul3A_1125 : vector<16xf32> to vector<1x1x16xf32>
        tpu.vector_store %arg7[%swap3A_1127, %swap3A_1128, %swap3A_1129], %swap3A_1132 {strides = array<i32>} : memref<16x4x128xf32, #tpu.memory_space<vmem>>, vector<1x1x16xf32>,
        %get3A_1133 = arith.constant 0 : i32
        %get3A_1134 = arith.index_cast %scan3A_168 : i32 to index
        %get3A_1135 = arith.index_cast %get3A_1133 : i32 to index
        %get3A_1136 = arith.constant 96 : index
        %get3A_1137 = tpu.vector_load %arg5[%get3A_1134, %get3A_1135, %get3A_1136] {strides = array<i32>} : memref<16x16x128xf32, #tpu.memory_space<vmem>>, vector<1x1x16xf32>,
        %get3A_1138 = vector.shape_cast %get3A_1137 : vector<1x1x16xf32> to vector<16xf32>
        %mul3A_1139 = arith.mulf %get3A_1138, %get3A_1138 : vector<16xf32>
        %get3A_1140 = arith.constant 1 : i32
        %get3A_1141 = arith.index_cast %scan3A_168 : i32 to index
        %get3A_1142 = arith.index_cast %get3A_1140 : i32 to index
        %get3A_1143 = arith.constant 96 : index
        %get3A_1144 = tpu.vector_load %arg5[%get3A_1141, %get3A_1142, %get3A_1143] {strides = array<i32>} : memref<16x16x128xf32, #tpu.memory_space<vmem>>, vector<1x1x16xf32>,
        %get3A_1145 = vector.shape_cast %get3A_1144 : vector<1x1x16xf32> to vector<16xf32>
        %mul3A_1146 = arith.mulf %get3A_1145, %get3A_1145 : vector<16xf32>
        %get3A_1147 = arith.constant 2 : i32
        %get3A_1148 = arith.index_cast %scan3A_168 : i32 to index
        %get3A_1149 = arith.index_cast %get3A_1147 : i32 to index
        %get3A_1150 = arith.constant 96 : index
        %get3A_1151 = tpu.vector_load %arg5[%get3A_1148, %get3A_1149, %get3A_1150] {strides = array<i32>} : memref<16x16x128xf32, #tpu.memory_space<vmem>>, vector<1x1x16xf32>,
        %get3A_1152 = vector.shape_cast %get3A_1151 : vector<1x1x16xf32> to vector<16xf32>
        %mul3A_1153 = arith.mulf %get3A_1152, %get3A_1152 : vector<16xf32>
        %get3A_1154 = arith.constant 3 : i32
        %get3A_1155 = arith.index_cast %scan3A_168 : i32 to index
        %get3A_1156 = arith.index_cast %get3A_1154 : i32 to index
        %get3A_1157 = arith.constant 96 : index
        %get3A_1158 = tpu.vector_load %arg5[%get3A_1155, %get3A_1156, %get3A_1157] {strides = array<i32>} : memref<16x16x128xf32, #tpu.memory_space<vmem>>, vector<1x1x16xf32>,
        %get3A_1159 = vector.shape_cast %get3A_1158 : vector<1x1x16xf32> to vector<16xf32>
        %mul3A_1160 = arith.mulf %get3A_1159, %get3A_1159 : vector<16xf32>
        %get3A_1161 = arith.constant 4 : i32
        %get3A_1162 = arith.index_cast %scan3A_168 : i32 to index
        %get3A_1163 = arith.index_cast %get3A_1161 : i32 to index
        %get3A_1164 = arith.constant 96 : index
        %get3A_1165 = tpu.vector_load %arg5[%get3A_1162, %get3A_1163, %get3A_1164] {strides = array<i32>} : memref<16x16x128xf32, #tpu.memory_space<vmem>>, vector<1x1x16xf32>,
        %get3A_1166 = vector.shape_cast %get3A_1165 : vector<1x1x16xf32> to vector<16xf32>
        %mul3A_1167 = arith.mulf %get3A_1166, %get3A_1166 : vector<16xf32>
        %get3A_1168 = arith.constant 5 : i32
        %get3A_1169 = arith.index_cast %scan3A_168 : i32 to index
        %get3A_1170 = arith.index_cast %get3A_1168 : i32 to index
        %get3A_1171 = arith.constant 96 : index
        %get3A_1172 = tpu.vector_load %arg5[%get3A_1169, %get3A_1170, %get3A_1171] {strides = array<i32>} : memref<16x16x128xf32, #tpu.memory_space<vmem>>, vector<1x1x16xf32>,
        %get3A_1173 = vector.shape_cast %get3A_1172 : vector<1x1x16xf32> to vector<16xf32>
        %mul3A_1174 = arith.mulf %get3A_1173, %get3A_1173 : vector<16xf32>
        %get3A_1175 = arith.constant 6 : i32
        %get3A_1176 = arith.index_cast %scan3A_168 : i32 to index
        %get3A_1177 = arith.index_cast %get3A_1175 : i32 to index
        %get3A_1178 = arith.constant 96 : index
        %get3A_1179 = tpu.vector_load %arg5[%get3A_1176, %get3A_1177, %get3A_1178] {strides = array<i32>} : memref<16x16x128xf32, #tpu.memory_space<vmem>>, vector<1x1x16xf32>,
        %get3A_1180 = vector.shape_cast %get3A_1179 : vector<1x1x16xf32> to vector<16xf32>
        %mul3A_1181 = arith.mulf %get3A_1180, %get3A_1180 : vector<16xf32>
        %get3A_1182 = arith.constant 7 : i32
        %get3A_1183 = arith.index_cast %scan3A_168 : i32 to index
        %get3A_1184 = arith.index_cast %get3A_1182 : i32 to index
        %get3A_1185 = arith.constant 96 : index
        %get3A_1186 = tpu.vector_load %arg5[%get3A_1183, %get3A_1184, %get3A_1185] {strides = array<i32>} : memref<16x16x128xf32, #tpu.memory_space<vmem>>, vector<1x1x16xf32>,
        %get3A_1187 = vector.shape_cast %get3A_1186 : vector<1x1x16xf32> to vector<16xf32>
        %mul3A_1188 = arith.mulf %get3A_1187, %get3A_1187 : vector<16xf32>
        %get3A_1189 = arith.constant 8 : i32
        %get3A_1190 = arith.index_cast %scan3A_168 : i32 to index
        %get3A_1191 = arith.index_cast %get3A_1189 : i32 to index
        %get3A_1192 = arith.constant 96 : index
        %get3A_1193 = tpu.vector_load %arg5[%get3A_1190, %get3A_1191, %get3A_1192] {strides = array<i32>} : memref<16x16x128xf32, #tpu.memory_space<vmem>>, vector<1x1x16xf32>,
        %get3A_1194 = vector.shape_cast %get3A_1193 : vector<1x1x16xf32> to vector<16xf32>
        %mul3A_1195 = arith.mulf %get3A_1194, %get3A_1194 : vector<16xf32>
        %get3A_1196 = arith.constant 9 : i32
        %get3A_1197 = arith.index_cast %scan3A_168 : i32 to index
        %get3A_1198 = arith.index_cast %get3A_1196 : i32 to index
        %get3A_1199 = arith.constant 96 : index
        %get3A_1200 = tpu.vector_load %arg5[%get3A_1197, %get3A_1198, %get3A_1199] {strides = array<i32>} : memref<16x16x128xf32, #tpu.memory_space<vmem>>, vector<1x1x16xf32>,
        %get3A_1201 = vector.shape_cast %get3A_1200 : vector<1x1x16xf32> to vector<16xf32>
        %mul3A_1202 = arith.mulf %get3A_1201, %get3A_1201 : vector<16xf32>
        %get3A_1203 = arith.constant 10 : i32
        %get3A_1204 = arith.index_cast %scan3A_168 : i32 to index
        %get3A_1205 = arith.index_cast %get3A_1203 : i32 to index
        %get3A_1206 = arith.constant 96 : index
        %get3A_1207 = tpu.vector_load %arg5[%get3A_1204, %get3A_1205, %get3A_1206] {strides = array<i32>} : memref<16x16x128xf32, #tpu.memory_space<vmem>>, vector<1x1x16xf32>,
        %get3A_1208 = vector.shape_cast %get3A_1207 : vector<1x1x16xf32> to vector<16xf32>
        %mul3A_1209 = arith.mulf %get3A_1208, %get3A_1208 : vector<16xf32>
        %get3A_1210 = arith.constant 11 : i32
        %get3A_1211 = arith.index_cast %scan3A_168 : i32 to index
        %get3A_1212 = arith.index_cast %get3A_1210 : i32 to index
        %get3A_1213 = arith.constant 96 : index
        %get3A_1214 = tpu.vector_load %arg5[%get3A_1211, %get3A_1212, %get3A_1213] {strides = array<i32>} : memref<16x16x128xf32, #tpu.memory_space<vmem>>, vector<1x1x16xf32>,
        %get3A_1215 = vector.shape_cast %get3A_1214 : vector<1x1x16xf32> to vector<16xf32>
        %mul3A_1216 = arith.mulf %get3A_1215, %get3A_1215 : vector<16xf32>
        %get3A_1217 = arith.constant 12 : i32
        %get3A_1218 = arith.index_cast %scan3A_168 : i32 to index
        %get3A_1219 = arith.index_cast %get3A_1217 : i32 to index
        %get3A_1220 = arith.constant 96 : index
        %get3A_1221 = tpu.vector_load %arg5[%get3A_1218, %get3A_1219, %get3A_1220] {strides = array<i32>} : memref<16x16x128xf32, #tpu.memory_space<vmem>>, vector<1x1x16xf32>,
        %get3A_1222 = vector.shape_cast %get3A_1221 : vector<1x1x16xf32> to vector<16xf32>
        %mul3A_1223 = arith.mulf %get3A_1222, %get3A_1222 : vector<16xf32>
        %get3A_1224 = arith.constant 13 : i32
        %get3A_1225 = arith.index_cast %scan3A_168 : i32 to index
        %get3A_1226 = arith.index_cast %get3A_1224 : i32 to index
        %get3A_1227 = arith.constant 96 : index
        %get3A_1228 = tpu.vector_load %arg5[%get3A_1225, %get3A_1226, %get3A_1227] {strides = array<i32>} : memref<16x16x128xf32, #tpu.memory_space<vmem>>, vector<1x1x16xf32>,
        %get3A_1229 = vector.shape_cast %get3A_1228 : vector<1x1x16xf32> to vector<16xf32>
        %mul3A_1230 = arith.mulf %get3A_1229, %get3A_1229 : vector<16xf32>
        %get3A_1231 = arith.constant 14 : i32
        %get3A_1232 = arith.index_cast %scan3A_168 : i32 to index
        %get3A_1233 = arith.index_cast %get3A_1231 : i32 to index
        %get3A_1234 = arith.constant 96 : index
        %get3A_1235 = tpu.vector_load %arg5[%get3A_1232, %get3A_1233, %get3A_1234] {strides = array<i32>} : memref<16x16x128xf32, #tpu.memory_space<vmem>>, vector<1x1x16xf32>,
        %get3A_1236 = vector.shape_cast %get3A_1235 : vector<1x1x16xf32> to vector<16xf32>
        %mul3A_1237 = arith.mulf %get3A_1236, %get3A_1236 : vector<16xf32>
        %get3A_1238 = arith.constant 15 : i32
        %get3A_1239 = arith.index_cast %scan3A_168 : i32 to index
        %get3A_1240 = arith.index_cast %get3A_1238 : i32 to index
        %get3A_1241 = arith.constant 96 : index
        %get3A_1242 = tpu.vector_load %arg5[%get3A_1239, %get3A_1240, %get3A_1241] {strides = array<i32>} : memref<16x16x128xf32, #tpu.memory_space<vmem>>, vector<1x1x16xf32>,
        %get3A_1243 = vector.shape_cast %get3A_1242 : vector<1x1x16xf32> to vector<16xf32>
        %mul3A_1244 = arith.mulf %get3A_1243, %get3A_1243 : vector<16xf32>
        %add3A_1245 = arith.addf %mul3A_1146, %mul3A_1153 : vector<16xf32>
        %add3A_1246 = arith.addf %add3A_1245, %mul3A_1160 : vector<16xf32>
        %add3A_1247 = arith.addf %mul3A_1167, %mul3A_1174 : vector<16xf32>
        %add3A_1248 = arith.addf %mul3A_1181, %mul3A_1188 : vector<16xf32>
        %add3A_1249 = arith.addf %add3A_1247, %add3A_1248 : vector<16xf32>
        %add3A_1250 = arith.addf %add3A_1249, %mul3A_1195 : vector<16xf32>
        %add3A_1251 = arith.addf %mul3A_1202, %mul3A_1209 : vector<16xf32>
        %add3A_1252 = arith.addf %mul3A_1216, %mul3A_1223 : vector<16xf32>
        %add3A_1253 = arith.addf %add3A_1251, %add3A_1252 : vector<16xf32>
        %add3A_1254 = arith.addf %mul3A_1230, %mul3A_1237 : vector<16xf32>
        %add3A_1255 = arith.addf %add3A_1254, %mul3A_1244 : vector<16xf32>
        %add3A_1256 = arith.addf %add3A_1253, %add3A_1255 : vector<16xf32>
        %swap3A_1257 = arith.constant 0 : i32
        %swap3A_1258 = arith.index_cast %scan3A_168 : i32 to index
        %swap3A_1259 = arith.index_cast %swap3A_1257 : i32 to index
        %swap3A_1260 = arith.constant 96 : index
        %swap3A_1261 = tpu.vector_load %arg7[%swap3A_1258, %swap3A_1259, %swap3A_1260] {strides = array<i32>} : memref<16x4x128xf32, #tpu.memory_space<vmem>>, vector<1x1x16xf32>,
        %swap3A_1262 = vector.shape_cast %swap3A_1261 : vector<1x1x16xf32> to vector<16xf32>
        %swap3A_1263 = vector.shape_cast %mul3A_1139 : vector<16xf32> to vector<1x1x16xf32>
        tpu.vector_store %arg7[%swap3A_1258, %swap3A_1259, %swap3A_1260], %swap3A_1263 {strides = array<i32>} : memref<16x4x128xf32, #tpu.memory_space<vmem>>, vector<1x1x16xf32>,
        %mul3A_1264 = arith.constant 0.333333343 : f32
        %mul3A_1265 = vector.broadcast %mul3A_1264 : f32 to vector<16xf32>
        %mul3A_1266 = arith.mulf %add3A_1246, %mul3A_1265 : vector<16xf32>
        %swap3A_1267 = arith.constant 1 : i32
        %swap3A_1268 = arith.index_cast %scan3A_168 : i32 to index
        %swap3A_1269 = arith.index_cast %swap3A_1267 : i32 to index
        %swap3A_1270 = arith.constant 96 : index
        %swap3A_1271 = tpu.vector_load %arg7[%swap3A_1268, %swap3A_1269, %swap3A_1270] {strides = array<i32>} : memref<16x4x128xf32, #tpu.memory_space<vmem>>, vector<1x1x16xf32>,
        %swap3A_1272 = vector.shape_cast %swap3A_1271 : vector<1x1x16xf32> to vector<16xf32>
        %swap3A_1273 = vector.shape_cast %mul3A_1266 : vector<16xf32> to vector<1x1x16xf32>
        tpu.vector_store %arg7[%swap3A_1268, %swap3A_1269, %swap3A_1270], %swap3A_1273 {strides = array<i32>} : memref<16x4x128xf32, #tpu.memory_space<vmem>>, vector<1x1x16xf32>,
        %mul3A_1274 = arith.constant 2.000000e-01 : f32
        %mul3A_1275 = vector.broadcast %mul3A_1274 : f32 to vector<16xf32>
        %mul3A_1276 = arith.mulf %add3A_1250, %mul3A_1275 : vector<16xf32>
        %swap3A_1277 = arith.constant 2 : i32
        %swap3A_1278 = arith.index_cast %scan3A_168 : i32 to index
        %swap3A_1279 = arith.index_cast %swap3A_1277 : i32 to index
        %swap3A_1280 = arith.constant 96 : index
        %swap3A_1281 = tpu.vector_load %arg7[%swap3A_1278, %swap3A_1279, %swap3A_1280] {strides = array<i32>} : memref<16x4x128xf32, #tpu.memory_space<vmem>>, vector<1x1x16xf32>,
        %swap3A_1282 = vector.shape_cast %swap3A_1281 : vector<1x1x16xf32> to vector<16xf32>
        %swap3A_1283 = vector.shape_cast %mul3A_1276 : vector<16xf32> to vector<1x1x16xf32>
        tpu.vector_store %arg7[%swap3A_1278, %swap3A_1279, %swap3A_1280], %swap3A_1283 {strides = array<i32>} : memref<16x4x128xf32, #tpu.memory_space<vmem>>, vector<1x1x16xf32>,
        %mul3A_1284 = arith.constant 0.142857149 : f32
        %mul3A_1285 = vector.broadcast %mul3A_1284 : f32 to vector<16xf32>
        %mul3A_1286 = arith.mulf %add3A_1256, %mul3A_1285 : vector<16xf32>
        %swap3A_1287 = arith.constant 3 : i32
        %swap3A_1288 = arith.index_cast %scan3A_168 : i32 to index
        %swap3A_1289 = arith.index_cast %swap3A_1287 : i32 to index
        %swap3A_1290 = arith.constant 96 : index
        %swap3A_1291 = tpu.vector_load %arg7[%swap3A_1288, %swap3A_1289, %swap3A_1290] {strides = array<i32>} : memref<16x4x128xf32, #tpu.memory_space<vmem>>, vector<1x1x16xf32>,
        %swap3A_1292 = vector.shape_cast %swap3A_1291 : vector<1x1x16xf32> to vector<16xf32>
        %swap3A_1293 = vector.shape_cast %mul3A_1286 : vector<16xf32> to vector<1x1x16xf32>
        tpu.vector_store %arg7[%swap3A_1288, %swap3A_1289, %swap3A_1290], %swap3A_1293 {strides = array<i32>} : memref<16x4x128xf32, #tpu.memory_space<vmem>>, vector<1x1x16xf32>,
        %get3A_1294 = arith.constant 0 : i32
        %get3A_1295 = arith.index_cast %scan3A_168 : i32 to index
        %get3A_1296 = arith.index_cast %get3A_1294 : i32 to index
        %get3A_1297 = arith.constant 112 : index
        %get3A_1298 = tpu.vector_load %arg5[%get3A_1295, %get3A_1296, %get3A_1297] {strides = array<i32>} : memref<16x16x128xf32, #tpu.memory_space<vmem>>, vector<1x1x16xf32>,
        %get3A_1299 = vector.shape_cast %get3A_1298 : vector<1x1x16xf32> to vector<16xf32>
        %mul3A_1300 = arith.mulf %get3A_1299, %get3A_1299 : vector<16xf32>
        %get3A_1301 = arith.constant 1 : i32
        %get3A_1302 = arith.index_cast %scan3A_168 : i32 to index
        %get3A_1303 = arith.index_cast %get3A_1301 : i32 to index
        %get3A_1304 = arith.constant 112 : index
        %get3A_1305 = tpu.vector_load %arg5[%get3A_1302, %get3A_1303, %get3A_1304] {strides = array<i32>} : memref<16x16x128xf32, #tpu.memory_space<vmem>>, vector<1x1x16xf32>,
        %get3A_1306 = vector.shape_cast %get3A_1305 : vector<1x1x16xf32> to vector<16xf32>
        %mul3A_1307 = arith.mulf %get3A_1306, %get3A_1306 : vector<16xf32>
        %get3A_1308 = arith.constant 2 : i32
        %get3A_1309 = arith.index_cast %scan3A_168 : i32 to index
        %get3A_1310 = arith.index_cast %get3A_1308 : i32 to index
        %get3A_1311 = arith.constant 112 : index
        %get3A_1312 = tpu.vector_load %arg5[%get3A_1309, %get3A_1310, %get3A_1311] {strides = array<i32>} : memref<16x16x128xf32, #tpu.memory_space<vmem>>, vector<1x1x16xf32>,
        %get3A_1313 = vector.shape_cast %get3A_1312 : vector<1x1x16xf32> to vector<16xf32>
        %mul3A_1314 = arith.mulf %get3A_1313, %get3A_1313 : vector<16xf32>
        %get3A_1315 = arith.constant 3 : i32
        %get3A_1316 = arith.index_cast %scan3A_168 : i32 to index
        %get3A_1317 = arith.index_cast %get3A_1315 : i32 to index
        %get3A_1318 = arith.constant 112 : index
        %get3A_1319 = tpu.vector_load %arg5[%get3A_1316, %get3A_1317, %get3A_1318] {strides = array<i32>} : memref<16x16x128xf32, #tpu.memory_space<vmem>>, vector<1x1x16xf32>,
        %get3A_1320 = vector.shape_cast %get3A_1319 : vector<1x1x16xf32> to vector<16xf32>
        %mul3A_1321 = arith.mulf %get3A_1320, %get3A_1320 : vector<16xf32>
        %get3A_1322 = arith.constant 4 : i32
        %get3A_1323 = arith.index_cast %scan3A_168 : i32 to index
        %get3A_1324 = arith.index_cast %get3A_1322 : i32 to index
        %get3A_1325 = arith.constant 112 : index
        %get3A_1326 = tpu.vector_load %arg5[%get3A_1323, %get3A_1324, %get3A_1325] {strides = array<i32>} : memref<16x16x128xf32, #tpu.memory_space<vmem>>, vector<1x1x16xf32>,
        %get3A_1327 = vector.shape_cast %get3A_1326 : vector<1x1x16xf32> to vector<16xf32>
        %mul3A_1328 = arith.mulf %get3A_1327, %get3A_1327 : vector<16xf32>
        %get3A_1329 = arith.constant 5 : i32
        %get3A_1330 = arith.index_cast %scan3A_168 : i32 to index
        %get3A_1331 = arith.index_cast %get3A_1329 : i32 to index
        %get3A_1332 = arith.constant 112 : index
        %get3A_1333 = tpu.vector_load %arg5[%get3A_1330, %get3A_1331, %get3A_1332] {strides = array<i32>} : memref<16x16x128xf32, #tpu.memory_space<vmem>>, vector<1x1x16xf32>,
        %get3A_1334 = vector.shape_cast %get3A_1333 : vector<1x1x16xf32> to vector<16xf32>
        %mul3A_1335 = arith.mulf %get3A_1334, %get3A_1334 : vector<16xf32>
        %get3A_1336 = arith.constant 6 : i32
        %get3A_1337 = arith.index_cast %scan3A_168 : i32 to index
        %get3A_1338 = arith.index_cast %get3A_1336 : i32 to index
        %get3A_1339 = arith.constant 112 : index
        %get3A_1340 = tpu.vector_load %arg5[%get3A_1337, %get3A_1338, %get3A_1339] {strides = array<i32>} : memref<16x16x128xf32, #tpu.memory_space<vmem>>, vector<1x1x16xf32>,
        %get3A_1341 = vector.shape_cast %get3A_1340 : vector<1x1x16xf32> to vector<16xf32>
        %mul3A_1342 = arith.mulf %get3A_1341, %get3A_1341 : vector<16xf32>
        %get3A_1343 = arith.constant 7 : i32
        %get3A_1344 = arith.index_cast %scan3A_168 : i32 to index
        %get3A_1345 = arith.index_cast %get3A_1343 : i32 to index
        %get3A_1346 = arith.constant 112 : index
        %get3A_1347 = tpu.vector_load %arg5[%get3A_1344, %get3A_1345, %get3A_1346] {strides = array<i32>} : memref<16x16x128xf32, #tpu.memory_space<vmem>>, vector<1x1x16xf32>,
        %get3A_1348 = vector.shape_cast %get3A_1347 : vector<1x1x16xf32> to vector<16xf32>
        %mul3A_1349 = arith.mulf %get3A_1348, %get3A_1348 : vector<16xf32>
        %get3A_1350 = arith.constant 8 : i32
        %get3A_1351 = arith.index_cast %scan3A_168 : i32 to index
        %get3A_1352 = arith.index_cast %get3A_1350 : i32 to index
        %get3A_1353 = arith.constant 112 : index
        %get3A_1354 = tpu.vector_load %arg5[%get3A_1351, %get3A_1352, %get3A_1353] {strides = array<i32>} : memref<16x16x128xf32, #tpu.memory_space<vmem>>, vector<1x1x16xf32>,
        %get3A_1355 = vector.shape_cast %get3A_1354 : vector<1x1x16xf32> to vector<16xf32>
        %mul3A_1356 = arith.mulf %get3A_1355, %get3A_1355 : vector<16xf32>
        %get3A_1357 = arith.constant 9 : i32
        %get3A_1358 = arith.index_cast %scan3A_168 : i32 to index
        %get3A_1359 = arith.index_cast %get3A_1357 : i32 to index
        %get3A_1360 = arith.constant 112 : index
        %get3A_1361 = tpu.vector_load %arg5[%get3A_1358, %get3A_1359, %get3A_1360] {strides = array<i32>} : memref<16x16x128xf32, #tpu.memory_space<vmem>>, vector<1x1x16xf32>,
        %get3A_1362 = vector.shape_cast %get3A_1361 : vector<1x1x16xf32> to vector<16xf32>
        %mul3A_1363 = arith.mulf %get3A_1362, %get3A_1362 : vector<16xf32>
        %get3A_1364 = arith.constant 10 : i32
        %get3A_1365 = arith.index_cast %scan3A_168 : i32 to index
        %get3A_1366 = arith.index_cast %get3A_1364 : i32 to index
        %get3A_1367 = arith.constant 112 : index
        %get3A_1368 = tpu.vector_load %arg5[%get3A_1365, %get3A_1366, %get3A_1367] {strides = array<i32>} : memref<16x16x128xf32, #tpu.memory_space<vmem>>, vector<1x1x16xf32>,
        %get3A_1369 = vector.shape_cast %get3A_1368 : vector<1x1x16xf32> to vector<16xf32>
        %mul3A_1370 = arith.mulf %get3A_1369, %get3A_1369 : vector<16xf32>
        %get3A_1371 = arith.constant 11 : i32
        %get3A_1372 = arith.index_cast %scan3A_168 : i32 to index
        %get3A_1373 = arith.index_cast %get3A_1371 : i32 to index
        %get3A_1374 = arith.constant 112 : index
        %get3A_1375 = tpu.vector_load %arg5[%get3A_1372, %get3A_1373, %get3A_1374] {strides = array<i32>} : memref<16x16x128xf32, #tpu.memory_space<vmem>>, vector<1x1x16xf32>,
        %get3A_1376 = vector.shape_cast %get3A_1375 : vector<1x1x16xf32> to vector<16xf32>
        %mul3A_1377 = arith.mulf %get3A_1376, %get3A_1376 : vector<16xf32>
        %get3A_1378 = arith.constant 12 : i32
        %get3A_1379 = arith.index_cast %scan3A_168 : i32 to index
        %get3A_1380 = arith.index_cast %get3A_1378 : i32 to index
        %get3A_1381 = arith.constant 112 : index
        %get3A_1382 = tpu.vector_load %arg5[%get3A_1379, %get3A_1380, %get3A_1381] {strides = array<i32>} : memref<16x16x128xf32, #tpu.memory_space<vmem>>, vector<1x1x16xf32>,
        %get3A_1383 = vector.shape_cast %get3A_1382 : vector<1x1x16xf32> to vector<16xf32>
        %mul3A_1384 = arith.mulf %get3A_1383, %get3A_1383 : vector<16xf32>
        %get3A_1385 = arith.constant 13 : i32
        %get3A_1386 = arith.index_cast %scan3A_168 : i32 to index
        %get3A_1387 = arith.index_cast %get3A_1385 : i32 to index
        %get3A_1388 = arith.constant 112 : index
        %get3A_1389 = tpu.vector_load %arg5[%get3A_1386, %get3A_1387, %get3A_1388] {strides = array<i32>} : memref<16x16x128xf32, #tpu.memory_space<vmem>>, vector<1x1x16xf32>,
        %get3A_1390 = vector.shape_cast %get3A_1389 : vector<1x1x16xf32> to vector<16xf32>
        %mul3A_1391 = arith.mulf %get3A_1390, %get3A_1390 : vector<16xf32>
        %get3A_1392 = arith.constant 14 : i32
        %get3A_1393 = arith.index_cast %scan3A_168 : i32 to index
        %get3A_1394 = arith.index_cast %get3A_1392 : i32 to index
        %get3A_1395 = arith.constant 112 : index
        %get3A_1396 = tpu.vector_load %arg5[%get3A_1393, %get3A_1394, %get3A_1395] {strides = array<i32>} : memref<16x16x128xf32, #tpu.memory_space<vmem>>, vector<1x1x16xf32>,
        %get3A_1397 = vector.shape_cast %get3A_1396 : vector<1x1x16xf32> to vector<16xf32>
        %mul3A_1398 = arith.mulf %get3A_1397, %get3A_1397 : vector<16xf32>
        %get3A_1399 = arith.constant 15 : i32
        %get3A_1400 = arith.index_cast %scan3A_168 : i32 to index
        %get3A_1401 = arith.index_cast %get3A_1399 : i32 to index
        %get3A_1402 = arith.constant 112 : index
        %get3A_1403 = tpu.vector_load %arg5[%get3A_1400, %get3A_1401, %get3A_1402] {strides = array<i32>} : memref<16x16x128xf32, #tpu.memory_space<vmem>>, vector<1x1x16xf32>,
        %get3A_1404 = vector.shape_cast %get3A_1403 : vector<1x1x16xf32> to vector<16xf32>
        %mul3A_1405 = arith.mulf %get3A_1404, %get3A_1404 : vector<16xf32>
        %add3A_1406 = arith.addf %mul3A_1307, %mul3A_1314 : vector<16xf32>
        %add3A_1407 = arith.addf %add3A_1406, %mul3A_1321 : vector<16xf32>
        %add3A_1408 = arith.addf %mul3A_1328, %mul3A_1335 : vector<16xf32>
        %add3A_1409 = arith.addf %mul3A_1342, %mul3A_1349 : vector<16xf32>
        %add3A_1410 = arith.addf %add3A_1408, %add3A_1409 : vector<16xf32>
        %add3A_1411 = arith.addf %add3A_1410, %mul3A_1356 : vector<16xf32>
        %add3A_1412 = arith.addf %mul3A_1363, %mul3A_1370 : vector<16xf32>
        %add3A_1413 = arith.addf %mul3A_1377, %mul3A_1384 : vector<16xf32>
        %add3A_1414 = arith.addf %add3A_1412, %add3A_1413 : vector<16xf32>
        %add3A_1415 = arith.addf %mul3A_1391, %mul3A_1398 : vector<16xf32>
        %add3A_1416 = arith.addf %add3A_1415, %mul3A_1405 : vector<16xf32>
        %add3A_1417 = arith.addf %add3A_1414, %add3A_1416 : vector<16xf32>
        %swap3A_1418 = arith.constant 0 : i32
        %swap3A_1419 = arith.index_cast %scan3A_168 : i32 to index
        %swap3A_1420 = arith.index_cast %swap3A_1418 : i32 to index
        %swap3A_1421 = arith.constant 112 : index
        %swap3A_1422 = tpu.vector_load %arg7[%swap3A_1419, %swap3A_1420, %swap3A_1421] {strides = array<i32>} : memref<16x4x128xf32, #tpu.memory_space<vmem>>, vector<1x1x16xf32>,
        %swap3A_1423 = vector.shape_cast %swap3A_1422 : vector<1x1x16xf32> to vector<16xf32>
        %swap3A_1424 = vector.shape_cast %mul3A_1300 : vector<16xf32> to vector<1x1x16xf32>
        tpu.vector_store %arg7[%swap3A_1419, %swap3A_1420, %swap3A_1421], %swap3A_1424 {strides = array<i32>} : memref<16x4x128xf32, #tpu.memory_space<vmem>>, vector<1x1x16xf32>,
        %mul3A_1425 = arith.constant 0.333333343 : f32
        %mul3A_1426 = vector.broadcast %mul3A_1425 : f32 to vector<16xf32>
        %mul3A_1427 = arith.mulf %add3A_1407, %mul3A_1426 : vector<16xf32>
        %swap3A_1428 = arith.constant 1 : i32
        %swap3A_1429 = arith.index_cast %scan3A_168 : i32 to index
        %swap3A_1430 = arith.index_cast %swap3A_1428 : i32 to index
        %swap3A_1431 = arith.constant 112 : index
        %swap3A_1432 = tpu.vector_load %arg7[%swap3A_1429, %swap3A_1430, %swap3A_1431] {strides = array<i32>} : memref<16x4x128xf32, #tpu.memory_space<vmem>>, vector<1x1x16xf32>,
        %swap3A_1433 = vector.shape_cast %swap3A_1432 : vector<1x1x16xf32> to vector<16xf32>
        %swap3A_1434 = vector.shape_cast %mul3A_1427 : vector<16xf32> to vector<1x1x16xf32>
        tpu.vector_store %arg7[%swap3A_1429, %swap3A_1430, %swap3A_1431], %swap3A_1434 {strides = array<i32>} : memref<16x4x128xf32, #tpu.memory_space<vmem>>, vector<1x1x16xf32>,
        %mul3A_1435 = arith.constant 2.000000e-01 : f32
        %mul3A_1436 = vector.broadcast %mul3A_1435 : f32 to vector<16xf32>
        %mul3A_1437 = arith.mulf %add3A_1411, %mul3A_1436 : vector<16xf32>
        %swap3A_1438 = arith.constant 2 : i32
        %swap3A_1439 = arith.index_cast %scan3A_168 : i32 to index
        %swap3A_1440 = arith.index_cast %swap3A_1438 : i32 to index
        %swap3A_1441 = arith.constant 112 : index
        %swap3A_1442 = tpu.vector_load %arg7[%swap3A_1439, %swap3A_1440, %swap3A_1441] {strides = array<i32>} : memref<16x4x128xf32, #tpu.memory_space<vmem>>, vector<1x1x16xf32>,
        %swap3A_1443 = vector.shape_cast %swap3A_1442 : vector<1x1x16xf32> to vector<16xf32>
        %swap3A_1444 = vector.shape_cast %mul3A_1437 : vector<16xf32> to vector<1x1x16xf32>
        tpu.vector_store %arg7[%swap3A_1439, %swap3A_1440, %swap3A_1441], %swap3A_1444 {strides = array<i32>} : memref<16x4x128xf32, #tpu.memory_space<vmem>>, vector<1x1x16xf32>,
        %mul3A_1445 = arith.constant 0.142857149 : f32
        %mul3A_1446 = vector.broadcast %mul3A_1445 : f32 to vector<16xf32>
        %mul3A_1447 = arith.mulf %add3A_1417, %mul3A_1446 : vector<16xf32>
        %swap3A_1448 = arith.constant 3 : i32
        %swap3A_1449 = arith.index_cast %scan3A_168 : i32 to index
        %swap3A_1450 = arith.index_cast %swap3A_1448 : i32 to index
        %swap3A_1451 = arith.constant 112 : index
        %swap3A_1452 = tpu.vector_load %arg7[%swap3A_1449, %swap3A_1450, %swap3A_1451] {strides = array<i32>} : memref<16x4x128xf32, #tpu.memory_space<vmem>>, vector<1x1x16xf32>,
        %swap3A_1453 = vector.shape_cast %swap3A_1452 : vector<1x1x16xf32> to vector<16xf32>
        %swap3A_1454 = vector.shape_cast %mul3A_1447 : vector<16xf32> to vector<1x1x16xf32>
        tpu.vector_store %arg7[%swap3A_1449, %swap3A_1450, %swap3A_1451], %swap3A_1454 {strides = array<i32>} : memref<16x4x128xf32, #tpu.memory_space<vmem>>, vector<1x1x16xf32>,
      }
      %scan3A_150 = arith.constant 16 : i32
      %mul3A_151 = arith.constant 32 : i32
      %mul3A_152 = arith.muli %add3A_131, %mul3A_151 : i32
      %add3A_153 = arith.addi %add3A, %mul3A_152 : i32
      %mul3A_154 = arith.constant 16 : i32
      %mul3A_155 = arith.muli %add3A_153, %mul3A_154 : i32
      %dma_start3A_156 = arith.constant 0 : i32
      %dma_start3A_157 = arith.constant 0 : i32
      %dma_start3A_158 = tpu.memref_slice %arg3[%mul3A_155, %dma_start3A_156, %dma_start3A_157] : memref<4096x4x128xf32, #tpu.memory_space<hbm>> -> memref<16x4x128xf32, #tpu.memory_space<hbm>>
      %dma_start3A_159 = arith.constant 0 : i32
      %dma_start3A_160 = arith.constant 0 : i32
      %dma_start3A_161 = tpu.memref_slice %arg3[%mul3A_155, %dma_start3A_159, %dma_start3A_160] : memref<4096x4x128xf32, #tpu.memory_space<hbm>> -> memref<16x4x128xf32, #tpu.memory_space<hbm>>
      tpu.enqueue_dma source(%arg7 : memref<16x4x128xf32, #tpu.memory_space<vmem>>) target(%dma_start3A_161 : memref<16x4x128xf32, #tpu.memory_space<hbm>>) target_semaphore(%arg11 : memref<!tpu.dma_semaphore, #tpu.memory_space<semaphore_mem>>)
      %add3A_162 = arith.constant 2 : i32
      %add3A_163 = arith.addi %add3A_131, %add3A_162 : i32
      %lt3A_164 = arith.cmpi slt, %add3A_163, %select_n3A : i32
      %convert_element_type3A_165 = arith.extui %lt3A_164 : i1 to i32
      %cond3A_166 = arith.constant 0 : i32
      %cond3A_167 = arith.cmpi ne, %convert_element_type3A_165, %cond3A_166 : i32
      scf.if %cond3A_167 {
        %add3A_168 = arith.constant 2 : i32
        %add3A_169 = arith.addi %add3A_131, %add3A_168 : i32
        %mul3A_170 = arith.constant 32 : i32
        %mul3A_171 = arith.muli %add3A_169, %mul3A_170 : i32
        %add3A_172 = arith.addi %add3A, %mul3A_171 : i32
        %mul3A_173 = arith.constant 16 : i32
        %mul3A_174 = arith.muli %add3A_172, %mul3A_173 : i32
        %add3A_175 = arith.constant 5904 : i32
        %add3A_176 = arith.addi %add3A_175, %mul3A_174 : i32
        %dma_start3A_177 = arith.constant 0 : i32
        %dma_start3A_178 = arith.constant 0 : i32
        %dma_start3A_179 = tpu.memref_slice %arg2[%add3A_176, %dma_start3A_177, %dma_start3A_178] : memref<10000x16x128xf32, #tpu.memory_space<hbm>> -> memref<16x16x128xf32, #tpu.memory_space<hbm>>
        %dma_start3A_180 = arith.constant 0 : i32
        %dma_start3A_181 = arith.constant 0 : i32
        %dma_start3A_182 = tpu.memref_slice %arg2[%add3A_176, %dma_start3A_180, %dma_start3A_181] : memref<10000x16x128xf32, #tpu.memory_space<hbm>> -> memref<16x16x128xf32, #tpu.memory_space<hbm>>
        tpu.enqueue_dma source(%dma_start3A_182 : memref<16x16x128xf32, #tpu.memory_space<hbm>>) target(%arg5 : memref<16x16x128xf32, #tpu.memory_space<vmem>>) target_semaphore(%arg9 : memref<!tpu.dma_semaphore, #tpu.memory_space<semaphore_mem>>)
      } else {
      }
    }
    %while3A_78 = arith.constant 1 : i32
    scf.for %while3A_94 = %while3A_76 to %while3A_72 step %while3A_78  : i32 {
      %mul3A_95 = arith.constant 2 : i32
      %mul3A_96 = arith.muli %mul3A_95, %while3A_94 : i32
      %dma_wait3A_97 = arith.constant 0 : i32
      %dma_wait3A_98 = arith.constant 0 : i32
      %dma_wait3A_99 = arith.constant 0 : i32
      %dma_wait3A_100 = tpu.memref_slice %arg2[%dma_wait3A_97, %dma_wait3A_98, %dma_wait3A_99] : memref<10000x16x128xf32, #tpu.memory_space<hbm>> -> memref<16x16x128xf32, #tpu.memory_space<hbm>>
      %dma_wait3A_101 = arith.constant 0 : i32
      %dma_wait3A_102 = arith.constant 0 : i32
      %dma_wait3A_103 = arith.constant 0 : i32
      %dma_wait3A_104 = tpu.memref_slice %arg2[%dma_wait3A_101, %dma_wait3A_102, %dma_wait3A_103] : memref<10000x16x128xf32, #tpu.memory_space<hbm>> -> memref<16x16x128xf32, #tpu.memory_space<hbm>>
      tpu.wait_dma2 semaphore(%arg8 : memref<!tpu.dma_semaphore, #tpu.memory_space<semaphore_mem>>) src(%dma_wait3A_104 : memref<16x16x128xf32, #tpu.memory_space<hbm>>) dst(%arg4 : memref<16x16x128xf32, #tpu.memory_space<vmem>>)
      %gt3A = arith.constant 0 : i32
      %gt3A_105 = arith.cmpi sgt, %while3A_94, %gt3A : i32
      %convert_element_type3A = arith.extui %gt3A_105 : i1 to i32
      %cond3A = arith.constant 0 : i32
      %cond3A_106 = arith.cmpi ne, %convert_element_type3A, %cond3A : i32
      scf.if %cond3A_106 {
        %dma_wait3A_168 = arith.constant 0 : i32
        %dma_wait3A_169 = arith.constant 0 : i32
        %dma_wait3A_170 = arith.constant 0 : i32
        %dma_wait3A_171 = tpu.memref_slice %arg3[%dma_wait3A_168, %dma_wait3A_169, %dma_wait3A_170] : memref<4096x4x128xf32, #tpu.memory_space<hbm>> -> memref<16x4x128xf32, #tpu.memory_space<hbm>>
        %dma_wait3A_172 = arith.constant 0 : i32
        %dma_wait3A_173 = arith.constant 0 : i32
        %dma_wait3A_174 = arith.constant 0 : i32
        %dma_wait3A_175 = tpu.memref_slice %arg3[%dma_wait3A_172, %dma_wait3A_173, %dma_wait3A_174] : memref<4096x4x128xf32, #tpu.memory_space<hbm>> -> memref<16x4x128xf32, #tpu.memory_space<hbm>>
        tpu.wait_dma2 semaphore(%arg10 : memref<!tpu.dma_semaphore, #tpu.memory_space<semaphore_mem>>) src(%arg6 : memref<16x4x128xf32, #tpu.memory_space<vmem>>) dst(%dma_wait3A_175 : memref<16x4x128xf32, #tpu.memory_space<hbm>>)
      } else {
      }
      %scan3A = arith.constant 0 : i32
      %scan3A_107 = arith.constant 0 : i32
      %scan3A_108 = arith.constant 16 : i32
      %scan3A_109 = arith.addi %scan3A_107, %scan3A_108 : i32
      %scan3A_110 = arith.constant 1 : i32
      scf.for %scan3A_168 = %scan3A_107 to %scan3A_109 step %scan3A_110  : i32 {
        %get3A = arith.constant 0 : i32
        %get3A_169 = arith.index_cast %scan3A_168 : i32 to index
        %get3A_170 = arith.index_cast %get3A : i32 to index
        %get3A_171 = arith.constant 0 : index
        %get3A_172 = tpu.vector_load %arg4[%get3A_169, %get3A_170, %get3A_171] {strides = array<i32>} : memref<16x16x128xf32, #tpu.memory_space<vmem>>, vector<1x1x16xf32>,
        %get3A_173 = vector.shape_cast %get3A_172 : vector<1x1x16xf32> to vector<16xf32>
        %mul3A_174 = arith.mulf %get3A_173, %get3A_173 : vector<16xf32>
        %get3A_175 = arith.constant 1 : i32
        %get3A_176 = arith.index_cast %scan3A_168 : i32 to index
        %get3A_177 = arith.index_cast %get3A_175 : i32 to index
        %get3A_178 = arith.constant 0 : index
        %get3A_179 = tpu.vector_load %arg4[%get3A_176, %get3A_177, %get3A_178] {strides = array<i32>} : memref<16x16x128xf32, #tpu.memory_space<vmem>>, vector<1x1x16xf32>,
        %get3A_180 = vector.shape_cast %get3A_179 : vector<1x1x16xf32> to vector<16xf32>
        %mul3A_181 = arith.mulf %get3A_180, %get3A_180 : vector<16xf32>
        %get3A_182 = arith.constant 2 : i32
        %get3A_183 = arith.index_cast %scan3A_168 : i32 to index
        %get3A_184 = arith.index_cast %get3A_182 : i32 to index
        %get3A_185 = arith.constant 0 : index
        %get3A_186 = tpu.vector_load %arg4[%get3A_183, %get3A_184, %get3A_185] {strides = array<i32>} : memref<16x16x128xf32, #tpu.memory_space<vmem>>, vector<1x1x16xf32>,
        %get3A_187 = vector.shape_cast %get3A_186 : vector<1x1x16xf32> to vector<16xf32>
        %mul3A_188 = arith.mulf %get3A_187, %get3A_187 : vector<16xf32>
        %get3A_189 = arith.constant 3 : i32
        %get3A_190 = arith.index_cast %scan3A_168 : i32 to index
        %get3A_191 = arith.index_cast %get3A_189 : i32 to index
        %get3A_192 = arith.constant 0 : index
        %get3A_193 = tpu.vector_load %arg4[%get3A_190, %get3A_191, %get3A_192] {strides = array<i32>} : memref<16x16x128xf32, #tpu.memory_space<vmem>>, vector<1x1x16xf32>,
        %get3A_194 = vector.shape_cast %get3A_193 : vector<1x1x16xf32> to vector<16xf32>
        %mul3A_195 = arith.mulf %get3A_194, %get3A_194 : vector<16xf32>
        %get3A_196 = arith.constant 4 : i32
        %get3A_197 = arith.index_cast %scan3A_168 : i32 to index
        %get3A_198 = arith.index_cast %get3A_196 : i32 to index
        %get3A_199 = arith.constant 0 : index
        %get3A_200 = tpu.vector_load %arg4[%get3A_197, %get3A_198, %get3A_199] {strides = array<i32>} : memref<16x16x128xf32, #tpu.memory_space<vmem>>, vector<1x1x16xf32>,
        %get3A_201 = vector.shape_cast %get3A_200 : vector<1x1x16xf32> to vector<16xf32>
        %mul3A_202 = arith.mulf %get3A_201, %get3A_201 : vector<16xf32>
        %get3A_203 = arith.constant 5 : i32
        %get3A_204 = arith.index_cast %scan3A_168 : i32 to index
        %get3A_205 = arith.index_cast %get3A_203 : i32 to index
        %get3A_206 = arith.constant 0 : index
        %get3A_207 = tpu.vector_load %arg4[%get3A_204, %get3A_205, %get3A_206] {strides = array<i32>} : memref<16x16x128xf32, #tpu.memory_space<vmem>>, vector<1x1x16xf32>,
        %get3A_208 = vector.shape_cast %get3A_207 : vector<1x1x16xf32> to vector<16xf32>
        %mul3A_209 = arith.mulf %get3A_208, %get3A_208 : vector<16xf32>
        %get3A_210 = arith.constant 6 : i32
        %get3A_211 = arith.index_cast %scan3A_168 : i32 to index
        %get3A_212 = arith.index_cast %get3A_210 : i32 to index
        %get3A_213 = arith.constant 0 : index
        %get3A_214 = tpu.vector_load %arg4[%get3A_211, %get3A_212, %get3A_213] {strides = array<i32>} : memref<16x16x128xf32, #tpu.memory_space<vmem>>, vector<1x1x16xf32>,
        %get3A_215 = vector.shape_cast %get3A_214 : vector<1x1x16xf32> to vector<16xf32>
        %mul3A_216 = arith.mulf %get3A_215, %get3A_215 : vector<16xf32>
        %get3A_217 = arith.constant 7 : i32
        %get3A_218 = arith.index_cast %scan3A_168 : i32 to index
        %get3A_219 = arith.index_cast %get3A_217 : i32 to index
        %get3A_220 = arith.constant 0 : index
        %get3A_221 = tpu.vector_load %arg4[%get3A_218, %get3A_219, %get3A_220] {strides = array<i32>} : memref<16x16x128xf32, #tpu.memory_space<vmem>>, vector<1x1x16xf32>,
        %get3A_222 = vector.shape_cast %get3A_221 : vector<1x1x16xf32> to vector<16xf32>
        %mul3A_223 = arith.mulf %get3A_222, %get3A_222 : vector<16xf32>
        %get3A_224 = arith.constant 8 : i32
        %get3A_225 = arith.index_cast %scan3A_168 : i32 to index
        %get3A_226 = arith.index_cast %get3A_224 : i32 to index
        %get3A_227 = arith.constant 0 : index
        %get3A_228 = tpu.vector_load %arg4[%get3A_225, %get3A_226, %get3A_227] {strides = array<i32>} : memref<16x16x128xf32, #tpu.memory_space<vmem>>, vector<1x1x16xf32>,
        %get3A_229 = vector.shape_cast %get3A_228 : vector<1x1x16xf32> to vector<16xf32>
        %mul3A_230 = arith.mulf %get3A_229, %get3A_229 : vector<16xf32>
        %get3A_231 = arith.constant 9 : i32
        %get3A_232 = arith.index_cast %scan3A_168 : i32 to index
        %get3A_233 = arith.index_cast %get3A_231 : i32 to index
        %get3A_234 = arith.constant 0 : index
        %get3A_235 = tpu.vector_load %arg4[%get3A_232, %get3A_233, %get3A_234] {strides = array<i32>} : memref<16x16x128xf32, #tpu.memory_space<vmem>>, vector<1x1x16xf32>,
        %get3A_236 = vector.shape_cast %get3A_235 : vector<1x1x16xf32> to vector<16xf32>
        %mul3A_237 = arith.mulf %get3A_236, %get3A_236 : vector<16xf32>
        %get3A_238 = arith.constant 10 : i32
        %get3A_239 = arith.index_cast %scan3A_168 : i32 to index
        %get3A_240 = arith.index_cast %get3A_238 : i32 to index
        %get3A_241 = arith.constant 0 : index
        %get3A_242 = tpu.vector_load %arg4[%get3A_239, %get3A_240, %get3A_241] {strides = array<i32>} : memref<16x16x128xf32, #tpu.memory_space<vmem>>, vector<1x1x16xf32>,
        %get3A_243 = vector.shape_cast %get3A_242 : vector<1x1x16xf32> to vector<16xf32>
        %mul3A_244 = arith.mulf %get3A_243, %get3A_243 : vector<16xf32>
        %get3A_245 = arith.constant 11 : i32
        %get3A_246 = arith.index_cast %scan3A_168 : i32 to index
        %get3A_247 = arith.index_cast %get3A_245 : i32 to index
        %get3A_248 = arith.constant 0 : index
        %get3A_249 = tpu.vector_load %arg4[%get3A_246, %get3A_247, %get3A_248] {strides = array<i32>} : memref<16x16x128xf32, #tpu.memory_space<vmem>>, vector<1x1x16xf32>,
        %get3A_250 = vector.shape_cast %get3A_249 : vector<1x1x16xf32> to vector<16xf32>
        %mul3A_251 = arith.mulf %get3A_250, %get3A_250 : vector<16xf32>
        %get3A_252 = arith.constant 12 : i32
        %get3A_253 = arith.index_cast %scan3A_168 : i32 to index
        %get3A_254 = arith.index_cast %get3A_252 : i32 to index
        %get3A_255 = arith.constant 0 : index
        %get3A_256 = tpu.vector_load %arg4[%get3A_253, %get3A_254, %get3A_255] {strides = array<i32>} : memref<16x16x128xf32, #tpu.memory_space<vmem>>, vector<1x1x16xf32>,
        %get3A_257 = vector.shape_cast %get3A_256 : vector<1x1x16xf32> to vector<16xf32>
        %mul3A_258 = arith.mulf %get3A_257, %get3A_257 : vector<16xf32>
        %get3A_259 = arith.constant 13 : i32
        %get3A_260 = arith.index_cast %scan3A_168 : i32 to index
        %get3A_261 = arith.index_cast %get3A_259 : i32 to index
        %get3A_262 = arith.constant 0 : index
        %get3A_263 = tpu.vector_load %arg4[%get3A_260, %get3A_261, %get3A_262] {strides = array<i32>} : memref<16x16x128xf32, #tpu.memory_space<vmem>>, vector<1x1x16xf32>,
        %get3A_264 = vector.shape_cast %get3A_263 : vector<1x1x16xf32> to vector<16xf32>
        %mul3A_265 = arith.mulf %get3A_264, %get3A_264 : vector<16xf32>
        %get3A_266 = arith.constant 14 : i32
        %get3A_267 = arith.index_cast %scan3A_168 : i32 to index
        %get3A_268 = arith.index_cast %get3A_266 : i32 to index
        %get3A_269 = arith.constant 0 : index
        %get3A_270 = tpu.vector_load %arg4[%get3A_267, %get3A_268, %get3A_269] {strides = array<i32>} : memref<16x16x128xf32, #tpu.memory_space<vmem>>, vector<1x1x16xf32>,
        %get3A_271 = vector.shape_cast %get3A_270 : vector<1x1x16xf32> to vector<16xf32>
        %mul3A_272 = arith.mulf %get3A_271, %get3A_271 : vector<16xf32>
        %get3A_273 = arith.constant 15 : i32
        %get3A_274 = arith.index_cast %scan3A_168 : i32 to index
        %get3A_275 = arith.index_cast %get3A_273 : i32 to index
        %get3A_276 = arith.constant 0 : index
        %get3A_277 = tpu.vector_load %arg4[%get3A_274, %get3A_275, %get3A_276] {strides = array<i32>} : memref<16x16x128xf32, #tpu.memory_space<vmem>>, vector<1x1x16xf32>,
        %get3A_278 = vector.shape_cast %get3A_277 : vector<1x1x16xf32> to vector<16xf32>
        %mul3A_279 = arith.mulf %get3A_278, %get3A_278 : vector<16xf32>
        %add3A_280 = arith.addf %mul3A_181, %mul3A_188 : vector<16xf32>
        %add3A_281 = arith.addf %add3A_280, %mul3A_195 : vector<16xf32>
        %add3A_282 = arith.addf %mul3A_202, %mul3A_209 : vector<16xf32>
        %add3A_283 = arith.addf %mul3A_216, %mul3A_223 : vector<16xf32>
        %add3A_284 = arith.addf %add3A_282, %add3A_283 : vector<16xf32>
        %add3A_285 = arith.addf %add3A_284, %mul3A_230 : vector<16xf32>
        %add3A_286 = arith.addf %mul3A_237, %mul3A_244 : vector<16xf32>
        %add3A_287 = arith.addf %mul3A_251, %mul3A_258 : vector<16xf32>
        %add3A_288 = arith.addf %add3A_286, %add3A_287 : vector<16xf32>
        %add3A_289 = arith.addf %mul3A_265, %mul3A_272 : vector<16xf32>
        %add3A_290 = arith.addf %add3A_289, %mul3A_279 : vector<16xf32>
        %add3A_291 = arith.addf %add3A_288, %add3A_290 : vector<16xf32>
        %swap3A = arith.constant 0 : i32
        %swap3A_292 = arith.index_cast %scan3A_168 : i32 to index
        %swap3A_293 = arith.index_cast %swap3A : i32 to index
        %swap3A_294 = arith.constant 0 : index
        %swap3A_295 = tpu.vector_load %arg6[%swap3A_292, %swap3A_293, %swap3A_294] {strides = array<i32>} : memref<16x4x128xf32, #tpu.memory_space<vmem>>, vector<1x1x16xf32>,
        %swap3A_296 = vector.shape_cast %swap3A_295 : vector<1x1x16xf32> to vector<16xf32>
        %swap3A_297 = vector.shape_cast %mul3A_174 : vector<16xf32> to vector<1x1x16xf32>
        tpu.vector_store %arg6[%swap3A_292, %swap3A_293, %swap3A_294], %swap3A_297 {strides = array<i32>} : memref<16x4x128xf32, #tpu.memory_space<vmem>>, vector<1x1x16xf32>,
        %mul3A_298 = arith.constant 0.333333343 : f32
        %mul3A_299 = vector.broadcast %mul3A_298 : f32 to vector<16xf32>
        %mul3A_300 = arith.mulf %add3A_281, %mul3A_299 : vector<16xf32>
        %swap3A_301 = arith.constant 1 : i32
        %swap3A_302 = arith.index_cast %scan3A_168 : i32 to index
        %swap3A_303 = arith.index_cast %swap3A_301 : i32 to index
        %swap3A_304 = arith.constant 0 : index
        %swap3A_305 = tpu.vector_load %arg6[%swap3A_302, %swap3A_303, %swap3A_304] {strides = array<i32>} : memref<16x4x128xf32, #tpu.memory_space<vmem>>, vector<1x1x16xf32>,
        %swap3A_306 = vector.shape_cast %swap3A_305 : vector<1x1x16xf32> to vector<16xf32>
        %swap3A_307 = vector.shape_cast %mul3A_300 : vector<16xf32> to vector<1x1x16xf32>
        tpu.vector_store %arg6[%swap3A_302, %swap3A_303, %swap3A_304], %swap3A_307 {strides = array<i32>} : memref<16x4x128xf32, #tpu.memory_space<vmem>>, vector<1x1x16xf32>,
        %mul3A_308 = arith.constant 2.000000e-01 : f32
        %mul3A_309 = vector.broadcast %mul3A_308 : f32 to vector<16xf32>
        %mul3A_310 = arith.mulf %add3A_285, %mul3A_309 : vector<16xf32>
        %swap3A_311 = arith.constant 2 : i32
        %swap3A_312 = arith.index_cast %scan3A_168 : i32 to index
        %swap3A_313 = arith.index_cast %swap3A_311 : i32 to index
        %swap3A_314 = arith.constant 0 : index
        %swap3A_315 = tpu.vector_load %arg6[%swap3A_312, %swap3A_313, %swap3A_314] {strides = array<i32>} : memref<16x4x128xf32, #tpu.memory_space<vmem>>, vector<1x1x16xf32>,
        %swap3A_316 = vector.shape_cast %swap3A_315 : vector<1x1x16xf32> to vector<16xf32>
        %swap3A_317 = vector.shape_cast %mul3A_310 : vector<16xf32> to vector<1x1x16xf32>
        tpu.vector_store %arg6[%swap3A_312, %swap3A_313, %swap3A_314], %swap3A_317 {strides = array<i32>} : memref<16x4x128xf32, #tpu.memory_space<vmem>>, vector<1x1x16xf32>,
        %mul3A_318 = arith.constant 0.142857149 : f32
        %mul3A_319 = vector.broadcast %mul3A_318 : f32 to vector<16xf32>
        %mul3A_320 = arith.mulf %add3A_291, %mul3A_319 : vector<16xf32>
        %swap3A_321 = arith.constant 3 : i32
        %swap3A_322 = arith.index_cast %scan3A_168 : i32 to index
        %swap3A_323 = arith.index_cast %swap3A_321 : i32 to index
        %swap3A_324 = arith.constant 0 : index
        %swap3A_325 = tpu.vector_load %arg6[%swap3A_322, %swap3A_323, %swap3A_324] {strides = array<i32>} : memref<16x4x128xf32, #tpu.memory_space<vmem>>, vector<1x1x16xf32>,
        %swap3A_326 = vector.shape_cast %swap3A_325 : vector<1x1x16xf32> to vector<16xf32>
        %swap3A_327 = vector.shape_cast %mul3A_320 : vector<16xf32> to vector<1x1x16xf32>
        tpu.vector_store %arg6[%swap3A_322, %swap3A_323, %swap3A_324], %swap3A_327 {strides = array<i32>} : memref<16x4x128xf32, #tpu.memory_space<vmem>>, vector<1x1x16xf32>,
        %get3A_328 = arith.constant 0 : i32
        %get3A_329 = arith.index_cast %scan3A_168 : i32 to index
        %get3A_330 = arith.index_cast %get3A_328 : i32 to index
        %get3A_331 = arith.constant 16 : index
        %get3A_332 = tpu.vector_load %arg4[%get3A_329, %get3A_330, %get3A_331] {strides = array<i32>} : memref<16x16x128xf32, #tpu.memory_space<vmem>>, vector<1x1x16xf32>,
        %get3A_333 = vector.shape_cast %get3A_332 : vector<1x1x16xf32> to vector<16xf32>
        %mul3A_334 = arith.mulf %get3A_333, %get3A_333 : vector<16xf32>
        %get3A_335 = arith.constant 1 : i32
        %get3A_336 = arith.index_cast %scan3A_168 : i32 to index
        %get3A_337 = arith.index_cast %get3A_335 : i32 to index
        %get3A_338 = arith.constant 16 : index
        %get3A_339 = tpu.vector_load %arg4[%get3A_336, %get3A_337, %get3A_338] {strides = array<i32>} : memref<16x16x128xf32, #tpu.memory_space<vmem>>, vector<1x1x16xf32>,
        %get3A_340 = vector.shape_cast %get3A_339 : vector<1x1x16xf32> to vector<16xf32>
        %mul3A_341 = arith.mulf %get3A_340, %get3A_340 : vector<16xf32>
        %get3A_342 = arith.constant 2 : i32
        %get3A_343 = arith.index_cast %scan3A_168 : i32 to index
        %get3A_344 = arith.index_cast %get3A_342 : i32 to index
        %get3A_345 = arith.constant 16 : index
        %get3A_346 = tpu.vector_load %arg4[%get3A_343, %get3A_344, %get3A_345] {strides = array<i32>} : memref<16x16x128xf32, #tpu.memory_space<vmem>>, vector<1x1x16xf32>,
        %get3A_347 = vector.shape_cast %get3A_346 : vector<1x1x16xf32> to vector<16xf32>
        %mul3A_348 = arith.mulf %get3A_347, %get3A_347 : vector<16xf32>
        %get3A_349 = arith.constant 3 : i32
        %get3A_350 = arith.index_cast %scan3A_168 : i32 to index
        %get3A_351 = arith.index_cast %get3A_349 : i32 to index
        %get3A_352 = arith.constant 16 : index
        %get3A_353 = tpu.vector_load %arg4[%get3A_350, %get3A_351, %get3A_352] {strides = array<i32>} : memref<16x16x128xf32, #tpu.memory_space<vmem>>, vector<1x1x16xf32>,
        %get3A_354 = vector.shape_cast %get3A_353 : vector<1x1x16xf32> to vector<16xf32>
        %mul3A_355 = arith.mulf %get3A_354, %get3A_354 : vector<16xf32>
        %get3A_356 = arith.constant 4 : i32
        %get3A_357 = arith.index_cast %scan3A_168 : i32 to index
        %get3A_358 = arith.index_cast %get3A_356 : i32 to index
        %get3A_359 = arith.constant 16 : index
        %get3A_360 = tpu.vector_load %arg4[%get3A_357, %get3A_358, %get3A_359] {strides = array<i32>} : memref<16x16x128xf32, #tpu.memory_space<vmem>>, vector<1x1x16xf32>,
        %get3A_361 = vector.shape_cast %get3A_360 : vector<1x1x16xf32> to vector<16xf32>
        %mul3A_362 = arith.mulf %get3A_361, %get3A_361 : vector<16xf32>
        %get3A_363 = arith.constant 5 : i32
        %get3A_364 = arith.index_cast %scan3A_168 : i32 to index
        %get3A_365 = arith.index_cast %get3A_363 : i32 to index
        %get3A_366 = arith.constant 16 : index
        %get3A_367 = tpu.vector_load %arg4[%get3A_364, %get3A_365, %get3A_366] {strides = array<i32>} : memref<16x16x128xf32, #tpu.memory_space<vmem>>, vector<1x1x16xf32>,
        %get3A_368 = vector.shape_cast %get3A_367 : vector<1x1x16xf32> to vector<16xf32>
        %mul3A_369 = arith.mulf %get3A_368, %get3A_368 : vector<16xf32>
        %get3A_370 = arith.constant 6 : i32
        %get3A_371 = arith.index_cast %scan3A_168 : i32 to index
        %get3A_372 = arith.index_cast %get3A_370 : i32 to index
        %get3A_373 = arith.constant 16 : index
        %get3A_374 = tpu.vector_load %arg4[%get3A_371, %get3A_372, %get3A_373] {strides = array<i32>} : memref<16x16x128xf32, #tpu.memory_space<vmem>>, vector<1x1x16xf32>,
        %get3A_375 = vector.shape_cast %get3A_374 : vector<1x1x16xf32> to vector<16xf32>
        %mul3A_376 = arith.mulf %get3A_375, %get3A_375 : vector<16xf32>
        %get3A_377 = arith.constant 7 : i32
        %get3A_378 = arith.index_cast %scan3A_168 : i32 to index
        %get3A_379 = arith.index_cast %get3A_377 : i32 to index
        %get3A_380 = arith.constant 16 : index
        %get3A_381 = tpu.vector_load %arg4[%get3A_378, %get3A_379, %get3A_380] {strides = array<i32>} : memref<16x16x128xf32, #tpu.memory_space<vmem>>, vector<1x1x16xf32>,
        %get3A_382 = vector.shape_cast %get3A_381 : vector<1x1x16xf32> to vector<16xf32>
        %mul3A_383 = arith.mulf %get3A_382, %get3A_382 : vector<16xf32>
        %get3A_384 = arith.constant 8 : i32
        %get3A_385 = arith.index_cast %scan3A_168 : i32 to index
        %get3A_386 = arith.index_cast %get3A_384 : i32 to index
        %get3A_387 = arith.constant 16 : index
        %get3A_388 = tpu.vector_load %arg4[%get3A_385, %get3A_386, %get3A_387] {strides = array<i32>} : memref<16x16x128xf32, #tpu.memory_space<vmem>>, vector<1x1x16xf32>,
        %get3A_389 = vector.shape_cast %get3A_388 : vector<1x1x16xf32> to vector<16xf32>
        %mul3A_390 = arith.mulf %get3A_389, %get3A_389 : vector<16xf32>
        %get3A_391 = arith.constant 9 : i32
        %get3A_392 = arith.index_cast %scan3A_168 : i32 to index
        %get3A_393 = arith.index_cast %get3A_391 : i32 to index
        %get3A_394 = arith.constant 16 : index
        %get3A_395 = tpu.vector_load %arg4[%get3A_392, %get3A_393, %get3A_394] {strides = array<i32>} : memref<16x16x128xf32, #tpu.memory_space<vmem>>, vector<1x1x16xf32>,
        %get3A_396 = vector.shape_cast %get3A_395 : vector<1x1x16xf32> to vector<16xf32>
        %mul3A_397 = arith.mulf %get3A_396, %get3A_396 : vector<16xf32>
        %get3A_398 = arith.constant 10 : i32
        %get3A_399 = arith.index_cast %scan3A_168 : i32 to index
        %get3A_400 = arith.index_cast %get3A_398 : i32 to index
        %get3A_401 = arith.constant 16 : index
        %get3A_402 = tpu.vector_load %arg4[%get3A_399, %get3A_400, %get3A_401] {strides = array<i32>} : memref<16x16x128xf32, #tpu.memory_space<vmem>>, vector<1x1x16xf32>,
        %get3A_403 = vector.shape_cast %get3A_402 : vector<1x1x16xf32> to vector<16xf32>
        %mul3A_404 = arith.mulf %get3A_403, %get3A_403 : vector<16xf32>
        %get3A_405 = arith.constant 11 : i32
        %get3A_406 = arith.index_cast %scan3A_168 : i32 to index
        %get3A_407 = arith.index_cast %get3A_405 : i32 to index
        %get3A_408 = arith.constant 16 : index
        %get3A_409 = tpu.vector_load %arg4[%get3A_406, %get3A_407, %get3A_408] {strides = array<i32>} : memref<16x16x128xf32, #tpu.memory_space<vmem>>, vector<1x1x16xf32>,
        %get3A_410 = vector.shape_cast %get3A_409 : vector<1x1x16xf32> to vector<16xf32>
        %mul3A_411 = arith.mulf %get3A_410, %get3A_410 : vector<16xf32>
        %get3A_412 = arith.constant 12 : i32
        %get3A_413 = arith.index_cast %scan3A_168 : i32 to index
        %get3A_414 = arith.index_cast %get3A_412 : i32 to index
        %get3A_415 = arith.constant 16 : index
        %get3A_416 = tpu.vector_load %arg4[%get3A_413, %get3A_414, %get3A_415] {strides = array<i32>} : memref<16x16x128xf32, #tpu.memory_space<vmem>>, vector<1x1x16xf32>,
        %get3A_417 = vector.shape_cast %get3A_416 : vector<1x1x16xf32> to vector<16xf32>
        %mul3A_418 = arith.mulf %get3A_417, %get3A_417 : vector<16xf32>
        %get3A_419 = arith.constant 13 : i32
        %get3A_420 = arith.index_cast %scan3A_168 : i32 to index
        %get3A_421 = arith.index_cast %get3A_419 : i32 to index
        %get3A_422 = arith.constant 16 : index
        %get3A_423 = tpu.vector_load %arg4[%get3A_420, %get3A_421, %get3A_422] {strides = array<i32>} : memref<16x16x128xf32, #tpu.memory_space<vmem>>, vector<1x1x16xf32>,
        %get3A_424 = vector.shape_cast %get3A_423 : vector<1x1x16xf32> to vector<16xf32>
        %mul3A_425 = arith.mulf %get3A_424, %get3A_424 : vector<16xf32>
        %get3A_426 = arith.constant 14 : i32
        %get3A_427 = arith.index_cast %scan3A_168 : i32 to index
        %get3A_428 = arith.index_cast %get3A_426 : i32 to index
        %get3A_429 = arith.constant 16 : index
        %get3A_430 = tpu.vector_load %arg4[%get3A_427, %get3A_428, %get3A_429] {strides = array<i32>} : memref<16x16x128xf32, #tpu.memory_space<vmem>>, vector<1x1x16xf32>,
        %get3A_431 = vector.shape_cast %get3A_430 : vector<1x1x16xf32> to vector<16xf32>
        %mul3A_432 = arith.mulf %get3A_431, %get3A_431 : vector<16xf32>
        %get3A_433 = arith.constant 15 : i32
        %get3A_434 = arith.index_cast %scan3A_168 : i32 to index
        %get3A_435 = arith.index_cast %get3A_433 : i32 to index
        %get3A_436 = arith.constant 16 : index
        %get3A_437 = tpu.vector_load %arg4[%get3A_434, %get3A_435, %get3A_436] {strides = array<i32>} : memref<16x16x128xf32, #tpu.memory_space<vmem>>, vector<1x1x16xf32>,
        %get3A_438 = vector.shape_cast %get3A_437 : vector<1x1x16xf32> to vector<16xf32>
        %mul3A_439 = arith.mulf %get3A_438, %get3A_438 : vector<16xf32>
        %add3A_440 = arith.addf %mul3A_341, %mul3A_348 : vector<16xf32>
        %add3A_441 = arith.addf %add3A_440, %mul3A_355 : vector<16xf32>
        %add3A_442 = arith.addf %mul3A_362, %mul3A_369 : vector<16xf32>
        %add3A_443 = arith.addf %mul3A_376, %mul3A_383 : vector<16xf32>
        %add3A_444 = arith.addf %add3A_442, %add3A_443 : vector<16xf32>
        %add3A_445 = arith.addf %add3A_444, %mul3A_390 : vector<16xf32>
        %add3A_446 = arith.addf %mul3A_397, %mul3A_404 : vector<16xf32>
        %add3A_447 = arith.addf %mul3A_411, %mul3A_418 : vector<16xf32>
        %add3A_448 = arith.addf %add3A_446, %add3A_447 : vector<16xf32>
        %add3A_449 = arith.addf %mul3A_425, %mul3A_432 : vector<16xf32>
        %add3A_450 = arith.addf %add3A_449, %mul3A_439 : vector<16xf32>
        %add3A_451 = arith.addf %add3A_448, %add3A_450 : vector<16xf32>
        %swap3A_452 = arith.constant 0 : i32
        %swap3A_453 = arith.index_cast %scan3A_168 : i32 to index
        %swap3A_454 = arith.index_cast %swap3A_452 : i32 to index
        %swap3A_455 = arith.constant 16 : index
        %swap3A_456 = tpu.vector_load %arg6[%swap3A_453, %swap3A_454, %swap3A_455] {strides = array<i32>} : memref<16x4x128xf32, #tpu.memory_space<vmem>>, vector<1x1x16xf32>,
        %swap3A_457 = vector.shape_cast %swap3A_456 : vector<1x1x16xf32> to vector<16xf32>
        %swap3A_458 = vector.shape_cast %mul3A_334 : vector<16xf32> to vector<1x1x16xf32>
        tpu.vector_store %arg6[%swap3A_453, %swap3A_454, %swap3A_455], %swap3A_458 {strides = array<i32>} : memref<16x4x128xf32, #tpu.memory_space<vmem>>, vector<1x1x16xf32>,
        %mul3A_459 = arith.constant 0.333333343 : f32
        %mul3A_460 = vector.broadcast %mul3A_459 : f32 to vector<16xf32>
        %mul3A_461 = arith.mulf %add3A_441, %mul3A_460 : vector<16xf32>
        %swap3A_462 = arith.constant 1 : i32
        %swap3A_463 = arith.index_cast %scan3A_168 : i32 to index
        %swap3A_464 = arith.index_cast %swap3A_462 : i32 to index
        %swap3A_465 = arith.constant 16 : index
        %swap3A_466 = tpu.vector_load %arg6[%swap3A_463, %swap3A_464, %swap3A_465] {strides = array<i32>} : memref<16x4x128xf32, #tpu.memory_space<vmem>>, vector<1x1x16xf32>,
        %swap3A_467 = vector.shape_cast %swap3A_466 : vector<1x1x16xf32> to vector<16xf32>
        %swap3A_468 = vector.shape_cast %mul3A_461 : vector<16xf32> to vector<1x1x16xf32>
        tpu.vector_store %arg6[%swap3A_463, %swap3A_464, %swap3A_465], %swap3A_468 {strides = array<i32>} : memref<16x4x128xf32, #tpu.memory_space<vmem>>, vector<1x1x16xf32>,
        %mul3A_469 = arith.constant 2.000000e-01 : f32
        %mul3A_470 = vector.broadcast %mul3A_469 : f32 to vector<16xf32>
        %mul3A_471 = arith.mulf %add3A_445, %mul3A_470 : vector<16xf32>
        %swap3A_472 = arith.constant 2 : i32
        %swap3A_473 = arith.index_cast %scan3A_168 : i32 to index
        %swap3A_474 = arith.index_cast %swap3A_472 : i32 to index
        %swap3A_475 = arith.constant 16 : index
        %swap3A_476 = tpu.vector_load %arg6[%swap3A_473, %swap3A_474, %swap3A_475] {strides = array<i32>} : memref<16x4x128xf32, #tpu.memory_space<vmem>>, vector<1x1x16xf32>,
        %swap3A_477 = vector.shape_cast %swap3A_476 : vector<1x1x16xf32> to vector<16xf32>
        %swap3A_478 = vector.shape_cast %mul3A_471 : vector<16xf32> to vector<1x1x16xf32>
        tpu.vector_store %arg6[%swap3A_473, %swap3A_474, %swap3A_475], %swap3A_478 {strides = array<i32>} : memref<16x4x128xf32, #tpu.memory_space<vmem>>, vector<1x1x16xf32>,
        %mul3A_479 = arith.constant 0.142857149 : f32
        %mul3A_480 = vector.broadcast %mul3A_479 : f32 to vector<16xf32>
        %mul3A_481 = arith.mulf %add3A_451, %mul3A_480 : vector<16xf32>
        %swap3A_482 = arith.constant 3 : i32
        %swap3A_483 = arith.index_cast %scan3A_168 : i32 to index
        %swap3A_484 = arith.index_cast %swap3A_482 : i32 to index
        %swap3A_485 = arith.constant 16 : index
        %swap3A_486 = tpu.vector_load %arg6[%swap3A_483, %swap3A_484, %swap3A_485] {strides = array<i32>} : memref<16x4x128xf32, #tpu.memory_space<vmem>>, vector<1x1x16xf32>,
        %swap3A_487 = vector.shape_cast %swap3A_486 : vector<1x1x16xf32> to vector<16xf32>
        %swap3A_488 = vector.shape_cast %mul3A_481 : vector<16xf32> to vector<1x1x16xf32>
        tpu.vector_store %arg6[%swap3A_483, %swap3A_484, %swap3A_485], %swap3A_488 {strides = array<i32>} : memref<16x4x128xf32, #tpu.memory_space<vmem>>, vector<1x1x16xf32>,
        %get3A_489 = arith.constant 0 : i32
        %get3A_490 = arith.index_cast %scan3A_168 : i32 to index
        %get3A_491 = arith.index_cast %get3A_489 : i32 to index
        %get3A_492 = arith.constant 32 : index
        %get3A_493 = tpu.vector_load %arg4[%get3A_490, %get3A_491, %get3A_492] {strides = array<i32>} : memref<16x16x128xf32, #tpu.memory_space<vmem>>, vector<1x1x16xf32>,
        %get3A_494 = vector.shape_cast %get3A_493 : vector<1x1x16xf32> to vector<16xf32>
        %mul3A_495 = arith.mulf %get3A_494, %get3A_494 : vector<16xf32>
        %get3A_496 = arith.constant 1 : i32
        %get3A_497 = arith.index_cast %scan3A_168 : i32 to index
        %get3A_498 = arith.index_cast %get3A_496 : i32 to index
        %get3A_499 = arith.constant 32 : index
        %get3A_500 = tpu.vector_load %arg4[%get3A_497, %get3A_498, %get3A_499] {strides = array<i32>} : memref<16x16x128xf32, #tpu.memory_space<vmem>>, vector<1x1x16xf32>,
        %get3A_501 = vector.shape_cast %get3A_500 : vector<1x1x16xf32> to vector<16xf32>
        %mul3A_502 = arith.mulf %get3A_501, %get3A_501 : vector<16xf32>
        %get3A_503 = arith.constant 2 : i32
        %get3A_504 = arith.index_cast %scan3A_168 : i32 to index
        %get3A_505 = arith.index_cast %get3A_503 : i32 to index
        %get3A_506 = arith.constant 32 : index
        %get3A_507 = tpu.vector_load %arg4[%get3A_504, %get3A_505, %get3A_506] {strides = array<i32>} : memref<16x16x128xf32, #tpu.memory_space<vmem>>, vector<1x1x16xf32>,
        %get3A_508 = vector.shape_cast %get3A_507 : vector<1x1x16xf32> to vector<16xf32>
        %mul3A_509 = arith.mulf %get3A_508, %get3A_508 : vector<16xf32>
        %get3A_510 = arith.constant 3 : i32
        %get3A_511 = arith.index_cast %scan3A_168 : i32 to index
        %get3A_512 = arith.index_cast %get3A_510 : i32 to index
        %get3A_513 = arith.constant 32 : index
        %get3A_514 = tpu.vector_load %arg4[%get3A_511, %get3A_512, %get3A_513] {strides = array<i32>} : memref<16x16x128xf32, #tpu.memory_space<vmem>>, vector<1x1x16xf32>,
        %get3A_515 = vector.shape_cast %get3A_514 : vector<1x1x16xf32> to vector<16xf32>
        %mul3A_516 = arith.mulf %get3A_515, %get3A_515 : vector<16xf32>
        %get3A_517 = arith.constant 4 : i32
        %get3A_518 = arith.index_cast %scan3A_168 : i32 to index
        %get3A_519 = arith.index_cast %get3A_517 : i32 to index
        %get3A_520 = arith.constant 32 : index
        %get3A_521 = tpu.vector_load %arg4[%get3A_518, %get3A_519, %get3A_520] {strides = array<i32>} : memref<16x16x128xf32, #tpu.memory_space<vmem>>, vector<1x1x16xf32>,
        %get3A_522 = vector.shape_cast %get3A_521 : vector<1x1x16xf32> to vector<16xf32>
        %mul3A_523 = arith.mulf %get3A_522, %get3A_522 : vector<16xf32>
        %get3A_524 = arith.constant 5 : i32
        %get3A_525 = arith.index_cast %scan3A_168 : i32 to index
        %get3A_526 = arith.index_cast %get3A_524 : i32 to index
        %get3A_527 = arith.constant 32 : index
        %get3A_528 = tpu.vector_load %arg4[%get3A_525, %get3A_526, %get3A_527] {strides = array<i32>} : memref<16x16x128xf32, #tpu.memory_space<vmem>>, vector<1x1x16xf32>,
        %get3A_529 = vector.shape_cast %get3A_528 : vector<1x1x16xf32> to vector<16xf32>
        %mul3A_530 = arith.mulf %get3A_529, %get3A_529 : vector<16xf32>
        %get3A_531 = arith.constant 6 : i32
        %get3A_532 = arith.index_cast %scan3A_168 : i32 to index
        %get3A_533 = arith.index_cast %get3A_531 : i32 to index
        %get3A_534 = arith.constant 32 : index
        %get3A_535 = tpu.vector_load %arg4[%get3A_532, %get3A_533, %get3A_534] {strides = array<i32>} : memref<16x16x128xf32, #tpu.memory_space<vmem>>, vector<1x1x16xf32>,
        %get3A_536 = vector.shape_cast %get3A_535 : vector<1x1x16xf32> to vector<16xf32>
        %mul3A_537 = arith.mulf %get3A_536, %get3A_536 : vector<16xf32>
        %get3A_538 = arith.constant 7 : i32
        %get3A_539 = arith.index_cast %scan3A_168 : i32 to index
        %get3A_540 = arith.index_cast %get3A_538 : i32 to index
        %get3A_541 = arith.constant 32 : index
        %get3A_542 = tpu.vector_load %arg4[%get3A_539, %get3A_540, %get3A_541] {strides = array<i32>} : memref<16x16x128xf32, #tpu.memory_space<vmem>>, vector<1x1x16xf32>,
        %get3A_543 = vector.shape_cast %get3A_542 : vector<1x1x16xf32> to vector<16xf32>
        %mul3A_544 = arith.mulf %get3A_543, %get3A_543 : vector<16xf32>
        %get3A_545 = arith.constant 8 : i32
        %get3A_546 = arith.index_cast %scan3A_168 : i32 to index
        %get3A_547 = arith.index_cast %get3A_545 : i32 to index
        %get3A_548 = arith.constant 32 : index
        %get3A_549 = tpu.vector_load %arg4[%get3A_546, %get3A_547, %get3A_548] {strides = array<i32>} : memref<16x16x128xf32, #tpu.memory_space<vmem>>, vector<1x1x16xf32>,
        %get3A_550 = vector.shape_cast %get3A_549 : vector<1x1x16xf32> to vector<16xf32>
        %mul3A_551 = arith.mulf %get3A_550, %get3A_550 : vector<16xf32>
        %get3A_552 = arith.constant 9 : i32
        %get3A_553 = arith.index_cast %scan3A_168 : i32 to index
        %get3A_554 = arith.index_cast %get3A_552 : i32 to index
        %get3A_555 = arith.constant 32 : index
        %get3A_556 = tpu.vector_load %arg4[%get3A_553, %get3A_554, %get3A_555] {strides = array<i32>} : memref<16x16x128xf32, #tpu.memory_space<vmem>>, vector<1x1x16xf32>,
        %get3A_557 = vector.shape_cast %get3A_556 : vector<1x1x16xf32> to vector<16xf32>
        %mul3A_558 = arith.mulf %get3A_557, %get3A_557 : vector<16xf32>
        %get3A_559 = arith.constant 10 : i32
        %get3A_560 = arith.index_cast %scan3A_168 : i32 to index
        %get3A_561 = arith.index_cast %get3A_559 : i32 to index
        %get3A_562 = arith.constant 32 : index
        %get3A_563 = tpu.vector_load %arg4[%get3A_560, %get3A_561, %get3A_562] {strides = array<i32>} : memref<16x16x128xf32, #tpu.memory_space<vmem>>, vector<1x1x16xf32>,
        %get3A_564 = vector.shape_cast %get3A_563 : vector<1x1x16xf32> to vector<16xf32>
        %mul3A_565 = arith.mulf %get3A_564, %get3A_564 : vector<16xf32>
        %get3A_566 = arith.constant 11 : i32
        %get3A_567 = arith.index_cast %scan3A_168 : i32 to index
        %get3A_568 = arith.index_cast %get3A_566 : i32 to index
        %get3A_569 = arith.constant 32 : index
        %get3A_570 = tpu.vector_load %arg4[%get3A_567, %get3A_568, %get3A_569] {strides = array<i32>} : memref<16x16x128xf32, #tpu.memory_space<vmem>>, vector<1x1x16xf32>,
        %get3A_571 = vector.shape_cast %get3A_570 : vector<1x1x16xf32> to vector<16xf32>
        %mul3A_572 = arith.mulf %get3A_571, %get3A_571 : vector<16xf32>
        %get3A_573 = arith.constant 12 : i32
        %get3A_574 = arith.index_cast %scan3A_168 : i32 to index
        %get3A_575 = arith.index_cast %get3A_573 : i32 to index
        %get3A_576 = arith.constant 32 : index
        %get3A_577 = tpu.vector_load %arg4[%get3A_574, %get3A_575, %get3A_576] {strides = array<i32>} : memref<16x16x128xf32, #tpu.memory_space<vmem>>, vector<1x1x16xf32>,
        %get3A_578 = vector.shape_cast %get3A_577 : vector<1x1x16xf32> to vector<16xf32>
        %mul3A_579 = arith.mulf %get3A_578, %get3A_578 : vector<16xf32>
        %get3A_580 = arith.constant 13 : i32
        %get3A_581 = arith.index_cast %scan3A_168 : i32 to index
        %get3A_582 = arith.index_cast %get3A_580 : i32 to index
        %get3A_583 = arith.constant 32 : index
        %get3A_584 = tpu.vector_load %arg4[%get3A_581, %get3A_582, %get3A_583] {strides = array<i32>} : memref<16x16x128xf32, #tpu.memory_space<vmem>>, vector<1x1x16xf32>,
        %get3A_585 = vector.shape_cast %get3A_584 : vector<1x1x16xf32> to vector<16xf32>
        %mul3A_586 = arith.mulf %get3A_585, %get3A_585 : vector<16xf32>
        %get3A_587 = arith.constant 14 : i32
        %get3A_588 = arith.index_cast %scan3A_168 : i32 to index
        %get3A_589 = arith.index_cast %get3A_587 : i32 to index
        %get3A_590 = arith.constant 32 : index
        %get3A_591 = tpu.vector_load %arg4[%get3A_588, %get3A_589, %get3A_590] {strides = array<i32>} : memref<16x16x128xf32, #tpu.memory_space<vmem>>, vector<1x1x16xf32>,
        %get3A_592 = vector.shape_cast %get3A_591 : vector<1x1x16xf32> to vector<16xf32>
        %mul3A_593 = arith.mulf %get3A_592, %get3A_592 : vector<16xf32>
        %get3A_594 = arith.constant 15 : i32
        %get3A_595 = arith.index_cast %scan3A_168 : i32 to index
        %get3A_596 = arith.index_cast %get3A_594 : i32 to index
        %get3A_597 = arith.constant 32 : index
        %get3A_598 = tpu.vector_load %arg4[%get3A_595, %get3A_596, %get3A_597] {strides = array<i32>} : memref<16x16x128xf32, #tpu.memory_space<vmem>>, vector<1x1x16xf32>,
        %get3A_599 = vector.shape_cast %get3A_598 : vector<1x1x16xf32> to vector<16xf32>
        %mul3A_600 = arith.mulf %get3A_599, %get3A_599 : vector<16xf32>
        %add3A_601 = arith.addf %mul3A_502, %mul3A_509 : vector<16xf32>
        %add3A_602 = arith.addf %add3A_601, %mul3A_516 : vector<16xf32>
        %add3A_603 = arith.addf %mul3A_523, %mul3A_530 : vector<16xf32>
        %add3A_604 = arith.addf %mul3A_537, %mul3A_544 : vector<16xf32>
        %add3A_605 = arith.addf %add3A_603, %add3A_604 : vector<16xf32>
        %add3A_606 = arith.addf %add3A_605, %mul3A_551 : vector<16xf32>
        %add3A_607 = arith.addf %mul3A_558, %mul3A_565 : vector<16xf32>
        %add3A_608 = arith.addf %mul3A_572, %mul3A_579 : vector<16xf32>
        %add3A_609 = arith.addf %add3A_607, %add3A_608 : vector<16xf32>
        %add3A_610 = arith.addf %mul3A_586, %mul3A_593 : vector<16xf32>
        %add3A_611 = arith.addf %add3A_610, %mul3A_600 : vector<16xf32>
        %add3A_612 = arith.addf %add3A_609, %add3A_611 : vector<16xf32>
        %swap3A_613 = arith.constant 0 : i32
        %swap3A_614 = arith.index_cast %scan3A_168 : i32 to index
        %swap3A_615 = arith.index_cast %swap3A_613 : i32 to index
        %swap3A_616 = arith.constant 32 : index
        %swap3A_617 = tpu.vector_load %arg6[%swap3A_614, %swap3A_615, %swap3A_616] {strides = array<i32>} : memref<16x4x128xf32, #tpu.memory_space<vmem>>, vector<1x1x16xf32>,
        %swap3A_618 = vector.shape_cast %swap3A_617 : vector<1x1x16xf32> to vector<16xf32>
        %swap3A_619 = vector.shape_cast %mul3A_495 : vector<16xf32> to vector<1x1x16xf32>
        tpu.vector_store %arg6[%swap3A_614, %swap3A_615, %swap3A_616], %swap3A_619 {strides = array<i32>} : memref<16x4x128xf32, #tpu.memory_space<vmem>>, vector<1x1x16xf32>,
        %mul3A_620 = arith.constant 0.333333343 : f32
        %mul3A_621 = vector.broadcast %mul3A_620 : f32 to vector<16xf32>
        %mul3A_622 = arith.mulf %add3A_602, %mul3A_621 : vector<16xf32>
        %swap3A_623 = arith.constant 1 : i32
        %swap3A_624 = arith.index_cast %scan3A_168 : i32 to index
        %swap3A_625 = arith.index_cast %swap3A_623 : i32 to index
        %swap3A_626 = arith.constant 32 : index
        %swap3A_627 = tpu.vector_load %arg6[%swap3A_624, %swap3A_625, %swap3A_626] {strides = array<i32>} : memref<16x4x128xf32, #tpu.memory_space<vmem>>, vector<1x1x16xf32>,
        %swap3A_628 = vector.shape_cast %swap3A_627 : vector<1x1x16xf32> to vector<16xf32>
        %swap3A_629 = vector.shape_cast %mul3A_622 : vector<16xf32> to vector<1x1x16xf32>
        tpu.vector_store %arg6[%swap3A_624, %swap3A_625, %swap3A_626], %swap3A_629 {strides = array<i32>} : memref<16x4x128xf32, #tpu.memory_space<vmem>>, vector<1x1x16xf32>,
        %mul3A_630 = arith.constant 2.000000e-01 : f32
        %mul3A_631 = vector.broadcast %mul3A_630 : f32 to vector<16xf32>
        %mul3A_632 = arith.mulf %add3A_606, %mul3A_631 : vector<16xf32>
        %swap3A_633 = arith.constant 2 : i32
        %swap3A_634 = arith.index_cast %scan3A_168 : i32 to index
        %swap3A_635 = arith.index_cast %swap3A_633 : i32 to index
        %swap3A_636 = arith.constant 32 : index
        %swap3A_637 = tpu.vector_load %arg6[%swap3A_634, %swap3A_635, %swap3A_636] {strides = array<i32>} : memref<16x4x128xf32, #tpu.memory_space<vmem>>, vector<1x1x16xf32>,
        %swap3A_638 = vector.shape_cast %swap3A_637 : vector<1x1x16xf32> to vector<16xf32>
        %swap3A_639 = vector.shape_cast %mul3A_632 : vector<16xf32> to vector<1x1x16xf32>
        tpu.vector_store %arg6[%swap3A_634, %swap3A_635, %swap3A_636], %swap3A_639 {strides = array<i32>} : memref<16x4x128xf32, #tpu.memory_space<vmem>>, vector<1x1x16xf32>,
        %mul3A_640 = arith.constant 0.142857149 : f32
        %mul3A_641 = vector.broadcast %mul3A_640 : f32 to vector<16xf32>
        %mul3A_642 = arith.mulf %add3A_612, %mul3A_641 : vector<16xf32>
        %swap3A_643 = arith.constant 3 : i32
        %swap3A_644 = arith.index_cast %scan3A_168 : i32 to index
        %swap3A_645 = arith.index_cast %swap3A_643 : i32 to index
        %swap3A_646 = arith.constant 32 : index
        %swap3A_647 = tpu.vector_load %arg6[%swap3A_644, %swap3A_645, %swap3A_646] {strides = array<i32>} : memref<16x4x128xf32, #tpu.memory_space<vmem>>, vector<1x1x16xf32>,
        %swap3A_648 = vector.shape_cast %swap3A_647 : vector<1x1x16xf32> to vector<16xf32>
        %swap3A_649 = vector.shape_cast %mul3A_642 : vector<16xf32> to vector<1x1x16xf32>
        tpu.vector_store %arg6[%swap3A_644, %swap3A_645, %swap3A_646], %swap3A_649 {strides = array<i32>} : memref<16x4x128xf32, #tpu.memory_space<vmem>>, vector<1x1x16xf32>,
        %get3A_650 = arith.constant 0 : i32
        %get3A_651 = arith.index_cast %scan3A_168 : i32 to index
        %get3A_652 = arith.index_cast %get3A_650 : i32 to index
        %get3A_653 = arith.constant 48 : index
        %get3A_654 = tpu.vector_load %arg4[%get3A_651, %get3A_652, %get3A_653] {strides = array<i32>} : memref<16x16x128xf32, #tpu.memory_space<vmem>>, vector<1x1x16xf32>,
        %get3A_655 = vector.shape_cast %get3A_654 : vector<1x1x16xf32> to vector<16xf32>
        %mul3A_656 = arith.mulf %get3A_655, %get3A_655 : vector<16xf32>
        %get3A_657 = arith.constant 1 : i32
        %get3A_658 = arith.index_cast %scan3A_168 : i32 to index
        %get3A_659 = arith.index_cast %get3A_657 : i32 to index
        %get3A_660 = arith.constant 48 : index
        %get3A_661 = tpu.vector_load %arg4[%get3A_658, %get3A_659, %get3A_660] {strides = array<i32>} : memref<16x16x128xf32, #tpu.memory_space<vmem>>, vector<1x1x16xf32>,
        %get3A_662 = vector.shape_cast %get3A_661 : vector<1x1x16xf32> to vector<16xf32>
        %mul3A_663 = arith.mulf %get3A_662, %get3A_662 : vector<16xf32>
        %get3A_664 = arith.constant 2 : i32
        %get3A_665 = arith.index_cast %scan3A_168 : i32 to index
        %get3A_666 = arith.index_cast %get3A_664 : i32 to index
        %get3A_667 = arith.constant 48 : index
        %get3A_668 = tpu.vector_load %arg4[%get3A_665, %get3A_666, %get3A_667] {strides = array<i32>} : memref<16x16x128xf32, #tpu.memory_space<vmem>>, vector<1x1x16xf32>,
        %get3A_669 = vector.shape_cast %get3A_668 : vector<1x1x16xf32> to vector<16xf32>
        %mul3A_670 = arith.mulf %get3A_669, %get3A_669 : vector<16xf32>
        %get3A_671 = arith.constant 3 : i32
        %get3A_672 = arith.index_cast %scan3A_168 : i32 to index
        %get3A_673 = arith.index_cast %get3A_671 : i32 to index
        %get3A_674 = arith.constant 48 : index
        %get3A_675 = tpu.vector_load %arg4[%get3A_672, %get3A_673, %get3A_674] {strides = array<i32>} : memref<16x16x128xf32, #tpu.memory_space<vmem>>, vector<1x1x16xf32>,
        %get3A_676 = vector.shape_cast %get3A_675 : vector<1x1x16xf32> to vector<16xf32>
        %mul3A_677 = arith.mulf %get3A_676, %get3A_676 : vector<16xf32>
        %get3A_678 = arith.constant 4 : i32
        %get3A_679 = arith.index_cast %scan3A_168 : i32 to index
        %get3A_680 = arith.index_cast %get3A_678 : i32 to index
        %get3A_681 = arith.constant 48 : index
        %get3A_682 = tpu.vector_load %arg4[%get3A_679, %get3A_680, %get3A_681] {strides = array<i32>} : memref<16x16x128xf32, #tpu.memory_space<vmem>>, vector<1x1x16xf32>,
        %get3A_683 = vector.shape_cast %get3A_682 : vector<1x1x16xf32> to vector<16xf32>
        %mul3A_684 = arith.mulf %get3A_683, %get3A_683 : vector<16xf32>
        %get3A_685 = arith.constant 5 : i32
        %get3A_686 = arith.index_cast %scan3A_168 : i32 to index
        %get3A_687 = arith.index_cast %get3A_685 : i32 to index
        %get3A_688 = arith.constant 48 : index
        %get3A_689 = tpu.vector_load %arg4[%get3A_686, %get3A_687, %get3A_688] {strides = array<i32>} : memref<16x16x128xf32, #tpu.memory_space<vmem>>, vector<1x1x16xf32>,
        %get3A_690 = vector.shape_cast %get3A_689 : vector<1x1x16xf32> to vector<16xf32>
        %mul3A_691 = arith.mulf %get3A_690, %get3A_690 : vector<16xf32>
        %get3A_692 = arith.constant 6 : i32
        %get3A_693 = arith.index_cast %scan3A_168 : i32 to index
        %get3A_694 = arith.index_cast %get3A_692 : i32 to index
        %get3A_695 = arith.constant 48 : index
        %get3A_696 = tpu.vector_load %arg4[%get3A_693, %get3A_694, %get3A_695] {strides = array<i32>} : memref<16x16x128xf32, #tpu.memory_space<vmem>>, vector<1x1x16xf32>,
        %get3A_697 = vector.shape_cast %get3A_696 : vector<1x1x16xf32> to vector<16xf32>
        %mul3A_698 = arith.mulf %get3A_697, %get3A_697 : vector<16xf32>
        %get3A_699 = arith.constant 7 : i32
        %get3A_700 = arith.index_cast %scan3A_168 : i32 to index
        %get3A_701 = arith.index_cast %get3A_699 : i32 to index
        %get3A_702 = arith.constant 48 : index
        %get3A_703 = tpu.vector_load %arg4[%get3A_700, %get3A_701, %get3A_702] {strides = array<i32>} : memref<16x16x128xf32, #tpu.memory_space<vmem>>, vector<1x1x16xf32>,
        %get3A_704 = vector.shape_cast %get3A_703 : vector<1x1x16xf32> to vector<16xf32>
        %mul3A_705 = arith.mulf %get3A_704, %get3A_704 : vector<16xf32>
        %get3A_706 = arith.constant 8 : i32
        %get3A_707 = arith.index_cast %scan3A_168 : i32 to index
        %get3A_708 = arith.index_cast %get3A_706 : i32 to index
        %get3A_709 = arith.constant 48 : index
        %get3A_710 = tpu.vector_load %arg4[%get3A_707, %get3A_708, %get3A_709] {strides = array<i32>} : memref<16x16x128xf32, #tpu.memory_space<vmem>>, vector<1x1x16xf32>,
        %get3A_711 = vector.shape_cast %get3A_710 : vector<1x1x16xf32> to vector<16xf32>
        %mul3A_712 = arith.mulf %get3A_711, %get3A_711 : vector<16xf32>
        %get3A_713 = arith.constant 9 : i32
        %get3A_714 = arith.index_cast %scan3A_168 : i32 to index
        %get3A_715 = arith.index_cast %get3A_713 : i32 to index
        %get3A_716 = arith.constant 48 : index
        %get3A_717 = tpu.vector_load %arg4[%get3A_714, %get3A_715, %get3A_716] {strides = array<i32>} : memref<16x16x128xf32, #tpu.memory_space<vmem>>, vector<1x1x16xf32>,
        %get3A_718 = vector.shape_cast %get3A_717 : vector<1x1x16xf32> to vector<16xf32>
        %mul3A_719 = arith.mulf %get3A_718, %get3A_718 : vector<16xf32>
        %get3A_720 = arith.constant 10 : i32
        %get3A_721 = arith.index_cast %scan3A_168 : i32 to index
        %get3A_722 = arith.index_cast %get3A_720 : i32 to index
        %get3A_723 = arith.constant 48 : index
        %get3A_724 = tpu.vector_load %arg4[%get3A_721, %get3A_722, %get3A_723] {strides = array<i32>} : memref<16x16x128xf32, #tpu.memory_space<vmem>>, vector<1x1x16xf32>,
        %get3A_725 = vector.shape_cast %get3A_724 : vector<1x1x16xf32> to vector<16xf32>
        %mul3A_726 = arith.mulf %get3A_725, %get3A_725 : vector<16xf32>
        %get3A_727 = arith.constant 11 : i32
        %get3A_728 = arith.index_cast %scan3A_168 : i32 to index
        %get3A_729 = arith.index_cast %get3A_727 : i32 to index
        %get3A_730 = arith.constant 48 : index
        %get3A_731 = tpu.vector_load %arg4[%get3A_728, %get3A_729, %get3A_730] {strides = array<i32>} : memref<16x16x128xf32, #tpu.memory_space<vmem>>, vector<1x1x16xf32>,
        %get3A_732 = vector.shape_cast %get3A_731 : vector<1x1x16xf32> to vector<16xf32>
        %mul3A_733 = arith.mulf %get3A_732, %get3A_732 : vector<16xf32>
        %get3A_734 = arith.constant 12 : i32
        %get3A_735 = arith.index_cast %scan3A_168 : i32 to index
        %get3A_736 = arith.index_cast %get3A_734 : i32 to index
        %get3A_737 = arith.constant 48 : index
        %get3A_738 = tpu.vector_load %arg4[%get3A_735, %get3A_736, %get3A_737] {strides = array<i32>} : memref<16x16x128xf32, #tpu.memory_space<vmem>>, vector<1x1x16xf32>,
        %get3A_739 = vector.shape_cast %get3A_738 : vector<1x1x16xf32> to vector<16xf32>
        %mul3A_740 = arith.mulf %get3A_739, %get3A_739 : vector<16xf32>
        %get3A_741 = arith.constant 13 : i32
        %get3A_742 = arith.index_cast %scan3A_168 : i32 to index
        %get3A_743 = arith.index_cast %get3A_741 : i32 to index
        %get3A_744 = arith.constant 48 : index
        %get3A_745 = tpu.vector_load %arg4[%get3A_742, %get3A_743, %get3A_744] {strides = array<i32>} : memref<16x16x128xf32, #tpu.memory_space<vmem>>, vector<1x1x16xf32>,
        %get3A_746 = vector.shape_cast %get3A_745 : vector<1x1x16xf32> to vector<16xf32>
        %mul3A_747 = arith.mulf %get3A_746, %get3A_746 : vector<16xf32>
        %get3A_748 = arith.constant 14 : i32
        %get3A_749 = arith.index_cast %scan3A_168 : i32 to index
        %get3A_750 = arith.index_cast %get3A_748 : i32 to index
        %get3A_751 = arith.constant 48 : index
        %get3A_752 = tpu.vector_load %arg4[%get3A_749, %get3A_750, %get3A_751] {strides = array<i32>} : memref<16x16x128xf32, #tpu.memory_space<vmem>>, vector<1x1x16xf32>,
        %get3A_753 = vector.shape_cast %get3A_752 : vector<1x1x16xf32> to vector<16xf32>
        %mul3A_754 = arith.mulf %get3A_753, %get3A_753 : vector<16xf32>
        %get3A_755 = arith.constant 15 : i32
        %get3A_756 = arith.index_cast %scan3A_168 : i32 to index
        %get3A_757 = arith.index_cast %get3A_755 : i32 to index
        %get3A_758 = arith.constant 48 : index
        %get3A_759 = tpu.vector_load %arg4[%get3A_756, %get3A_757, %get3A_758] {strides = array<i32>} : memref<16x16x128xf32, #tpu.memory_space<vmem>>, vector<1x1x16xf32>,
        %get3A_760 = vector.shape_cast %get3A_759 : vector<1x1x16xf32> to vector<16xf32>
        %mul3A_761 = arith.mulf %get3A_760, %get3A_760 : vector<16xf32>
        %add3A_762 = arith.addf %mul3A_663, %mul3A_670 : vector<16xf32>
        %add3A_763 = arith.addf %add3A_762, %mul3A_677 : vector<16xf32>
        %add3A_764 = arith.addf %mul3A_684, %mul3A_691 : vector<16xf32>
        %add3A_765 = arith.addf %mul3A_698, %mul3A_705 : vector<16xf32>
        %add3A_766 = arith.addf %add3A_764, %add3A_765 : vector<16xf32>
        %add3A_767 = arith.addf %add3A_766, %mul3A_712 : vector<16xf32>
        %add3A_768 = arith.addf %mul3A_719, %mul3A_726 : vector<16xf32>
        %add3A_769 = arith.addf %mul3A_733, %mul3A_740 : vector<16xf32>
        %add3A_770 = arith.addf %add3A_768, %add3A_769 : vector<16xf32>
        %add3A_771 = arith.addf %mul3A_747, %mul3A_754 : vector<16xf32>
        %add3A_772 = arith.addf %add3A_771, %mul3A_761 : vector<16xf32>
        %add3A_773 = arith.addf %add3A_770, %add3A_772 : vector<16xf32>
        %swap3A_774 = arith.constant 0 : i32
        %swap3A_775 = arith.index_cast %scan3A_168 : i32 to index
        %swap3A_776 = arith.index_cast %swap3A_774 : i32 to index
        %swap3A_777 = arith.constant 48 : index
        %swap3A_778 = tpu.vector_load %arg6[%swap3A_775, %swap3A_776, %swap3A_777] {strides = array<i32>} : memref<16x4x128xf32, #tpu.memory_space<vmem>>, vector<1x1x16xf32>,
        %swap3A_779 = vector.shape_cast %swap3A_778 : vector<1x1x16xf32> to vector<16xf32>
        %swap3A_780 = vector.shape_cast %mul3A_656 : vector<16xf32> to vector<1x1x16xf32>
        tpu.vector_store %arg6[%swap3A_775, %swap3A_776, %swap3A_777], %swap3A_780 {strides = array<i32>} : memref<16x4x128xf32, #tpu.memory_space<vmem>>, vector<1x1x16xf32>,
        %mul3A_781 = arith.constant 0.333333343 : f32
        %mul3A_782 = vector.broadcast %mul3A_781 : f32 to vector<16xf32>
        %mul3A_783 = arith.mulf %add3A_763, %mul3A_782 : vector<16xf32>
        %swap3A_784 = arith.constant 1 : i32
        %swap3A_785 = arith.index_cast %scan3A_168 : i32 to index
        %swap3A_786 = arith.index_cast %swap3A_784 : i32 to index
        %swap3A_787 = arith.constant 48 : index
        %swap3A_788 = tpu.vector_load %arg6[%swap3A_785, %swap3A_786, %swap3A_787] {strides = array<i32>} : memref<16x4x128xf32, #tpu.memory_space<vmem>>, vector<1x1x16xf32>,
        %swap3A_789 = vector.shape_cast %swap3A_788 : vector<1x1x16xf32> to vector<16xf32>
        %swap3A_790 = vector.shape_cast %mul3A_783 : vector<16xf32> to vector<1x1x16xf32>
        tpu.vector_store %arg6[%swap3A_785, %swap3A_786, %swap3A_787], %swap3A_790 {strides = array<i32>} : memref<16x4x128xf32, #tpu.memory_space<vmem>>, vector<1x1x16xf32>,
        %mul3A_791 = arith.constant 2.000000e-01 : f32
        %mul3A_792 = vector.broadcast %mul3A_791 : f32 to vector<16xf32>
        %mul3A_793 = arith.mulf %add3A_767, %mul3A_792 : vector<16xf32>
        %swap3A_794 = arith.constant 2 : i32
        %swap3A_795 = arith.index_cast %scan3A_168 : i32 to index
        %swap3A_796 = arith.index_cast %swap3A_794 : i32 to index
        %swap3A_797 = arith.constant 48 : index
        %swap3A_798 = tpu.vector_load %arg6[%swap3A_795, %swap3A_796, %swap3A_797] {strides = array<i32>} : memref<16x4x128xf32, #tpu.memory_space<vmem>>, vector<1x1x16xf32>,
        %swap3A_799 = vector.shape_cast %swap3A_798 : vector<1x1x16xf32> to vector<16xf32>
        %swap3A_800 = vector.shape_cast %mul3A_793 : vector<16xf32> to vector<1x1x16xf32>
        tpu.vector_store %arg6[%swap3A_795, %swap3A_796, %swap3A_797], %swap3A_800 {strides = array<i32>} : memref<16x4x128xf32, #tpu.memory_space<vmem>>, vector<1x1x16xf32>,
        %mul3A_801 = arith.constant 0.142857149 : f32
        %mul3A_802 = vector.broadcast %mul3A_801 : f32 to vector<16xf32>
        %mul3A_803 = arith.mulf %add3A_773, %mul3A_802 : vector<16xf32>
        %swap3A_804 = arith.constant 3 : i32
        %swap3A_805 = arith.index_cast %scan3A_168 : i32 to index
        %swap3A_806 = arith.index_cast %swap3A_804 : i32 to index
        %swap3A_807 = arith.constant 48 : index
        %swap3A_808 = tpu.vector_load %arg6[%swap3A_805, %swap3A_806, %swap3A_807] {strides = array<i32>} : memref<16x4x128xf32, #tpu.memory_space<vmem>>, vector<1x1x16xf32>,
        %swap3A_809 = vector.shape_cast %swap3A_808 : vector<1x1x16xf32> to vector<16xf32>
        %swap3A_810 = vector.shape_cast %mul3A_803 : vector<16xf32> to vector<1x1x16xf32>
        tpu.vector_store %arg6[%swap3A_805, %swap3A_806, %swap3A_807], %swap3A_810 {strides = array<i32>} : memref<16x4x128xf32, #tpu.memory_space<vmem>>, vector<1x1x16xf32>,
        %get3A_811 = arith.constant 0 : i32
        %get3A_812 = arith.index_cast %scan3A_168 : i32 to index
        %get3A_813 = arith.index_cast %get3A_811 : i32 to index
        %get3A_814 = arith.constant 64 : index
        %get3A_815 = tpu.vector_load %arg4[%get3A_812, %get3A_813, %get3A_814] {strides = array<i32>} : memref<16x16x128xf32, #tpu.memory_space<vmem>>, vector<1x1x16xf32>,
        %get3A_816 = vector.shape_cast %get3A_815 : vector<1x1x16xf32> to vector<16xf32>
        %mul3A_817 = arith.mulf %get3A_816, %get3A_816 : vector<16xf32>
        %get3A_818 = arith.constant 1 : i32
        %get3A_819 = arith.index_cast %scan3A_168 : i32 to index
        %get3A_820 = arith.index_cast %get3A_818 : i32 to index
        %get3A_821 = arith.constant 64 : index
        %get3A_822 = tpu.vector_load %arg4[%get3A_819, %get3A_820, %get3A_821] {strides = array<i32>} : memref<16x16x128xf32, #tpu.memory_space<vmem>>, vector<1x1x16xf32>,
        %get3A_823 = vector.shape_cast %get3A_822 : vector<1x1x16xf32> to vector<16xf32>
        %mul3A_824 = arith.mulf %get3A_823, %get3A_823 : vector<16xf32>
        %get3A_825 = arith.constant 2 : i32
        %get3A_826 = arith.index_cast %scan3A_168 : i32 to index
        %get3A_827 = arith.index_cast %get3A_825 : i32 to index
        %get3A_828 = arith.constant 64 : index
        %get3A_829 = tpu.vector_load %arg4[%get3A_826, %get3A_827, %get3A_828] {strides = array<i32>} : memref<16x16x128xf32, #tpu.memory_space<vmem>>, vector<1x1x16xf32>,
        %get3A_830 = vector.shape_cast %get3A_829 : vector<1x1x16xf32> to vector<16xf32>
        %mul3A_831 = arith.mulf %get3A_830, %get3A_830 : vector<16xf32>
        %get3A_832 = arith.constant 3 : i32
        %get3A_833 = arith.index_cast %scan3A_168 : i32 to index
        %get3A_834 = arith.index_cast %get3A_832 : i32 to index
        %get3A_835 = arith.constant 64 : index
        %get3A_836 = tpu.vector_load %arg4[%get3A_833, %get3A_834, %get3A_835] {strides = array<i32>} : memref<16x16x128xf32, #tpu.memory_space<vmem>>, vector<1x1x16xf32>,
        %get3A_837 = vector.shape_cast %get3A_836 : vector<1x1x16xf32> to vector<16xf32>
        %mul3A_838 = arith.mulf %get3A_837, %get3A_837 : vector<16xf32>
        %get3A_839 = arith.constant 4 : i32
        %get3A_840 = arith.index_cast %scan3A_168 : i32 to index
        %get3A_841 = arith.index_cast %get3A_839 : i32 to index
        %get3A_842 = arith.constant 64 : index
        %get3A_843 = tpu.vector_load %arg4[%get3A_840, %get3A_841, %get3A_842] {strides = array<i32>} : memref<16x16x128xf32, #tpu.memory_space<vmem>>, vector<1x1x16xf32>,
        %get3A_844 = vector.shape_cast %get3A_843 : vector<1x1x16xf32> to vector<16xf32>
        %mul3A_845 = arith.mulf %get3A_844, %get3A_844 : vector<16xf32>
        %get3A_846 = arith.constant 5 : i32
        %get3A_847 = arith.index_cast %scan3A_168 : i32 to index
        %get3A_848 = arith.index_cast %get3A_846 : i32 to index
        %get3A_849 = arith.constant 64 : index
        %get3A_850 = tpu.vector_load %arg4[%get3A_847, %get3A_848, %get3A_849] {strides = array<i32>} : memref<16x16x128xf32, #tpu.memory_space<vmem>>, vector<1x1x16xf32>,
        %get3A_851 = vector.shape_cast %get3A_850 : vector<1x1x16xf32> to vector<16xf32>
        %mul3A_852 = arith.mulf %get3A_851, %get3A_851 : vector<16xf32>
        %get3A_853 = arith.constant 6 : i32
        %get3A_854 = arith.index_cast %scan3A_168 : i32 to index
        %get3A_855 = arith.index_cast %get3A_853 : i32 to index
        %get3A_856 = arith.constant 64 : index
        %get3A_857 = tpu.vector_load %arg4[%get3A_854, %get3A_855, %get3A_856] {strides = array<i32>} : memref<16x16x128xf32, #tpu.memory_space<vmem>>, vector<1x1x16xf32>,
        %get3A_858 = vector.shape_cast %get3A_857 : vector<1x1x16xf32> to vector<16xf32>
        %mul3A_859 = arith.mulf %get3A_858, %get3A_858 : vector<16xf32>
        %get3A_860 = arith.constant 7 : i32
        %get3A_861 = arith.index_cast %scan3A_168 : i32 to index
        %get3A_862 = arith.index_cast %get3A_860 : i32 to index
        %get3A_863 = arith.constant 64 : index
        %get3A_864 = tpu.vector_load %arg4[%get3A_861, %get3A_862, %get3A_863] {strides = array<i32>} : memref<16x16x128xf32, #tpu.memory_space<vmem>>, vector<1x1x16xf32>,
        %get3A_865 = vector.shape_cast %get3A_864 : vector<1x1x16xf32> to vector<16xf32>
        %mul3A_866 = arith.mulf %get3A_865, %get3A_865 : vector<16xf32>
        %get3A_867 = arith.constant 8 : i32
        %get3A_868 = arith.index_cast %scan3A_168 : i32 to index
        %get3A_869 = arith.index_cast %get3A_867 : i32 to index
        %get3A_870 = arith.constant 64 : index
        %get3A_871 = tpu.vector_load %arg4[%get3A_868, %get3A_869, %get3A_870] {strides = array<i32>} : memref<16x16x128xf32, #tpu.memory_space<vmem>>, vector<1x1x16xf32>,
        %get3A_872 = vector.shape_cast %get3A_871 : vector<1x1x16xf32> to vector<16xf32>
        %mul3A_873 = arith.mulf %get3A_872, %get3A_872 : vector<16xf32>
        %get3A_874 = arith.constant 9 : i32
        %get3A_875 = arith.index_cast %scan3A_168 : i32 to index
        %get3A_876 = arith.index_cast %get3A_874 : i32 to index
        %get3A_877 = arith.constant 64 : index
        %get3A_878 = tpu.vector_load %arg4[%get3A_875, %get3A_876, %get3A_877] {strides = array<i32>} : memref<16x16x128xf32, #tpu.memory_space<vmem>>, vector<1x1x16xf32>,
        %get3A_879 = vector.shape_cast %get3A_878 : vector<1x1x16xf32> to vector<16xf32>
        %mul3A_880 = arith.mulf %get3A_879, %get3A_879 : vector<16xf32>
        %get3A_881 = arith.constant 10 : i32
        %get3A_882 = arith.index_cast %scan3A_168 : i32 to index
        %get3A_883 = arith.index_cast %get3A_881 : i32 to index
        %get3A_884 = arith.constant 64 : index
        %get3A_885 = tpu.vector_load %arg4[%get3A_882, %get3A_883, %get3A_884] {strides = array<i32>} : memref<16x16x128xf32, #tpu.memory_space<vmem>>, vector<1x1x16xf32>,
        %get3A_886 = vector.shape_cast %get3A_885 : vector<1x1x16xf32> to vector<16xf32>
        %mul3A_887 = arith.mulf %get3A_886, %get3A_886 : vector<16xf32>
        %get3A_888 = arith.constant 11 : i32
        %get3A_889 = arith.index_cast %scan3A_168 : i32 to index
        %get3A_890 = arith.index_cast %get3A_888 : i32 to index
        %get3A_891 = arith.constant 64 : index
        %get3A_892 = tpu.vector_load %arg4[%get3A_889, %get3A_890, %get3A_891] {strides = array<i32>} : memref<16x16x128xf32, #tpu.memory_space<vmem>>, vector<1x1x16xf32>,
        %get3A_893 = vector.shape_cast %get3A_892 : vector<1x1x16xf32> to vector<16xf32>
        %mul3A_894 = arith.mulf %get3A_893, %get3A_893 : vector<16xf32>
        %get3A_895 = arith.constant 12 : i32
        %get3A_896 = arith.index_cast %scan3A_168 : i32 to index
        %get3A_897 = arith.index_cast %get3A_895 : i32 to index
        %get3A_898 = arith.constant 64 : index
        %get3A_899 = tpu.vector_load %arg4[%get3A_896, %get3A_897, %get3A_898] {strides = array<i32>} : memref<16x16x128xf32, #tpu.memory_space<vmem>>, vector<1x1x16xf32>,
        %get3A_900 = vector.shape_cast %get3A_899 : vector<1x1x16xf32> to vector<16xf32>
        %mul3A_901 = arith.mulf %get3A_900, %get3A_900 : vector<16xf32>
        %get3A_902 = arith.constant 13 : i32
        %get3A_903 = arith.index_cast %scan3A_168 : i32 to index
        %get3A_904 = arith.index_cast %get3A_902 : i32 to index
        %get3A_905 = arith.constant 64 : index
        %get3A_906 = tpu.vector_load %arg4[%get3A_903, %get3A_904, %get3A_905] {strides = array<i32>} : memref<16x16x128xf32, #tpu.memory_space<vmem>>, vector<1x1x16xf32>,
        %get3A_907 = vector.shape_cast %get3A_906 : vector<1x1x16xf32> to vector<16xf32>
        %mul3A_908 = arith.mulf %get3A_907, %get3A_907 : vector<16xf32>
        %get3A_909 = arith.constant 14 : i32
        %get3A_910 = arith.index_cast %scan3A_168 : i32 to index
        %get3A_911 = arith.index_cast %get3A_909 : i32 to index
        %get3A_912 = arith.constant 64 : index
        %get3A_913 = tpu.vector_load %arg4[%get3A_910, %get3A_911, %get3A_912] {strides = array<i32>} : memref<16x16x128xf32, #tpu.memory_space<vmem>>, vector<1x1x16xf32>,
        %get3A_914 = vector.shape_cast %get3A_913 : vector<1x1x16xf32> to vector<16xf32>
        %mul3A_915 = arith.mulf %get3A_914, %get3A_914 : vector<16xf32>
        %get3A_916 = arith.constant 15 : i32
        %get3A_917 = arith.index_cast %scan3A_168 : i32 to index
        %get3A_918 = arith.index_cast %get3A_916 : i32 to index
        %get3A_919 = arith.constant 64 : index
        %get3A_920 = tpu.vector_load %arg4[%get3A_917, %get3A_918, %get3A_919] {strides = array<i32>} : memref<16x16x128xf32, #tpu.memory_space<vmem>>, vector<1x1x16xf32>,
        %get3A_921 = vector.shape_cast %get3A_920 : vector<1x1x16xf32> to vector<16xf32>
        %mul3A_922 = arith.mulf %get3A_921, %get3A_921 : vector<16xf32>
        %add3A_923 = arith.addf %mul3A_824, %mul3A_831 : vector<16xf32>
        %add3A_924 = arith.addf %add3A_923, %mul3A_838 : vector<16xf32>
        %add3A_925 = arith.addf %mul3A_845, %mul3A_852 : vector<16xf32>
        %add3A_926 = arith.addf %mul3A_859, %mul3A_866 : vector<16xf32>
        %add3A_927 = arith.addf %add3A_925, %add3A_926 : vector<16xf32>
        %add3A_928 = arith.addf %add3A_927, %mul3A_873 : vector<16xf32>
        %add3A_929 = arith.addf %mul3A_880, %mul3A_887 : vector<16xf32>
        %add3A_930 = arith.addf %mul3A_894, %mul3A_901 : vector<16xf32>
        %add3A_931 = arith.addf %add3A_929, %add3A_930 : vector<16xf32>
        %add3A_932 = arith.addf %mul3A_908, %mul3A_915 : vector<16xf32>
        %add3A_933 = arith.addf %add3A_932, %mul3A_922 : vector<16xf32>
        %add3A_934 = arith.addf %add3A_931, %add3A_933 : vector<16xf32>
        %swap3A_935 = arith.constant 0 : i32
        %swap3A_936 = arith.index_cast %scan3A_168 : i32 to index
        %swap3A_937 = arith.index_cast %swap3A_935 : i32 to index
        %swap3A_938 = arith.constant 64 : index
        %swap3A_939 = tpu.vector_load %arg6[%swap3A_936, %swap3A_937, %swap3A_938] {strides = array<i32>} : memref<16x4x128xf32, #tpu.memory_space<vmem>>, vector<1x1x16xf32>,
        %swap3A_940 = vector.shape_cast %swap3A_939 : vector<1x1x16xf32> to vector<16xf32>
        %swap3A_941 = vector.shape_cast %mul3A_817 : vector<16xf32> to vector<1x1x16xf32>
        tpu.vector_store %arg6[%swap3A_936, %swap3A_937, %swap3A_938], %swap3A_941 {strides = array<i32>} : memref<16x4x128xf32, #tpu.memory_space<vmem>>, vector<1x1x16xf32>,
        %mul3A_942 = arith.constant 0.333333343 : f32
        %mul3A_943 = vector.broadcast %mul3A_942 : f32 to vector<16xf32>
        %mul3A_944 = arith.mulf %add3A_924, %mul3A_943 : vector<16xf32>
        %swap3A_945 = arith.constant 1 : i32
        %swap3A_946 = arith.index_cast %scan3A_168 : i32 to index
        %swap3A_947 = arith.index_cast %swap3A_945 : i32 to index
        %swap3A_948 = arith.constant 64 : index
        %swap3A_949 = tpu.vector_load %arg6[%swap3A_946, %swap3A_947, %swap3A_948] {strides = array<i32>} : memref<16x4x128xf32, #tpu.memory_space<vmem>>, vector<1x1x16xf32>,
        %swap3A_950 = vector.shape_cast %swap3A_949 : vector<1x1x16xf32> to vector<16xf32>
        %swap3A_951 = vector.shape_cast %mul3A_944 : vector<16xf32> to vector<1x1x16xf32>
        tpu.vector_store %arg6[%swap3A_946, %swap3A_947, %swap3A_948], %swap3A_951 {strides = array<i32>} : memref<16x4x128xf32, #tpu.memory_space<vmem>>, vector<1x1x16xf32>,
        %mul3A_952 = arith.constant 2.000000e-01 : f32
        %mul3A_953 = vector.broadcast %mul3A_952 : f32 to vector<16xf32>
        %mul3A_954 = arith.mulf %add3A_928, %mul3A_953 : vector<16xf32>
        %swap3A_955 = arith.constant 2 : i32
        %swap3A_956 = arith.index_cast %scan3A_168 : i32 to index
        %swap3A_957 = arith.index_cast %swap3A_955 : i32 to index
        %swap3A_958 = arith.constant 64 : index
        %swap3A_959 = tpu.vector_load %arg6[%swap3A_956, %swap3A_957, %swap3A_958] {strides = array<i32>} : memref<16x4x128xf32, #tpu.memory_space<vmem>>, vector<1x1x16xf32>,
        %swap3A_960 = vector.shape_cast %swap3A_959 : vector<1x1x16xf32> to vector<16xf32>
        %swap3A_961 = vector.shape_cast %mul3A_954 : vector<16xf32> to vector<1x1x16xf32>
        tpu.vector_store %arg6[%swap3A_956, %swap3A_957, %swap3A_958], %swap3A_961 {strides = array<i32>} : memref<16x4x128xf32, #tpu.memory_space<vmem>>, vector<1x1x16xf32>,
        %mul3A_962 = arith.constant 0.142857149 : f32
        %mul3A_963 = vector.broadcast %mul3A_962 : f32 to vector<16xf32>
        %mul3A_964 = arith.mulf %add3A_934, %mul3A_963 : vector<16xf32>
        %swap3A_965 = arith.constant 3 : i32
        %swap3A_966 = arith.index_cast %scan3A_168 : i32 to index
        %swap3A_967 = arith.index_cast %swap3A_965 : i32 to index
        %swap3A_968 = arith.constant 64 : index
        %swap3A_969 = tpu.vector_load %arg6[%swap3A_966, %swap3A_967, %swap3A_968] {strides = array<i32>} : memref<16x4x128xf32, #tpu.memory_space<vmem>>, vector<1x1x16xf32>,
        %swap3A_970 = vector.shape_cast %swap3A_969 : vector<1x1x16xf32> to vector<16xf32>
        %swap3A_971 = vector.shape_cast %mul3A_964 : vector<16xf32> to vector<1x1x16xf32>
        tpu.vector_store %arg6[%swap3A_966, %swap3A_967, %swap3A_968], %swap3A_971 {strides = array<i32>} : memref<16x4x128xf32, #tpu.memory_space<vmem>>, vector<1x1x16xf32>,
        %get3A_972 = arith.constant 0 : i32
        %get3A_973 = arith.index_cast %scan3A_168 : i32 to index
        %get3A_974 = arith.index_cast %get3A_972 : i32 to index
        %get3A_975 = arith.constant 80 : index
        %get3A_976 = tpu.vector_load %arg4[%get3A_973, %get3A_974, %get3A_975] {strides = array<i32>} : memref<16x16x128xf32, #tpu.memory_space<vmem>>, vector<1x1x16xf32>,
        %get3A_977 = vector.shape_cast %get3A_976 : vector<1x1x16xf32> to vector<16xf32>
        %mul3A_978 = arith.mulf %get3A_977, %get3A_977 : vector<16xf32>
        %get3A_979 = arith.constant 1 : i32
        %get3A_980 = arith.index_cast %scan3A_168 : i32 to index
        %get3A_981 = arith.index_cast %get3A_979 : i32 to index
        %get3A_982 = arith.constant 80 : index
        %get3A_983 = tpu.vector_load %arg4[%get3A_980, %get3A_981, %get3A_982] {strides = array<i32>} : memref<16x16x128xf32, #tpu.memory_space<vmem>>, vector<1x1x16xf32>,
        %get3A_984 = vector.shape_cast %get3A_983 : vector<1x1x16xf32> to vector<16xf32>
        %mul3A_985 = arith.mulf %get3A_984, %get3A_984 : vector<16xf32>
        %get3A_986 = arith.constant 2 : i32
        %get3A_987 = arith.index_cast %scan3A_168 : i32 to index
        %get3A_988 = arith.index_cast %get3A_986 : i32 to index
        %get3A_989 = arith.constant 80 : index
        %get3A_990 = tpu.vector_load %arg4[%get3A_987, %get3A_988, %get3A_989] {strides = array<i32>} : memref<16x16x128xf32, #tpu.memory_space<vmem>>, vector<1x1x16xf32>,
        %get3A_991 = vector.shape_cast %get3A_990 : vector<1x1x16xf32> to vector<16xf32>
        %mul3A_992 = arith.mulf %get3A_991, %get3A_991 : vector<16xf32>
        %get3A_993 = arith.constant 3 : i32
        %get3A_994 = arith.index_cast %scan3A_168 : i32 to index
        %get3A_995 = arith.index_cast %get3A_993 : i32 to index
        %get3A_996 = arith.constant 80 : index
        %get3A_997 = tpu.vector_load %arg4[%get3A_994, %get3A_995, %get3A_996] {strides = array<i32>} : memref<16x16x128xf32, #tpu.memory_space<vmem>>, vector<1x1x16xf32>,
        %get3A_998 = vector.shape_cast %get3A_997 : vector<1x1x16xf32> to vector<16xf32>
        %mul3A_999 = arith.mulf %get3A_998, %get3A_998 : vector<16xf32>
        %get3A_1000 = arith.constant 4 : i32
        %get3A_1001 = arith.index_cast %scan3A_168 : i32 to index
        %get3A_1002 = arith.index_cast %get3A_1000 : i32 to index
        %get3A_1003 = arith.constant 80 : index
        %get3A_1004 = tpu.vector_load %arg4[%get3A_1001, %get3A_1002, %get3A_1003] {strides = array<i32>} : memref<16x16x128xf32, #tpu.memory_space<vmem>>, vector<1x1x16xf32>,
        %get3A_1005 = vector.shape_cast %get3A_1004 : vector<1x1x16xf32> to vector<16xf32>
        %mul3A_1006 = arith.mulf %get3A_1005, %get3A_1005 : vector<16xf32>
        %get3A_1007 = arith.constant 5 : i32
        %get3A_1008 = arith.index_cast %scan3A_168 : i32 to index
        %get3A_1009 = arith.index_cast %get3A_1007 : i32 to index
        %get3A_1010 = arith.constant 80 : index
        %get3A_1011 = tpu.vector_load %arg4[%get3A_1008, %get3A_1009, %get3A_1010] {strides = array<i32>} : memref<16x16x128xf32, #tpu.memory_space<vmem>>, vector<1x1x16xf32>,
        %get3A_1012 = vector.shape_cast %get3A_1011 : vector<1x1x16xf32> to vector<16xf32>
        %mul3A_1013 = arith.mulf %get3A_1012, %get3A_1012 : vector<16xf32>
        %get3A_1014 = arith.constant 6 : i32
        %get3A_1015 = arith.index_cast %scan3A_168 : i32 to index
        %get3A_1016 = arith.index_cast %get3A_1014 : i32 to index
        %get3A_1017 = arith.constant 80 : index
        %get3A_1018 = tpu.vector_load %arg4[%get3A_1015, %get3A_1016, %get3A_1017] {strides = array<i32>} : memref<16x16x128xf32, #tpu.memory_space<vmem>>, vector<1x1x16xf32>,
        %get3A_1019 = vector.shape_cast %get3A_1018 : vector<1x1x16xf32> to vector<16xf32>
        %mul3A_1020 = arith.mulf %get3A_1019, %get3A_1019 : vector<16xf32>
        %get3A_1021 = arith.constant 7 : i32
        %get3A_1022 = arith.index_cast %scan3A_168 : i32 to index
        %get3A_1023 = arith.index_cast %get3A_1021 : i32 to index
        %get3A_1024 = arith.constant 80 : index
        %get3A_1025 = tpu.vector_load %arg4[%get3A_1022, %get3A_1023, %get3A_1024] {strides = array<i32>} : memref<16x16x128xf32, #tpu.memory_space<vmem>>, vector<1x1x16xf32>,
        %get3A_1026 = vector.shape_cast %get3A_1025 : vector<1x1x16xf32> to vector<16xf32>
        %mul3A_1027 = arith.mulf %get3A_1026, %get3A_1026 : vector<16xf32>
        %get3A_1028 = arith.constant 8 : i32
        %get3A_1029 = arith.index_cast %scan3A_168 : i32 to index
        %get3A_1030 = arith.index_cast %get3A_1028 : i32 to index
        %get3A_1031 = arith.constant 80 : index
        %get3A_1032 = tpu.vector_load %arg4[%get3A_1029, %get3A_1030, %get3A_1031] {strides = array<i32>} : memref<16x16x128xf32, #tpu.memory_space<vmem>>, vector<1x1x16xf32>,
        %get3A_1033 = vector.shape_cast %get3A_1032 : vector<1x1x16xf32> to vector<16xf32>
        %mul3A_1034 = arith.mulf %get3A_1033, %get3A_1033 : vector<16xf32>
        %get3A_1035 = arith.constant 9 : i32
        %get3A_1036 = arith.index_cast %scan3A_168 : i32 to index
        %get3A_1037 = arith.index_cast %get3A_1035 : i32 to index
        %get3A_1038 = arith.constant 80 : index
        %get3A_1039 = tpu.vector_load %arg4[%get3A_1036, %get3A_1037, %get3A_1038] {strides = array<i32>} : memref<16x16x128xf32, #tpu.memory_space<vmem>>, vector<1x1x16xf32>,
        %get3A_1040 = vector.shape_cast %get3A_1039 : vector<1x1x16xf32> to vector<16xf32>
        %mul3A_1041 = arith.mulf %get3A_1040, %get3A_1040 : vector<16xf32>
        %get3A_1042 = arith.constant 10 : i32
        %get3A_1043 = arith.index_cast %scan3A_168 : i32 to index
        %get3A_1044 = arith.index_cast %get3A_1042 : i32 to index
        %get3A_1045 = arith.constant 80 : index
        %get3A_1046 = tpu.vector_load %arg4[%get3A_1043, %get3A_1044, %get3A_1045] {strides = array<i32>} : memref<16x16x128xf32, #tpu.memory_space<vmem>>, vector<1x1x16xf32>,
        %get3A_1047 = vector.shape_cast %get3A_1046 : vector<1x1x16xf32> to vector<16xf32>
        %mul3A_1048 = arith.mulf %get3A_1047, %get3A_1047 : vector<16xf32>
        %get3A_1049 = arith.constant 11 : i32
        %get3A_1050 = arith.index_cast %scan3A_168 : i32 to index
        %get3A_1051 = arith.index_cast %get3A_1049 : i32 to index
        %get3A_1052 = arith.constant 80 : index
        %get3A_1053 = tpu.vector_load %arg4[%get3A_1050, %get3A_1051, %get3A_1052] {strides = array<i32>} : memref<16x16x128xf32, #tpu.memory_space<vmem>>, vector<1x1x16xf32>,
        %get3A_1054 = vector.shape_cast %get3A_1053 : vector<1x1x16xf32> to vector<16xf32>
        %mul3A_1055 = arith.mulf %get3A_1054, %get3A_1054 : vector<16xf32>
        %get3A_1056 = arith.constant 12 : i32
        %get3A_1057 = arith.index_cast %scan3A_168 : i32 to index
        %get3A_1058 = arith.index_cast %get3A_1056 : i32 to index
        %get3A_1059 = arith.constant 80 : index
        %get3A_1060 = tpu.vector_load %arg4[%get3A_1057, %get3A_1058, %get3A_1059] {strides = array<i32>} : memref<16x16x128xf32, #tpu.memory_space<vmem>>, vector<1x1x16xf32>,
        %get3A_1061 = vector.shape_cast %get3A_1060 : vector<1x1x16xf32> to vector<16xf32>
        %mul3A_1062 = arith.mulf %get3A_1061, %get3A_1061 : vector<16xf32>
        %get3A_1063 = arith.constant 13 : i32
        %get3A_1064 = arith.index_cast %scan3A_168 : i32 to index
        %get3A_1065 = arith.index_cast %get3A_1063 : i32 to index
        %get3A_1066 = arith.constant 80 : index
        %get3A_1067 = tpu.vector_load %arg4[%get3A_1064, %get3A_1065, %get3A_1066] {strides = array<i32>} : memref<16x16x128xf32, #tpu.memory_space<vmem>>, vector<1x1x16xf32>,
        %get3A_1068 = vector.shape_cast %get3A_1067 : vector<1x1x16xf32> to vector<16xf32>
        %mul3A_1069 = arith.mulf %get3A_1068, %get3A_1068 : vector<16xf32>
        %get3A_1070 = arith.constant 14 : i32
        %get3A_1071 = arith.index_cast %scan3A_168 : i32 to index
        %get3A_1072 = arith.index_cast %get3A_1070 : i32 to index
        %get3A_1073 = arith.constant 80 : index
        %get3A_1074 = tpu.vector_load %arg4[%get3A_1071, %get3A_1072, %get3A_1073] {strides = array<i32>} : memref<16x16x128xf32, #tpu.memory_space<vmem>>, vector<1x1x16xf32>,
        %get3A_1075 = vector.shape_cast %get3A_1074 : vector<1x1x16xf32> to vector<16xf32>
        %mul3A_1076 = arith.mulf %get3A_1075, %get3A_1075 : vector<16xf32>
        %get3A_1077 = arith.constant 15 : i32
        %get3A_1078 = arith.index_cast %scan3A_168 : i32 to index
        %get3A_1079 = arith.index_cast %get3A_1077 : i32 to index
        %get3A_1080 = arith.constant 80 : index
        %get3A_1081 = tpu.vector_load %arg4[%get3A_1078, %get3A_1079, %get3A_1080] {strides = array<i32>} : memref<16x16x128xf32, #tpu.memory_space<vmem>>, vector<1x1x16xf32>,
        %get3A_1082 = vector.shape_cast %get3A_1081 : vector<1x1x16xf32> to vector<16xf32>
        %mul3A_1083 = arith.mulf %get3A_1082, %get3A_1082 : vector<16xf32>
        %add3A_1084 = arith.addf %mul3A_985, %mul3A_992 : vector<16xf32>
        %add3A_1085 = arith.addf %add3A_1084, %mul3A_999 : vector<16xf32>
        %add3A_1086 = arith.addf %mul3A_1006, %mul3A_1013 : vector<16xf32>
        %add3A_1087 = arith.addf %mul3A_1020, %mul3A_1027 : vector<16xf32>
        %add3A_1088 = arith.addf %add3A_1086, %add3A_1087 : vector<16xf32>
        %add3A_1089 = arith.addf %add3A_1088, %mul3A_1034 : vector<16xf32>
        %add3A_1090 = arith.addf %mul3A_1041, %mul3A_1048 : vector<16xf32>
        %add3A_1091 = arith.addf %mul3A_1055, %mul3A_1062 : vector<16xf32>
        %add3A_1092 = arith.addf %add3A_1090, %add3A_1091 : vector<16xf32>
        %add3A_1093 = arith.addf %mul3A_1069, %mul3A_1076 : vector<16xf32>
        %add3A_1094 = arith.addf %add3A_1093, %mul3A_1083 : vector<16xf32>
        %add3A_1095 = arith.addf %add3A_1092, %add3A_1094 : vector<16xf32>
        %swap3A_1096 = arith.constant 0 : i32
        %swap3A_1097 = arith.index_cast %scan3A_168 : i32 to index
        %swap3A_1098 = arith.index_cast %swap3A_1096 : i32 to index
        %swap3A_1099 = arith.constant 80 : index
        %swap3A_1100 = tpu.vector_load %arg6[%swap3A_1097, %swap3A_1098, %swap3A_1099] {strides = array<i32>} : memref<16x4x128xf32, #tpu.memory_space<vmem>>, vector<1x1x16xf32>,
        %swap3A_1101 = vector.shape_cast %swap3A_1100 : vector<1x1x16xf32> to vector<16xf32>
        %swap3A_1102 = vector.shape_cast %mul3A_978 : vector<16xf32> to vector<1x1x16xf32>
        tpu.vector_store %arg6[%swap3A_1097, %swap3A_1098, %swap3A_1099], %swap3A_1102 {strides = array<i32>} : memref<16x4x128xf32, #tpu.memory_space<vmem>>, vector<1x1x16xf32>,
        %mul3A_1103 = arith.constant 0.333333343 : f32
        %mul3A_1104 = vector.broadcast %mul3A_1103 : f32 to vector<16xf32>
        %mul3A_1105 = arith.mulf %add3A_1085, %mul3A_1104 : vector<16xf32>
        %swap3A_1106 = arith.constant 1 : i32
        %swap3A_1107 = arith.index_cast %scan3A_168 : i32 to index
        %swap3A_1108 = arith.index_cast %swap3A_1106 : i32 to index
        %swap3A_1109 = arith.constant 80 : index
        %swap3A_1110 = tpu.vector_load %arg6[%swap3A_1107, %swap3A_1108, %swap3A_1109] {strides = array<i32>} : memref<16x4x128xf32, #tpu.memory_space<vmem>>, vector<1x1x16xf32>,
        %swap3A_1111 = vector.shape_cast %swap3A_1110 : vector<1x1x16xf32> to vector<16xf32>
        %swap3A_1112 = vector.shape_cast %mul3A_1105 : vector<16xf32> to vector<1x1x16xf32>
        tpu.vector_store %arg6[%swap3A_1107, %swap3A_1108, %swap3A_1109], %swap3A_1112 {strides = array<i32>} : memref<16x4x128xf32, #tpu.memory_space<vmem>>, vector<1x1x16xf32>,
        %mul3A_1113 = arith.constant 2.000000e-01 : f32
        %mul3A_1114 = vector.broadcast %mul3A_1113 : f32 to vector<16xf32>
        %mul3A_1115 = arith.mulf %add3A_1089, %mul3A_1114 : vector<16xf32>
        %swap3A_1116 = arith.constant 2 : i32
        %swap3A_1117 = arith.index_cast %scan3A_168 : i32 to index
        %swap3A_1118 = arith.index_cast %swap3A_1116 : i32 to index
        %swap3A_1119 = arith.constant 80 : index
        %swap3A_1120 = tpu.vector_load %arg6[%swap3A_1117, %swap3A_1118, %swap3A_1119] {strides = array<i32>} : memref<16x4x128xf32, #tpu.memory_space<vmem>>, vector<1x1x16xf32>,
        %swap3A_1121 = vector.shape_cast %swap3A_1120 : vector<1x1x16xf32> to vector<16xf32>
        %swap3A_1122 = vector.shape_cast %mul3A_1115 : vector<16xf32> to vector<1x1x16xf32>
        tpu.vector_store %arg6[%swap3A_1117, %swap3A_1118, %swap3A_1119], %swap3A_1122 {strides = array<i32>} : memref<16x4x128xf32, #tpu.memory_space<vmem>>, vector<1x1x16xf32>,
        %mul3A_1123 = arith.constant 0.142857149 : f32
        %mul3A_1124 = vector.broadcast %mul3A_1123 : f32 to vector<16xf32>
        %mul3A_1125 = arith.mulf %add3A_1095, %mul3A_1124 : vector<16xf32>
        %swap3A_1126 = arith.constant 3 : i32
        %swap3A_1127 = arith.index_cast %scan3A_168 : i32 to index
        %swap3A_1128 = arith.index_cast %swap3A_1126 : i32 to index
        %swap3A_1129 = arith.constant 80 : index
        %swap3A_1130 = tpu.vector_load %arg6[%swap3A_1127, %swap3A_1128, %swap3A_1129] {strides = array<i32>} : memref<16x4x128xf32, #tpu.memory_space<vmem>>, vector<1x1x16xf32>,
        %swap3A_1131 = vector.shape_cast %swap3A_1130 : vector<1x1x16xf32> to vector<16xf32>
        %swap3A_1132 = vector.shape_cast %mul3A_1125 : vector<16xf32> to vector<1x1x16xf32>
        tpu.vector_store %arg6[%swap3A_1127, %swap3A_1128, %swap3A_1129], %swap3A_1132 {strides = array<i32>} : memref<16x4x128xf32, #tpu.memory_space<vmem>>, vector<1x1x16xf32>,
        %get3A_1133 = arith.constant 0 : i32
        %get3A_1134 = arith.index_cast %scan3A_168 : i32 to index
        %get3A_1135 = arith.index_cast %get3A_1133 : i32 to index
        %get3A_1136 = arith.constant 96 : index
        %get3A_1137 = tpu.vector_load %arg4[%get3A_1134, %get3A_1135, %get3A_1136] {strides = array<i32>} : memref<16x16x128xf32, #tpu.memory_space<vmem>>, vector<1x1x16xf32>,
        %get3A_1138 = vector.shape_cast %get3A_1137 : vector<1x1x16xf32> to vector<16xf32>
        %mul3A_1139 = arith.mulf %get3A_1138, %get3A_1138 : vector<16xf32>
        %get3A_1140 = arith.constant 1 : i32
        %get3A_1141 = arith.index_cast %scan3A_168 : i32 to index
        %get3A_1142 = arith.index_cast %get3A_1140 : i32 to index
        %get3A_1143 = arith.constant 96 : index
        %get3A_1144 = tpu.vector_load %arg4[%get3A_1141, %get3A_1142, %get3A_1143] {strides = array<i32>} : memref<16x16x128xf32, #tpu.memory_space<vmem>>, vector<1x1x16xf32>,
        %get3A_1145 = vector.shape_cast %get3A_1144 : vector<1x1x16xf32> to vector<16xf32>
        %mul3A_1146 = arith.mulf %get3A_1145, %get3A_1145 : vector<16xf32>
        %get3A_1147 = arith.constant 2 : i32
        %get3A_1148 = arith.index_cast %scan3A_168 : i32 to index
        %get3A_1149 = arith.index_cast %get3A_1147 : i32 to index
        %get3A_1150 = arith.constant 96 : index
        %get3A_1151 = tpu.vector_load %arg4[%get3A_1148, %get3A_1149, %get3A_1150] {strides = array<i32>} : memref<16x16x128xf32, #tpu.memory_space<vmem>>, vector<1x1x16xf32>,
        %get3A_1152 = vector.shape_cast %get3A_1151 : vector<1x1x16xf32> to vector<16xf32>
        %mul3A_1153 = arith.mulf %get3A_1152, %get3A_1152 : vector<16xf32>
        %get3A_1154 = arith.constant 3 : i32
        %get3A_1155 = arith.index_cast %scan3A_168 : i32 to index
        %get3A_1156 = arith.index_cast %get3A_1154 : i32 to index
        %get3A_1157 = arith.constant 96 : index
        %get3A_1158 = tpu.vector_load %arg4[%get3A_1155, %get3A_1156, %get3A_1157] {strides = array<i32>} : memref<16x16x128xf32, #tpu.memory_space<vmem>>, vector<1x1x16xf32>,
        %get3A_1159 = vector.shape_cast %get3A_1158 : vector<1x1x16xf32> to vector<16xf32>
        %mul3A_1160 = arith.mulf %get3A_1159, %get3A_1159 : vector<16xf32>
        %get3A_1161 = arith.constant 4 : i32
        %get3A_1162 = arith.index_cast %scan3A_168 : i32 to index
        %get3A_1163 = arith.index_cast %get3A_1161 : i32 to index
        %get3A_1164 = arith.constant 96 : index
        %get3A_1165 = tpu.vector_load %arg4[%get3A_1162, %get3A_1163, %get3A_1164] {strides = array<i32>} : memref<16x16x128xf32, #tpu.memory_space<vmem>>, vector<1x1x16xf32>,
        %get3A_1166 = vector.shape_cast %get3A_1165 : vector<1x1x16xf32> to vector<16xf32>
        %mul3A_1167 = arith.mulf %get3A_1166, %get3A_1166 : vector<16xf32>
        %get3A_1168 = arith.constant 5 : i32
        %get3A_1169 = arith.index_cast %scan3A_168 : i32 to index
        %get3A_1170 = arith.index_cast %get3A_1168 : i32 to index
        %get3A_1171 = arith.constant 96 : index
        %get3A_1172 = tpu.vector_load %arg4[%get3A_1169, %get3A_1170, %get3A_1171] {strides = array<i32>} : memref<16x16x128xf32, #tpu.memory_space<vmem>>, vector<1x1x16xf32>,
        %get3A_1173 = vector.shape_cast %get3A_1172 : vector<1x1x16xf32> to vector<16xf32>
        %mul3A_1174 = arith.mulf %get3A_1173, %get3A_1173 : vector<16xf32>
        %get3A_1175 = arith.constant 6 : i32
        %get3A_1176 = arith.index_cast %scan3A_168 : i32 to index
        %get3A_1177 = arith.index_cast %get3A_1175 : i32 to index
        %get3A_1178 = arith.constant 96 : index
        %get3A_1179 = tpu.vector_load %arg4[%get3A_1176, %get3A_1177, %get3A_1178] {strides = array<i32>} : memref<16x16x128xf32, #tpu.memory_space<vmem>>, vector<1x1x16xf32>,
        %get3A_1180 = vector.shape_cast %get3A_1179 : vector<1x1x16xf32> to vector<16xf32>
        %mul3A_1181 = arith.mulf %get3A_1180, %get3A_1180 : vector<16xf32>
        %get3A_1182 = arith.constant 7 : i32
        %get3A_1183 = arith.index_cast %scan3A_168 : i32 to index
        %get3A_1184 = arith.index_cast %get3A_1182 : i32 to index
        %get3A_1185 = arith.constant 96 : index
        %get3A_1186 = tpu.vector_load %arg4[%get3A_1183, %get3A_1184, %get3A_1185] {strides = array<i32>} : memref<16x16x128xf32, #tpu.memory_space<vmem>>, vector<1x1x16xf32>,
        %get3A_1187 = vector.shape_cast %get3A_1186 : vector<1x1x16xf32> to vector<16xf32>
        %mul3A_1188 = arith.mulf %get3A_1187, %get3A_1187 : vector<16xf32>
        %get3A_1189 = arith.constant 8 : i32
        %get3A_1190 = arith.index_cast %scan3A_168 : i32 to index
        %get3A_1191 = arith.index_cast %get3A_1189 : i32 to index
        %get3A_1192 = arith.constant 96 : index
        %get3A_1193 = tpu.vector_load %arg4[%get3A_1190, %get3A_1191, %get3A_1192] {strides = array<i32>} : memref<16x16x128xf32, #tpu.memory_space<vmem>>, vector<1x1x16xf32>,
        %get3A_1194 = vector.shape_cast %get3A_1193 : vector<1x1x16xf32> to vector<16xf32>
        %mul3A_1195 = arith.mulf %get3A_1194, %get3A_1194 : vector<16xf32>
        %get3A_1196 = arith.constant 9 : i32
        %get3A_1197 = arith.index_cast %scan3A_168 : i32 to index
        %get3A_1198 = arith.index_cast %get3A_1196 : i32 to index
        %get3A_1199 = arith.constant 96 : index
        %get3A_1200 = tpu.vector_load %arg4[%get3A_1197, %get3A_1198, %get3A_1199] {strides = array<i32>} : memref<16x16x128xf32, #tpu.memory_space<vmem>>, vector<1x1x16xf32>,
        %get3A_1201 = vector.shape_cast %get3A_1200 : vector<1x1x16xf32> to vector<16xf32>
        %mul3A_1202 = arith.mulf %get3A_1201, %get3A_1201 : vector<16xf32>
        %get3A_1203 = arith.constant 10 : i32
        %get3A_1204 = arith.index_cast %scan3A_168 : i32 to index
        %get3A_1205 = arith.index_cast %get3A_1203 : i32 to index
        %get3A_1206 = arith.constant 96 : index
        %get3A_1207 = tpu.vector_load %arg4[%get3A_1204, %get3A_1205, %get3A_1206] {strides = array<i32>} : memref<16x16x128xf32, #tpu.memory_space<vmem>>, vector<1x1x16xf32>,
        %get3A_1208 = vector.shape_cast %get3A_1207 : vector<1x1x16xf32> to vector<16xf32>
        %mul3A_1209 = arith.mulf %get3A_1208, %get3A_1208 : vector<16xf32>
        %get3A_1210 = arith.constant 11 : i32
        %get3A_1211 = arith.index_cast %scan3A_168 : i32 to index
        %get3A_1212 = arith.index_cast %get3A_1210 : i32 to index
        %get3A_1213 = arith.constant 96 : index
        %get3A_1214 = tpu.vector_load %arg4[%get3A_1211, %get3A_1212, %get3A_1213] {strides = array<i32>} : memref<16x16x128xf32, #tpu.memory_space<vmem>>, vector<1x1x16xf32>,
        %get3A_1215 = vector.shape_cast %get3A_1214 : vector<1x1x16xf32> to vector<16xf32>
        %mul3A_1216 = arith.mulf %get3A_1215, %get3A_1215 : vector<16xf32>
        %get3A_1217 = arith.constant 12 : i32
        %get3A_1218 = arith.index_cast %scan3A_168 : i32 to index
        %get3A_1219 = arith.index_cast %get3A_1217 : i32 to index
        %get3A_1220 = arith.constant 96 : index
        %get3A_1221 = tpu.vector_load %arg4[%get3A_1218, %get3A_1219, %get3A_1220] {strides = array<i32>} : memref<16x16x128xf32, #tpu.memory_space<vmem>>, vector<1x1x16xf32>,
        %get3A_1222 = vector.shape_cast %get3A_1221 : vector<1x1x16xf32> to vector<16xf32>
        %mul3A_1223 = arith.mulf %get3A_1222, %get3A_1222 : vector<16xf32>
        %get3A_1224 = arith.constant 13 : i32
        %get3A_1225 = arith.index_cast %scan3A_168 : i32 to index
        %get3A_1226 = arith.index_cast %get3A_1224 : i32 to index
        %get3A_1227 = arith.constant 96 : index
        %get3A_1228 = tpu.vector_load %arg4[%get3A_1225, %get3A_1226, %get3A_1227] {strides = array<i32>} : memref<16x16x128xf32, #tpu.memory_space<vmem>>, vector<1x1x16xf32>,
        %get3A_1229 = vector.shape_cast %get3A_1228 : vector<1x1x16xf32> to vector<16xf32>
        %mul3A_1230 = arith.mulf %get3A_1229, %get3A_1229 : vector<16xf32>
        %get3A_1231 = arith.constant 14 : i32
        %get3A_1232 = arith.index_cast %scan3A_168 : i32 to index
        %get3A_1233 = arith.index_cast %get3A_1231 : i32 to index
        %get3A_1234 = arith.constant 96 : index
        %get3A_1235 = tpu.vector_load %arg4[%get3A_1232, %get3A_1233, %get3A_1234] {strides = array<i32>} : memref<16x16x128xf32, #tpu.memory_space<vmem>>, vector<1x1x16xf32>,
        %get3A_1236 = vector.shape_cast %get3A_1235 : vector<1x1x16xf32> to vector<16xf32>
        %mul3A_1237 = arith.mulf %get3A_1236, %get3A_1236 : vector<16xf32>
        %get3A_1238 = arith.constant 15 : i32
        %get3A_1239 = arith.index_cast %scan3A_168 : i32 to index
        %get3A_1240 = arith.index_cast %get3A_1238 : i32 to index
        %get3A_1241 = arith.constant 96 : index
        %get3A_1242 = tpu.vector_load %arg4[%get3A_1239, %get3A_1240, %get3A_1241] {strides = array<i32>} : memref<16x16x128xf32, #tpu.memory_space<vmem>>, vector<1x1x16xf32>,
        %get3A_1243 = vector.shape_cast %get3A_1242 : vector<1x1x16xf32> to vector<16xf32>
        %mul3A_1244 = arith.mulf %get3A_1243, %get3A_1243 : vector<16xf32>
        %add3A_1245 = arith.addf %mul3A_1146, %mul3A_1153 : vector<16xf32>
        %add3A_1246 = arith.addf %add3A_1245, %mul3A_1160 : vector<16xf32>
        %add3A_1247 = arith.addf %mul3A_1167, %mul3A_1174 : vector<16xf32>
        %add3A_1248 = arith.addf %mul3A_1181, %mul3A_1188 : vector<16xf32>
        %add3A_1249 = arith.addf %add3A_1247, %add3A_1248 : vector<16xf32>
        %add3A_1250 = arith.addf %add3A_1249, %mul3A_1195 : vector<16xf32>
        %add3A_1251 = arith.addf %mul3A_1202, %mul3A_1209 : vector<16xf32>
        %add3A_1252 = arith.addf %mul3A_1216, %mul3A_1223 : vector<16xf32>
        %add3A_1253 = arith.addf %add3A_1251, %add3A_1252 : vector<16xf32>
        %add3A_1254 = arith.addf %mul3A_1230, %mul3A_1237 : vector<16xf32>
        %add3A_1255 = arith.addf %add3A_1254, %mul3A_1244 : vector<16xf32>
        %add3A_1256 = arith.addf %add3A_1253, %add3A_1255 : vector<16xf32>
        %swap3A_1257 = arith.constant 0 : i32
        %swap3A_1258 = arith.index_cast %scan3A_168 : i32 to index
        %swap3A_1259 = arith.index_cast %swap3A_1257 : i32 to index
        %swap3A_1260 = arith.constant 96 : index
        %swap3A_1261 = tpu.vector_load %arg6[%swap3A_1258, %swap3A_1259, %swap3A_1260] {strides = array<i32>} : memref<16x4x128xf32, #tpu.memory_space<vmem>>, vector<1x1x16xf32>,
        %swap3A_1262 = vector.shape_cast %swap3A_1261 : vector<1x1x16xf32> to vector<16xf32>
        %swap3A_1263 = vector.shape_cast %mul3A_1139 : vector<16xf32> to vector<1x1x16xf32>
        tpu.vector_store %arg6[%swap3A_1258, %swap3A_1259, %swap3A_1260], %swap3A_1263 {strides = array<i32>} : memref<16x4x128xf32, #tpu.memory_space<vmem>>, vector<1x1x16xf32>,
        %mul3A_1264 = arith.constant 0.333333343 : f32
        %mul3A_1265 = vector.broadcast %mul3A_1264 : f32 to vector<16xf32>
        %mul3A_1266 = arith.mulf %add3A_1246, %mul3A_1265 : vector<16xf32>
        %swap3A_1267 = arith.constant 1 : i32
        %swap3A_1268 = arith.index_cast %scan3A_168 : i32 to index
        %swap3A_1269 = arith.index_cast %swap3A_1267 : i32 to index
        %swap3A_1270 = arith.constant 96 : index
        %swap3A_1271 = tpu.vector_load %arg6[%swap3A_1268, %swap3A_1269, %swap3A_1270] {strides = array<i32>} : memref<16x4x128xf32, #tpu.memory_space<vmem>>, vector<1x1x16xf32>,
        %swap3A_1272 = vector.shape_cast %swap3A_1271 : vector<1x1x16xf32> to vector<16xf32>
        %swap3A_1273 = vector.shape_cast %mul3A_1266 : vector<16xf32> to vector<1x1x16xf32>
        tpu.vector_store %arg6[%swap3A_1268, %swap3A_1269, %swap3A_1270], %swap3A_1273 {strides = array<i32>} : memref<16x4x128xf32, #tpu.memory_space<vmem>>, vector<1x1x16xf32>,
        %mul3A_1274 = arith.constant 2.000000e-01 : f32
        %mul3A_1275 = vector.broadcast %mul3A_1274 : f32 to vector<16xf32>
        %mul3A_1276 = arith.mulf %add3A_1250, %mul3A_1275 : vector<16xf32>
        %swap3A_1277 = arith.constant 2 : i32
        %swap3A_1278 = arith.index_cast %scan3A_168 : i32 to index
        %swap3A_1279 = arith.index_cast %swap3A_1277 : i32 to index
        %swap3A_1280 = arith.constant 96 : index
        %swap3A_1281 = tpu.vector_load %arg6[%swap3A_1278, %swap3A_1279, %swap3A_1280] {strides = array<i32>} : memref<16x4x128xf32, #tpu.memory_space<vmem>>, vector<1x1x16xf32>,
        %swap3A_1282 = vector.shape_cast %swap3A_1281 : vector<1x1x16xf32> to vector<16xf32>
        %swap3A_1283 = vector.shape_cast %mul3A_1276 : vector<16xf32> to vector<1x1x16xf32>
        tpu.vector_store %arg6[%swap3A_1278, %swap3A_1279, %swap3A_1280], %swap3A_1283 {strides = array<i32>} : memref<16x4x128xf32, #tpu.memory_space<vmem>>, vector<1x1x16xf32>,
        %mul3A_1284 = arith.constant 0.142857149 : f32
        %mul3A_1285 = vector.broadcast %mul3A_1284 : f32 to vector<16xf32>
        %mul3A_1286 = arith.mulf %add3A_1256, %mul3A_1285 : vector<16xf32>
        %swap3A_1287 = arith.constant 3 : i32
        %swap3A_1288 = arith.index_cast %scan3A_168 : i32 to index
        %swap3A_1289 = arith.index_cast %swap3A_1287 : i32 to index
        %swap3A_1290 = arith.constant 96 : index
        %swap3A_1291 = tpu.vector_load %arg6[%swap3A_1288, %swap3A_1289, %swap3A_1290] {strides = array<i32>} : memref<16x4x128xf32, #tpu.memory_space<vmem>>, vector<1x1x16xf32>,
        %swap3A_1292 = vector.shape_cast %swap3A_1291 : vector<1x1x16xf32> to vector<16xf32>
        %swap3A_1293 = vector.shape_cast %mul3A_1286 : vector<16xf32> to vector<1x1x16xf32>
        tpu.vector_store %arg6[%swap3A_1288, %swap3A_1289, %swap3A_1290], %swap3A_1293 {strides = array<i32>} : memref<16x4x128xf32, #tpu.memory_space<vmem>>, vector<1x1x16xf32>,
        %get3A_1294 = arith.constant 0 : i32
        %get3A_1295 = arith.index_cast %scan3A_168 : i32 to index
        %get3A_1296 = arith.index_cast %get3A_1294 : i32 to index
        %get3A_1297 = arith.constant 112 : index
        %get3A_1298 = tpu.vector_load %arg4[%get3A_1295, %get3A_1296, %get3A_1297] {strides = array<i32>} : memref<16x16x128xf32, #tpu.memory_space<vmem>>, vector<1x1x16xf32>,
        %get3A_1299 = vector.shape_cast %get3A_1298 : vector<1x1x16xf32> to vector<16xf32>
        %mul3A_1300 = arith.mulf %get3A_1299, %get3A_1299 : vector<16xf32>
        %get3A_1301 = arith.constant 1 : i32
        %get3A_1302 = arith.index_cast %scan3A_168 : i32 to index
        %get3A_1303 = arith.index_cast %get3A_1301 : i32 to index
        %get3A_1304 = arith.constant 112 : index
        %get3A_1305 = tpu.vector_load %arg4[%get3A_1302, %get3A_1303, %get3A_1304] {strides = array<i32>} : memref<16x16x128xf32, #tpu.memory_space<vmem>>, vector<1x1x16xf32>,
        %get3A_1306 = vector.shape_cast %get3A_1305 : vector<1x1x16xf32> to vector<16xf32>
        %mul3A_1307 = arith.mulf %get3A_1306, %get3A_1306 : vector<16xf32>
        %get3A_1308 = arith.constant 2 : i32
        %get3A_1309 = arith.index_cast %scan3A_168 : i32 to index
        %get3A_1310 = arith.index_cast %get3A_1308 : i32 to index
        %get3A_1311 = arith.constant 112 : index
        %get3A_1312 = tpu.vector_load %arg4[%get3A_1309, %get3A_1310, %get3A_1311] {strides = array<i32>} : memref<16x16x128xf32, #tpu.memory_space<vmem>>, vector<1x1x16xf32>,
        %get3A_1313 = vector.shape_cast %get3A_1312 : vector<1x1x16xf32> to vector<16xf32>
        %mul3A_1314 = arith.mulf %get3A_1313, %get3A_1313 : vector<16xf32>
        %get3A_1315 = arith.constant 3 : i32
        %get3A_1316 = arith.index_cast %scan3A_168 : i32 to index
        %get3A_1317 = arith.index_cast %get3A_1315 : i32 to index
        %get3A_1318 = arith.constant 112 : index
        %get3A_1319 = tpu.vector_load %arg4[%get3A_1316, %get3A_1317, %get3A_1318] {strides = array<i32>} : memref<16x16x128xf32, #tpu.memory_space<vmem>>, vector<1x1x16xf32>,
        %get3A_1320 = vector.shape_cast %get3A_1319 : vector<1x1x16xf32> to vector<16xf32>
        %mul3A_1321 = arith.mulf %get3A_1320, %get3A_1320 : vector<16xf32>
        %get3A_1322 = arith.constant 4 : i32
        %get3A_1323 = arith.index_cast %scan3A_168 : i32 to index
        %get3A_1324 = arith.index_cast %get3A_1322 : i32 to index
        %get3A_1325 = arith.constant 112 : index
        %get3A_1326 = tpu.vector_load %arg4[%get3A_1323, %get3A_1324, %get3A_1325] {strides = array<i32>} : memref<16x16x128xf32, #tpu.memory_space<vmem>>, vector<1x1x16xf32>,
        %get3A_1327 = vector.shape_cast %get3A_1326 : vector<1x1x16xf32> to vector<16xf32>
        %mul3A_1328 = arith.mulf %get3A_1327, %get3A_1327 : vector<16xf32>
        %get3A_1329 = arith.constant 5 : i32
        %get3A_1330 = arith.index_cast %scan3A_168 : i32 to index
        %get3A_1331 = arith.index_cast %get3A_1329 : i32 to index
        %get3A_1332 = arith.constant 112 : index
        %get3A_1333 = tpu.vector_load %arg4[%get3A_1330, %get3A_1331, %get3A_1332] {strides = array<i32>} : memref<16x16x128xf32, #tpu.memory_space<vmem>>, vector<1x1x16xf32>,
        %get3A_1334 = vector.shape_cast %get3A_1333 : vector<1x1x16xf32> to vector<16xf32>
        %mul3A_1335 = arith.mulf %get3A_1334, %get3A_1334 : vector<16xf32>
        %get3A_1336 = arith.constant 6 : i32
        %get3A_1337 = arith.index_cast %scan3A_168 : i32 to index
        %get3A_1338 = arith.index_cast %get3A_1336 : i32 to index
        %get3A_1339 = arith.constant 112 : index
        %get3A_1340 = tpu.vector_load %arg4[%get3A_1337, %get3A_1338, %get3A_1339] {strides = array<i32>} : memref<16x16x128xf32, #tpu.memory_space<vmem>>, vector<1x1x16xf32>,
        %get3A_1341 = vector.shape_cast %get3A_1340 : vector<1x1x16xf32> to vector<16xf32>
        %mul3A_1342 = arith.mulf %get3A_1341, %get3A_1341 : vector<16xf32>
        %get3A_1343 = arith.constant 7 : i32
        %get3A_1344 = arith.index_cast %scan3A_168 : i32 to index
        %get3A_1345 = arith.index_cast %get3A_1343 : i32 to index
        %get3A_1346 = arith.constant 112 : index
        %get3A_1347 = tpu.vector_load %arg4[%get3A_1344, %get3A_1345, %get3A_1346] {strides = array<i32>} : memref<16x16x128xf32, #tpu.memory_space<vmem>>, vector<1x1x16xf32>,
        %get3A_1348 = vector.shape_cast %get3A_1347 : vector<1x1x16xf32> to vector<16xf32>
        %mul3A_1349 = arith.mulf %get3A_1348, %get3A_1348 : vector<16xf32>
        %get3A_1350 = arith.constant 8 : i32
        %get3A_1351 = arith.index_cast %scan3A_168 : i32 to index
        %get3A_1352 = arith.index_cast %get3A_1350 : i32 to index
        %get3A_1353 = arith.constant 112 : index
        %get3A_1354 = tpu.vector_load %arg4[%get3A_1351, %get3A_1352, %get3A_1353] {strides = array<i32>} : memref<16x16x128xf32, #tpu.memory_space<vmem>>, vector<1x1x16xf32>,
        %get3A_1355 = vector.shape_cast %get3A_1354 : vector<1x1x16xf32> to vector<16xf32>
        %mul3A_1356 = arith.mulf %get3A_1355, %get3A_1355 : vector<16xf32>
        %get3A_1357 = arith.constant 9 : i32
        %get3A_1358 = arith.index_cast %scan3A_168 : i32 to index
        %get3A_1359 = arith.index_cast %get3A_1357 : i32 to index
        %get3A_1360 = arith.constant 112 : index
        %get3A_1361 = tpu.vector_load %arg4[%get3A_1358, %get3A_1359, %get3A_1360] {strides = array<i32>} : memref<16x16x128xf32, #tpu.memory_space<vmem>>, vector<1x1x16xf32>,
        %get3A_1362 = vector.shape_cast %get3A_1361 : vector<1x1x16xf32> to vector<16xf32>
        %mul3A_1363 = arith.mulf %get3A_1362, %get3A_1362 : vector<16xf32>
        %get3A_1364 = arith.constant 10 : i32
        %get3A_1365 = arith.index_cast %scan3A_168 : i32 to index
        %get3A_1366 = arith.index_cast %get3A_1364 : i32 to index
        %get3A_1367 = arith.constant 112 : index
        %get3A_1368 = tpu.vector_load %arg4[%get3A_1365, %get3A_1366, %get3A_1367] {strides = array<i32>} : memref<16x16x128xf32, #tpu.memory_space<vmem>>, vector<1x1x16xf32>,
        %get3A_1369 = vector.shape_cast %get3A_1368 : vector<1x1x16xf32> to vector<16xf32>
        %mul3A_1370 = arith.mulf %get3A_1369, %get3A_1369 : vector<16xf32>
        %get3A_1371 = arith.constant 11 : i32
        %get3A_1372 = arith.index_cast %scan3A_168 : i32 to index
        %get3A_1373 = arith.index_cast %get3A_1371 : i32 to index
        %get3A_1374 = arith.constant 112 : index
        %get3A_1375 = tpu.vector_load %arg4[%get3A_1372, %get3A_1373, %get3A_1374] {strides = array<i32>} : memref<16x16x128xf32, #tpu.memory_space<vmem>>, vector<1x1x16xf32>,
        %get3A_1376 = vector.shape_cast %get3A_1375 : vector<1x1x16xf32> to vector<16xf32>
        %mul3A_1377 = arith.mulf %get3A_1376, %get3A_1376 : vector<16xf32>
        %get3A_1378 = arith.constant 12 : i32
        %get3A_1379 = arith.index_cast %scan3A_168 : i32 to index
        %get3A_1380 = arith.index_cast %get3A_1378 : i32 to index
        %get3A_1381 = arith.constant 112 : index
        %get3A_1382 = tpu.vector_load %arg4[%get3A_1379, %get3A_1380, %get3A_1381] {strides = array<i32>} : memref<16x16x128xf32, #tpu.memory_space<vmem>>, vector<1x1x16xf32>,
        %get3A_1383 = vector.shape_cast %get3A_1382 : vector<1x1x16xf32> to vector<16xf32>
        %mul3A_1384 = arith.mulf %get3A_1383, %get3A_1383 : vector<16xf32>
        %get3A_1385 = arith.constant 13 : i32
        %get3A_1386 = arith.index_cast %scan3A_168 : i32 to index
        %get3A_1387 = arith.index_cast %get3A_1385 : i32 to index
        %get3A_1388 = arith.constant 112 : index
        %get3A_1389 = tpu.vector_load %arg4[%get3A_1386, %get3A_1387, %get3A_1388] {strides = array<i32>} : memref<16x16x128xf32, #tpu.memory_space<vmem>>, vector<1x1x16xf32>,
        %get3A_1390 = vector.shape_cast %get3A_1389 : vector<1x1x16xf32> to vector<16xf32>
        %mul3A_1391 = arith.mulf %get3A_1390, %get3A_1390 : vector<16xf32>
        %get3A_1392 = arith.constant 14 : i32
        %get3A_1393 = arith.index_cast %scan3A_168 : i32 to index
        %get3A_1394 = arith.index_cast %get3A_1392 : i32 to index
        %get3A_1395 = arith.constant 112 : index
        %get3A_1396 = tpu.vector_load %arg4[%get3A_1393, %get3A_1394, %get3A_1395] {strides = array<i32>} : memref<16x16x128xf32, #tpu.memory_space<vmem>>, vector<1x1x16xf32>,
        %get3A_1397 = vector.shape_cast %get3A_1396 : vector<1x1x16xf32> to vector<16xf32>
        %mul3A_1398 = arith.mulf %get3A_1397, %get3A_1397 : vector<16xf32>
        %get3A_1399 = arith.constant 15 : i32
        %get3A_1400 = arith.index_cast %scan3A_168 : i32 to index
        %get3A_1401 = arith.index_cast %get3A_1399 : i32 to index
        %get3A_1402 = arith.constant 112 : index
        %get3A_1403 = tpu.vector_load %arg4[%get3A_1400, %get3A_1401, %get3A_1402] {strides = array<i32>} : memref<16x16x128xf32, #tpu.memory_space<vmem>>, vector<1x1x16xf32>,
        %get3A_1404 = vector.shape_cast %get3A_1403 : vector<1x1x16xf32> to vector<16xf32>
        %mul3A_1405 = arith.mulf %get3A_1404, %get3A_1404 : vector<16xf32>
        %add3A_1406 = arith.addf %mul3A_1307, %mul3A_1314 : vector<16xf32>
        %add3A_1407 = arith.addf %add3A_1406, %mul3A_1321 : vector<16xf32>
        %add3A_1408 = arith.addf %mul3A_1328, %mul3A_1335 : vector<16xf32>
        %add3A_1409 = arith.addf %mul3A_1342, %mul3A_1349 : vector<16xf32>
        %add3A_1410 = arith.addf %add3A_1408, %add3A_1409 : vector<16xf32>
        %add3A_1411 = arith.addf %add3A_1410, %mul3A_1356 : vector<16xf32>
        %add3A_1412 = arith.addf %mul3A_1363, %mul3A_1370 : vector<16xf32>
        %add3A_1413 = arith.addf %mul3A_1377, %mul3A_1384 : vector<16xf32>
        %add3A_1414 = arith.addf %add3A_1412, %add3A_1413 : vector<16xf32>
        %add3A_1415 = arith.addf %mul3A_1391, %mul3A_1398 : vector<16xf32>
        %add3A_1416 = arith.addf %add3A_1415, %mul3A_1405 : vector<16xf32>
        %add3A_1417 = arith.addf %add3A_1414, %add3A_1416 : vector<16xf32>
        %swap3A_1418 = arith.constant 0 : i32
        %swap3A_1419 = arith.index_cast %scan3A_168 : i32 to index
        %swap3A_1420 = arith.index_cast %swap3A_1418 : i32 to index
        %swap3A_1421 = arith.constant 112 : index
        %swap3A_1422 = tpu.vector_load %arg6[%swap3A_1419, %swap3A_1420, %swap3A_1421] {strides = array<i32>} : memref<16x4x128xf32, #tpu.memory_space<vmem>>, vector<1x1x16xf32>,
        %swap3A_1423 = vector.shape_cast %swap3A_1422 : vector<1x1x16xf32> to vector<16xf32>
        %swap3A_1424 = vector.shape_cast %mul3A_1300 : vector<16xf32> to vector<1x1x16xf32>
        tpu.vector_store %arg6[%swap3A_1419, %swap3A_1420, %swap3A_1421], %swap3A_1424 {strides = array<i32>} : memref<16x4x128xf32, #tpu.memory_space<vmem>>, vector<1x1x16xf32>,
        %mul3A_1425 = arith.constant 0.333333343 : f32
        %mul3A_1426 = vector.broadcast %mul3A_1425 : f32 to vector<16xf32>
        %mul3A_1427 = arith.mulf %add3A_1407, %mul3A_1426 : vector<16xf32>
        %swap3A_1428 = arith.constant 1 : i32
        %swap3A_1429 = arith.index_cast %scan3A_168 : i32 to index
        %swap3A_1430 = arith.index_cast %swap3A_1428 : i32 to index
        %swap3A_1431 = arith.constant 112 : index
        %swap3A_1432 = tpu.vector_load %arg6[%swap3A_1429, %swap3A_1430, %swap3A_1431] {strides = array<i32>} : memref<16x4x128xf32, #tpu.memory_space<vmem>>, vector<1x1x16xf32>,
        %swap3A_1433 = vector.shape_cast %swap3A_1432 : vector<1x1x16xf32> to vector<16xf32>
        %swap3A_1434 = vector.shape_cast %mul3A_1427 : vector<16xf32> to vector<1x1x16xf32>
        tpu.vector_store %arg6[%swap3A_1429, %swap3A_1430, %swap3A_1431], %swap3A_1434 {strides = array<i32>} : memref<16x4x128xf32, #tpu.memory_space<vmem>>, vector<1x1x16xf32>,
        %mul3A_1435 = arith.constant 2.000000e-01 : f32
        %mul3A_1436 = vector.broadcast %mul3A_1435 : f32 to vector<16xf32>
        %mul3A_1437 = arith.mulf %add3A_1411, %mul3A_1436 : vector<16xf32>
        %swap3A_1438 = arith.constant 2 : i32
        %swap3A_1439 = arith.index_cast %scan3A_168 : i32 to index
        %swap3A_1440 = arith.index_cast %swap3A_1438 : i32 to index
        %swap3A_1441 = arith.constant 112 : index
        %swap3A_1442 = tpu.vector_load %arg6[%swap3A_1439, %swap3A_1440, %swap3A_1441] {strides = array<i32>} : memref<16x4x128xf32, #tpu.memory_space<vmem>>, vector<1x1x16xf32>,
        %swap3A_1443 = vector.shape_cast %swap3A_1442 : vector<1x1x16xf32> to vector<16xf32>
        %swap3A_1444 = vector.shape_cast %mul3A_1437 : vector<16xf32> to vector<1x1x16xf32>
        tpu.vector_store %arg6[%swap3A_1439, %swap3A_1440, %swap3A_1441], %swap3A_1444 {strides = array<i32>} : memref<16x4x128xf32, #tpu.memory_space<vmem>>, vector<1x1x16xf32>,
        %mul3A_1445 = arith.constant 0.142857149 : f32
        %mul3A_1446 = vector.broadcast %mul3A_1445 : f32 to vector<16xf32>
        %mul3A_1447 = arith.mulf %add3A_1417, %mul3A_1446 : vector<16xf32>
        %swap3A_1448 = arith.constant 3 : i32
        %swap3A_1449 = arith.index_cast %scan3A_168 : i32 to index
        %swap3A_1450 = arith.index_cast %swap3A_1448 : i32 to index
        %swap3A_1451 = arith.constant 112 : index
        %swap3A_1452 = tpu.vector_load %arg6[%swap3A_1449, %swap3A_1450, %swap3A_1451] {strides = array<i32>} : memref<16x4x128xf32, #tpu.memory_space<vmem>>, vector<1x1x16xf32>,
        %swap3A_1453 = vector.shape_cast %swap3A_1452 : vector<1x1x16xf32> to vector<16xf32>
        %swap3A_1454 = vector.shape_cast %mul3A_1447 : vector<16xf32> to vector<1x1x16xf32>
        tpu.vector_store %arg6[%swap3A_1449, %swap3A_1450, %swap3A_1451], %swap3A_1454 {strides = array<i32>} : memref<16x4x128xf32, #tpu.memory_space<vmem>>, vector<1x1x16xf32>,
      }
      %scan3A_111 = arith.constant 16 : i32
      %mul3A_112 = arith.constant 32 : i32
      %mul3A_113 = arith.muli %mul3A_96, %mul3A_112 : i32
      %add3A_114 = arith.addi %add3A, %mul3A_113 : i32
      %mul3A_115 = arith.constant 16 : i32
      %mul3A_116 = arith.muli %add3A_114, %mul3A_115 : i32
      %dma_start3A_117 = arith.constant 0 : i32
      %dma_start3A_118 = arith.constant 0 : i32
      %dma_start3A_119 = tpu.memref_slice %arg3[%mul3A_116, %dma_start3A_117, %dma_start3A_118] : memref<4096x4x128xf32, #tpu.memory_space<hbm>> -> memref<16x4x128xf32, #tpu.memory_space<hbm>>
      %dma_start3A_120 = arith.constant 0 : i32
      %dma_start3A_121 = arith.constant 0 : i32
      %dma_start3A_122 = tpu.memref_slice %arg3[%mul3A_116, %dma_start3A_120, %dma_start3A_121] : memref<4096x4x128xf32, #tpu.memory_space<hbm>> -> memref<16x4x128xf32, #tpu.memory_space<hbm>>
      tpu.enqueue_dma source(%arg6 : memref<16x4x128xf32, #tpu.memory_space<vmem>>) target(%dma_start3A_122 : memref<16x4x128xf32, #tpu.memory_space<hbm>>) target_semaphore(%arg10 : memref<!tpu.dma_semaphore, #tpu.memory_space<semaphore_mem>>)
      %add3A_123 = arith.constant 2 : i32
      %add3A_124 = arith.addi %mul3A_96, %add3A_123 : i32
      %lt3A = arith.cmpi slt, %add3A_124, %select_n3A : i32
      %convert_element_type3A_125 = arith.extui %lt3A : i1 to i32
      %cond3A_126 = arith.constant 0 : i32
      %cond3A_127 = arith.cmpi ne, %convert_element_type3A_125, %cond3A_126 : i32
      scf.if %cond3A_127 {
        %add3A_168 = arith.constant 2 : i32
        %add3A_169 = arith.addi %mul3A_96, %add3A_168 : i32
        %mul3A_170 = arith.constant 32 : i32
        %mul3A_171 = arith.muli %add3A_169, %mul3A_170 : i32
        %add3A_172 = arith.addi %add3A, %mul3A_171 : i32
        %mul3A_173 = arith.constant 16 : i32
        %mul3A_174 = arith.muli %add3A_172, %mul3A_173 : i32
        %add3A_175 = arith.constant 5904 : i32
        %add3A_176 = arith.addi %add3A_175, %mul3A_174 : i32
        %dma_start3A_177 = arith.constant 0 : i32
        %dma_start3A_178 = arith.constant 0 : i32
        %dma_start3A_179 = tpu.memref_slice %arg2[%add3A_176, %dma_start3A_177, %dma_start3A_178] : memref<10000x16x128xf32, #tpu.memory_space<hbm>> -> memref<16x16x128xf32, #tpu.memory_space<hbm>>
        %dma_start3A_180 = arith.constant 0 : i32
        %dma_start3A_181 = arith.constant 0 : i32
        %dma_start3A_182 = tpu.memref_slice %arg2[%add3A_176, %dma_start3A_180, %dma_start3A_181] : memref<10000x16x128xf32, #tpu.memory_space<hbm>> -> memref<16x16x128xf32, #tpu.memory_space<hbm>>
        tpu.enqueue_dma source(%dma_start3A_182 : memref<16x16x128xf32, #tpu.memory_space<hbm>>) target(%arg4 : memref<16x16x128xf32, #tpu.memory_space<vmem>>) target_semaphore(%arg8 : memref<!tpu.dma_semaphore, #tpu.memory_space<semaphore_mem>>)
      } else {
      }
      %mul3A_128 = arith.constant 2 : i32
      %mul3A_129 = arith.muli %mul3A_128, %while3A_94 : i32
      %add3A_130 = arith.constant 1 : i32
      %add3A_131 = arith.addi %mul3A_129, %add3A_130 : i32
      %dma_wait3A_132 = arith.constant 0 : i32
      %dma_wait3A_133 = arith.constant 0 : i32
      %dma_wait3A_134 = arith.constant 0 : i32
      %dma_wait3A_135 = tpu.memref_slice %arg2[%dma_wait3A_132, %dma_wait3A_133, %dma_wait3A_134] : memref<10000x16x128xf32, #tpu.memory_space<hbm>> -> memref<16x16x128xf32, #tpu.memory_space<hbm>>
      %dma_wait3A_136 = arith.constant 0 : i32
      %dma_wait3A_137 = arith.constant 0 : i32
      %dma_wait3A_138 = arith.constant 0 : i32
      %dma_wait3A_139 = tpu.memref_slice %arg2[%dma_wait3A_136, %dma_wait3A_137, %dma_wait3A_138] : memref<10000x16x128xf32, #tpu.memory_space<hbm>> -> memref<16x16x128xf32, #tpu.memory_space<hbm>>
      tpu.wait_dma2 semaphore(%arg9 : memref<!tpu.dma_semaphore, #tpu.memory_space<semaphore_mem>>) src(%dma_wait3A_139 : memref<16x16x128xf32, #tpu.memory_space<hbm>>) dst(%arg5 : memref<16x16x128xf32, #tpu.memory_space<vmem>>)
      %gt3A_140 = arith.constant 0 : i32
      %gt3A_141 = arith.cmpi sgt, %while3A_94, %gt3A_140 : i32
      %convert_element_type3A_142 = arith.extui %gt3A_141 : i1 to i32
      %cond3A_143 = arith.constant 0 : i32
      %cond3A_144 = arith.cmpi ne, %convert_element_type3A_142, %cond3A_143 : i32
      scf.if %cond3A_144 {
        %dma_wait3A_168 = arith.constant 0 : i32
        %dma_wait3A_169 = arith.constant 0 : i32
        %dma_wait3A_170 = arith.constant 0 : i32
        %dma_wait3A_171 = tpu.memref_slice %arg3[%dma_wait3A_168, %dma_wait3A_169, %dma_wait3A_170] : memref<4096x4x128xf32, #tpu.memory_space<hbm>> -> memref<16x4x128xf32, #tpu.memory_space<hbm>>
        %dma_wait3A_172 = arith.constant 0 : i32
        %dma_wait3A_173 = arith.constant 0 : i32
        %dma_wait3A_174 = arith.constant 0 : i32
        %dma_wait3A_175 = tpu.memref_slice %arg3[%dma_wait3A_172, %dma_wait3A_173, %dma_wait3A_174] : memref<4096x4x128xf32, #tpu.memory_space<hbm>> -> memref<16x4x128xf32, #tpu.memory_space<hbm>>
        tpu.wait_dma2 semaphore(%arg11 : memref<!tpu.dma_semaphore, #tpu.memory_space<semaphore_mem>>) src(%arg7 : memref<16x4x128xf32, #tpu.memory_space<vmem>>) dst(%dma_wait3A_175 : memref<16x4x128xf32, #tpu.memory_space<hbm>>)
      } else {
      }
      %scan3A_145 = arith.constant 0 : i32
      %scan3A_146 = arith.constant 0 : i32
      %scan3A_147 = arith.constant 16 : i32
      %scan3A_148 = arith.addi %scan3A_146, %scan3A_147 : i32
      %scan3A_149 = arith.constant 1 : i32
      scf.for %scan3A_168 = %scan3A_146 to %scan3A_148 step %scan3A_149  : i32 {
        %get3A = arith.constant 0 : i32
        %get3A_169 = arith.index_cast %scan3A_168 : i32 to index
        %get3A_170 = arith.index_cast %get3A : i32 to index
        %get3A_171 = arith.constant 0 : index
        %get3A_172 = tpu.vector_load %arg5[%get3A_169, %get3A_170, %get3A_171] {strides = array<i32>} : memref<16x16x128xf32, #tpu.memory_space<vmem>>, vector<1x1x16xf32>,
        %get3A_173 = vector.shape_cast %get3A_172 : vector<1x1x16xf32> to vector<16xf32>
        %mul3A_174 = arith.mulf %get3A_173, %get3A_173 : vector<16xf32>
        %get3A_175 = arith.constant 1 : i32
        %get3A_176 = arith.index_cast %scan3A_168 : i32 to index
        %get3A_177 = arith.index_cast %get3A_175 : i32 to index
        %get3A_178 = arith.constant 0 : index
        %get3A_179 = tpu.vector_load %arg5[%get3A_176, %get3A_177, %get3A_178] {strides = array<i32>} : memref<16x16x128xf32, #tpu.memory_space<vmem>>, vector<1x1x16xf32>,
        %get3A_180 = vector.shape_cast %get3A_179 : vector<1x1x16xf32> to vector<16xf32>
        %mul3A_181 = arith.mulf %get3A_180, %get3A_180 : vector<16xf32>
        %get3A_182 = arith.constant 2 : i32
        %get3A_183 = arith.index_cast %scan3A_168 : i32 to index
        %get3A_184 = arith.index_cast %get3A_182 : i32 to index
        %get3A_185 = arith.constant 0 : index
        %get3A_186 = tpu.vector_load %arg5[%get3A_183, %get3A_184, %get3A_185] {strides = array<i32>} : memref<16x16x128xf32, #tpu.memory_space<vmem>>, vector<1x1x16xf32>,
        %get3A_187 = vector.shape_cast %get3A_186 : vector<1x1x16xf32> to vector<16xf32>
        %mul3A_188 = arith.mulf %get3A_187, %get3A_187 : vector<16xf32>
        %get3A_189 = arith.constant 3 : i32
        %get3A_190 = arith.index_cast %scan3A_168 : i32 to index
        %get3A_191 = arith.index_cast %get3A_189 : i32 to index
        %get3A_192 = arith.constant 0 : index
        %get3A_193 = tpu.vector_load %arg5[%get3A_190, %get3A_191, %get3A_192] {strides = array<i32>} : memref<16x16x128xf32, #tpu.memory_space<vmem>>, vector<1x1x16xf32>,
        %get3A_194 = vector.shape_cast %get3A_193 : vector<1x1x16xf32> to vector<16xf32>
        %mul3A_195 = arith.mulf %get3A_194, %get3A_194 : vector<16xf32>
        %get3A_196 = arith.constant 4 : i32
        %get3A_197 = arith.index_cast %scan3A_168 : i32 to index
        %get3A_198 = arith.index_cast %get3A_196 : i32 to index
        %get3A_199 = arith.constant 0 : index
        %get3A_200 = tpu.vector_load %arg5[%get3A_197, %get3A_198, %get3A_199] {strides = array<i32>} : memref<16x16x128xf32, #tpu.memory_space<vmem>>, vector<1x1x16xf32>,
        %get3A_201 = vector.shape_cast %get3A_200 : vector<1x1x16xf32> to vector<16xf32>
        %mul3A_202 = arith.mulf %get3A_201, %get3A_201 : vector<16xf32>
        %get3A_203 = arith.constant 5 : i32
        %get3A_204 = arith.index_cast %scan3A_168 : i32 to index
        %get3A_205 = arith.index_cast %get3A_203 : i32 to index
        %get3A_206 = arith.constant 0 : index
        %get3A_207 = tpu.vector_load %arg5[%get3A_204, %get3A_205, %get3A_206] {strides = array<i32>} : memref<16x16x128xf32, #tpu.memory_space<vmem>>, vector<1x1x16xf32>,
        %get3A_208 = vector.shape_cast %get3A_207 : vector<1x1x16xf32> to vector<16xf32>
        %mul3A_209 = arith.mulf %get3A_208, %get3A_208 : vector<16xf32>
        %get3A_210 = arith.constant 6 : i32
        %get3A_211 = arith.index_cast %scan3A_168 : i32 to index
        %get3A_212 = arith.index_cast %get3A_210 : i32 to index
        %get3A_213 = arith.constant 0 : index
        %get3A_214 = tpu.vector_load %arg5[%get3A_211, %get3A_212, %get3A_213] {strides = array<i32>} : memref<16x16x128xf32, #tpu.memory_space<vmem>>, vector<1x1x16xf32>,
        %get3A_215 = vector.shape_cast %get3A_214 : vector<1x1x16xf32> to vector<16xf32>
        %mul3A_216 = arith.mulf %get3A_215, %get3A_215 : vector<16xf32>
        %get3A_217 = arith.constant 7 : i32
        %get3A_218 = arith.index_cast %scan3A_168 : i32 to index
        %get3A_219 = arith.index_cast %get3A_217 : i32 to index
        %get3A_220 = arith.constant 0 : index
        %get3A_221 = tpu.vector_load %arg5[%get3A_218, %get3A_219, %get3A_220] {strides = array<i32>} : memref<16x16x128xf32, #tpu.memory_space<vmem>>, vector<1x1x16xf32>,
        %get3A_222 = vector.shape_cast %get3A_221 : vector<1x1x16xf32> to vector<16xf32>
        %mul3A_223 = arith.mulf %get3A_222, %get3A_222 : vector<16xf32>
        %get3A_224 = arith.constant 8 : i32
        %get3A_225 = arith.index_cast %scan3A_168 : i32 to index
        %get3A_226 = arith.index_cast %get3A_224 : i32 to index
        %get3A_227 = arith.constant 0 : index
        %get3A_228 = tpu.vector_load %arg5[%get3A_225, %get3A_226, %get3A_227] {strides = array<i32>} : memref<16x16x128xf32, #tpu.memory_space<vmem>>, vector<1x1x16xf32>,
        %get3A_229 = vector.shape_cast %get3A_228 : vector<1x1x16xf32> to vector<16xf32>
        %mul3A_230 = arith.mulf %get3A_229, %get3A_229 : vector<16xf32>
        %get3A_231 = arith.constant 9 : i32
        %get3A_232 = arith.index_cast %scan3A_168 : i32 to index
        %get3A_233 = arith.index_cast %get3A_231 : i32 to index
        %get3A_234 = arith.constant 0 : index
        %get3A_235 = tpu.vector_load %arg5[%get3A_232, %get3A_233, %get3A_234] {strides = array<i32>} : memref<16x16x128xf32, #tpu.memory_space<vmem>>, vector<1x1x16xf32>,
        %get3A_236 = vector.shape_cast %get3A_235 : vector<1x1x16xf32> to vector<16xf32>
        %mul3A_237 = arith.mulf %get3A_236, %get3A_236 : vector<16xf32>
        %get3A_238 = arith.constant 10 : i32
        %get3A_239 = arith.index_cast %scan3A_168 : i32 to index
        %get3A_240 = arith.index_cast %get3A_238 : i32 to index
        %get3A_241 = arith.constant 0 : index
        %get3A_242 = tpu.vector_load %arg5[%get3A_239, %get3A_240, %get3A_241] {strides = array<i32>} : memref<16x16x128xf32, #tpu.memory_space<vmem>>, vector<1x1x16xf32>,
        %get3A_243 = vector.shape_cast %get3A_242 : vector<1x1x16xf32> to vector<16xf32>
        %mul3A_244 = arith.mulf %get3A_243, %get3A_243 : vector<16xf32>
        %get3A_245 = arith.constant 11 : i32
        %get3A_246 = arith.index_cast %scan3A_168 : i32 to index
        %get3A_247 = arith.index_cast %get3A_245 : i32 to index
        %get3A_248 = arith.constant 0 : index
        %get3A_249 = tpu.vector_load %arg5[%get3A_246, %get3A_247, %get3A_248] {strides = array<i32>} : memref<16x16x128xf32, #tpu.memory_space<vmem>>, vector<1x1x16xf32>,
        %get3A_250 = vector.shape_cast %get3A_249 : vector<1x1x16xf32> to vector<16xf32>
        %mul3A_251 = arith.mulf %get3A_250, %get3A_250 : vector<16xf32>
        %get3A_252 = arith.constant 12 : i32
        %get3A_253 = arith.index_cast %scan3A_168 : i32 to index
        %get3A_254 = arith.index_cast %get3A_252 : i32 to index
        %get3A_255 = arith.constant 0 : index
        %get3A_256 = tpu.vector_load %arg5[%get3A_253, %get3A_254, %get3A_255] {strides = array<i32>} : memref<16x16x128xf32, #tpu.memory_space<vmem>>, vector<1x1x16xf32>,
        %get3A_257 = vector.shape_cast %get3A_256 : vector<1x1x16xf32> to vector<16xf32>
        %mul3A_258 = arith.mulf %get3A_257, %get3A_257 : vector<16xf32>
        %get3A_259 = arith.constant 13 : i32
        %get3A_260 = arith.index_cast %scan3A_168 : i32 to index
        %get3A_261 = arith.index_cast %get3A_259 : i32 to index
        %get3A_262 = arith.constant 0 : index
        %get3A_263 = tpu.vector_load %arg5[%get3A_260, %get3A_261, %get3A_262] {strides = array<i32>} : memref<16x16x128xf32, #tpu.memory_space<vmem>>, vector<1x1x16xf32>,
        %get3A_264 = vector.shape_cast %get3A_263 : vector<1x1x16xf32> to vector<16xf32>
        %mul3A_265 = arith.mulf %get3A_264, %get3A_264 : vector<16xf32>
        %get3A_266 = arith.constant 14 : i32
        %get3A_267 = arith.index_cast %scan3A_168 : i32 to index
        %get3A_268 = arith.index_cast %get3A_266 : i32 to index
        %get3A_269 = arith.constant 0 : index
        %get3A_270 = tpu.vector_load %arg5[%get3A_267, %get3A_268, %get3A_269] {strides = array<i32>} : memref<16x16x128xf32, #tpu.memory_space<vmem>>, vector<1x1x16xf32>,
        %get3A_271 = vector.shape_cast %get3A_270 : vector<1x1x16xf32> to vector<16xf32>
        %mul3A_272 = arith.mulf %get3A_271, %get3A_271 : vector<16xf32>
        %get3A_273 = arith.constant 15 : i32
        %get3A_274 = arith.index_cast %scan3A_168 : i32 to index
        %get3A_275 = arith.index_cast %get3A_273 : i32 to index
        %get3A_276 = arith.constant 0 : index
        %get3A_277 = tpu.vector_load %arg5[%get3A_274, %get3A_275, %get3A_276] {strides = array<i32>} : memref<16x16x128xf32, #tpu.memory_space<vmem>>, vector<1x1x16xf32>,
        %get3A_278 = vector.shape_cast %get3A_277 : vector<1x1x16xf32> to vector<16xf32>
        %mul3A_279 = arith.mulf %get3A_278, %get3A_278 : vector<16xf32>
        %add3A_280 = arith.addf %mul3A_181, %mul3A_188 : vector<16xf32>
        %add3A_281 = arith.addf %add3A_280, %mul3A_195 : vector<16xf32>
        %add3A_282 = arith.addf %mul3A_202, %mul3A_209 : vector<16xf32>
        %add3A_283 = arith.addf %mul3A_216, %mul3A_223 : vector<16xf32>
        %add3A_284 = arith.addf %add3A_282, %add3A_283 : vector<16xf32>
        %add3A_285 = arith.addf %add3A_284, %mul3A_230 : vector<16xf32>
        %add3A_286 = arith.addf %mul3A_237, %mul3A_244 : vector<16xf32>
        %add3A_287 = arith.addf %mul3A_251, %mul3A_258 : vector<16xf32>
        %add3A_288 = arith.addf %add3A_286, %add3A_287 : vector<16xf32>
        %add3A_289 = arith.addf %mul3A_265, %mul3A_272 : vector<16xf32>
        %add3A_290 = arith.addf %add3A_289, %mul3A_279 : vector<16xf32>
        %add3A_291 = arith.addf %add3A_288, %add3A_290 : vector<16xf32>
        %swap3A = arith.constant 0 : i32
        %swap3A_292 = arith.index_cast %scan3A_168 : i32 to index
        %swap3A_293 = arith.index_cast %swap3A : i32 to index
        %swap3A_294 = arith.constant 0 : index
        %swap3A_295 = tpu.vector_load %arg7[%swap3A_292, %swap3A_293, %swap3A_294] {strides = array<i32>} : memref<16x4x128xf32, #tpu.memory_space<vmem>>, vector<1x1x16xf32>,
        %swap3A_296 = vector.shape_cast %swap3A_295 : vector<1x1x16xf32> to vector<16xf32>
        %swap3A_297 = vector.shape_cast %mul3A_174 : vector<16xf32> to vector<1x1x16xf32>
        tpu.vector_store %arg7[%swap3A_292, %swap3A_293, %swap3A_294], %swap3A_297 {strides = array<i32>} : memref<16x4x128xf32, #tpu.memory_space<vmem>>, vector<1x1x16xf32>,
        %mul3A_298 = arith.constant 0.333333343 : f32
        %mul3A_299 = vector.broadcast %mul3A_298 : f32 to vector<16xf32>
        %mul3A_300 = arith.mulf %add3A_281, %mul3A_299 : vector<16xf32>
        %swap3A_301 = arith.constant 1 : i32
        %swap3A_302 = arith.index_cast %scan3A_168 : i32 to index
        %swap3A_303 = arith.index_cast %swap3A_301 : i32 to index
        %swap3A_304 = arith.constant 0 : index
        %swap3A_305 = tpu.vector_load %arg7[%swap3A_302, %swap3A_303, %swap3A_304] {strides = array<i32>} : memref<16x4x128xf32, #tpu.memory_space<vmem>>, vector<1x1x16xf32>,
        %swap3A_306 = vector.shape_cast %swap3A_305 : vector<1x1x16xf32> to vector<16xf32>
        %swap3A_307 = vector.shape_cast %mul3A_300 : vector<16xf32> to vector<1x1x16xf32>
        tpu.vector_store %arg7[%swap3A_302, %swap3A_303, %swap3A_304], %swap3A_307 {strides = array<i32>} : memref<16x4x128xf32, #tpu.memory_space<vmem>>, vector<1x1x16xf32>,
        %mul3A_308 = arith.constant 2.000000e-01 : f32
        %mul3A_309 = vector.broadcast %mul3A_308 : f32 to vector<16xf32>
        %mul3A_310 = arith.mulf %add3A_285, %mul3A_309 : vector<16xf32>
        %swap3A_311 = arith.constant 2 : i32
        %swap3A_312 = arith.index_cast %scan3A_168 : i32 to index
        %swap3A_313 = arith.index_cast %swap3A_311 : i32 to index
        %swap3A_314 = arith.constant 0 : index
        %swap3A_315 = tpu.vector_load %arg7[%swap3A_312, %swap3A_313, %swap3A_314] {strides = array<i32>} : memref<16x4x128xf32, #tpu.memory_space<vmem>>, vector<1x1x16xf32>,
        %swap3A_316 = vector.shape_cast %swap3A_315 : vector<1x1x16xf32> to vector<16xf32>
        %swap3A_317 = vector.shape_cast %mul3A_310 : vector<16xf32> to vector<1x1x16xf32>
        tpu.vector_store %arg7[%swap3A_312, %swap3A_313, %swap3A_314], %swap3A_317 {strides = array<i32>} : memref<16x4x128xf32, #tpu.memory_space<vmem>>, vector<1x1x16xf32>,
        %mul3A_318 = arith.constant 0.142857149 : f32
        %mul3A_319 = vector.broadcast %mul3A_318 : f32 to vector<16xf32>
        %mul3A_320 = arith.mulf %add3A_291, %mul3A_319 : vector<16xf32>
        %swap3A_321 = arith.constant 3 : i32
        %swap3A_322 = arith.index_cast %scan3A_168 : i32 to index
        %swap3A_323 = arith.index_cast %swap3A_321 : i32 to index
        %swap3A_324 = arith.constant 0 : index
        %swap3A_325 = tpu.vector_load %arg7[%swap3A_322, %swap3A_323, %swap3A_324] {strides = array<i32>} : memref<16x4x128xf32, #tpu.memory_space<vmem>>, vector<1x1x16xf32>,
        %swap3A_326 = vector.shape_cast %swap3A_325 : vector<1x1x16xf32> to vector<16xf32>
        %swap3A_327 = vector.shape_cast %mul3A_320 : vector<16xf32> to vector<1x1x16xf32>
        tpu.vector_store %arg7[%swap3A_322, %swap3A_323, %swap3A_324], %swap3A_327 {strides = array<i32>} : memref<16x4x128xf32, #tpu.memory_space<vmem>>, vector<1x1x16xf32>,
        %get3A_328 = arith.constant 0 : i32
        %get3A_329 = arith.index_cast %scan3A_168 : i32 to index
        %get3A_330 = arith.index_cast %get3A_328 : i32 to index
        %get3A_331 = arith.constant 16 : index
        %get3A_332 = tpu.vector_load %arg5[%get3A_329, %get3A_330, %get3A_331] {strides = array<i32>} : memref<16x16x128xf32, #tpu.memory_space<vmem>>, vector<1x1x16xf32>,
        %get3A_333 = vector.shape_cast %get3A_332 : vector<1x1x16xf32> to vector<16xf32>
        %mul3A_334 = arith.mulf %get3A_333, %get3A_333 : vector<16xf32>
        %get3A_335 = arith.constant 1 : i32
        %get3A_336 = arith.index_cast %scan3A_168 : i32 to index
        %get3A_337 = arith.index_cast %get3A_335 : i32 to index
        %get3A_338 = arith.constant 16 : index
        %get3A_339 = tpu.vector_load %arg5[%get3A_336, %get3A_337, %get3A_338] {strides = array<i32>} : memref<16x16x128xf32, #tpu.memory_space<vmem>>, vector<1x1x16xf32>,
        %get3A_340 = vector.shape_cast %get3A_339 : vector<1x1x16xf32> to vector<16xf32>
        %mul3A_341 = arith.mulf %get3A_340, %get3A_340 : vector<16xf32>
        %get3A_342 = arith.constant 2 : i32
        %get3A_343 = arith.index_cast %scan3A_168 : i32 to index
        %get3A_344 = arith.index_cast %get3A_342 : i32 to index
        %get3A_345 = arith.constant 16 : index
        %get3A_346 = tpu.vector_load %arg5[%get3A_343, %get3A_344, %get3A_345] {strides = array<i32>} : memref<16x16x128xf32, #tpu.memory_space<vmem>>, vector<1x1x16xf32>,
        %get3A_347 = vector.shape_cast %get3A_346 : vector<1x1x16xf32> to vector<16xf32>
        %mul3A_348 = arith.mulf %get3A_347, %get3A_347 : vector<16xf32>
        %get3A_349 = arith.constant 3 : i32
        %get3A_350 = arith.index_cast %scan3A_168 : i32 to index
        %get3A_351 = arith.index_cast %get3A_349 : i32 to index
        %get3A_352 = arith.constant 16 : index
        %get3A_353 = tpu.vector_load %arg5[%get3A_350, %get3A_351, %get3A_352] {strides = array<i32>} : memref<16x16x128xf32, #tpu.memory_space<vmem>>, vector<1x1x16xf32>,
        %get3A_354 = vector.shape_cast %get3A_353 : vector<1x1x16xf32> to vector<16xf32>
        %mul3A_355 = arith.mulf %get3A_354, %get3A_354 : vector<16xf32>
        %get3A_356 = arith.constant 4 : i32
        %get3A_357 = arith.index_cast %scan3A_168 : i32 to index
        %get3A_358 = arith.index_cast %get3A_356 : i32 to index
        %get3A_359 = arith.constant 16 : index
        %get3A_360 = tpu.vector_load %arg5[%get3A_357, %get3A_358, %get3A_359] {strides = array<i32>} : memref<16x16x128xf32, #tpu.memory_space<vmem>>, vector<1x1x16xf32>,
        %get3A_361 = vector.shape_cast %get3A_360 : vector<1x1x16xf32> to vector<16xf32>
        %mul3A_362 = arith.mulf %get3A_361, %get3A_361 : vector<16xf32>
        %get3A_363 = arith.constant 5 : i32
        %get3A_364 = arith.index_cast %scan3A_168 : i32 to index
        %get3A_365 = arith.index_cast %get3A_363 : i32 to index
        %get3A_366 = arith.constant 16 : index
        %get3A_367 = tpu.vector_load %arg5[%get3A_364, %get3A_365, %get3A_366] {strides = array<i32>} : memref<16x16x128xf32, #tpu.memory_space<vmem>>, vector<1x1x16xf32>,
        %get3A_368 = vector.shape_cast %get3A_367 : vector<1x1x16xf32> to vector<16xf32>
        %mul3A_369 = arith.mulf %get3A_368, %get3A_368 : vector<16xf32>
        %get3A_370 = arith.constant 6 : i32
        %get3A_371 = arith.index_cast %scan3A_168 : i32 to index
        %get3A_372 = arith.index_cast %get3A_370 : i32 to index
        %get3A_373 = arith.constant 16 : index
        %get3A_374 = tpu.vector_load %arg5[%get3A_371, %get3A_372, %get3A_373] {strides = array<i32>} : memref<16x16x128xf32, #tpu.memory_space<vmem>>, vector<1x1x16xf32>,
        %get3A_375 = vector.shape_cast %get3A_374 : vector<1x1x16xf32> to vector<16xf32>
        %mul3A_376 = arith.mulf %get3A_375, %get3A_375 : vector<16xf32>
        %get3A_377 = arith.constant 7 : i32
        %get3A_378 = arith.index_cast %scan3A_168 : i32 to index
        %get3A_379 = arith.index_cast %get3A_377 : i32 to index
        %get3A_380 = arith.constant 16 : index
        %get3A_381 = tpu.vector_load %arg5[%get3A_378, %get3A_379, %get3A_380] {strides = array<i32>} : memref<16x16x128xf32, #tpu.memory_space<vmem>>, vector<1x1x16xf32>,
        %get3A_382 = vector.shape_cast %get3A_381 : vector<1x1x16xf32> to vector<16xf32>
        %mul3A_383 = arith.mulf %get3A_382, %get3A_382 : vector<16xf32>
        %get3A_384 = arith.constant 8 : i32
        %get3A_385 = arith.index_cast %scan3A_168 : i32 to index
        %get3A_386 = arith.index_cast %get3A_384 : i32 to index
        %get3A_387 = arith.constant 16 : index
        %get3A_388 = tpu.vector_load %arg5[%get3A_385, %get3A_386, %get3A_387] {strides = array<i32>} : memref<16x16x128xf32, #tpu.memory_space<vmem>>, vector<1x1x16xf32>,
        %get3A_389 = vector.shape_cast %get3A_388 : vector<1x1x16xf32> to vector<16xf32>
        %mul3A_390 = arith.mulf %get3A_389, %get3A_389 : vector<16xf32>
        %get3A_391 = arith.constant 9 : i32
        %get3A_392 = arith.index_cast %scan3A_168 : i32 to index
        %get3A_393 = arith.index_cast %get3A_391 : i32 to index
        %get3A_394 = arith.constant 16 : index
        %get3A_395 = tpu.vector_load %arg5[%get3A_392, %get3A_393, %get3A_394] {strides = array<i32>} : memref<16x16x128xf32, #tpu.memory_space<vmem>>, vector<1x1x16xf32>,
        %get3A_396 = vector.shape_cast %get3A_395 : vector<1x1x16xf32> to vector<16xf32>
        %mul3A_397 = arith.mulf %get3A_396, %get3A_396 : vector<16xf32>
        %get3A_398 = arith.constant 10 : i32
        %get3A_399 = arith.index_cast %scan3A_168 : i32 to index
        %get3A_400 = arith.index_cast %get3A_398 : i32 to index
        %get3A_401 = arith.constant 16 : index
        %get3A_402 = tpu.vector_load %arg5[%get3A_399, %get3A_400, %get3A_401] {strides = array<i32>} : memref<16x16x128xf32, #tpu.memory_space<vmem>>, vector<1x1x16xf32>,
        %get3A_403 = vector.shape_cast %get3A_402 : vector<1x1x16xf32> to vector<16xf32>
        %mul3A_404 = arith.mulf %get3A_403, %get3A_403 : vector<16xf32>
        %get3A_405 = arith.constant 11 : i32
        %get3A_406 = arith.index_cast %scan3A_168 : i32 to index
        %get3A_407 = arith.index_cast %get3A_405 : i32 to index
        %get3A_408 = arith.constant 16 : index
        %get3A_409 = tpu.vector_load %arg5[%get3A_406, %get3A_407, %get3A_408] {strides = array<i32>} : memref<16x16x128xf32, #tpu.memory_space<vmem>>, vector<1x1x16xf32>,
        %get3A_410 = vector.shape_cast %get3A_409 : vector<1x1x16xf32> to vector<16xf32>
        %mul3A_411 = arith.mulf %get3A_410, %get3A_410 : vector<16xf32>
        %get3A_412 = arith.constant 12 : i32
        %get3A_413 = arith.index_cast %scan3A_168 : i32 to index
        %get3A_414 = arith.index_cast %get3A_412 : i32 to index
        %get3A_415 = arith.constant 16 : index
        %get3A_416 = tpu.vector_load %arg5[%get3A_413, %get3A_414, %get3A_415] {strides = array<i32>} : memref<16x16x128xf32, #tpu.memory_space<vmem>>, vector<1x1x16xf32>,
        %get3A_417 = vector.shape_cast %get3A_416 : vector<1x1x16xf32> to vector<16xf32>
        %mul3A_418 = arith.mulf %get3A_417, %get3A_417 : vector<16xf32>
        %get3A_419 = arith.constant 13 : i32
        %get3A_420 = arith.index_cast %scan3A_168 : i32 to index
        %get3A_421 = arith.index_cast %get3A_419 : i32 to index
        %get3A_422 = arith.constant 16 : index
        %get3A_423 = tpu.vector_load %arg5[%get3A_420, %get3A_421, %get3A_422] {strides = array<i32>} : memref<16x16x128xf32, #tpu.memory_space<vmem>>, vector<1x1x16xf32>,
        %get3A_424 = vector.shape_cast %get3A_423 : vector<1x1x16xf32> to vector<16xf32>
        %mul3A_425 = arith.mulf %get3A_424, %get3A_424 : vector<16xf32>
        %get3A_426 = arith.constant 14 : i32
        %get3A_427 = arith.index_cast %scan3A_168 : i32 to index
        %get3A_428 = arith.index_cast %get3A_426 : i32 to index
        %get3A_429 = arith.constant 16 : index
        %get3A_430 = tpu.vector_load %arg5[%get3A_427, %get3A_428, %get3A_429] {strides = array<i32>} : memref<16x16x128xf32, #tpu.memory_space<vmem>>, vector<1x1x16xf32>,
        %get3A_431 = vector.shape_cast %get3A_430 : vector<1x1x16xf32> to vector<16xf32>
        %mul3A_432 = arith.mulf %get3A_431, %get3A_431 : vector<16xf32>
        %get3A_433 = arith.constant 15 : i32
        %get3A_434 = arith.index_cast %scan3A_168 : i32 to index
        %get3A_435 = arith.index_cast %get3A_433 : i32 to index
        %get3A_436 = arith.constant 16 : index
        %get3A_437 = tpu.vector_load %arg5[%get3A_434, %get3A_435, %get3A_436] {strides = array<i32>} : memref<16x16x128xf32, #tpu.memory_space<vmem>>, vector<1x1x16xf32>,
        %get3A_438 = vector.shape_cast %get3A_437 : vector<1x1x16xf32> to vector<16xf32>
        %mul3A_439 = arith.mulf %get3A_438, %get3A_438 : vector<16xf32>
        %add3A_440 = arith.addf %mul3A_341, %mul3A_348 : vector<16xf32>
        %add3A_441 = arith.addf %add3A_440, %mul3A_355 : vector<16xf32>
        %add3A_442 = arith.addf %mul3A_362, %mul3A_369 : vector<16xf32>
        %add3A_443 = arith.addf %mul3A_376, %mul3A_383 : vector<16xf32>
        %add3A_444 = arith.addf %add3A_442, %add3A_443 : vector<16xf32>
        %add3A_445 = arith.addf %add3A_444, %mul3A_390 : vector<16xf32>
        %add3A_446 = arith.addf %mul3A_397, %mul3A_404 : vector<16xf32>
        %add3A_447 = arith.addf %mul3A_411, %mul3A_418 : vector<16xf32>
        %add3A_448 = arith.addf %add3A_446, %add3A_447 : vector<16xf32>
        %add3A_449 = arith.addf %mul3A_425, %mul3A_432 : vector<16xf32>
        %add3A_450 = arith.addf %add3A_449, %mul3A_439 : vector<16xf32>
        %add3A_451 = arith.addf %add3A_448, %add3A_450 : vector<16xf32>
        %swap3A_452 = arith.constant 0 : i32
        %swap3A_453 = arith.index_cast %scan3A_168 : i32 to index
        %swap3A_454 = arith.index_cast %swap3A_452 : i32 to index
        %swap3A_455 = arith.constant 16 : index
        %swap3A_456 = tpu.vector_load %arg7[%swap3A_453, %swap3A_454, %swap3A_455] {strides = array<i32>} : memref<16x4x128xf32, #tpu.memory_space<vmem>>, vector<1x1x16xf32>,
        %swap3A_457 = vector.shape_cast %swap3A_456 : vector<1x1x16xf32> to vector<16xf32>
        %swap3A_458 = vector.shape_cast %mul3A_334 : vector<16xf32> to vector<1x1x16xf32>
        tpu.vector_store %arg7[%swap3A_453, %swap3A_454, %swap3A_455], %swap3A_458 {strides = array<i32>} : memref<16x4x128xf32, #tpu.memory_space<vmem>>, vector<1x1x16xf32>,
        %mul3A_459 = arith.constant 0.333333343 : f32
        %mul3A_460 = vector.broadcast %mul3A_459 : f32 to vector<16xf32>
        %mul3A_461 = arith.mulf %add3A_441, %mul3A_460 : vector<16xf32>
        %swap3A_462 = arith.constant 1 : i32
        %swap3A_463 = arith.index_cast %scan3A_168 : i32 to index
        %swap3A_464 = arith.index_cast %swap3A_462 : i32 to index
        %swap3A_465 = arith.constant 16 : index
        %swap3A_466 = tpu.vector_load %arg7[%swap3A_463, %swap3A_464, %swap3A_465] {strides = array<i32>} : memref<16x4x128xf32, #tpu.memory_space<vmem>>, vector<1x1x16xf32>,
        %swap3A_467 = vector.shape_cast %swap3A_466 : vector<1x1x16xf32> to vector<16xf32>
        %swap3A_468 = vector.shape_cast %mul3A_461 : vector<16xf32> to vector<1x1x16xf32>
        tpu.vector_store %arg7[%swap3A_463, %swap3A_464, %swap3A_465], %swap3A_468 {strides = array<i32>} : memref<16x4x128xf32, #tpu.memory_space<vmem>>, vector<1x1x16xf32>,
        %mul3A_469 = arith.constant 2.000000e-01 : f32
        %mul3A_470 = vector.broadcast %mul3A_469 : f32 to vector<16xf32>
        %mul3A_471 = arith.mulf %add3A_445, %mul3A_470 : vector<16xf32>
        %swap3A_472 = arith.constant 2 : i32
        %swap3A_473 = arith.index_cast %scan3A_168 : i32 to index
        %swap3A_474 = arith.index_cast %swap3A_472 : i32 to index
        %swap3A_475 = arith.constant 16 : index
        %swap3A_476 = tpu.vector_load %arg7[%swap3A_473, %swap3A_474, %swap3A_475] {strides = array<i32>} : memref<16x4x128xf32, #tpu.memory_space<vmem>>, vector<1x1x16xf32>,
        %swap3A_477 = vector.shape_cast %swap3A_476 : vector<1x1x16xf32> to vector<16xf32>
        %swap3A_478 = vector.shape_cast %mul3A_471 : vector<16xf32> to vector<1x1x16xf32>
        tpu.vector_store %arg7[%swap3A_473, %swap3A_474, %swap3A_475], %swap3A_478 {strides = array<i32>} : memref<16x4x128xf32, #tpu.memory_space<vmem>>, vector<1x1x16xf32>,
        %mul3A_479 = arith.constant 0.142857149 : f32
        %mul3A_480 = vector.broadcast %mul3A_479 : f32 to vector<16xf32>
        %mul3A_481 = arith.mulf %add3A_451, %mul3A_480 : vector<16xf32>
        %swap3A_482 = arith.constant 3 : i32
        %swap3A_483 = arith.index_cast %scan3A_168 : i32 to index
        %swap3A_484 = arith.index_cast %swap3A_482 : i32 to index
        %swap3A_485 = arith.constant 16 : index
        %swap3A_486 = tpu.vector_load %arg7[%swap3A_483, %swap3A_484, %swap3A_485] {strides = array<i32>} : memref<16x4x128xf32, #tpu.memory_space<vmem>>, vector<1x1x16xf32>,
        %swap3A_487 = vector.shape_cast %swap3A_486 : vector<1x1x16xf32> to vector<16xf32>
        %swap3A_488 = vector.shape_cast %mul3A_481 : vector<16xf32> to vector<1x1x16xf32>
        tpu.vector_store %arg7[%swap3A_483, %swap3A_484, %swap3A_485], %swap3A_488 {strides = array<i32>} : memref<16x4x128xf32, #tpu.memory_space<vmem>>, vector<1x1x16xf32>,
        %get3A_489 = arith.constant 0 : i32
        %get3A_490 = arith.index_cast %scan3A_168 : i32 to index
        %get3A_491 = arith.index_cast %get3A_489 : i32 to index
        %get3A_492 = arith.constant 32 : index
        %get3A_493 = tpu.vector_load %arg5[%get3A_490, %get3A_491, %get3A_492] {strides = array<i32>} : memref<16x16x128xf32, #tpu.memory_space<vmem>>, vector<1x1x16xf32>,
        %get3A_494 = vector.shape_cast %get3A_493 : vector<1x1x16xf32> to vector<16xf32>
        %mul3A_495 = arith.mulf %get3A_494, %get3A_494 : vector<16xf32>
        %get3A_496 = arith.constant 1 : i32
        %get3A_497 = arith.index_cast %scan3A_168 : i32 to index
        %get3A_498 = arith.index_cast %get3A_496 : i32 to index
        %get3A_499 = arith.constant 32 : index
        %get3A_500 = tpu.vector_load %arg5[%get3A_497, %get3A_498, %get3A_499] {strides = array<i32>} : memref<16x16x128xf32, #tpu.memory_space<vmem>>, vector<1x1x16xf32>,
        %get3A_501 = vector.shape_cast %get3A_500 : vector<1x1x16xf32> to vector<16xf32>
        %mul3A_502 = arith.mulf %get3A_501, %get3A_501 : vector<16xf32>
        %get3A_503 = arith.constant 2 : i32
        %get3A_504 = arith.index_cast %scan3A_168 : i32 to index
        %get3A_505 = arith.index_cast %get3A_503 : i32 to index
        %get3A_506 = arith.constant 32 : index
        %get3A_507 = tpu.vector_load %arg5[%get3A_504, %get3A_505, %get3A_506] {strides = array<i32>} : memref<16x16x128xf32, #tpu.memory_space<vmem>>, vector<1x1x16xf32>,
        %get3A_508 = vector.shape_cast %get3A_507 : vector<1x1x16xf32> to vector<16xf32>
        %mul3A_509 = arith.mulf %get3A_508, %get3A_508 : vector<16xf32>
        %get3A_510 = arith.constant 3 : i32
        %get3A_511 = arith.index_cast %scan3A_168 : i32 to index
        %get3A_512 = arith.index_cast %get3A_510 : i32 to index
        %get3A_513 = arith.constant 32 : index
        %get3A_514 = tpu.vector_load %arg5[%get3A_511, %get3A_512, %get3A_513] {strides = array<i32>} : memref<16x16x128xf32, #tpu.memory_space<vmem>>, vector<1x1x16xf32>,
        %get3A_515 = vector.shape_cast %get3A_514 : vector<1x1x16xf32> to vector<16xf32>
        %mul3A_516 = arith.mulf %get3A_515, %get3A_515 : vector<16xf32>
        %get3A_517 = arith.constant 4 : i32
        %get3A_518 = arith.index_cast %scan3A_168 : i32 to index
        %get3A_519 = arith.index_cast %get3A_517 : i32 to index
        %get3A_520 = arith.constant 32 : index
        %get3A_521 = tpu.vector_load %arg5[%get3A_518, %get3A_519, %get3A_520] {strides = array<i32>} : memref<16x16x128xf32, #tpu.memory_space<vmem>>, vector<1x1x16xf32>,
        %get3A_522 = vector.shape_cast %get3A_521 : vector<1x1x16xf32> to vector<16xf32>
        %mul3A_523 = arith.mulf %get3A_522, %get3A_522 : vector<16xf32>
        %get3A_524 = arith.constant 5 : i32
        %get3A_525 = arith.index_cast %scan3A_168 : i32 to index
        %get3A_526 = arith.index_cast %get3A_524 : i32 to index
        %get3A_527 = arith.constant 32 : index
        %get3A_528 = tpu.vector_load %arg5[%get3A_525, %get3A_526, %get3A_527] {strides = array<i32>} : memref<16x16x128xf32, #tpu.memory_space<vmem>>, vector<1x1x16xf32>,
        %get3A_529 = vector.shape_cast %get3A_528 : vector<1x1x16xf32> to vector<16xf32>
        %mul3A_530 = arith.mulf %get3A_529, %get3A_529 : vector<16xf32>
        %get3A_531 = arith.constant 6 : i32
        %get3A_532 = arith.index_cast %scan3A_168 : i32 to index
        %get3A_533 = arith.index_cast %get3A_531 : i32 to index
        %get3A_534 = arith.constant 32 : index
        %get3A_535 = tpu.vector_load %arg5[%get3A_532, %get3A_533, %get3A_534] {strides = array<i32>} : memref<16x16x128xf32, #tpu.memory_space<vmem>>, vector<1x1x16xf32>,
        %get3A_536 = vector.shape_cast %get3A_535 : vector<1x1x16xf32> to vector<16xf32>
        %mul3A_537 = arith.mulf %get3A_536, %get3A_536 : vector<16xf32>
        %get3A_538 = arith.constant 7 : i32
        %get3A_539 = arith.index_cast %scan3A_168 : i32 to index
        %get3A_540 = arith.index_cast %get3A_538 : i32 to index
        %get3A_541 = arith.constant 32 : index
        %get3A_542 = tpu.vector_load %arg5[%get3A_539, %get3A_540, %get3A_541] {strides = array<i32>} : memref<16x16x128xf32, #tpu.memory_space<vmem>>, vector<1x1x16xf32>,
        %get3A_543 = vector.shape_cast %get3A_542 : vector<1x1x16xf32> to vector<16xf32>
        %mul3A_544 = arith.mulf %get3A_543, %get3A_543 : vector<16xf32>
        %get3A_545 = arith.constant 8 : i32
        %get3A_546 = arith.index_cast %scan3A_168 : i32 to index
        %get3A_547 = arith.index_cast %get3A_545 : i32 to index
        %get3A_548 = arith.constant 32 : index
        %get3A_549 = tpu.vector_load %arg5[%get3A_546, %get3A_547, %get3A_548] {strides = array<i32>} : memref<16x16x128xf32, #tpu.memory_space<vmem>>, vector<1x1x16xf32>,
        %get3A_550 = vector.shape_cast %get3A_549 : vector<1x1x16xf32> to vector<16xf32>
        %mul3A_551 = arith.mulf %get3A_550, %get3A_550 : vector<16xf32>
        %get3A_552 = arith.constant 9 : i32
        %get3A_553 = arith.index_cast %scan3A_168 : i32 to index
        %get3A_554 = arith.index_cast %get3A_552 : i32 to index
        %get3A_555 = arith.constant 32 : index
        %get3A_556 = tpu.vector_load %arg5[%get3A_553, %get3A_554, %get3A_555] {strides = array<i32>} : memref<16x16x128xf32, #tpu.memory_space<vmem>>, vector<1x1x16xf32>,
        %get3A_557 = vector.shape_cast %get3A_556 : vector<1x1x16xf32> to vector<16xf32>
        %mul3A_558 = arith.mulf %get3A_557, %get3A_557 : vector<16xf32>
        %get3A_559 = arith.constant 10 : i32
        %get3A_560 = arith.index_cast %scan3A_168 : i32 to index
        %get3A_561 = arith.index_cast %get3A_559 : i32 to index
        %get3A_562 = arith.constant 32 : index
        %get3A_563 = tpu.vector_load %arg5[%get3A_560, %get3A_561, %get3A_562] {strides = array<i32>} : memref<16x16x128xf32, #tpu.memory_space<vmem>>, vector<1x1x16xf32>,
        %get3A_564 = vector.shape_cast %get3A_563 : vector<1x1x16xf32> to vector<16xf32>
        %mul3A_565 = arith.mulf %get3A_564, %get3A_564 : vector<16xf32>
        %get3A_566 = arith.constant 11 : i32
        %get3A_567 = arith.index_cast %scan3A_168 : i32 to index
        %get3A_568 = arith.index_cast %get3A_566 : i32 to index
        %get3A_569 = arith.constant 32 : index
        %get3A_570 = tpu.vector_load %arg5[%get3A_567, %get3A_568, %get3A_569] {strides = array<i32>} : memref<16x16x128xf32, #tpu.memory_space<vmem>>, vector<1x1x16xf32>,
        %get3A_571 = vector.shape_cast %get3A_570 : vector<1x1x16xf32> to vector<16xf32>
        %mul3A_572 = arith.mulf %get3A_571, %get3A_571 : vector<16xf32>
        %get3A_573 = arith.constant 12 : i32
        %get3A_574 = arith.index_cast %scan3A_168 : i32 to index
        %get3A_575 = arith.index_cast %get3A_573 : i32 to index
        %get3A_576 = arith.constant 32 : index
        %get3A_577 = tpu.vector_load %arg5[%get3A_574, %get3A_575, %get3A_576] {strides = array<i32>} : memref<16x16x128xf32, #tpu.memory_space<vmem>>, vector<1x1x16xf32>,
        %get3A_578 = vector.shape_cast %get3A_577 : vector<1x1x16xf32> to vector<16xf32>
        %mul3A_579 = arith.mulf %get3A_578, %get3A_578 : vector<16xf32>
        %get3A_580 = arith.constant 13 : i32
        %get3A_581 = arith.index_cast %scan3A_168 : i32 to index
        %get3A_582 = arith.index_cast %get3A_580 : i32 to index
        %get3A_583 = arith.constant 32 : index
        %get3A_584 = tpu.vector_load %arg5[%get3A_581, %get3A_582, %get3A_583] {strides = array<i32>} : memref<16x16x128xf32, #tpu.memory_space<vmem>>, vector<1x1x16xf32>,
        %get3A_585 = vector.shape_cast %get3A_584 : vector<1x1x16xf32> to vector<16xf32>
        %mul3A_586 = arith.mulf %get3A_585, %get3A_585 : vector<16xf32>
        %get3A_587 = arith.constant 14 : i32
        %get3A_588 = arith.index_cast %scan3A_168 : i32 to index
        %get3A_589 = arith.index_cast %get3A_587 : i32 to index
        %get3A_590 = arith.constant 32 : index
        %get3A_591 = tpu.vector_load %arg5[%get3A_588, %get3A_589, %get3A_590] {strides = array<i32>} : memref<16x16x128xf32, #tpu.memory_space<vmem>>, vector<1x1x16xf32>,
        %get3A_592 = vector.shape_cast %get3A_591 : vector<1x1x16xf32> to vector<16xf32>
        %mul3A_593 = arith.mulf %get3A_592, %get3A_592 : vector<16xf32>
        %get3A_594 = arith.constant 15 : i32
        %get3A_595 = arith.index_cast %scan3A_168 : i32 to index
        %get3A_596 = arith.index_cast %get3A_594 : i32 to index
        %get3A_597 = arith.constant 32 : index
        %get3A_598 = tpu.vector_load %arg5[%get3A_595, %get3A_596, %get3A_597] {strides = array<i32>} : memref<16x16x128xf32, #tpu.memory_space<vmem>>, vector<1x1x16xf32>,
        %get3A_599 = vector.shape_cast %get3A_598 : vector<1x1x16xf32> to vector<16xf32>
        %mul3A_600 = arith.mulf %get3A_599, %get3A_599 : vector<16xf32>
        %add3A_601 = arith.addf %mul3A_502, %mul3A_509 : vector<16xf32>
        %add3A_602 = arith.addf %add3A_601, %mul3A_516 : vector<16xf32>
        %add3A_603 = arith.addf %mul3A_523, %mul3A_530 : vector<16xf32>
        %add3A_604 = arith.addf %mul3A_537, %mul3A_544 : vector<16xf32>
        %add3A_605 = arith.addf %add3A_603, %add3A_604 : vector<16xf32>
        %add3A_606 = arith.addf %add3A_605, %mul3A_551 : vector<16xf32>
        %add3A_607 = arith.addf %mul3A_558, %mul3A_565 : vector<16xf32>
        %add3A_608 = arith.addf %mul3A_572, %mul3A_579 : vector<16xf32>
        %add3A_609 = arith.addf %add3A_607, %add3A_608 : vector<16xf32>
        %add3A_610 = arith.addf %mul3A_586, %mul3A_593 : vector<16xf32>
        %add3A_611 = arith.addf %add3A_610, %mul3A_600 : vector<16xf32>
        %add3A_612 = arith.addf %add3A_609, %add3A_611 : vector<16xf32>
        %swap3A_613 = arith.constant 0 : i32
        %swap3A_614 = arith.index_cast %scan3A_168 : i32 to index
        %swap3A_615 = arith.index_cast %swap3A_613 : i32 to index
        %swap3A_616 = arith.constant 32 : index
        %swap3A_617 = tpu.vector_load %arg7[%swap3A_614, %swap3A_615, %swap3A_616] {strides = array<i32>} : memref<16x4x128xf32, #tpu.memory_space<vmem>>, vector<1x1x16xf32>,
        %swap3A_618 = vector.shape_cast %swap3A_617 : vector<1x1x16xf32> to vector<16xf32>
        %swap3A_619 = vector.shape_cast %mul3A_495 : vector<16xf32> to vector<1x1x16xf32>
        tpu.vector_store %arg7[%swap3A_614, %swap3A_615, %swap3A_616], %swap3A_619 {strides = array<i32>} : memref<16x4x128xf32, #tpu.memory_space<vmem>>, vector<1x1x16xf32>,
        %mul3A_620 = arith.constant 0.333333343 : f32
        %mul3A_621 = vector.broadcast %mul3A_620 : f32 to vector<16xf32>
        %mul3A_622 = arith.mulf %add3A_602, %mul3A_621 : vector<16xf32>
        %swap3A_623 = arith.constant 1 : i32
        %swap3A_624 = arith.index_cast %scan3A_168 : i32 to index
        %swap3A_625 = arith.index_cast %swap3A_623 : i32 to index
        %swap3A_626 = arith.constant 32 : index
        %swap3A_627 = tpu.vector_load %arg7[%swap3A_624, %swap3A_625, %swap3A_626] {strides = array<i32>} : memref<16x4x128xf32, #tpu.memory_space<vmem>>, vector<1x1x16xf32>,
        %swap3A_628 = vector.shape_cast %swap3A_627 : vector<1x1x16xf32> to vector<16xf32>
        %swap3A_629 = vector.shape_cast %mul3A_622 : vector<16xf32> to vector<1x1x16xf32>
        tpu.vector_store %arg7[%swap3A_624, %swap3A_625, %swap3A_626], %swap3A_629 {strides = array<i32>} : memref<16x4x128xf32, #tpu.memory_space<vmem>>, vector<1x1x16xf32>,
        %mul3A_630 = arith.constant 2.000000e-01 : f32
        %mul3A_631 = vector.broadcast %mul3A_630 : f32 to vector<16xf32>
        %mul3A_632 = arith.mulf %add3A_606, %mul3A_631 : vector<16xf32>
        %swap3A_633 = arith.constant 2 : i32
        %swap3A_634 = arith.index_cast %scan3A_168 : i32 to index
        %swap3A_635 = arith.index_cast %swap3A_633 : i32 to index
        %swap3A_636 = arith.constant 32 : index
        %swap3A_637 = tpu.vector_load %arg7[%swap3A_634, %swap3A_635, %swap3A_636] {strides = array<i32>} : memref<16x4x128xf32, #tpu.memory_space<vmem>>, vector<1x1x16xf32>,
        %swap3A_638 = vector.shape_cast %swap3A_637 : vector<1x1x16xf32> to vector<16xf32>
        %swap3A_639 = vector.shape_cast %mul3A_632 : vector<16xf32> to vector<1x1x16xf32>
        tpu.vector_store %arg7[%swap3A_634, %swap3A_635, %swap3A_636], %swap3A_639 {strides = array<i32>} : memref<16x4x128xf32, #tpu.memory_space<vmem>>, vector<1x1x16xf32>,
        %mul3A_640 = arith.constant 0.142857149 : f32
        %mul3A_641 = vector.broadcast %mul3A_640 : f32 to vector<16xf32>
        %mul3A_642 = arith.mulf %add3A_612, %mul3A_641 : vector<16xf32>
        %swap3A_643 = arith.constant 3 : i32
        %swap3A_644 = arith.index_cast %scan3A_168 : i32 to index
        %swap3A_645 = arith.index_cast %swap3A_643 : i32 to index
        %swap3A_646 = arith.constant 32 : index
        %swap3A_647 = tpu.vector_load %arg7[%swap3A_644, %swap3A_645, %swap3A_646] {strides = array<i32>} : memref<16x4x128xf32, #tpu.memory_space<vmem>>, vector<1x1x16xf32>,
        %swap3A_648 = vector.shape_cast %swap3A_647 : vector<1x1x16xf32> to vector<16xf32>
        %swap3A_649 = vector.shape_cast %mul3A_642 : vector<16xf32> to vector<1x1x16xf32>
        tpu.vector_store %arg7[%swap3A_644, %swap3A_645, %swap3A_646], %swap3A_649 {strides = array<i32>} : memref<16x4x128xf32, #tpu.memory_space<vmem>>, vector<1x1x16xf32>,
        %get3A_650 = arith.constant 0 : i32
        %get3A_651 = arith.index_cast %scan3A_168 : i32 to index
        %get3A_652 = arith.index_cast %get3A_650 : i32 to index
        %get3A_653 = arith.constant 48 : index
        %get3A_654 = tpu.vector_load %arg5[%get3A_651, %get3A_652, %get3A_653] {strides = array<i32>} : memref<16x16x128xf32, #tpu.memory_space<vmem>>, vector<1x1x16xf32>,
        %get3A_655 = vector.shape_cast %get3A_654 : vector<1x1x16xf32> to vector<16xf32>
        %mul3A_656 = arith.mulf %get3A_655, %get3A_655 : vector<16xf32>
        %get3A_657 = arith.constant 1 : i32
        %get3A_658 = arith.index_cast %scan3A_168 : i32 to index
        %get3A_659 = arith.index_cast %get3A_657 : i32 to index
        %get3A_660 = arith.constant 48 : index
        %get3A_661 = tpu.vector_load %arg5[%get3A_658, %get3A_659, %get3A_660] {strides = array<i32>} : memref<16x16x128xf32, #tpu.memory_space<vmem>>, vector<1x1x16xf32>,
        %get3A_662 = vector.shape_cast %get3A_661 : vector<1x1x16xf32> to vector<16xf32>
        %mul3A_663 = arith.mulf %get3A_662, %get3A_662 : vector<16xf32>
        %get3A_664 = arith.constant 2 : i32
        %get3A_665 = arith.index_cast %scan3A_168 : i32 to index
        %get3A_666 = arith.index_cast %get3A_664 : i32 to index
        %get3A_667 = arith.constant 48 : index
        %get3A_668 = tpu.vector_load %arg5[%get3A_665, %get3A_666, %get3A_667] {strides = array<i32>} : memref<16x16x128xf32, #tpu.memory_space<vmem>>, vector<1x1x16xf32>,
        %get3A_669 = vector.shape_cast %get3A_668 : vector<1x1x16xf32> to vector<16xf32>
        %mul3A_670 = arith.mulf %get3A_669, %get3A_669 : vector<16xf32>
        %get3A_671 = arith.constant 3 : i32
        %get3A_672 = arith.index_cast %scan3A_168 : i32 to index
        %get3A_673 = arith.index_cast %get3A_671 : i32 to index
        %get3A_674 = arith.constant 48 : index
        %get3A_675 = tpu.vector_load %arg5[%get3A_672, %get3A_673, %get3A_674] {strides = array<i32>} : memref<16x16x128xf32, #tpu.memory_space<vmem>>, vector<1x1x16xf32>,
        %get3A_676 = vector.shape_cast %get3A_675 : vector<1x1x16xf32> to vector<16xf32>
        %mul3A_677 = arith.mulf %get3A_676, %get3A_676 : vector<16xf32>
        %get3A_678 = arith.constant 4 : i32
        %get3A_679 = arith.index_cast %scan3A_168 : i32 to index
        %get3A_680 = arith.index_cast %get3A_678 : i32 to index
        %get3A_681 = arith.constant 48 : index
        %get3A_682 = tpu.vector_load %arg5[%get3A_679, %get3A_680, %get3A_681] {strides = array<i32>} : memref<16x16x128xf32, #tpu.memory_space<vmem>>, vector<1x1x16xf32>,
        %get3A_683 = vector.shape_cast %get3A_682 : vector<1x1x16xf32> to vector<16xf32>
        %mul3A_684 = arith.mulf %get3A_683, %get3A_683 : vector<16xf32>
        %get3A_685 = arith.constant 5 : i32
        %get3A_686 = arith.index_cast %scan3A_168 : i32 to index
        %get3A_687 = arith.index_cast %get3A_685 : i32 to index
        %get3A_688 = arith.constant 48 : index
        %get3A_689 = tpu.vector_load %arg5[%get3A_686, %get3A_687, %get3A_688] {strides = array<i32>} : memref<16x16x128xf32, #tpu.memory_space<vmem>>, vector<1x1x16xf32>,
        %get3A_690 = vector.shape_cast %get3A_689 : vector<1x1x16xf32> to vector<16xf32>
        %mul3A_691 = arith.mulf %get3A_690, %get3A_690 : vector<16xf32>
        %get3A_692 = arith.constant 6 : i32
        %get3A_693 = arith.index_cast %scan3A_168 : i32 to index
        %get3A_694 = arith.index_cast %get3A_692 : i32 to index
        %get3A_695 = arith.constant 48 : index
        %get3A_696 = tpu.vector_load %arg5[%get3A_693, %get3A_694, %get3A_695] {strides = array<i32>} : memref<16x16x128xf32, #tpu.memory_space<vmem>>, vector<1x1x16xf32>,
        %get3A_697 = vector.shape_cast %get3A_696 : vector<1x1x16xf32> to vector<16xf32>
        %mul3A_698 = arith.mulf %get3A_697, %get3A_697 : vector<16xf32>
        %get3A_699 = arith.constant 7 : i32
        %get3A_700 = arith.index_cast %scan3A_168 : i32 to index
        %get3A_701 = arith.index_cast %get3A_699 : i32 to index
        %get3A_702 = arith.constant 48 : index
        %get3A_703 = tpu.vector_load %arg5[%get3A_700, %get3A_701, %get3A_702] {strides = array<i32>} : memref<16x16x128xf32, #tpu.memory_space<vmem>>, vector<1x1x16xf32>,
        %get3A_704 = vector.shape_cast %get3A_703 : vector<1x1x16xf32> to vector<16xf32>
        %mul3A_705 = arith.mulf %get3A_704, %get3A_704 : vector<16xf32>
        %get3A_706 = arith.constant 8 : i32
        %get3A_707 = arith.index_cast %scan3A_168 : i32 to index
        %get3A_708 = arith.index_cast %get3A_706 : i32 to index
        %get3A_709 = arith.constant 48 : index
        %get3A_710 = tpu.vector_load %arg5[%get3A_707, %get3A_708, %get3A_709] {strides = array<i32>} : memref<16x16x128xf32, #tpu.memory_space<vmem>>, vector<1x1x16xf32>,
        %get3A_711 = vector.shape_cast %get3A_710 : vector<1x1x16xf32> to vector<16xf32>
        %mul3A_712 = arith.mulf %get3A_711, %get3A_711 : vector<16xf32>
        %get3A_713 = arith.constant 9 : i32
        %get3A_714 = arith.index_cast %scan3A_168 : i32 to index
        %get3A_715 = arith.index_cast %get3A_713 : i32 to index
        %get3A_716 = arith.constant 48 : index
        %get3A_717 = tpu.vector_load %arg5[%get3A_714, %get3A_715, %get3A_716] {strides = array<i32>} : memref<16x16x128xf32, #tpu.memory_space<vmem>>, vector<1x1x16xf32>,
        %get3A_718 = vector.shape_cast %get3A_717 : vector<1x1x16xf32> to vector<16xf32>
        %mul3A_719 = arith.mulf %get3A_718, %get3A_718 : vector<16xf32>
        %get3A_720 = arith.constant 10 : i32
        %get3A_721 = arith.index_cast %scan3A_168 : i32 to index
        %get3A_722 = arith.index_cast %get3A_720 : i32 to index
        %get3A_723 = arith.constant 48 : index
        %get3A_724 = tpu.vector_load %arg5[%get3A_721, %get3A_722, %get3A_723] {strides = array<i32>} : memref<16x16x128xf32, #tpu.memory_space<vmem>>, vector<1x1x16xf32>,
        %get3A_725 = vector.shape_cast %get3A_724 : vector<1x1x16xf32> to vector<16xf32>
        %mul3A_726 = arith.mulf %get3A_725, %get3A_725 : vector<16xf32>
        %get3A_727 = arith.constant 11 : i32
        %get3A_728 = arith.index_cast %scan3A_168 : i32 to index
        %get3A_729 = arith.index_cast %get3A_727 : i32 to index
        %get3A_730 = arith.constant 48 : index
        %get3A_731 = tpu.vector_load %arg5[%get3A_728, %get3A_729, %get3A_730] {strides = array<i32>} : memref<16x16x128xf32, #tpu.memory_space<vmem>>, vector<1x1x16xf32>,
        %get3A_732 = vector.shape_cast %get3A_731 : vector<1x1x16xf32> to vector<16xf32>
        %mul3A_733 = arith.mulf %get3A_732, %get3A_732 : vector<16xf32>
        %get3A_734 = arith.constant 12 : i32
        %get3A_735 = arith.index_cast %scan3A_168 : i32 to index
        %get3A_736 = arith.index_cast %get3A_734 : i32 to index
        %get3A_737 = arith.constant 48 : index
        %get3A_738 = tpu.vector_load %arg5[%get3A_735, %get3A_736, %get3A_737] {strides = array<i32>} : memref<16x16x128xf32, #tpu.memory_space<vmem>>, vector<1x1x16xf32>,
        %get3A_739 = vector.shape_cast %get3A_738 : vector<1x1x16xf32> to vector<16xf32>
        %mul3A_740 = arith.mulf %get3A_739, %get3A_739 : vector<16xf32>
        %get3A_741 = arith.constant 13 : i32
        %get3A_742 = arith.index_cast %scan3A_168 : i32 to index
        %get3A_743 = arith.index_cast %get3A_741 : i32 to index
        %get3A_744 = arith.constant 48 : index
        %get3A_745 = tpu.vector_load %arg5[%get3A_742, %get3A_743, %get3A_744] {strides = array<i32>} : memref<16x16x128xf32, #tpu.memory_space<vmem>>, vector<1x1x16xf32>,
        %get3A_746 = vector.shape_cast %get3A_745 : vector<1x1x16xf32> to vector<16xf32>
        %mul3A_747 = arith.mulf %get3A_746, %get3A_746 : vector<16xf32>
        %get3A_748 = arith.constant 14 : i32
        %get3A_749 = arith.index_cast %scan3A_168 : i32 to index
        %get3A_750 = arith.index_cast %get3A_748 : i32 to index
        %get3A_751 = arith.constant 48 : index
        %get3A_752 = tpu.vector_load %arg5[%get3A_749, %get3A_750, %get3A_751] {strides = array<i32>} : memref<16x16x128xf32, #tpu.memory_space<vmem>>, vector<1x1x16xf32>,
        %get3A_753 = vector.shape_cast %get3A_752 : vector<1x1x16xf32> to vector<16xf32>
        %mul3A_754 = arith.mulf %get3A_753, %get3A_753 : vector<16xf32>
        %get3A_755 = arith.constant 15 : i32
        %get3A_756 = arith.index_cast %scan3A_168 : i32 to index
        %get3A_757 = arith.index_cast %get3A_755 : i32 to index
        %get3A_758 = arith.constant 48 : index
        %get3A_759 = tpu.vector_load %arg5[%get3A_756, %get3A_757, %get3A_758] {strides = array<i32>} : memref<16x16x128xf32, #tpu.memory_space<vmem>>, vector<1x1x16xf32>,
        %get3A_760 = vector.shape_cast %get3A_759 : vector<1x1x16xf32> to vector<16xf32>
        %mul3A_761 = arith.mulf %get3A_760, %get3A_760 : vector<16xf32>
        %add3A_762 = arith.addf %mul3A_663, %mul3A_670 : vector<16xf32>
        %add3A_763 = arith.addf %add3A_762, %mul3A_677 : vector<16xf32>
        %add3A_764 = arith.addf %mul3A_684, %mul3A_691 : vector<16xf32>
        %add3A_765 = arith.addf %mul3A_698, %mul3A_705 : vector<16xf32>
        %add3A_766 = arith.addf %add3A_764, %add3A_765 : vector<16xf32>
        %add3A_767 = arith.addf %add3A_766, %mul3A_712 : vector<16xf32>
        %add3A_768 = arith.addf %mul3A_719, %mul3A_726 : vector<16xf32>
        %add3A_769 = arith.addf %mul3A_733, %mul3A_740 : vector<16xf32>
        %add3A_770 = arith.addf %add3A_768, %add3A_769 : vector<16xf32>
        %add3A_771 = arith.addf %mul3A_747, %mul3A_754 : vector<16xf32>
        %add3A_772 = arith.addf %add3A_771, %mul3A_761 : vector<16xf32>
        %add3A_773 = arith.addf %add3A_770, %add3A_772 : vector<16xf32>
        %swap3A_774 = arith.constant 0 : i32
        %swap3A_775 = arith.index_cast %scan3A_168 : i32 to index
        %swap3A_776 = arith.index_cast %swap3A_774 : i32 to index
        %swap3A_777 = arith.constant 48 : index
        %swap3A_778 = tpu.vector_load %arg7[%swap3A_775, %swap3A_776, %swap3A_777] {strides = array<i32>} : memref<16x4x128xf32, #tpu.memory_space<vmem>>, vector<1x1x16xf32>,
        %swap3A_779 = vector.shape_cast %swap3A_778 : vector<1x1x16xf32> to vector<16xf32>
        %swap3A_780 = vector.shape_cast %mul3A_656 : vector<16xf32> to vector<1x1x16xf32>
        tpu.vector_store %arg7[%swap3A_775, %swap3A_776, %swap3A_777], %swap3A_780 {strides = array<i32>} : memref<16x4x128xf32, #tpu.memory_space<vmem>>, vector<1x1x16xf32>,
        %mul3A_781 = arith.constant 0.333333343 : f32
        %mul3A_782 = vector.broadcast %mul3A_781 : f32 to vector<16xf32>
        %mul3A_783 = arith.mulf %add3A_763, %mul3A_782 : vector<16xf32>
        %swap3A_784 = arith.constant 1 : i32
        %swap3A_785 = arith.index_cast %scan3A_168 : i32 to index
        %swap3A_786 = arith.index_cast %swap3A_784 : i32 to index
        %swap3A_787 = arith.constant 48 : index
        %swap3A_788 = tpu.vector_load %arg7[%swap3A_785, %swap3A_786, %swap3A_787] {strides = array<i32>} : memref<16x4x128xf32, #tpu.memory_space<vmem>>, vector<1x1x16xf32>,
        %swap3A_789 = vector.shape_cast %swap3A_788 : vector<1x1x16xf32> to vector<16xf32>
        %swap3A_790 = vector.shape_cast %mul3A_783 : vector<16xf32> to vector<1x1x16xf32>
        tpu.vector_store %arg7[%swap3A_785, %swap3A_786, %swap3A_787], %swap3A_790 {strides = array<i32>} : memref<16x4x128xf32, #tpu.memory_space<vmem>>, vector<1x1x16xf32>,
        %mul3A_791 = arith.constant 2.000000e-01 : f32
        %mul3A_792 = vector.broadcast %mul3A_791 : f32 to vector<16xf32>
        %mul3A_793 = arith.mulf %add3A_767, %mul3A_792 : vector<16xf32>
        %swap3A_794 = arith.constant 2 : i32
        %swap3A_795 = arith.index_cast %scan3A_168 : i32 to index
        %swap3A_796 = arith.index_cast %swap3A_794 : i32 to index
        %swap3A_797 = arith.constant 48 : index
        %swap3A_798 = tpu.vector_load %arg7[%swap3A_795, %swap3A_796, %swap3A_797] {strides = array<i32>} : memref<16x4x128xf32, #tpu.memory_space<vmem>>, vector<1x1x16xf32>,
        %swap3A_799 = vector.shape_cast %swap3A_798 : vector<1x1x16xf32> to vector<16xf32>
        %swap3A_800 = vector.shape_cast %mul3A_793 : vector<16xf32> to vector<1x1x16xf32>
        tpu.vector_store %arg7[%swap3A_795, %swap3A_796, %swap3A_797], %swap3A_800 {strides = array<i32>} : memref<16x4x128xf32, #tpu.memory_space<vmem>>, vector<1x1x16xf32>,
        %mul3A_801 = arith.constant 0.142857149 : f32
        %mul3A_802 = vector.broadcast %mul3A_801 : f32 to vector<16xf32>
        %mul3A_803 = arith.mulf %add3A_773, %mul3A_802 : vector<16xf32>
        %swap3A_804 = arith.constant 3 : i32
        %swap3A_805 = arith.index_cast %scan3A_168 : i32 to index
        %swap3A_806 = arith.index_cast %swap3A_804 : i32 to index
        %swap3A_807 = arith.constant 48 : index
        %swap3A_808 = tpu.vector_load %arg7[%swap3A_805, %swap3A_806, %swap3A_807] {strides = array<i32>} : memref<16x4x128xf32, #tpu.memory_space<vmem>>, vector<1x1x16xf32>,
        %swap3A_809 = vector.shape_cast %swap3A_808 : vector<1x1x16xf32> to vector<16xf32>
        %swap3A_810 = vector.shape_cast %mul3A_803 : vector<16xf32> to vector<1x1x16xf32>
        tpu.vector_store %arg7[%swap3A_805, %swap3A_806, %swap3A_807], %swap3A_810 {strides = array<i32>} : memref<16x4x128xf32, #tpu.memory_space<vmem>>, vector<1x1x16xf32>,
        %get3A_811 = arith.constant 0 : i32
        %get3A_812 = arith.index_cast %scan3A_168 : i32 to index
        %get3A_813 = arith.index_cast %get3A_811 : i32 to index
        %get3A_814 = arith.constant 64 : index
        %get3A_815 = tpu.vector_load %arg5[%get3A_812, %get3A_813, %get3A_814] {strides = array<i32>} : memref<16x16x128xf32, #tpu.memory_space<vmem>>, vector<1x1x16xf32>,
        %get3A_816 = vector.shape_cast %get3A_815 : vector<1x1x16xf32> to vector<16xf32>
        %mul3A_817 = arith.mulf %get3A_816, %get3A_816 : vector<16xf32>
        %get3A_818 = arith.constant 1 : i32
        %get3A_819 = arith.index_cast %scan3A_168 : i32 to index
        %get3A_820 = arith.index_cast %get3A_818 : i32 to index
        %get3A_821 = arith.constant 64 : index
        %get3A_822 = tpu.vector_load %arg5[%get3A_819, %get3A_820, %get3A_821] {strides = array<i32>} : memref<16x16x128xf32, #tpu.memory_space<vmem>>, vector<1x1x16xf32>,
        %get3A_823 = vector.shape_cast %get3A_822 : vector<1x1x16xf32> to vector<16xf32>
        %mul3A_824 = arith.mulf %get3A_823, %get3A_823 : vector<16xf32>
        %get3A_825 = arith.constant 2 : i32
        %get3A_826 = arith.index_cast %scan3A_168 : i32 to index
        %get3A_827 = arith.index_cast %get3A_825 : i32 to index
        %get3A_828 = arith.constant 64 : index
        %get3A_829 = tpu.vector_load %arg5[%get3A_826, %get3A_827, %get3A_828] {strides = array<i32>} : memref<16x16x128xf32, #tpu.memory_space<vmem>>, vector<1x1x16xf32>,
        %get3A_830 = vector.shape_cast %get3A_829 : vector<1x1x16xf32> to vector<16xf32>
        %mul3A_831 = arith.mulf %get3A_830, %get3A_830 : vector<16xf32>
        %get3A_832 = arith.constant 3 : i32
        %get3A_833 = arith.index_cast %scan3A_168 : i32 to index
        %get3A_834 = arith.index_cast %get3A_832 : i32 to index
        %get3A_835 = arith.constant 64 : index
        %get3A_836 = tpu.vector_load %arg5[%get3A_833, %get3A_834, %get3A_835] {strides = array<i32>} : memref<16x16x128xf32, #tpu.memory_space<vmem>>, vector<1x1x16xf32>,
        %get3A_837 = vector.shape_cast %get3A_836 : vector<1x1x16xf32> to vector<16xf32>
        %mul3A_838 = arith.mulf %get3A_837, %get3A_837 : vector<16xf32>
        %get3A_839 = arith.constant 4 : i32
        %get3A_840 = arith.index_cast %scan3A_168 : i32 to index
        %get3A_841 = arith.index_cast %get3A_839 : i32 to index
        %get3A_842 = arith.constant 64 : index
        %get3A_843 = tpu.vector_load %arg5[%get3A_840, %get3A_841, %get3A_842] {strides = array<i32>} : memref<16x16x128xf32, #tpu.memory_space<vmem>>, vector<1x1x16xf32>,
        %get3A_844 = vector.shape_cast %get3A_843 : vector<1x1x16xf32> to vector<16xf32>
        %mul3A_845 = arith.mulf %get3A_844, %get3A_844 : vector<16xf32>
        %get3A_846 = arith.constant 5 : i32
        %get3A_847 = arith.index_cast %scan3A_168 : i32 to index
        %get3A_848 = arith.index_cast %get3A_846 : i32 to index
        %get3A_849 = arith.constant 64 : index
        %get3A_850 = tpu.vector_load %arg5[%get3A_847, %get3A_848, %get3A_849] {strides = array<i32>} : memref<16x16x128xf32, #tpu.memory_space<vmem>>, vector<1x1x16xf32>,
        %get3A_851 = vector.shape_cast %get3A_850 : vector<1x1x16xf32> to vector<16xf32>
        %mul3A_852 = arith.mulf %get3A_851, %get3A_851 : vector<16xf32>
        %get3A_853 = arith.constant 6 : i32
        %get3A_854 = arith.index_cast %scan3A_168 : i32 to index
        %get3A_855 = arith.index_cast %get3A_853 : i32 to index
        %get3A_856 = arith.constant 64 : index
        %get3A_857 = tpu.vector_load %arg5[%get3A_854, %get3A_855, %get3A_856] {strides = array<i32>} : memref<16x16x128xf32, #tpu.memory_space<vmem>>, vector<1x1x16xf32>,
        %get3A_858 = vector.shape_cast %get3A_857 : vector<1x1x16xf32> to vector<16xf32>
        %mul3A_859 = arith.mulf %get3A_858, %get3A_858 : vector<16xf32>
        %get3A_860 = arith.constant 7 : i32
        %get3A_861 = arith.index_cast %scan3A_168 : i32 to index
        %get3A_862 = arith.index_cast %get3A_860 : i32 to index
        %get3A_863 = arith.constant 64 : index
        %get3A_864 = tpu.vector_load %arg5[%get3A_861, %get3A_862, %get3A_863] {strides = array<i32>} : memref<16x16x128xf32, #tpu.memory_space<vmem>>, vector<1x1x16xf32>,
        %get3A_865 = vector.shape_cast %get3A_864 : vector<1x1x16xf32> to vector<16xf32>
        %mul3A_866 = arith.mulf %get3A_865, %get3A_865 : vector<16xf32>
        %get3A_867 = arith.constant 8 : i32
        %get3A_868 = arith.index_cast %scan3A_168 : i32 to index
        %get3A_869 = arith.index_cast %get3A_867 : i32 to index
        %get3A_870 = arith.constant 64 : index
        %get3A_871 = tpu.vector_load %arg5[%get3A_868, %get3A_869, %get3A_870] {strides = array<i32>} : memref<16x16x128xf32, #tpu.memory_space<vmem>>, vector<1x1x16xf32>,
        %get3A_872 = vector.shape_cast %get3A_871 : vector<1x1x16xf32> to vector<16xf32>
        %mul3A_873 = arith.mulf %get3A_872, %get3A_872 : vector<16xf32>
        %get3A_874 = arith.constant 9 : i32
        %get3A_875 = arith.index_cast %scan3A_168 : i32 to index
        %get3A_876 = arith.index_cast %get3A_874 : i32 to index
        %get3A_877 = arith.constant 64 : index
        %get3A_878 = tpu.vector_load %arg5[%get3A_875, %get3A_876, %get3A_877] {strides = array<i32>} : memref<16x16x128xf32, #tpu.memory_space<vmem>>, vector<1x1x16xf32>,
        %get3A_879 = vector.shape_cast %get3A_878 : vector<1x1x16xf32> to vector<16xf32>
        %mul3A_880 = arith.mulf %get3A_879, %get3A_879 : vector<16xf32>
        %get3A_881 = arith.constant 10 : i32
        %get3A_882 = arith.index_cast %scan3A_168 : i32 to index
        %get3A_883 = arith.index_cast %get3A_881 : i32 to index
        %get3A_884 = arith.constant 64 : index
        %get3A_885 = tpu.vector_load %arg5[%get3A_882, %get3A_883, %get3A_884] {strides = array<i32>} : memref<16x16x128xf32, #tpu.memory_space<vmem>>, vector<1x1x16xf32>,
        %get3A_886 = vector.shape_cast %get3A_885 : vector<1x1x16xf32> to vector<16xf32>
        %mul3A_887 = arith.mulf %get3A_886, %get3A_886 : vector<16xf32>
        %get3A_888 = arith.constant 11 : i32
        %get3A_889 = arith.index_cast %scan3A_168 : i32 to index
        %get3A_890 = arith.index_cast %get3A_888 : i32 to index
        %get3A_891 = arith.constant 64 : index
        %get3A_892 = tpu.vector_load %arg5[%get3A_889, %get3A_890, %get3A_891] {strides = array<i32>} : memref<16x16x128xf32, #tpu.memory_space<vmem>>, vector<1x1x16xf32>,
        %get3A_893 = vector.shape_cast %get3A_892 : vector<1x1x16xf32> to vector<16xf32>
        %mul3A_894 = arith.mulf %get3A_893, %get3A_893 : vector<16xf32>
        %get3A_895 = arith.constant 12 : i32
        %get3A_896 = arith.index_cast %scan3A_168 : i32 to index
        %get3A_897 = arith.index_cast %get3A_895 : i32 to index
        %get3A_898 = arith.constant 64 : index
        %get3A_899 = tpu.vector_load %arg5[%get3A_896, %get3A_897, %get3A_898] {strides = array<i32>} : memref<16x16x128xf32, #tpu.memory_space<vmem>>, vector<1x1x16xf32>,
        %get3A_900 = vector.shape_cast %get3A_899 : vector<1x1x16xf32> to vector<16xf32>
        %mul3A_901 = arith.mulf %get3A_900, %get3A_900 : vector<16xf32>
        %get3A_902 = arith.constant 13 : i32
        %get3A_903 = arith.index_cast %scan3A_168 : i32 to index
        %get3A_904 = arith.index_cast %get3A_902 : i32 to index
        %get3A_905 = arith.constant 64 : index
        %get3A_906 = tpu.vector_load %arg5[%get3A_903, %get3A_904, %get3A_905] {strides = array<i32>} : memref<16x16x128xf32, #tpu.memory_space<vmem>>, vector<1x1x16xf32>,
        %get3A_907 = vector.shape_cast %get3A_906 : vector<1x1x16xf32> to vector<16xf32>
        %mul3A_908 = arith.mulf %get3A_907, %get3A_907 : vector<16xf32>
        %get3A_909 = arith.constant 14 : i32
        %get3A_910 = arith.index_cast %scan3A_168 : i32 to index
        %get3A_911 = arith.index_cast %get3A_909 : i32 to index
        %get3A_912 = arith.constant 64 : index
        %get3A_913 = tpu.vector_load %arg5[%get3A_910, %get3A_911, %get3A_912] {strides = array<i32>} : memref<16x16x128xf32, #tpu.memory_space<vmem>>, vector<1x1x16xf32>,
        %get3A_914 = vector.shape_cast %get3A_913 : vector<1x1x16xf32> to vector<16xf32>
        %mul3A_915 = arith.mulf %get3A_914, %get3A_914 : vector<16xf32>
        %get3A_916 = arith.constant 15 : i32
        %get3A_917 = arith.index_cast %scan3A_168 : i32 to index
        %get3A_918 = arith.index_cast %get3A_916 : i32 to index
        %get3A_919 = arith.constant 64 : index
        %get3A_920 = tpu.vector_load %arg5[%get3A_917, %get3A_918, %get3A_919] {strides = array<i32>} : memref<16x16x128xf32, #tpu.memory_space<vmem>>, vector<1x1x16xf32>,
        %get3A_921 = vector.shape_cast %get3A_920 : vector<1x1x16xf32> to vector<16xf32>
        %mul3A_922 = arith.mulf %get3A_921, %get3A_921 : vector<16xf32>
        %add3A_923 = arith.addf %mul3A_824, %mul3A_831 : vector<16xf32>
        %add3A_924 = arith.addf %add3A_923, %mul3A_838 : vector<16xf32>
        %add3A_925 = arith.addf %mul3A_845, %mul3A_852 : vector<16xf32>
        %add3A_926 = arith.addf %mul3A_859, %mul3A_866 : vector<16xf32>
        %add3A_927 = arith.addf %add3A_925, %add3A_926 : vector<16xf32>
        %add3A_928 = arith.addf %add3A_927, %mul3A_873 : vector<16xf32>
        %add3A_929 = arith.addf %mul3A_880, %mul3A_887 : vector<16xf32>
        %add3A_930 = arith.addf %mul3A_894, %mul3A_901 : vector<16xf32>
        %add3A_931 = arith.addf %add3A_929, %add3A_930 : vector<16xf32>
        %add3A_932 = arith.addf %mul3A_908, %mul3A_915 : vector<16xf32>
        %add3A_933 = arith.addf %add3A_932, %mul3A_922 : vector<16xf32>
        %add3A_934 = arith.addf %add3A_931, %add3A_933 : vector<16xf32>
        %swap3A_935 = arith.constant 0 : i32
        %swap3A_936 = arith.index_cast %scan3A_168 : i32 to index
        %swap3A_937 = arith.index_cast %swap3A_935 : i32 to index
        %swap3A_938 = arith.constant 64 : index
        %swap3A_939 = tpu.vector_load %arg7[%swap3A_936, %swap3A_937, %swap3A_938] {strides = array<i32>} : memref<16x4x128xf32, #tpu.memory_space<vmem>>, vector<1x1x16xf32>,
        %swap3A_940 = vector.shape_cast %swap3A_939 : vector<1x1x16xf32> to vector<16xf32>
        %swap3A_941 = vector.shape_cast %mul3A_817 : vector<16xf32> to vector<1x1x16xf32>
        tpu.vector_store %arg7[%swap3A_936, %swap3A_937, %swap3A_938], %swap3A_941 {strides = array<i32>} : memref<16x4x128xf32, #tpu.memory_space<vmem>>, vector<1x1x16xf32>,
        %mul3A_942 = arith.constant 0.333333343 : f32
        %mul3A_943 = vector.broadcast %mul3A_942 : f32 to vector<16xf32>
        %mul3A_944 = arith.mulf %add3A_924, %mul3A_943 : vector<16xf32>
        %swap3A_945 = arith.constant 1 : i32
        %swap3A_946 = arith.index_cast %scan3A_168 : i32 to index
        %swap3A_947 = arith.index_cast %swap3A_945 : i32 to index
        %swap3A_948 = arith.constant 64 : index
        %swap3A_949 = tpu.vector_load %arg7[%swap3A_946, %swap3A_947, %swap3A_948] {strides = array<i32>} : memref<16x4x128xf32, #tpu.memory_space<vmem>>, vector<1x1x16xf32>,
        %swap3A_950 = vector.shape_cast %swap3A_949 : vector<1x1x16xf32> to vector<16xf32>
        %swap3A_951 = vector.shape_cast %mul3A_944 : vector<16xf32> to vector<1x1x16xf32>
        tpu.vector_store %arg7[%swap3A_946, %swap3A_947, %swap3A_948], %swap3A_951 {strides = array<i32>} : memref<16x4x128xf32, #tpu.memory_space<vmem>>, vector<1x1x16xf32>,
        %mul3A_952 = arith.constant 2.000000e-01 : f32
        %mul3A_953 = vector.broadcast %mul3A_952 : f32 to vector<16xf32>
        %mul3A_954 = arith.mulf %add3A_928, %mul3A_953 : vector<16xf32>
        %swap3A_955 = arith.constant 2 : i32
        %swap3A_956 = arith.index_cast %scan3A_168 : i32 to index
        %swap3A_957 = arith.index_cast %swap3A_955 : i32 to index
        %swap3A_958 = arith.constant 64 : index
        %swap3A_959 = tpu.vector_load %arg7[%swap3A_956, %swap3A_957, %swap3A_958] {strides = array<i32>} : memref<16x4x128xf32, #tpu.memory_space<vmem>>, vector<1x1x16xf32>,
        %swap3A_960 = vector.shape_cast %swap3A_959 : vector<1x1x16xf32> to vector<16xf32>
        %swap3A_961 = vector.shape_cast %mul3A_954 : vector<16xf32> to vector<1x1x16xf32>
        tpu.vector_store %arg7[%swap3A_956, %swap3A_957, %swap3A_958], %swap3A_961 {strides = array<i32>} : memref<16x4x128xf32, #tpu.memory_space<vmem>>, vector<1x1x16xf32>,
        %mul3A_962 = arith.constant 0.142857149 : f32
        %mul3A_963 = vector.broadcast %mul3A_962 : f32 to vector<16xf32>
        %mul3A_964 = arith.mulf %add3A_934, %mul3A_963 : vector<16xf32>
        %swap3A_965 = arith.constant 3 : i32
        %swap3A_966 = arith.index_cast %scan3A_168 : i32 to index
        %swap3A_967 = arith.index_cast %swap3A_965 : i32 to index
        %swap3A_968 = arith.constant 64 : index
        %swap3A_969 = tpu.vector_load %arg7[%swap3A_966, %swap3A_967, %swap3A_968] {strides = array<i32>} : memref<16x4x128xf32, #tpu.memory_space<vmem>>, vector<1x1x16xf32>,
        %swap3A_970 = vector.shape_cast %swap3A_969 : vector<1x1x16xf32> to vector<16xf32>
        %swap3A_971 = vector.shape_cast %mul3A_964 : vector<16xf32> to vector<1x1x16xf32>
        tpu.vector_store %arg7[%swap3A_966, %swap3A_967, %swap3A_968], %swap3A_971 {strides = array<i32>} : memref<16x4x128xf32, #tpu.memory_space<vmem>>, vector<1x1x16xf32>,
        %get3A_972 = arith.constant 0 : i32
        %get3A_973 = arith.index_cast %scan3A_168 : i32 to index
        %get3A_974 = arith.index_cast %get3A_972 : i32 to index
        %get3A_975 = arith.constant 80 : index
        %get3A_976 = tpu.vector_load %arg5[%get3A_973, %get3A_974, %get3A_975] {strides = array<i32>} : memref<16x16x128xf32, #tpu.memory_space<vmem>>, vector<1x1x16xf32>,
        %get3A_977 = vector.shape_cast %get3A_976 : vector<1x1x16xf32> to vector<16xf32>
        %mul3A_978 = arith.mulf %get3A_977, %get3A_977 : vector<16xf32>
        %get3A_979 = arith.constant 1 : i32
        %get3A_980 = arith.index_cast %scan3A_168 : i32 to index
        %get3A_981 = arith.index_cast %get3A_979 : i32 to index
        %get3A_982 = arith.constant 80 : index
        %get3A_983 = tpu.vector_load %arg5[%get3A_980, %get3A_981, %get3A_982] {strides = array<i32>} : memref<16x16x128xf32, #tpu.memory_space<vmem>>, vector<1x1x16xf32>,
        %get3A_984 = vector.shape_cast %get3A_983 : vector<1x1x16xf32> to vector<16xf32>
        %mul3A_985 = arith.mulf %get3A_984, %get3A_984 : vector<16xf32>
        %get3A_986 = arith.constant 2 : i32
        %get3A_987 = arith.index_cast %scan3A_168 : i32 to index
        %get3A_988 = arith.index_cast %get3A_986 : i32 to index
        %get3A_989 = arith.constant 80 : index
        %get3A_990 = tpu.vector_load %arg5[%get3A_987, %get3A_988, %get3A_989] {strides = array<i32>} : memref<16x16x128xf32, #tpu.memory_space<vmem>>, vector<1x1x16xf32>,
        %get3A_991 = vector.shape_cast %get3A_990 : vector<1x1x16xf32> to vector<16xf32>
        %mul3A_992 = arith.mulf %get3A_991, %get3A_991 : vector<16xf32>
        %get3A_993 = arith.constant 3 : i32
        %get3A_994 = arith.index_cast %scan3A_168 : i32 to index
        %get3A_995 = arith.index_cast %get3A_993 : i32 to index
        %get3A_996 = arith.constant 80 : index
        %get3A_997 = tpu.vector_load %arg5[%get3A_994, %get3A_995, %get3A_996] {strides = array<i32>} : memref<16x16x128xf32, #tpu.memory_space<vmem>>, vector<1x1x16xf32>,
        %get3A_998 = vector.shape_cast %get3A_997 : vector<1x1x16xf32> to vector<16xf32>
        %mul3A_999 = arith.mulf %get3A_998, %get3A_998 : vector<16xf32>
        %get3A_1000 = arith.constant 4 : i32
        %get3A_1001 = arith.index_cast %scan3A_168 : i32 to index
        %get3A_1002 = arith.index_cast %get3A_1000 : i32 to index
        %get3A_1003 = arith.constant 80 : index
        %get3A_1004 = tpu.vector_load %arg5[%get3A_1001, %get3A_1002, %get3A_1003] {strides = array<i32>} : memref<16x16x128xf32, #tpu.memory_space<vmem>>, vector<1x1x16xf32>,
        %get3A_1005 = vector.shape_cast %get3A_1004 : vector<1x1x16xf32> to vector<16xf32>
        %mul3A_1006 = arith.mulf %get3A_1005, %get3A_1005 : vector<16xf32>
        %get3A_1007 = arith.constant 5 : i32
        %get3A_1008 = arith.index_cast %scan3A_168 : i32 to index
        %get3A_1009 = arith.index_cast %get3A_1007 : i32 to index
        %get3A_1010 = arith.constant 80 : index
        %get3A_1011 = tpu.vector_load %arg5[%get3A_1008, %get3A_1009, %get3A_1010] {strides = array<i32>} : memref<16x16x128xf32, #tpu.memory_space<vmem>>, vector<1x1x16xf32>,
        %get3A_1012 = vector.shape_cast %get3A_1011 : vector<1x1x16xf32> to vector<16xf32>
        %mul3A_1013 = arith.mulf %get3A_1012, %get3A_1012 : vector<16xf32>
        %get3A_1014 = arith.constant 6 : i32
        %get3A_1015 = arith.index_cast %scan3A_168 : i32 to index
        %get3A_1016 = arith.index_cast %get3A_1014 : i32 to index
        %get3A_1017 = arith.constant 80 : index
        %get3A_1018 = tpu.vector_load %arg5[%get3A_1015, %get3A_1016, %get3A_1017] {strides = array<i32>} : memref<16x16x128xf32, #tpu.memory_space<vmem>>, vector<1x1x16xf32>,
        %get3A_1019 = vector.shape_cast %get3A_1018 : vector<1x1x16xf32> to vector<16xf32>
        %mul3A_1020 = arith.mulf %get3A_1019, %get3A_1019 : vector<16xf32>
        %get3A_1021 = arith.constant 7 : i32
        %get3A_1022 = arith.index_cast %scan3A_168 : i32 to index
        %get3A_1023 = arith.index_cast %get3A_1021 : i32 to index
        %get3A_1024 = arith.constant 80 : index
        %get3A_1025 = tpu.vector_load %arg5[%get3A_1022, %get3A_1023, %get3A_1024] {strides = array<i32>} : memref<16x16x128xf32, #tpu.memory_space<vmem>>, vector<1x1x16xf32>,
        %get3A_1026 = vector.shape_cast %get3A_1025 : vector<1x1x16xf32> to vector<16xf32>
        %mul3A_1027 = arith.mulf %get3A_1026, %get3A_1026 : vector<16xf32>
        %get3A_1028 = arith.constant 8 : i32
        %get3A_1029 = arith.index_cast %scan3A_168 : i32 to index
        %get3A_1030 = arith.index_cast %get3A_1028 : i32 to index
        %get3A_1031 = arith.constant 80 : index
        %get3A_1032 = tpu.vector_load %arg5[%get3A_1029, %get3A_1030, %get3A_1031] {strides = array<i32>} : memref<16x16x128xf32, #tpu.memory_space<vmem>>, vector<1x1x16xf32>,
        %get3A_1033 = vector.shape_cast %get3A_1032 : vector<1x1x16xf32> to vector<16xf32>
        %mul3A_1034 = arith.mulf %get3A_1033, %get3A_1033 : vector<16xf32>
        %get3A_1035 = arith.constant 9 : i32
        %get3A_1036 = arith.index_cast %scan3A_168 : i32 to index
        %get3A_1037 = arith.index_cast %get3A_1035 : i32 to index
        %get3A_1038 = arith.constant 80 : index
        %get3A_1039 = tpu.vector_load %arg5[%get3A_1036, %get3A_1037, %get3A_1038] {strides = array<i32>} : memref<16x16x128xf32, #tpu.memory_space<vmem>>, vector<1x1x16xf32>,
        %get3A_1040 = vector.shape_cast %get3A_1039 : vector<1x1x16xf32> to vector<16xf32>
        %mul3A_1041 = arith.mulf %get3A_1040, %get3A_1040 : vector<16xf32>
        %get3A_1042 = arith.constant 10 : i32
        %get3A_1043 = arith.index_cast %scan3A_168 : i32 to index
        %get3A_1044 = arith.index_cast %get3A_1042 : i32 to index
        %get3A_1045 = arith.constant 80 : index
        %get3A_1046 = tpu.vector_load %arg5[%get3A_1043, %get3A_1044, %get3A_1045] {strides = array<i32>} : memref<16x16x128xf32, #tpu.memory_space<vmem>>, vector<1x1x16xf32>,
        %get3A_1047 = vector.shape_cast %get3A_1046 : vector<1x1x16xf32> to vector<16xf32>
        %mul3A_1048 = arith.mulf %get3A_1047, %get3A_1047 : vector<16xf32>
        %get3A_1049 = arith.constant 11 : i32
        %get3A_1050 = arith.index_cast %scan3A_168 : i32 to index
        %get3A_1051 = arith.index_cast %get3A_1049 : i32 to index
        %get3A_1052 = arith.constant 80 : index
        %get3A_1053 = tpu.vector_load %arg5[%get3A_1050, %get3A_1051, %get3A_1052] {strides = array<i32>} : memref<16x16x128xf32, #tpu.memory_space<vmem>>, vector<1x1x16xf32>,
        %get3A_1054 = vector.shape_cast %get3A_1053 : vector<1x1x16xf32> to vector<16xf32>
        %mul3A_1055 = arith.mulf %get3A_1054, %get3A_1054 : vector<16xf32>
        %get3A_1056 = arith.constant 12 : i32
        %get3A_1057 = arith.index_cast %scan3A_168 : i32 to index
        %get3A_1058 = arith.index_cast %get3A_1056 : i32 to index
        %get3A_1059 = arith.constant 80 : index
        %get3A_1060 = tpu.vector_load %arg5[%get3A_1057, %get3A_1058, %get3A_1059] {strides = array<i32>} : memref<16x16x128xf32, #tpu.memory_space<vmem>>, vector<1x1x16xf32>,
        %get3A_1061 = vector.shape_cast %get3A_1060 : vector<1x1x16xf32> to vector<16xf32>
        %mul3A_1062 = arith.mulf %get3A_1061, %get3A_1061 : vector<16xf32>
        %get3A_1063 = arith.constant 13 : i32
        %get3A_1064 = arith.index_cast %scan3A_168 : i32 to index
        %get3A_1065 = arith.index_cast %get3A_1063 : i32 to index
        %get3A_1066 = arith.constant 80 : index
        %get3A_1067 = tpu.vector_load %arg5[%get3A_1064, %get3A_1065, %get3A_1066] {strides = array<i32>} : memref<16x16x128xf32, #tpu.memory_space<vmem>>, vector<1x1x16xf32>,
        %get3A_1068 = vector.shape_cast %get3A_1067 : vector<1x1x16xf32> to vector<16xf32>
        %mul3A_1069 = arith.mulf %get3A_1068, %get3A_1068 : vector<16xf32>
        %get3A_1070 = arith.constant 14 : i32
        %get3A_1071 = arith.index_cast %scan3A_168 : i32 to index
        %get3A_1072 = arith.index_cast %get3A_1070 : i32 to index
        %get3A_1073 = arith.constant 80 : index
        %get3A_1074 = tpu.vector_load %arg5[%get3A_1071, %get3A_1072, %get3A_1073] {strides = array<i32>} : memref<16x16x128xf32, #tpu.memory_space<vmem>>, vector<1x1x16xf32>,
        %get3A_1075 = vector.shape_cast %get3A_1074 : vector<1x1x16xf32> to vector<16xf32>
        %mul3A_1076 = arith.mulf %get3A_1075, %get3A_1075 : vector<16xf32>
        %get3A_1077 = arith.constant 15 : i32
        %get3A_1078 = arith.index_cast %scan3A_168 : i32 to index
        %get3A_1079 = arith.index_cast %get3A_1077 : i32 to index
        %get3A_1080 = arith.constant 80 : index
        %get3A_1081 = tpu.vector_load %arg5[%get3A_1078, %get3A_1079, %get3A_1080] {strides = array<i32>} : memref<16x16x128xf32, #tpu.memory_space<vmem>>, vector<1x1x16xf32>,
        %get3A_1082 = vector.shape_cast %get3A_1081 : vector<1x1x16xf32> to vector<16xf32>
        %mul3A_1083 = arith.mulf %get3A_1082, %get3A_1082 : vector<16xf32>
        %add3A_1084 = arith.addf %mul3A_985, %mul3A_992 : vector<16xf32>
        %add3A_1085 = arith.addf %add3A_1084, %mul3A_999 : vector<16xf32>
        %add3A_1086 = arith.addf %mul3A_1006, %mul3A_1013 : vector<16xf32>
        %add3A_1087 = arith.addf %mul3A_1020, %mul3A_1027 : vector<16xf32>
        %add3A_1088 = arith.addf %add3A_1086, %add3A_1087 : vector<16xf32>
        %add3A_1089 = arith.addf %add3A_1088, %mul3A_1034 : vector<16xf32>
        %add3A_1090 = arith.addf %mul3A_1041, %mul3A_1048 : vector<16xf32>
        %add3A_1091 = arith.addf %mul3A_1055, %mul3A_1062 : vector<16xf32>
        %add3A_1092 = arith.addf %add3A_1090, %add3A_1091 : vector<16xf32>
        %add3A_1093 = arith.addf %mul3A_1069, %mul3A_1076 : vector<16xf32>
        %add3A_1094 = arith.addf %add3A_1093, %mul3A_1083 : vector<16xf32>
        %add3A_1095 = arith.addf %add3A_1092, %add3A_1094 : vector<16xf32>
        %swap3A_1096 = arith.constant 0 : i32
        %swap3A_1097 = arith.index_cast %scan3A_168 : i32 to index
        %swap3A_1098 = arith.index_cast %swap3A_1096 : i32 to index
        %swap3A_1099 = arith.constant 80 : index
        %swap3A_1100 = tpu.vector_load %arg7[%swap3A_1097, %swap3A_1098, %swap3A_1099] {strides = array<i32>} : memref<16x4x128xf32, #tpu.memory_space<vmem>>, vector<1x1x16xf32>,
        %swap3A_1101 = vector.shape_cast %swap3A_1100 : vector<1x1x16xf32> to vector<16xf32>
        %swap3A_1102 = vector.shape_cast %mul3A_978 : vector<16xf32> to vector<1x1x16xf32>
        tpu.vector_store %arg7[%swap3A_1097, %swap3A_1098, %swap3A_1099], %swap3A_1102 {strides = array<i32>} : memref<16x4x128xf32, #tpu.memory_space<vmem>>, vector<1x1x16xf32>,
        %mul3A_1103 = arith.constant 0.333333343 : f32
        %mul3A_1104 = vector.broadcast %mul3A_1103 : f32 to vector<16xf32>
        %mul3A_1105 = arith.mulf %add3A_1085, %mul3A_1104 : vector<16xf32>
        %swap3A_1106 = arith.constant 1 : i32
        %swap3A_1107 = arith.index_cast %scan3A_168 : i32 to index
        %swap3A_1108 = arith.index_cast %swap3A_1106 : i32 to index
        %swap3A_1109 = arith.constant 80 : index
        %swap3A_1110 = tpu.vector_load %arg7[%swap3A_1107, %swap3A_1108, %swap3A_1109] {strides = array<i32>} : memref<16x4x128xf32, #tpu.memory_space<vmem>>, vector<1x1x16xf32>,
        %swap3A_1111 = vector.shape_cast %swap3A_1110 : vector<1x1x16xf32> to vector<16xf32>
        %swap3A_1112 = vector.shape_cast %mul3A_1105 : vector<16xf32> to vector<1x1x16xf32>
        tpu.vector_store %arg7[%swap3A_1107, %swap3A_1108, %swap3A_1109], %swap3A_1112 {strides = array<i32>} : memref<16x4x128xf32, #tpu.memory_space<vmem>>, vector<1x1x16xf32>,
        %mul3A_1113 = arith.constant 2.000000e-01 : f32
        %mul3A_1114 = vector.broadcast %mul3A_1113 : f32 to vector<16xf32>
        %mul3A_1115 = arith.mulf %add3A_1089, %mul3A_1114 : vector<16xf32>
        %swap3A_1116 = arith.constant 2 : i32
        %swap3A_1117 = arith.index_cast %scan3A_168 : i32 to index
        %swap3A_1118 = arith.index_cast %swap3A_1116 : i32 to index
        %swap3A_1119 = arith.constant 80 : index
        %swap3A_1120 = tpu.vector_load %arg7[%swap3A_1117, %swap3A_1118, %swap3A_1119] {strides = array<i32>} : memref<16x4x128xf32, #tpu.memory_space<vmem>>, vector<1x1x16xf32>,
        %swap3A_1121 = vector.shape_cast %swap3A_1120 : vector<1x1x16xf32> to vector<16xf32>
        %swap3A_1122 = vector.shape_cast %mul3A_1115 : vector<16xf32> to vector<1x1x16xf32>
        tpu.vector_store %arg7[%swap3A_1117, %swap3A_1118, %swap3A_1119], %swap3A_1122 {strides = array<i32>} : memref<16x4x128xf32, #tpu.memory_space<vmem>>, vector<1x1x16xf32>,
        %mul3A_1123 = arith.constant 0.142857149 : f32
        %mul3A_1124 = vector.broadcast %mul3A_1123 : f32 to vector<16xf32>
        %mul3A_1125 = arith.mulf %add3A_1095, %mul3A_1124 : vector<16xf32>
        %swap3A_1126 = arith.constant 3 : i32
        %swap3A_1127 = arith.index_cast %scan3A_168 : i32 to index
        %swap3A_1128 = arith.index_cast %swap3A_1126 : i32 to index
        %swap3A_1129 = arith.constant 80 : index
        %swap3A_1130 = tpu.vector_load %arg7[%swap3A_1127, %swap3A_1128, %swap3A_1129] {strides = array<i32>} : memref<16x4x128xf32, #tpu.memory_space<vmem>>, vector<1x1x16xf32>,
        %swap3A_1131 = vector.shape_cast %swap3A_1130 : vector<1x1x16xf32> to vector<16xf32>
        %swap3A_1132 = vector.shape_cast %mul3A_1125 : vector<16xf32> to vector<1x1x16xf32>
        tpu.vector_store %arg7[%swap3A_1127, %swap3A_1128, %swap3A_1129], %swap3A_1132 {strides = array<i32>} : memref<16x4x128xf32, #tpu.memory_space<vmem>>, vector<1x1x16xf32>,
        %get3A_1133 = arith.constant 0 : i32
        %get3A_1134 = arith.index_cast %scan3A_168 : i32 to index
        %get3A_1135 = arith.index_cast %get3A_1133 : i32 to index
        %get3A_1136 = arith.constant 96 : index
        %get3A_1137 = tpu.vector_load %arg5[%get3A_1134, %get3A_1135, %get3A_1136] {strides = array<i32>} : memref<16x16x128xf32, #tpu.memory_space<vmem>>, vector<1x1x16xf32>,
        %get3A_1138 = vector.shape_cast %get3A_1137 : vector<1x1x16xf32> to vector<16xf32>
        %mul3A_1139 = arith.mulf %get3A_1138, %get3A_1138 : vector<16xf32>
        %get3A_1140 = arith.constant 1 : i32
        %get3A_1141 = arith.index_cast %scan3A_168 : i32 to index
        %get3A_1142 = arith.index_cast %get3A_1140 : i32 to index
        %get3A_1143 = arith.constant 96 : index
        %get3A_1144 = tpu.vector_load %arg5[%get3A_1141, %get3A_1142, %get3A_1143] {strides = array<i32>} : memref<16x16x128xf32, #tpu.memory_space<vmem>>, vector<1x1x16xf32>,
        %get3A_1145 = vector.shape_cast %get3A_1144 : vector<1x1x16xf32> to vector<16xf32>
        %mul3A_1146 = arith.mulf %get3A_1145, %get3A_1145 : vector<16xf32>
        %get3A_1147 = arith.constant 2 : i32
        %get3A_1148 = arith.index_cast %scan3A_168 : i32 to index
        %get3A_1149 = arith.index_cast %get3A_1147 : i32 to index
        %get3A_1150 = arith.constant 96 : index
        %get3A_1151 = tpu.vector_load %arg5[%get3A_1148, %get3A_1149, %get3A_1150] {strides = array<i32>} : memref<16x16x128xf32, #tpu.memory_space<vmem>>, vector<1x1x16xf32>,
        %get3A_1152 = vector.shape_cast %get3A_1151 : vector<1x1x16xf32> to vector<16xf32>
        %mul3A_1153 = arith.mulf %get3A_1152, %get3A_1152 : vector<16xf32>
        %get3A_1154 = arith.constant 3 : i32
        %get3A_1155 = arith.index_cast %scan3A_168 : i32 to index
        %get3A_1156 = arith.index_cast %get3A_1154 : i32 to index
        %get3A_1157 = arith.constant 96 : index
        %get3A_1158 = tpu.vector_load %arg5[%get3A_1155, %get3A_1156, %get3A_1157] {strides = array<i32>} : memref<16x16x128xf32, #tpu.memory_space<vmem>>, vector<1x1x16xf32>,
        %get3A_1159 = vector.shape_cast %get3A_1158 : vector<1x1x16xf32> to vector<16xf32>
        %mul3A_1160 = arith.mulf %get3A_1159, %get3A_1159 : vector<16xf32>
        %get3A_1161 = arith.constant 4 : i32
        %get3A_1162 = arith.index_cast %scan3A_168 : i32 to index
        %get3A_1163 = arith.index_cast %get3A_1161 : i32 to index
        %get3A_1164 = arith.constant 96 : index
        %get3A_1165 = tpu.vector_load %arg5[%get3A_1162, %get3A_1163, %get3A_1164] {strides = array<i32>} : memref<16x16x128xf32, #tpu.memory_space<vmem>>, vector<1x1x16xf32>,
        %get3A_1166 = vector.shape_cast %get3A_1165 : vector<1x1x16xf32> to vector<16xf32>
        %mul3A_1167 = arith.mulf %get3A_1166, %get3A_1166 : vector<16xf32>
        %get3A_1168 = arith.constant 5 : i32
        %get3A_1169 = arith.index_cast %scan3A_168 : i32 to index
        %get3A_1170 = arith.index_cast %get3A_1168 : i32 to index
        %get3A_1171 = arith.constant 96 : index
        %get3A_1172 = tpu.vector_load %arg5[%get3A_1169, %get3A_1170, %get3A_1171] {strides = array<i32>} : memref<16x16x128xf32, #tpu.memory_space<vmem>>, vector<1x1x16xf32>,
        %get3A_1173 = vector.shape_cast %get3A_1172 : vector<1x1x16xf32> to vector<16xf32>
        %mul3A_1174 = arith.mulf %get3A_1173, %get3A_1173 : vector<16xf32>
        %get3A_1175 = arith.constant 6 : i32
        %get3A_1176 = arith.index_cast %scan3A_168 : i32 to index
        %get3A_1177 = arith.index_cast %get3A_1175 : i32 to index
        %get3A_1178 = arith.constant 96 : index
        %get3A_1179 = tpu.vector_load %arg5[%get3A_1176, %get3A_1177, %get3A_1178] {strides = array<i32>} : memref<16x16x128xf32, #tpu.memory_space<vmem>>, vector<1x1x16xf32>,
        %get3A_1180 = vector.shape_cast %get3A_1179 : vector<1x1x16xf32> to vector<16xf32>
        %mul3A_1181 = arith.mulf %get3A_1180, %get3A_1180 : vector<16xf32>
        %get3A_1182 = arith.constant 7 : i32
        %get3A_1183 = arith.index_cast %scan3A_168 : i32 to index
        %get3A_1184 = arith.index_cast %get3A_1182 : i32 to index
        %get3A_1185 = arith.constant 96 : index
        %get3A_1186 = tpu.vector_load %arg5[%get3A_1183, %get3A_1184, %get3A_1185] {strides = array<i32>} : memref<16x16x128xf32, #tpu.memory_space<vmem>>, vector<1x1x16xf32>,
        %get3A_1187 = vector.shape_cast %get3A_1186 : vector<1x1x16xf32> to vector<16xf32>
        %mul3A_1188 = arith.mulf %get3A_1187, %get3A_1187 : vector<16xf32>
        %get3A_1189 = arith.constant 8 : i32
        %get3A_1190 = arith.index_cast %scan3A_168 : i32 to index
        %get3A_1191 = arith.index_cast %get3A_1189 : i32 to index
        %get3A_1192 = arith.constant 96 : index
        %get3A_1193 = tpu.vector_load %arg5[%get3A_1190, %get3A_1191, %get3A_1192] {strides = array<i32>} : memref<16x16x128xf32, #tpu.memory_space<vmem>>, vector<1x1x16xf32>,
        %get3A_1194 = vector.shape_cast %get3A_1193 : vector<1x1x16xf32> to vector<16xf32>
        %mul3A_1195 = arith.mulf %get3A_1194, %get3A_1194 : vector<16xf32>
        %get3A_1196 = arith.constant 9 : i32
        %get3A_1197 = arith.index_cast %scan3A_168 : i32 to index
        %get3A_1198 = arith.index_cast %get3A_1196 : i32 to index
        %get3A_1199 = arith.constant 96 : index
        %get3A_1200 = tpu.vector_load %arg5[%get3A_1197, %get3A_1198, %get3A_1199] {strides = array<i32>} : memref<16x16x128xf32, #tpu.memory_space<vmem>>, vector<1x1x16xf32>,
        %get3A_1201 = vector.shape_cast %get3A_1200 : vector<1x1x16xf32> to vector<16xf32>
        %mul3A_1202 = arith.mulf %get3A_1201, %get3A_1201 : vector<16xf32>
        %get3A_1203 = arith.constant 10 : i32
        %get3A_1204 = arith.index_cast %scan3A_168 : i32 to index
        %get3A_1205 = arith.index_cast %get3A_1203 : i32 to index
        %get3A_1206 = arith.constant 96 : index
        %get3A_1207 = tpu.vector_load %arg5[%get3A_1204, %get3A_1205, %get3A_1206] {strides = array<i32>} : memref<16x16x128xf32, #tpu.memory_space<vmem>>, vector<1x1x16xf32>,
        %get3A_1208 = vector.shape_cast %get3A_1207 : vector<1x1x16xf32> to vector<16xf32>
        %mul3A_1209 = arith.mulf %get3A_1208, %get3A_1208 : vector<16xf32>
        %get3A_1210 = arith.constant 11 : i32
        %get3A_1211 = arith.index_cast %scan3A_168 : i32 to index
        %get3A_1212 = arith.index_cast %get3A_1210 : i32 to index
        %get3A_1213 = arith.constant 96 : index
        %get3A_1214 = tpu.vector_load %arg5[%get3A_1211, %get3A_1212, %get3A_1213] {strides = array<i32>} : memref<16x16x128xf32, #tpu.memory_space<vmem>>, vector<1x1x16xf32>,
        %get3A_1215 = vector.shape_cast %get3A_1214 : vector<1x1x16xf32> to vector<16xf32>
        %mul3A_1216 = arith.mulf %get3A_1215, %get3A_1215 : vector<16xf32>
        %get3A_1217 = arith.constant 12 : i32
        %get3A_1218 = arith.index_cast %scan3A_168 : i32 to index
        %get3A_1219 = arith.index_cast %get3A_1217 : i32 to index
        %get3A_1220 = arith.constant 96 : index
        %get3A_1221 = tpu.vector_load %arg5[%get3A_1218, %get3A_1219, %get3A_1220] {strides = array<i32>} : memref<16x16x128xf32, #tpu.memory_space<vmem>>, vector<1x1x16xf32>,
        %get3A_1222 = vector.shape_cast %get3A_1221 : vector<1x1x16xf32> to vector<16xf32>
        %mul3A_1223 = arith.mulf %get3A_1222, %get3A_1222 : vector<16xf32>
        %get3A_1224 = arith.constant 13 : i32
        %get3A_1225 = arith.index_cast %scan3A_168 : i32 to index
        %get3A_1226 = arith.index_cast %get3A_1224 : i32 to index
        %get3A_1227 = arith.constant 96 : index
        %get3A_1228 = tpu.vector_load %arg5[%get3A_1225, %get3A_1226, %get3A_1227] {strides = array<i32>} : memref<16x16x128xf32, #tpu.memory_space<vmem>>, vector<1x1x16xf32>,
        %get3A_1229 = vector.shape_cast %get3A_1228 : vector<1x1x16xf32> to vector<16xf32>
        %mul3A_1230 = arith.mulf %get3A_1229, %get3A_1229 : vector<16xf32>
        %get3A_1231 = arith.constant 14 : i32
        %get3A_1232 = arith.index_cast %scan3A_168 : i32 to index
        %get3A_1233 = arith.index_cast %get3A_1231 : i32 to index
        %get3A_1234 = arith.constant 96 : index
        %get3A_1235 = tpu.vector_load %arg5[%get3A_1232, %get3A_1233, %get3A_1234] {strides = array<i32>} : memref<16x16x128xf32, #tpu.memory_space<vmem>>, vector<1x1x16xf32>,
        %get3A_1236 = vector.shape_cast %get3A_1235 : vector<1x1x16xf32> to vector<16xf32>
        %mul3A_1237 = arith.mulf %get3A_1236, %get3A_1236 : vector<16xf32>
        %get3A_1238 = arith.constant 15 : i32
        %get3A_1239 = arith.index_cast %scan3A_168 : i32 to index
        %get3A_1240 = arith.index_cast %get3A_1238 : i32 to index
        %get3A_1241 = arith.constant 96 : index
        %get3A_1242 = tpu.vector_load %arg5[%get3A_1239, %get3A_1240, %get3A_1241] {strides = array<i32>} : memref<16x16x128xf32, #tpu.memory_space<vmem>>, vector<1x1x16xf32>,
        %get3A_1243 = vector.shape_cast %get3A_1242 : vector<1x1x16xf32> to vector<16xf32>
        %mul3A_1244 = arith.mulf %get3A_1243, %get3A_1243 : vector<16xf32>
        %add3A_1245 = arith.addf %mul3A_1146, %mul3A_1153 : vector<16xf32>
        %add3A_1246 = arith.addf %add3A_1245, %mul3A_1160 : vector<16xf32>
        %add3A_1247 = arith.addf %mul3A_1167, %mul3A_1174 : vector<16xf32>
        %add3A_1248 = arith.addf %mul3A_1181, %mul3A_1188 : vector<16xf32>
        %add3A_1249 = arith.addf %add3A_1247, %add3A_1248 : vector<16xf32>
        %add3A_1250 = arith.addf %add3A_1249, %mul3A_1195 : vector<16xf32>
        %add3A_1251 = arith.addf %mul3A_1202, %mul3A_1209 : vector<16xf32>
        %add3A_1252 = arith.addf %mul3A_1216, %mul3A_1223 : vector<16xf32>
        %add3A_1253 = arith.addf %add3A_1251, %add3A_1252 : vector<16xf32>
        %add3A_1254 = arith.addf %mul3A_1230, %mul3A_1237 : vector<16xf32>
        %add3A_1255 = arith.addf %add3A_1254, %mul3A_1244 : vector<16xf32>
        %add3A_1256 = arith.addf %add3A_1253, %add3A_1255 : vector<16xf32>
        %swap3A_1257 = arith.constant 0 : i32
        %swap3A_1258 = arith.index_cast %scan3A_168 : i32 to index
        %swap3A_1259 = arith.index_cast %swap3A_1257 : i32 to index
        %swap3A_1260 = arith.constant 96 : index
        %swap3A_1261 = tpu.vector_load %arg7[%swap3A_1258, %swap3A_1259, %swap3A_1260] {strides = array<i32>} : memref<16x4x128xf32, #tpu.memory_space<vmem>>, vector<1x1x16xf32>,
        %swap3A_1262 = vector.shape_cast %swap3A_1261 : vector<1x1x16xf32> to vector<16xf32>
        %swap3A_1263 = vector.shape_cast %mul3A_1139 : vector<16xf32> to vector<1x1x16xf32>
        tpu.vector_store %arg7[%swap3A_1258, %swap3A_1259, %swap3A_1260], %swap3A_1263 {strides = array<i32>} : memref<16x4x128xf32, #tpu.memory_space<vmem>>, vector<1x1x16xf32>,
        %mul3A_1264 = arith.constant 0.333333343 : f32
        %mul3A_1265 = vector.broadcast %mul3A_1264 : f32 to vector<16xf32>
        %mul3A_1266 = arith.mulf %add3A_1246, %mul3A_1265 : vector<16xf32>
        %swap3A_1267 = arith.constant 1 : i32
        %swap3A_1268 = arith.index_cast %scan3A_168 : i32 to index
        %swap3A_1269 = arith.index_cast %swap3A_1267 : i32 to index
        %swap3A_1270 = arith.constant 96 : index
        %swap3A_1271 = tpu.vector_load %arg7[%swap3A_1268, %swap3A_1269, %swap3A_1270] {strides = array<i32>} : memref<16x4x128xf32, #tpu.memory_space<vmem>>, vector<1x1x16xf32>,
        %swap3A_1272 = vector.shape_cast %swap3A_1271 : vector<1x1x16xf32> to vector<16xf32>
        %swap3A_1273 = vector.shape_cast %mul3A_1266 : vector<16xf32> to vector<1x1x16xf32>
        tpu.vector_store %arg7[%swap3A_1268, %swap3A_1269, %swap3A_1270], %swap3A_1273 {strides = array<i32>} : memref<16x4x128xf32, #tpu.memory_space<vmem>>, vector<1x1x16xf32>,
        %mul3A_1274 = arith.constant 2.000000e-01 : f32
        %mul3A_1275 = vector.broadcast %mul3A_1274 : f32 to vector<16xf32>
        %mul3A_1276 = arith.mulf %add3A_1250, %mul3A_1275 : vector<16xf32>
        %swap3A_1277 = arith.constant 2 : i32
        %swap3A_1278 = arith.index_cast %scan3A_168 : i32 to index
        %swap3A_1279 = arith.index_cast %swap3A_1277 : i32 to index
        %swap3A_1280 = arith.constant 96 : index
        %swap3A_1281 = tpu.vector_load %arg7[%swap3A_1278, %swap3A_1279, %swap3A_1280] {strides = array<i32>} : memref<16x4x128xf32, #tpu.memory_space<vmem>>, vector<1x1x16xf32>,
        %swap3A_1282 = vector.shape_cast %swap3A_1281 : vector<1x1x16xf32> to vector<16xf32>
        %swap3A_1283 = vector.shape_cast %mul3A_1276 : vector<16xf32> to vector<1x1x16xf32>
        tpu.vector_store %arg7[%swap3A_1278, %swap3A_1279, %swap3A_1280], %swap3A_1283 {strides = array<i32>} : memref<16x4x128xf32, #tpu.memory_space<vmem>>, vector<1x1x16xf32>,
        %mul3A_1284 = arith.constant 0.142857149 : f32
        %mul3A_1285 = vector.broadcast %mul3A_1284 : f32 to vector<16xf32>
        %mul3A_1286 = arith.mulf %add3A_1256, %mul3A_1285 : vector<16xf32>
        %swap3A_1287 = arith.constant 3 : i32
        %swap3A_1288 = arith.index_cast %scan3A_168 : i32 to index
        %swap3A_1289 = arith.index_cast %swap3A_1287 : i32 to index
        %swap3A_1290 = arith.constant 96 : index
        %swap3A_1291 = tpu.vector_load %arg7[%swap3A_1288, %swap3A_1289, %swap3A_1290] {strides = array<i32>} : memref<16x4x128xf32, #tpu.memory_space<vmem>>, vector<1x1x16xf32>,
        %swap3A_1292 = vector.shape_cast %swap3A_1291 : vector<1x1x16xf32> to vector<16xf32>
        %swap3A_1293 = vector.shape_cast %mul3A_1286 : vector<16xf32> to vector<1x1x16xf32>
        tpu.vector_store %arg7[%swap3A_1288, %swap3A_1289, %swap3A_1290], %swap3A_1293 {strides = array<i32>} : memref<16x4x128xf32, #tpu.memory_space<vmem>>, vector<1x1x16xf32>,
        %get3A_1294 = arith.constant 0 : i32
        %get3A_1295 = arith.index_cast %scan3A_168 : i32 to index
        %get3A_1296 = arith.index_cast %get3A_1294 : i32 to index
        %get3A_1297 = arith.constant 112 : index
        %get3A_1298 = tpu.vector_load %arg5[%get3A_1295, %get3A_1296, %get3A_1297] {strides = array<i32>} : memref<16x16x128xf32, #tpu.memory_space<vmem>>, vector<1x1x16xf32>,
        %get3A_1299 = vector.shape_cast %get3A_1298 : vector<1x1x16xf32> to vector<16xf32>
        %mul3A_1300 = arith.mulf %get3A_1299, %get3A_1299 : vector<16xf32>
        %get3A_1301 = arith.constant 1 : i32
        %get3A_1302 = arith.index_cast %scan3A_168 : i32 to index
        %get3A_1303 = arith.index_cast %get3A_1301 : i32 to index
        %get3A_1304 = arith.constant 112 : index
        %get3A_1305 = tpu.vector_load %arg5[%get3A_1302, %get3A_1303, %get3A_1304] {strides = array<i32>} : memref<16x16x128xf32, #tpu.memory_space<vmem>>, vector<1x1x16xf32>,
        %get3A_1306 = vector.shape_cast %get3A_1305 : vector<1x1x16xf32> to vector<16xf32>
        %mul3A_1307 = arith.mulf %get3A_1306, %get3A_1306 : vector<16xf32>
        %get3A_1308 = arith.constant 2 : i32
        %get3A_1309 = arith.index_cast %scan3A_168 : i32 to index
        %get3A_1310 = arith.index_cast %get3A_1308 : i32 to index
        %get3A_1311 = arith.constant 112 : index
        %get3A_1312 = tpu.vector_load %arg5[%get3A_1309, %get3A_1310, %get3A_1311] {strides = array<i32>} : memref<16x16x128xf32, #tpu.memory_space<vmem>>, vector<1x1x16xf32>,
        %get3A_1313 = vector.shape_cast %get3A_1312 : vector<1x1x16xf32> to vector<16xf32>
        %mul3A_1314 = arith.mulf %get3A_1313, %get3A_1313 : vector<16xf32>
        %get3A_1315 = arith.constant 3 : i32
        %get3A_1316 = arith.index_cast %scan3A_168 : i32 to index
        %get3A_1317 = arith.index_cast %get3A_1315 : i32 to index
        %get3A_1318 = arith.constant 112 : index
        %get3A_1319 = tpu.vector_load %arg5[%get3A_1316, %get3A_1317, %get3A_1318] {strides = array<i32>} : memref<16x16x128xf32, #tpu.memory_space<vmem>>, vector<1x1x16xf32>,
        %get3A_1320 = vector.shape_cast %get3A_1319 : vector<1x1x16xf32> to vector<16xf32>
        %mul3A_1321 = arith.mulf %get3A_1320, %get3A_1320 : vector<16xf32>
        %get3A_1322 = arith.constant 4 : i32
        %get3A_1323 = arith.index_cast %scan3A_168 : i32 to index
        %get3A_1324 = arith.index_cast %get3A_1322 : i32 to index
        %get3A_1325 = arith.constant 112 : index
        %get3A_1326 = tpu.vector_load %arg5[%get3A_1323, %get3A_1324, %get3A_1325] {strides = array<i32>} : memref<16x16x128xf32, #tpu.memory_space<vmem>>, vector<1x1x16xf32>,
        %get3A_1327 = vector.shape_cast %get3A_1326 : vector<1x1x16xf32> to vector<16xf32>
        %mul3A_1328 = arith.mulf %get3A_1327, %get3A_1327 : vector<16xf32>
        %get3A_1329 = arith.constant 5 : i32
        %get3A_1330 = arith.index_cast %scan3A_168 : i32 to index
        %get3A_1331 = arith.index_cast %get3A_1329 : i32 to index
        %get3A_1332 = arith.constant 112 : index
        %get3A_1333 = tpu.vector_load %arg5[%get3A_1330, %get3A_1331, %get3A_1332] {strides = array<i32>} : memref<16x16x128xf32, #tpu.memory_space<vmem>>, vector<1x1x16xf32>,
        %get3A_1334 = vector.shape_cast %get3A_1333 : vector<1x1x16xf32> to vector<16xf32>
        %mul3A_1335 = arith.mulf %get3A_1334, %get3A_1334 : vector<16xf32>
        %get3A_1336 = arith.constant 6 : i32
        %get3A_1337 = arith.index_cast %scan3A_168 : i32 to index
        %get3A_1338 = arith.index_cast %get3A_1336 : i32 to index
        %get3A_1339 = arith.constant 112 : index
        %get3A_1340 = tpu.vector_load %arg5[%get3A_1337, %get3A_1338, %get3A_1339] {strides = array<i32>} : memref<16x16x128xf32, #tpu.memory_space<vmem>>, vector<1x1x16xf32>,
        %get3A_1341 = vector.shape_cast %get3A_1340 : vector<1x1x16xf32> to vector<16xf32>
        %mul3A_1342 = arith.mulf %get3A_1341, %get3A_1341 : vector<16xf32>
        %get3A_1343 = arith.constant 7 : i32
        %get3A_1344 = arith.index_cast %scan3A_168 : i32 to index
        %get3A_1345 = arith.index_cast %get3A_1343 : i32 to index
        %get3A_1346 = arith.constant 112 : index
        %get3A_1347 = tpu.vector_load %arg5[%get3A_1344, %get3A_1345, %get3A_1346] {strides = array<i32>} : memref<16x16x128xf32, #tpu.memory_space<vmem>>, vector<1x1x16xf32>,
        %get3A_1348 = vector.shape_cast %get3A_1347 : vector<1x1x16xf32> to vector<16xf32>
        %mul3A_1349 = arith.mulf %get3A_1348, %get3A_1348 : vector<16xf32>
        %get3A_1350 = arith.constant 8 : i32
        %get3A_1351 = arith.index_cast %scan3A_168 : i32 to index
        %get3A_1352 = arith.index_cast %get3A_1350 : i32 to index
        %get3A_1353 = arith.constant 112 : index
        %get3A_1354 = tpu.vector_load %arg5[%get3A_1351, %get3A_1352, %get3A_1353] {strides = array<i32>} : memref<16x16x128xf32, #tpu.memory_space<vmem>>, vector<1x1x16xf32>,
        %get3A_1355 = vector.shape_cast %get3A_1354 : vector<1x1x16xf32> to vector<16xf32>
        %mul3A_1356 = arith.mulf %get3A_1355, %get3A_1355 : vector<16xf32>
        %get3A_1357 = arith.constant 9 : i32
        %get3A_1358 = arith.index_cast %scan3A_168 : i32 to index
        %get3A_1359 = arith.index_cast %get3A_1357 : i32 to index
        %get3A_1360 = arith.constant 112 : index
        %get3A_1361 = tpu.vector_load %arg5[%get3A_1358, %get3A_1359, %get3A_1360] {strides = array<i32>} : memref<16x16x128xf32, #tpu.memory_space<vmem>>, vector<1x1x16xf32>,
        %get3A_1362 = vector.shape_cast %get3A_1361 : vector<1x1x16xf32> to vector<16xf32>
        %mul3A_1363 = arith.mulf %get3A_1362, %get3A_1362 : vector<16xf32>
        %get3A_1364 = arith.constant 10 : i32
        %get3A_1365 = arith.index_cast %scan3A_168 : i32 to index
        %get3A_1366 = arith.index_cast %get3A_1364 : i32 to index
        %get3A_1367 = arith.constant 112 : index
        %get3A_1368 = tpu.vector_load %arg5[%get3A_1365, %get3A_1366, %get3A_1367] {strides = array<i32>} : memref<16x16x128xf32, #tpu.memory_space<vmem>>, vector<1x1x16xf32>,
        %get3A_1369 = vector.shape_cast %get3A_1368 : vector<1x1x16xf32> to vector<16xf32>
        %mul3A_1370 = arith.mulf %get3A_1369, %get3A_1369 : vector<16xf32>
        %get3A_1371 = arith.constant 11 : i32
        %get3A_1372 = arith.index_cast %scan3A_168 : i32 to index
        %get3A_1373 = arith.index_cast %get3A_1371 : i32 to index
        %get3A_1374 = arith.constant 112 : index
        %get3A_1375 = tpu.vector_load %arg5[%get3A_1372, %get3A_1373, %get3A_1374] {strides = array<i32>} : memref<16x16x128xf32, #tpu.memory_space<vmem>>, vector<1x1x16xf32>,
        %get3A_1376 = vector.shape_cast %get3A_1375 : vector<1x1x16xf32> to vector<16xf32>
        %mul3A_1377 = arith.mulf %get3A_1376, %get3A_1376 : vector<16xf32>
        %get3A_1378 = arith.constant 12 : i32
        %get3A_1379 = arith.index_cast %scan3A_168 : i32 to index
        %get3A_1380 = arith.index_cast %get3A_1378 : i32 to index
        %get3A_1381 = arith.constant 112 : index
        %get3A_1382 = tpu.vector_load %arg5[%get3A_1379, %get3A_1380, %get3A_1381] {strides = array<i32>} : memref<16x16x128xf32, #tpu.memory_space<vmem>>, vector<1x1x16xf32>,
        %get3A_1383 = vector.shape_cast %get3A_1382 : vector<1x1x16xf32> to vector<16xf32>
        %mul3A_1384 = arith.mulf %get3A_1383, %get3A_1383 : vector<16xf32>
        %get3A_1385 = arith.constant 13 : i32
        %get3A_1386 = arith.index_cast %scan3A_168 : i32 to index
        %get3A_1387 = arith.index_cast %get3A_1385 : i32 to index
        %get3A_1388 = arith.constant 112 : index
        %get3A_1389 = tpu.vector_load %arg5[%get3A_1386, %get3A_1387, %get3A_1388] {strides = array<i32>} : memref<16x16x128xf32, #tpu.memory_space<vmem>>, vector<1x1x16xf32>,
        %get3A_1390 = vector.shape_cast %get3A_1389 : vector<1x1x16xf32> to vector<16xf32>
        %mul3A_1391 = arith.mulf %get3A_1390, %get3A_1390 : vector<16xf32>
        %get3A_1392 = arith.constant 14 : i32
        %get3A_1393 = arith.index_cast %scan3A_168 : i32 to index
        %get3A_1394 = arith.index_cast %get3A_1392 : i32 to index
        %get3A_1395 = arith.constant 112 : index
        %get3A_1396 = tpu.vector_load %arg5[%get3A_1393, %get3A_1394, %get3A_1395] {strides = array<i32>} : memref<16x16x128xf32, #tpu.memory_space<vmem>>, vector<1x1x16xf32>,
        %get3A_1397 = vector.shape_cast %get3A_1396 : vector<1x1x16xf32> to vector<16xf32>
        %mul3A_1398 = arith.mulf %get3A_1397, %get3A_1397 : vector<16xf32>
        %get3A_1399 = arith.constant 15 : i32
        %get3A_1400 = arith.index_cast %scan3A_168 : i32 to index
        %get3A_1401 = arith.index_cast %get3A_1399 : i32 to index
        %get3A_1402 = arith.constant 112 : index
        %get3A_1403 = tpu.vector_load %arg5[%get3A_1400, %get3A_1401, %get3A_1402] {strides = array<i32>} : memref<16x16x128xf32, #tpu.memory_space<vmem>>, vector<1x1x16xf32>,
        %get3A_1404 = vector.shape_cast %get3A_1403 : vector<1x1x16xf32> to vector<16xf32>
        %mul3A_1405 = arith.mulf %get3A_1404, %get3A_1404 : vector<16xf32>
        %add3A_1406 = arith.addf %mul3A_1307, %mul3A_1314 : vector<16xf32>
        %add3A_1407 = arith.addf %add3A_1406, %mul3A_1321 : vector<16xf32>
        %add3A_1408 = arith.addf %mul3A_1328, %mul3A_1335 : vector<16xf32>
        %add3A_1409 = arith.addf %mul3A_1342, %mul3A_1349 : vector<16xf32>
        %add3A_1410 = arith.addf %add3A_1408, %add3A_1409 : vector<16xf32>
        %add3A_1411 = arith.addf %add3A_1410, %mul3A_1356 : vector<16xf32>
        %add3A_1412 = arith.addf %mul3A_1363, %mul3A_1370 : vector<16xf32>
        %add3A_1413 = arith.addf %mul3A_1377, %mul3A_1384 : vector<16xf32>
        %add3A_1414 = arith.addf %add3A_1412, %add3A_1413 : vector<16xf32>
        %add3A_1415 = arith.addf %mul3A_1391, %mul3A_1398 : vector<16xf32>
        %add3A_1416 = arith.addf %add3A_1415, %mul3A_1405 : vector<16xf32>
        %add3A_1417 = arith.addf %add3A_1414, %add3A_1416 : vector<16xf32>
        %swap3A_1418 = arith.constant 0 : i32
        %swap3A_1419 = arith.index_cast %scan3A_168 : i32 to index
        %swap3A_1420 = arith.index_cast %swap3A_1418 : i32 to index
        %swap3A_1421 = arith.constant 112 : index
        %swap3A_1422 = tpu.vector_load %arg7[%swap3A_1419, %swap3A_1420, %swap3A_1421] {strides = array<i32>} : memref<16x4x128xf32, #tpu.memory_space<vmem>>, vector<1x1x16xf32>,
        %swap3A_1423 = vector.shape_cast %swap3A_1422 : vector<1x1x16xf32> to vector<16xf32>
        %swap3A_1424 = vector.shape_cast %mul3A_1300 : vector<16xf32> to vector<1x1x16xf32>
        tpu.vector_store %arg7[%swap3A_1419, %swap3A_1420, %swap3A_1421], %swap3A_1424 {strides = array<i32>} : memref<16x4x128xf32, #tpu.memory_space<vmem>>, vector<1x1x16xf32>,
        %mul3A_1425 = arith.constant 0.333333343 : f32
        %mul3A_1426 = vector.broadcast %mul3A_1425 : f32 to vector<16xf32>
        %mul3A_1427 = arith.mulf %add3A_1407, %mul3A_1426 : vector<16xf32>
        %swap3A_1428 = arith.constant 1 : i32
        %swap3A_1429 = arith.index_cast %scan3A_168 : i32 to index
        %swap3A_1430 = arith.index_cast %swap3A_1428 : i32 to index
        %swap3A_1431 = arith.constant 112 : index
        %swap3A_1432 = tpu.vector_load %arg7[%swap3A_1429, %swap3A_1430, %swap3A_1431] {strides = array<i32>} : memref<16x4x128xf32, #tpu.memory_space<vmem>>, vector<1x1x16xf32>,
        %swap3A_1433 = vector.shape_cast %swap3A_1432 : vector<1x1x16xf32> to vector<16xf32>
        %swap3A_1434 = vector.shape_cast %mul3A_1427 : vector<16xf32> to vector<1x1x16xf32>
        tpu.vector_store %arg7[%swap3A_1429, %swap3A_1430, %swap3A_1431], %swap3A_1434 {strides = array<i32>} : memref<16x4x128xf32, #tpu.memory_space<vmem>>, vector<1x1x16xf32>,
        %mul3A_1435 = arith.constant 2.000000e-01 : f32
        %mul3A_1436 = vector.broadcast %mul3A_1435 : f32 to vector<16xf32>
        %mul3A_1437 = arith.mulf %add3A_1411, %mul3A_1436 : vector<16xf32>
        %swap3A_1438 = arith.constant 2 : i32
        %swap3A_1439 = arith.index_cast %scan3A_168 : i32 to index
        %swap3A_1440 = arith.index_cast %swap3A_1438 : i32 to index
        %swap3A_1441 = arith.constant 112 : index
        %swap3A_1442 = tpu.vector_load %arg7[%swap3A_1439, %swap3A_1440, %swap3A_1441] {strides = array<i32>} : memref<16x4x128xf32, #tpu.memory_space<vmem>>, vector<1x1x16xf32>,
        %swap3A_1443 = vector.shape_cast %swap3A_1442 : vector<1x1x16xf32> to vector<16xf32>
        %swap3A_1444 = vector.shape_cast %mul3A_1437 : vector<16xf32> to vector<1x1x16xf32>
        tpu.vector_store %arg7[%swap3A_1439, %swap3A_1440, %swap3A_1441], %swap3A_1444 {strides = array<i32>} : memref<16x4x128xf32, #tpu.memory_space<vmem>>, vector<1x1x16xf32>,
        %mul3A_1445 = arith.constant 0.142857149 : f32
        %mul3A_1446 = vector.broadcast %mul3A_1445 : f32 to vector<16xf32>
        %mul3A_1447 = arith.mulf %add3A_1417, %mul3A_1446 : vector<16xf32>
        %swap3A_1448 = arith.constant 3 : i32
        %swap3A_1449 = arith.index_cast %scan3A_168 : i32 to index
        %swap3A_1450 = arith.index_cast %swap3A_1448 : i32 to index
        %swap3A_1451 = arith.constant 112 : index
        %swap3A_1452 = tpu.vector_load %arg7[%swap3A_1449, %swap3A_1450, %swap3A_1451] {strides = array<i32>} : memref<16x4x128xf32, #tpu.memory_space<vmem>>, vector<1x1x16xf32>,
        %swap3A_1453 = vector.shape_cast %swap3A_1452 : vector<1x1x16xf32> to vector<16xf32>
        %swap3A_1454 = vector.shape_cast %mul3A_1447 : vector<16xf32> to vector<1x1x16xf32>
        tpu.vector_store %arg7[%swap3A_1449, %swap3A_1450, %swap3A_1451], %swap3A_1454 {strides = array<i32>} : memref<16x4x128xf32, #tpu.memory_space<vmem>>, vector<1x1x16xf32>,
      }
      %scan3A_150 = arith.constant 16 : i32
      %mul3A_151 = arith.constant 32 : i32
      %mul3A_152 = arith.muli %add3A_131, %mul3A_151 : i32
      %add3A_153 = arith.addi %add3A, %mul3A_152 : i32
      %mul3A_154 = arith.constant 16 : i32
      %mul3A_155 = arith.muli %add3A_153, %mul3A_154 : i32
      %dma_start3A_156 = arith.constant 0 : i32
      %dma_start3A_157 = arith.constant 0 : i32
      %dma_start3A_158 = tpu.memref_slice %arg3[%mul3A_155, %dma_start3A_156, %dma_start3A_157] : memref<4096x4x128xf32, #tpu.memory_space<hbm>> -> memref<16x4x128xf32, #tpu.memory_space<hbm>>
      %dma_start3A_159 = arith.constant 0 : i32
      %dma_start3A_160 = arith.constant 0 : i32
      %dma_start3A_161 = tpu.memref_slice %arg3[%mul3A_155, %dma_start3A_159, %dma_start3A_160] : memref<4096x4x128xf32, #tpu.memory_space<hbm>> -> memref<16x4x128xf32, #tpu.memory_space<hbm>>
      tpu.enqueue_dma source(%arg7 : memref<16x4x128xf32, #tpu.memory_space<vmem>>) target(%dma_start3A_161 : memref<16x4x128xf32, #tpu.memory_space<hbm>>) target_semaphore(%arg11 : memref<!tpu.dma_semaphore, #tpu.memory_space<semaphore_mem>>)
      %add3A_162 = arith.constant 2 : i32
      %add3A_163 = arith.addi %add3A_131, %add3A_162 : i32
      %lt3A_164 = arith.cmpi slt, %add3A_163, %select_n3A : i32
      %convert_element_type3A_165 = arith.extui %lt3A_164 : i1 to i32
      %cond3A_166 = arith.constant 0 : i32
      %cond3A_167 = arith.cmpi ne, %convert_element_type3A_165, %cond3A_166 : i32
      scf.if %cond3A_167 {
        %add3A_168 = arith.constant 2 : i32
        %add3A_169 = arith.addi %add3A_131, %add3A_168 : i32
        %mul3A_170 = arith.constant 32 : i32
        %mul3A_171 = arith.muli %add3A_169, %mul3A_170 : i32
        %add3A_172 = arith.addi %add3A, %mul3A_171 : i32
        %mul3A_173 = arith.constant 16 : i32
        %mul3A_174 = arith.muli %add3A_172, %mul3A_173 : i32
        %add3A_175 = arith.constant 5904 : i32
        %add3A_176 = arith.addi %add3A_175, %mul3A_174 : i32
        %dma_start3A_177 = arith.constant 0 : i32
        %dma_start3A_178 = arith.constant 0 : i32
        %dma_start3A_179 = tpu.memref_slice %arg2[%add3A_176, %dma_start3A_177, %dma_start3A_178] : memref<10000x16x128xf32, #tpu.memory_space<hbm>> -> memref<16x16x128xf32, #tpu.memory_space<hbm>>
        %dma_start3A_180 = arith.constant 0 : i32
        %dma_start3A_181 = arith.constant 0 : i32
        %dma_start3A_182 = tpu.memref_slice %arg2[%add3A_176, %dma_start3A_180, %dma_start3A_181] : memref<10000x16x128xf32, #tpu.memory_space<hbm>> -> memref<16x16x128xf32, #tpu.memory_space<hbm>>
        tpu.enqueue_dma source(%dma_start3A_182 : memref<16x16x128xf32, #tpu.memory_space<hbm>>) target(%arg5 : memref<16x16x128xf32, #tpu.memory_space<vmem>>) target_semaphore(%arg9 : memref<!tpu.dma_semaphore, #tpu.memory_space<semaphore_mem>>)
      } else {
      }
    }
    %dma_wait3A = arith.constant 0 : i32
    %dma_wait3A_79 = arith.constant 0 : i32
    %dma_wait3A_80 = arith.constant 0 : i32
    %dma_wait3A_81 = tpu.memref_slice %arg3[%dma_wait3A, %dma_wait3A_79, %dma_wait3A_80] : memref<4096x4x128xf32, #tpu.memory_space<hbm>> -> memref<16x4x128xf32, #tpu.memory_space<hbm>>
    %dma_wait3A_82 = arith.constant 0 : i32
    %dma_wait3A_83 = arith.constant 0 : i32
    %dma_wait3A_84 = arith.constant 0 : i32
    %dma_wait3A_85 = tpu.memref_slice %arg3[%dma_wait3A_82, %dma_wait3A_83, %dma_wait3A_84] : memref<4096x4x128xf32, #tpu.memory_space<hbm>> -> memref<16x4x128xf32, #tpu.memory_space<hbm>>
    tpu.wait_dma2 semaphore(%arg10 : memref<!tpu.dma_semaphore, #tpu.memory_space<semaphore_mem>>) src(%arg6 : memref<16x4x128xf32, #tpu.memory_space<vmem>>) dst(%dma_wait3A_85 : memref<16x4x128xf32, #tpu.memory_space<hbm>>)
    %dma_wait3A_86 = arith.constant 0 : i32
    %dma_wait3A_87 = arith.constant 0 : i32
    %dma_wait3A_88 = arith.constant 0 : i32
    %dma_wait3A_89 = tpu.memref_slice %arg3[%dma_wait3A_86, %dma_wait3A_87, %dma_wait3A_88] : memref<4096x4x128xf32, #tpu.memory_space<hbm>> -> memref<16x4x128xf32, #tpu.memory_space<hbm>>
    %dma_wait3A_90 = arith.constant 0 : i32
    %dma_wait3A_91 = arith.constant 0 : i32
    %dma_wait3A_92 = arith.constant 0 : i32
    %dma_wait3A_93 = tpu.memref_slice %arg3[%dma_wait3A_90, %dma_wait3A_91, %dma_wait3A_92] : memref<4096x4x128xf32, #tpu.memory_space<hbm>> -> memref<16x4x128xf32, #tpu.memory_space<hbm>>
    tpu.wait_dma2 semaphore(%arg11 : memref<!tpu.dma_semaphore, #tpu.memory_space<semaphore_mem>>) src(%arg7 : memref<16x4x128xf32, #tpu.memory_space<vmem>>) dst(%dma_wait3A_93 : memref<16x4x128xf32, #tpu.memory_space<hbm>>)
    return
  }
}

module attributes {stable_mosaic.version = 14 : i64} {
  func.func @_tc_body(%arg0: i32, %arg1: memref<984x16x128xf32, #tpu.memory_space<vmem>>, %arg2: memref<984x4x128xf32, #tpu.memory_space<vmem>>) attributes {dimension_semantics = [#tpu.dimension_semantics<arbitrary>], iteration_bounds = array<i64: 6>, scalar_prefetch = 0 : i64, scratch_operands = 0 : i64, tpu.core_type = #tpu.core_type<tc>, window_params = [{transform_indices = @transform_0, window_bounds = array<i64: 984, 16, 128>}, {transform_indices = @transform_1, window_bounds = array<i64: 984, 4, 128>}]} {
    %get3A = arith.constant 0 : index
    %get3A_0 = arith.constant 0 : index
    %get3A_1 = arith.constant 0 : index
    %get3A_2 = vector.load %arg1[%get3A, %get3A_0, %get3A_1] : memref<984x16x128xf32, #tpu.memory_space<vmem>>, vector<984x16x128xf32>
    %mul3A = arith.mulf %get3A_2, %get3A_2 : vector<984x16x128xf32>
    %slice3A = vector.extract_strided_slice %mul3A {offsets = [0, 0, 0], sizes = [984, 1, 128], strides = [1, 1, 1]} : vector<984x16x128xf32> to vector<984x1x128xf32>
    %squeeze3A = vector.shape_cast %slice3A : vector<984x1x128xf32> to vector<984x128xf32>
    %mul3A_3 = arith.constant 1.000000e+00 : f32
    %mul3A_4 = vector.broadcast %mul3A_3 : f32 to vector<984x128xf32>
    %mul3A_5 = arith.mulf %squeeze3A, %mul3A_4 : vector<984x128xf32>
    %swap3A = arith.constant 0 : index
    %swap3A_6 = arith.constant 0 : index
    %swap3A_7 = arith.constant 0 : index
    %swap3A_8 = vector.load %arg2[%swap3A, %swap3A_6, %swap3A_7] : memref<984x4x128xf32, #tpu.memory_space<vmem>>, vector<984x1x128xf32>
    %swap3A_9 = vector.shape_cast %swap3A_8 : vector<984x1x128xf32> to vector<984x128xf32>
    %swap3A_10 = vector.shape_cast %mul3A_5 : vector<984x128xf32> to vector<984x1x128xf32>
    tpu.vector_store %arg2[%swap3A, %swap3A_6, %swap3A_7], %swap3A_10 {strides = array<i32>} : memref<984x4x128xf32, #tpu.memory_space<vmem>>, vector<984x1x128xf32>,
    %slice3A_11 = vector.extract_strided_slice %mul3A {offsets = [0, 1, 0], sizes = [984, 1, 128], strides = [1, 1, 1]} : vector<984x16x128xf32> to vector<984x1x128xf32>
    %squeeze3A_12 = vector.shape_cast %slice3A_11 : vector<984x1x128xf32> to vector<984x128xf32>
    %slice3A_13 = vector.extract_strided_slice %mul3A {offsets = [0, 2, 0], sizes = [984, 1, 128], strides = [1, 1, 1]} : vector<984x16x128xf32> to vector<984x1x128xf32>
    %squeeze3A_14 = vector.shape_cast %slice3A_13 : vector<984x1x128xf32> to vector<984x128xf32>
    %add3A = arith.addf %squeeze3A_12, %squeeze3A_14 : vector<984x128xf32>
    %slice3A_15 = vector.extract_strided_slice %mul3A {offsets = [0, 3, 0], sizes = [984, 1, 128], strides = [1, 1, 1]} : vector<984x16x128xf32> to vector<984x1x128xf32>
    %squeeze3A_16 = vector.shape_cast %slice3A_15 : vector<984x1x128xf32> to vector<984x128xf32>
    %add3A_17 = arith.addf %add3A, %squeeze3A_16 : vector<984x128xf32>
    %mul3A_18 = arith.constant 0.333333343 : f32
    %mul3A_19 = vector.broadcast %mul3A_18 : f32 to vector<984x128xf32>
    %mul3A_20 = arith.mulf %add3A_17, %mul3A_19 : vector<984x128xf32>
    %swap3A_21 = arith.constant 0 : index
    %swap3A_22 = arith.constant 1 : index
    %swap3A_23 = arith.constant 0 : index
    %swap3A_24 = vector.load %arg2[%swap3A_21, %swap3A_22, %swap3A_23] : memref<984x4x128xf32, #tpu.memory_space<vmem>>, vector<984x1x128xf32>
    %swap3A_25 = vector.shape_cast %swap3A_24 : vector<984x1x128xf32> to vector<984x128xf32>
    %swap3A_26 = vector.shape_cast %mul3A_20 : vector<984x128xf32> to vector<984x1x128xf32>
    tpu.vector_store %arg2[%swap3A_21, %swap3A_22, %swap3A_23], %swap3A_26 {strides = array<i32>} : memref<984x4x128xf32, #tpu.memory_space<vmem>>, vector<984x1x128xf32>,
    %slice3A_27 = vector.extract_strided_slice %mul3A {offsets = [0, 4, 0], sizes = [984, 1, 128], strides = [1, 1, 1]} : vector<984x16x128xf32> to vector<984x1x128xf32>
    %squeeze3A_28 = vector.shape_cast %slice3A_27 : vector<984x1x128xf32> to vector<984x128xf32>
    %slice3A_29 = vector.extract_strided_slice %mul3A {offsets = [0, 5, 0], sizes = [984, 1, 128], strides = [1, 1, 1]} : vector<984x16x128xf32> to vector<984x1x128xf32>
    %squeeze3A_30 = vector.shape_cast %slice3A_29 : vector<984x1x128xf32> to vector<984x128xf32>
    %add3A_31 = arith.addf %squeeze3A_28, %squeeze3A_30 : vector<984x128xf32>
    %slice3A_32 = vector.extract_strided_slice %mul3A {offsets = [0, 6, 0], sizes = [984, 1, 128], strides = [1, 1, 1]} : vector<984x16x128xf32> to vector<984x1x128xf32>
    %squeeze3A_33 = vector.shape_cast %slice3A_32 : vector<984x1x128xf32> to vector<984x128xf32>
    %add3A_34 = arith.addf %add3A_31, %squeeze3A_33 : vector<984x128xf32>
    %slice3A_35 = vector.extract_strided_slice %mul3A {offsets = [0, 7, 0], sizes = [984, 1, 128], strides = [1, 1, 1]} : vector<984x16x128xf32> to vector<984x1x128xf32>
    %squeeze3A_36 = vector.shape_cast %slice3A_35 : vector<984x1x128xf32> to vector<984x128xf32>
    %add3A_37 = arith.addf %add3A_34, %squeeze3A_36 : vector<984x128xf32>
    %slice3A_38 = vector.extract_strided_slice %mul3A {offsets = [0, 8, 0], sizes = [984, 1, 128], strides = [1, 1, 1]} : vector<984x16x128xf32> to vector<984x1x128xf32>
    %squeeze3A_39 = vector.shape_cast %slice3A_38 : vector<984x1x128xf32> to vector<984x128xf32>
    %add3A_40 = arith.addf %add3A_37, %squeeze3A_39 : vector<984x128xf32>
    %mul3A_41 = arith.constant 2.000000e-01 : f32
    %mul3A_42 = vector.broadcast %mul3A_41 : f32 to vector<984x128xf32>
    %mul3A_43 = arith.mulf %add3A_40, %mul3A_42 : vector<984x128xf32>
    %swap3A_44 = arith.constant 0 : index
    %swap3A_45 = arith.constant 2 : index
    %swap3A_46 = arith.constant 0 : index
    %swap3A_47 = vector.load %arg2[%swap3A_44, %swap3A_45, %swap3A_46] : memref<984x4x128xf32, #tpu.memory_space<vmem>>, vector<984x1x128xf32>
    %swap3A_48 = vector.shape_cast %swap3A_47 : vector<984x1x128xf32> to vector<984x128xf32>
    %swap3A_49 = vector.shape_cast %mul3A_43 : vector<984x128xf32> to vector<984x1x128xf32>
    tpu.vector_store %arg2[%swap3A_44, %swap3A_45, %swap3A_46], %swap3A_49 {strides = array<i32>} : memref<984x4x128xf32, #tpu.memory_space<vmem>>, vector<984x1x128xf32>,
    %slice3A_50 = vector.extract_strided_slice %mul3A {offsets = [0, 9, 0], sizes = [984, 1, 128], strides = [1, 1, 1]} : vector<984x16x128xf32> to vector<984x1x128xf32>
    %squeeze3A_51 = vector.shape_cast %slice3A_50 : vector<984x1x128xf32> to vector<984x128xf32>
    %slice3A_52 = vector.extract_strided_slice %mul3A {offsets = [0, 10, 0], sizes = [984, 1, 128], strides = [1, 1, 1]} : vector<984x16x128xf32> to vector<984x1x128xf32>
    %squeeze3A_53 = vector.shape_cast %slice3A_52 : vector<984x1x128xf32> to vector<984x128xf32>
    %add3A_54 = arith.addf %squeeze3A_51, %squeeze3A_53 : vector<984x128xf32>
    %slice3A_55 = vector.extract_strided_slice %mul3A {offsets = [0, 11, 0], sizes = [984, 1, 128], strides = [1, 1, 1]} : vector<984x16x128xf32> to vector<984x1x128xf32>
    %squeeze3A_56 = vector.shape_cast %slice3A_55 : vector<984x1x128xf32> to vector<984x128xf32>
    %add3A_57 = arith.addf %add3A_54, %squeeze3A_56 : vector<984x128xf32>
    %slice3A_58 = vector.extract_strided_slice %mul3A {offsets = [0, 12, 0], sizes = [984, 1, 128], strides = [1, 1, 1]} : vector<984x16x128xf32> to vector<984x1x128xf32>
    %squeeze3A_59 = vector.shape_cast %slice3A_58 : vector<984x1x128xf32> to vector<984x128xf32>
    %add3A_60 = arith.addf %add3A_57, %squeeze3A_59 : vector<984x128xf32>
    %slice3A_61 = vector.extract_strided_slice %mul3A {offsets = [0, 13, 0], sizes = [984, 1, 128], strides = [1, 1, 1]} : vector<984x16x128xf32> to vector<984x1x128xf32>
    %squeeze3A_62 = vector.shape_cast %slice3A_61 : vector<984x1x128xf32> to vector<984x128xf32>
    %add3A_63 = arith.addf %add3A_60, %squeeze3A_62 : vector<984x128xf32>
    %slice3A_64 = vector.extract_strided_slice %mul3A {offsets = [0, 14, 0], sizes = [984, 1, 128], strides = [1, 1, 1]} : vector<984x16x128xf32> to vector<984x1x128xf32>
    %squeeze3A_65 = vector.shape_cast %slice3A_64 : vector<984x1x128xf32> to vector<984x128xf32>
    %add3A_66 = arith.addf %add3A_63, %squeeze3A_65 : vector<984x128xf32>
    %slice3A_67 = vector.extract_strided_slice %mul3A {offsets = [0, 15, 0], sizes = [984, 1, 128], strides = [1, 1, 1]} : vector<984x16x128xf32> to vector<984x1x128xf32>
    %squeeze3A_68 = vector.shape_cast %slice3A_67 : vector<984x1x128xf32> to vector<984x128xf32>
    %add3A_69 = arith.addf %add3A_66, %squeeze3A_68 : vector<984x128xf32>
    %mul3A_70 = arith.constant 0.142857149 : f32
    %mul3A_71 = vector.broadcast %mul3A_70 : f32 to vector<984x128xf32>
    %mul3A_72 = arith.mulf %add3A_69, %mul3A_71 : vector<984x128xf32>
    %swap3A_73 = arith.constant 0 : index
    %swap3A_74 = arith.constant 3 : index
    %swap3A_75 = arith.constant 0 : index
    %swap3A_76 = vector.load %arg2[%swap3A_73, %swap3A_74, %swap3A_75] : memref<984x4x128xf32, #tpu.memory_space<vmem>>, vector<984x1x128xf32>
    %swap3A_77 = vector.shape_cast %swap3A_76 : vector<984x1x128xf32> to vector<984x128xf32>
    %swap3A_78 = vector.shape_cast %mul3A_72 : vector<984x128xf32> to vector<984x1x128xf32>
    tpu.vector_store %arg2[%swap3A_73, %swap3A_74, %swap3A_75], %swap3A_78 {strides = array<i32>} : memref<984x4x128xf32, #tpu.memory_space<vmem>>, vector<984x1x128xf32>,
    return
  }
  func.func @transform_0(%arg0: i32) -> (i32, i32, i32) {
    %c0_i32 = arith.constant 0 : i32
    %c0_i32_0 = arith.constant 0 : i32
    %c0_i32_1 = arith.constant 0 : i32
    return %arg0, %c0_i32, %c0_i32_0 : i32, i32, i32
  }
  func.func @transform_1(%arg0: i32) -> (i32, i32, i32) {
    %c0_i32 = arith.constant 0 : i32
    %c0_i32_0 = arith.constant 0 : i32
    %c0_i32_1 = arith.constant 0 : i32
    return %arg0, %c0_i32, %c0_i32_0 : i32, i32, i32
  }
}

</mosaic_0001>

<sc_bundles>
// kernel: kernel.4.cloned.1.call-start
scs
__scs_entry_jumppad:
0x0: {  	(pc) =	sbr.rel $0x88, $3  }
0x1: {  	(tag) =	ssettag $0x0;
	lr =	simm.s32 $0x1  }
0x2: {  	[smem:$0x3FA0] =	sst lr;
	_ =	strace $0xD0000000  }
0x3: {  	_ = 	snop  }
0x4: {  	_ = 	snop  }
0x5: {  	_ = 	snop  }
0x6: {  	_ = 	snop  }
0x7: {  	_ = 	snop  }
__scs_overlays_trampoline_lowered:
0x8: {  	[smem:$0x3FAF] =	sst s0  }
0x9: {  	[smem:$0x3FB0] =	sst s1  }
0xa: {  	[smem:$0x3FB1] =	sst s2  }
0xb: {  	[smem:$0x3FB2] =	sst s3  }
0xc: {  	[smem:$0x3FB3] =	sst s4  }
0xd: {  	[smem:$0x3FB4] =	sst s5  }
0xe: {  	[smem:$0x3FB5] =	sst s6  }
0xf: {  	[smem:$0x3FB6] =	sst s7  }
0x10: {  	[smem:$0x3FB7] =	sst s8  }
0x11: {  	[smem:$0x3FB8] =	sst s9;
	s0 =	simm.s32 @!p0 $0x0  }
0x12: {  	s1 =	sld [smem:$0x3F9E];
	s0 =	simm.s32 @p0 $0x1  }
0x13: {  	[smem:$0x3FB9] =	sst s0;
	s0 =	simm.s32 @!p1 $0x0  }
0x14: {  	s2 =	sld [smem:$0x3F9D];
	s0 =	simm.s32 @p1 $0x1  }
0x15: {  	[smem:$0x3FBA] =	sst s0;
	s0 =	simm.s32 @!p2 $0x0  }
0x16: {  	s3 =	sld [smem:$0x3FDB];
	s0 =	simm.s32 @p2 $0x1  }
0x17: {  	s4 =	simm.s32 $0x1BF5;
	[smem:$0x3FBC] =	sst s0  }
0x18: {  	s0 =	sld [smem:$0x3F9F];
	_ =	swait.ge [sflag:s4], $0x0  }
0x19: {  	s7 =	sld [smem:$0x3FA0]  }
0x1a: {  	s8 =	sadd.s32 $0xFFFFE003, lr  }
0x1b: {  	s9 =	sadd.s32 $0xFFFFFEF7, lr;
	s5 =	simm.s32 $0xFFFFFFFF;
	p2 =	slt.u32 s8, $0xFFFFF086  }
0x1c: {  	p1 =	slt.u32 s9, $0xF7A;
	s5 =	simm.s32 @!p2 $0x0  }
0x1d: {  	s5 =	simm.s32 @p1 $0x1;
	p0 =	seq.s32 s7, s2  }
0x1e: {  	s7 =	smul.u32 @!p0 $0xF7A, s2;
	p2 =	seq.s32 @!p0 s5, $0x0  }
0x1f: {  	s9 =	smul.u32 $0xF7A, s1;
	s8 =	simm.s32 @!p0 $0x1BF5;
	p2 =	por !p2, p0  }
0x20: {  	[sflag:s8] =	ssyncset.s32 @!p0 $0xFFFFF086;
	s6 =	sadd.s32 @!p0 s3, s7;
	s7 =	simm.s32 @!p0 $0x108  }
0x21: {  	s3 =	sadd.s32 s3, s9;
	s6 =	sadd.s32 @!p0 $0x88, s6;
	s7 =	simm.s32 @p2 $0x1082  }
0x22: {  	[simem:s7], [sflag:s8] =	dma.local @!p0 [hbm:s6], $0xF7A  }
0x23: {  	s9 =	sor.u32 $0xD0000000, s2;
	s6 =	simm.s32 $0x108;
	_ =	swait.ge @!p0 [sflag:s8], $0x0  }
0x24: {  	s3 =	sadd.s32 $0x88, s3;
	s6 =	simm.s32 @!p1 $0x1082;
	[sflag:s4] =	ssyncset.s32 $0xFFFFF086  }
0x25: {  	[simem:s6], [sflag:s4] =	dma.local [hbm:s3], $0xF7A  }
0x26: {  	[smem:$0x3FA0] =	sst s1;
	(tag) =	ssettag s2;
	_ =	strace s9  }
0x27: {  	s1 =	sld [smem:$0x3FB0]  }
0x28: {  	s2 =	sld [smem:$0x3FB1]  }
0x29: {  	s4 =	sld [smem:$0x3FB3]  }
0x2a: {  	p0 =	seq.s32 s5, $0x0;
	s5 =	sld [smem:$0x3FB4]  }
0x2b: {  	s6 =	sld [smem:$0x3FB5]  }
0x2c: {  	s7 =	sld [smem:$0x3FB6]  }
0x2d: {  	s3 =	simm.s32 $0x108;
	s8 =	sld [smem:$0x3FB7]  }
0x2e: {  	s3 =	simm.s32 @!p0 $0x1082;
	s9 =	sld [smem:$0x3FB8]  }
0x2f: {  	lr =	sadd.s32 s0, s3;
	s0 =	sld [smem:$0x3FAF]  }
0x30: {  	s3 =	sld [smem:$0x3FB2]  }
0x31: {  	[smem:$0x3FBB] =	sst s10  }
0x32: {  	s10 =	sld [smem:$0x3FB9];
	_ =	sdelay $0x3  }
0x33: {  	p0 =	seq.s32 s10, $0x1;
	s10 =	sld [smem:$0x3FBB];
	_ =	sdelay $0x3  }
0x34: {  	[smem:$0x3FBB] =	sst s10  }
0x35: {  	s10 =	sld [smem:$0x3FBA];
	_ =	sdelay $0x3  }
0x36: {  	p1 =	seq.s32 s10, $0x1;
	s10 =	sld [smem:$0x3FBB];
	_ =	sdelay $0x3  }
0x37: {  	[smem:$0x3FBB] =	sst s10  }
0x38: {  	s10 =	sld [smem:$0x3FBC]  }
0x39: {  	_ = 	snop;
	(pc) =	sbr.ind lr, $3  }
0x3a: {  	_ = 	snop  }
0x3b: {  	_ = 	snop  }
0x3c: {  	p2 =	seq.s32 s10, $0x1;
	s10 =	sld [smem:$0x3FBB]  }
0x3d: {  	_ =	shalt  }
0x3e: {  	_ =	shalt  }
0x3f: {  	_ =	shalt  }
0x40: {  	_ =	shalt  }
0x41: {  	_ =	shalt  }
0x42: {  	_ =	shalt  }
0x43: {  	_ =	shalt  }
0x44: {  	_ =	shalt  }
0x45: {  	_ =	shalt  }
0x46: {  	_ =	shalt  }
0x47: {  	_ =	shalt  }
0x48: {  	_ =	shalt  }
0x49: {  	_ =	shalt  }
0x4a: {  	_ =	shalt  }
0x4b: {  	_ =	shalt  }
0x4c: {  	_ =	shalt  }
0x4d: {  	_ =	shalt  }
0x4e: {  	_ =	shalt  }
0x4f: {  	_ =	shalt  }
0x50: {  	_ =	shalt  }
0x51: {  	_ =	shalt  }
0x52: {  	_ =	shalt  }
0x53: {  	_ =	shalt  }
0x54: {  	_ =	shalt  }
0x55: {  	_ =	shalt  }
0x56: {  	_ =	shalt  }
0x57: {  	_ =	shalt  }
0x58: {  	_ =	shalt  }
0x59: {  	_ =	shalt  }
0x5a: {  	_ =	shalt  }
0x5b: {  	_ =	shalt  }
0x5c: {  	_ =	shalt  }
0x5d: {  	_ =	shalt  }
0x5e: {  	_ =	shalt  }
0x5f: {  	_ =	shalt  }
0x60: {  	_ =	shalt  }
0x61: {  	_ =	shalt  }
0x62: {  	_ =	shalt  }
0x63: {  	_ =	shalt  }
0x64: {  	_ =	shalt  }
0x65: {  	_ =	shalt  }
0x66: {  	_ =	shalt  }
0x67: {  	_ =	shalt  }
0x68: {  	_ =	shalt  }
0x69: {  	_ =	shalt  }
0x6a: {  	_ =	shalt  }
0x6b: {  	_ =	shalt  }
0x6c: {  	_ =	shalt  }
0x6d: {  	_ =	shalt  }
0x6e: {  	_ =	shalt  }
0x6f: {  	_ =	shalt  }
0x70: {  	_ =	shalt  }
0x71: {  	_ =	shalt  }
0x72: {  	_ =	shalt  }
0x73: {  	_ =	shalt  }
0x74: {  	_ =	shalt  }
0x75: {  	_ =	shalt  }
0x76: {  	_ =	shalt  }
0x77: {  	_ =	shalt  }
0x78: {  	_ =	shalt  }
0x79: {  	_ =	shalt  }
0x7a: {  	_ =	shalt  }
0x7b: {  	_ =	shalt  }
0x7c: {  	_ =	shalt  }
0x7d: {  	_ =	shalt  }
0x7e: {  	_ =	shalt  }
0x7f: {  	_ =	shalt  }
0x80: {  	_ =	shalt  }
0x81: {  	_ =	shalt  }
0x82: {  	_ =	shalt  }
0x83: {  	_ =	shalt  }
0x84: {  	_ =	shalt  }
0x85: {  	_ =	shalt  }
0x86: {  	_ =	shalt  }
0x87: {  	_ =	shalt  }
.Lfunc_end0:
.L_simem_size_0:
called_computation_lowered:
.L_overlay_start_0:
0x88: {  	s2 =	sld [smem:$0x3FD9]  }
0x89: {  	s3 =	sld [smem:$0x3FFE];
	_ =	sdelay $0x1  }
0x8a: {  	s1 =	srdreg.scid  }
0x8b: {  	s0 =	sand.u32 $0x1, s1  }
0x8c: {  	s17 =	sshll.u32 s0, $0xA;
	s2 =	sadd.s32 s3, s2  }
0x8d: {  	s2 =	sadd.s32 s2, s17  }
0x8e: {  	[smem:$0x3FC7] =	sst s2  }
0x8f: {  	_ = 	snop  }
0x90: {  	s2 =	sld [smem:$0x3FC9];
	(tm) =	ssettm $0x1  }
0x91: {  	s18 =	sld [smem:$0x3FFB];
	_ =	sdelay $0x3  }
0x92: {  	_ =	strace s18  }
0x93: {  	s3 =	sld [smem:$0x3FFC];
	_ =	sdelay $0x3  }
0x94: {  	_ =	strace s3  }
0x95: {  	s3 =	sld [smem:$0x3FFD];
	_ =	sdelay $0x3  }
0x96: {  	_ =	strace s3  }
0x97: {  	_ =	strace $0x8FFFFFFF  }
0x98: {  	s19 =	sld [smem:$0x3FDB];
	_ =	sdelay $0x1  }
0x99: {  	s4 =	simm.s32 $_scs_section_size  }
0x9a: {  	s5 =	simm.s32 $_size__tile_overlayer_lowered;
	s6 =	simm.s32 $_tile_overlayer_lowered  }
0x9b: {  	s22 =	simm.s32 $0x1BFF;
	s21 =	sshll.u32 s6, $0x1;
	s3 =	sadd.s32 s4, s19  }
0x9c: {  	s7 =	simm.s32 $0x0;
	s20 =	sshll.u32 s5, $0x1;
	s5 =	sadd.s32 s21, s3  }
0x9d: {  	[timem:s7], [sflag:s22] =	dma.local [hbm:s5], s20  }
0x9e: {  	_ =	swait.ge [sflag:s22], s20  }
0x9f: {  	s4 =	ssub.s32 $0x0, s20;
	[sflag:s22] =	ssyncset.done $0x0  }
0xa0: {  	[sflag:s22] =	ssyncadd.s32 s4;
	_ =	sdelay $0x1  }
0xa1: {  	s23 =	simm.s32 $0x1B8B  }
0xa2: {  	_ =	swait.ge [sflag:s23], $0x1  }
0xa3: {  	[sflag:s23] =	ssyncset.done $0x0  }
0xa4: {  	s25 =	simm.s32 $0x1B8E;
	s24 =	sld [smem:$0x3FFE];
	[sflag:s23] =	ssyncadd.s32 $0xFFFFFFFF  }
0xa5: {  	s26 =	simm.s32 $execute0_lowered;
	[smem:$0x3FD2] =	sst s25  }
0xa6: {  	s5 =	sshll.u32 s26, $0x1;
	_ =	strace $0x80000046;
	[dreg:$0x1] =	wrdreg $0xFFFFFFFF  }
0xa7: {  	s28 =	simm.s32 $_size_execute0_lowered;
	s3 =	sadd.s32 s3, s5;
	[dreg:$0x0] =	wrdreg $0x0  }
0xa8: {  	s5 =	sshll.u32 s28, $0x1;
	[dreg:$0x2] =	wrdreg s3  }
0xa9: {  	[dreg:$0x3] =	wrdreg s5  }
0xaa: {  	[dreg:$0x4] =	wrdreg $0xC0  }
0xab: {  	_ =	task [dreg:s7], $0x5FFFF  }
0xac: {  	[dreg:$0x1] =	wrdreg $0xFFFFFFFF  }
0xad: {  	[dreg:$0x0] =	wrdreg $0x60  }
0xae: {  	[dreg:$0x2] =	wrdreg s2  }
0xaf: {  	[dreg:$0x3] =	wrdreg s24  }
0xb0: {  	[dreg:$0x4] =	wrdreg $0x9  }
0xb1: {  	_ =	task.clear_ibuf [dreg:s7], $0x5FFFF;
	_ =	strace $0x90000046  }
0xb2: {  	s29 =	simm.s32 $0x9;
	_ =	strace $0x80000048  }
0xb3: {  	_ =	swait.ge [sflag:s29], $0x1  }
0xb4: {  	[sflag:s29] =	ssyncadd.s32 $0xFFFFFFFF  }
0xb5: {  	_ =	strace $0x90000048  }
0xb6: {  	_ =	sfence  }
0xb7: {  	s30 =	sld [smem:$0x0];
	_ =	sdelay $0x2  }
0xb8: {  	s31 =	sshll.u32 s1, $0xD;
	s1 =	sshrl.u32 s1, $0x2  }
0xb9: {  	s3 =	sand.u32 $0x4000, s31;
	s1 =	sadd.s32 s1, s30  }
0xba: {  	s0 =	sor.u32 s3, s0;
	s1 =	sshll.u32 s1, $0x11  }
0xbb: {  	s0 =	sor.u32 s1, s0  }
0xbc: {  	s0 =	sadd.s32 $0x8F2B, s0  }
0xbd: {  	[sflag:s0] =	ssyncadd.remote.s32 $0x1  }
0xbe: {  	_ =	sfence.sel $0xFFFF  }
0xbf: {  	[dreg:$0x0] =	wrdreg $0xFFFFFFFF;
	(pc) =	sbr.abs _section_cstart, $3  }
0xc0: {  	[dreg:$0x1] =	wrdreg $0xFFFFFFFF  }
0xc1: {  	_ =	task.clear_ibuf [dreg:s7], $0x2FFFF;
	_ =	strace $0x9FFFFFFF  }
0xc2: {  	(tm) =	ssettm $0x7FFFFFFF  }
0xc3: {  	_ =	shalt  }
tec
execute0_lowered:
.L_overlay_start_1:
0x0: {  	(tag) =	ssettag $0x1  }
0x1: {  	s4 =	rddreg [dreg:$0x0]  }
0x2: {  	s3 =	rddreg [dreg:$0x1]  }
0x3: {  	s0 =	rddreg [dreg:$0x2];
	s2 =	simm.s32 $0x0  }
0x4: {  	s5 =	srdreg.scid;
	s1 =	stileid.u32;
	s11 =	simm.s32 $0x8000  }
0x5: {  	s12 =	simm.s32 $0x1;
	s13 =	simm.s32 $0x10000;
	s14 =	simm.s32 $0x2  }
0x6: {  	s15 =	simm.s32 $0x4;
	s16 =	simm.s32 $0x12000;
	s17 =	simm.s32 $0x3  }
0x7: {  	s18 =	simm.s32 $0x0;
	[smem:$0x7FF] =	sst s2;
	s5 =	sand.u32 $0x1, s5  }
0x8: {  	s6 =	sshll.u32 s1, $0x1;
	s3 =	sadd.s32 $0x400, s3;
	_ =	strace $0x80000047  }
.Ltmp0:
0x9: {  	s7 =	ssub.s32 $0x2, s5;
	s5 =	sor.u32 s5, s6;
	(pc) =	sbr.rel .LBB2_1-.Ltmp0, $4  }
0xa: {  	s31 =	sshrl.u32 s7, $0x1;
	s8 =	sshll.u32 s5, $0xC;
	s10 =	sshll.u32 s5, $0xA  }
0xb: {  	s9 =	ssub.s32 s7, s31;
	s8 =	sadd.s32 s4, s8;
	s6 =	sadd.s32 s3, s10  }
0xc: {  	s10 =	sor.u32 $0x8000, s10;
	s4 =	sadd.s32 $0x171000, s8;
	s5 =	sadd.s32 $0x191000, s8  }
0xd: {  	s7 =	sadd.s32 $0x1B1000, s8;
	s8 =	sadd.s32 $0x1D1000, s8;
	s9 =	smax.u32 s9, $0x1  }
.LBB2_12:
0xe: {  	s18 =	sadd.s32 $0x1, s18  }
0xf: {  	_ =	swait.ge [sflag:s17], $0x2000;
	p0 =	sne.s32 s18, s9  }
.Ltmp1:
0x10: {  	[sflag:s17] =	ssyncset.done $0x0;
	(pc) =	sbr.rel @!p0 .LBB2_13-.Ltmp1, $4  }
0x11: {  	[sflag:s17] =	ssyncadd.s32 $0xFFFFE000  }
0x12: {  	_ =	swait.ge [sflag:s15], $0x2000  }
0x13: {  	[sflag:s15] =	ssyncset.done $0x0  }
0x14: {  	[sflag:s15] =	ssyncadd.s32 $0xFFFFE000  }
.LBB2_1:
0x15: {  	[tilespmem:s2], [sflag:$0x1] =	stream.linear.gather [hbm4b:s4+s2], $0x8000, $0x38;
	[tilespmem:$0x14000] =	vst v63  }
0x16: {  	s19 =	simm.s32 $0x0  }
0x17: {  	[tilespmem:s11], [sflag:$0x2] =	stream.linear.gather [hbm4b:s5+s2], $0x8000, $0x38;
	[tilespmem:$0x14000] =	vst v63  }
.LBB2_2:
0x18: {  	_ =	swait.ge [sflag:s12], $0x8000  }
0x19: {  	p0 =	seq.s32 s19, $0x0;
	[sflag:s12] =	ssyncset.done $0x0  }
0x1a: {  	s21 =	simm.s32 @!p0 $0x3;
	[sflag:s12] =	ssyncadd.s32 $0xFFFF8000  }
0x1b: {  	_ =	swait.ge @!p0 [sflag:s21], $0x2000  }
0x1c: {  	s20 =	sshll.u32 s19, $0x12;
	[sflag:s21] =	ssyncset.done @!p0 $0x0  }
0x1d: {  	s22 =	simm.s32 $0x400;
	[sflag:s21] =	ssyncadd.s32 @!p0 $0xFFFFE000;
	s21 =	simm.s32 $0x0  }
.LBB2_3:
0x1e: {  	v0 =	vld [tilespmem:s22+$0xFFFFFC80]  }
0x1f: {  	v1 =	vld [tilespmem:s22+$0xFFFFFD00]  }
0x20: {  	v2 =	vld [tilespmem:s22+$0xFFFFFE00]  }
0x21: {  	v3 =	vld [tilespmem:s22+$0xFFFFFE80]  }
0x22: {  	v4 =	vld [tilespmem:s22+$0xFFFFFF00]  }
0x23: {  	v5 =	vld [tilespmem:s22+$0xFFFFFF80]  }
0x24: {  	v6 =	vld [tilespmem:s22+$0x80]  }
0x25: {  	v7 =	vld [tilespmem:s22+$0x100]  }
0x26: {  	v8 =	vld [tilespmem:s22+$0x180]  }
0x27: {  	v9 =	vld [tilespmem:s22+$0x200]  }
0x28: {  	v10 =	vld [tilespmem:s22+$0x280];
	v0 =	vmul.f32 v0, v0  }
0x29: {  	v11 =	vld [tilespmem:s22+$0x300];
	v1 =	vmul.f32 v1, v1;
	v2 =	vmul.f32 v2, v2  }
0x2a: {  	v12 =	vld [tilespmem:s22+$0xFFFFFD80];
	v3 =	vmul.f32 v3, v3;
	v4 =	vmul.f32 v4, v4  }
0x2b: {  	v13 =	vld [tilespmem:s22+$0x380];
	v5 =	vmul.f32 v5, v5;
	v6 =	vmul.f32 v6, v6  }
0x2c: {  	v14 =	vld [tilespmem:s22+$0x0];
	v7 =	vmul.f32 v7, v7;
	v8 =	vmul.f32 v8, v8  }
0x2d: {  	v9 =	vmul.f32 v9, v9;
	v10 =	vmul.f32 v10, v10  }
0x2e: {  	v15 =	vld [tilespmem:s22+$0xFFFFFC00];
	v11 =	vmul.f32 v11, v11;
	v0 =	vadd.f32 v1, v0;
	v21 =	vadd.f32 v3, v2  }
0x2f: {  	v22 =	vmul.f32 v12, v12;
	v23 =	vadd.f32 v5, v4;
	v24 =	vadd.f32 v7, v6  }
0x30: {  	v25 =	vmul.f32 v13, v13;
	v26 =	vadd.f32 v9, v8;
	v27 =	vadd.f32 v11, v10  }
0x31: {  	v28 =	vmul.f32 v14, v14;
	v0 =	vadd.f32 v22, v0;
	v1 =	vadd.f32 v23, v21  }
0x32: {  	v29 =	vadd.f32 v26, v24;
	v30 =	vadd.f32 v25, v27  }
0x33: {  	v31 =	vmul.f32 v15, v15;
	v1 =	vadd.f32 v1, v28  }
0x34: {  	s23 =	sshra.s32 s21, $0x2;
	v2 =	vadd.f32 v30, v29;
	v0 =	vmul.f32 $3.333333430e-01, v0  }
0x35: {  	[tilespmem:s23+$0x10000] =	vst v31;
	v1 =	vmul.f32 $2.000000030e-01, v1  }
0x36: {  	[tilespmem:s23+$0x10080] =	vst v0;
	v32 =	vmul.f32 $1.428571490e-01, v2  }
0x37: {  	[tilespmem:s23+$0x10100] =	vst v1  }
0x38: {  	[tilespmem:s23+$0x10180] =	vst v32  }
0x39: {  	v0 =	vld [tilespmem:s22+$0xFFFFFC90]  }
0x3a: {  	v1 =	vld [tilespmem:s22+$0xFFFFFD10]  }
0x3b: {  	v33 =	vld [tilespmem:s22+$0xFFFFFE10]  }
0x3c: {  	v34 =	vld [tilespmem:s22+$0xFFFFFE90]  }
0x3d: {  	v4 =	vld [tilespmem:s22+$0xFFFFFF10]  }
0x3e: {  	v35 =	vld [tilespmem:s22+$0xFFFFFF90]  }
0x3f: {  	v36 =	vld [tilespmem:s22+$0x90]  }
0x40: {  	v37 =	vld [tilespmem:s22+$0x110]  }
0x41: {  	v38 =	vld [tilespmem:s22+$0x190]  }
0x42: {  	v39 =	vld [tilespmem:s22+$0x210]  }
0x43: {  	v40 =	vld [tilespmem:s22+$0x290];
	v0 =	vmul.f32 v0, v0  }
0x44: {  	v41 =	vld [tilespmem:s22+$0x310];
	v1 =	vmul.f32 v1, v1;
	v2 =	vmul.f32 v33, v33  }
0x45: {  	v42 =	vld [tilespmem:s22+$0xFFFFFD90];
	v3 =	vmul.f32 v34, v34;
	v4 =	vmul.f32 v4, v4  }
0x46: {  	v43 =	vld [tilespmem:s22+$0x390];
	v5 =	vmul.f32 v35, v35;
	v6 =	vmul.f32 v36, v36  }
0x47: {  	v44 =	vld [tilespmem:s22+$0x10];
	v7 =	vmul.f32 v37, v37;
	v8 =	vmul.f32 v38, v38  }
0x48: {  	v9 =	vmul.f32 v39, v39;
	v10 =	vmul.f32 v40, v40  }
0x49: {  	v45 =	vld [tilespmem:s22+$0xFFFFFC10];
	v11 =	vmul.f32 v41, v41;
	v0 =	vadd.f32 v1, v0;
	v46 =	vadd.f32 v3, v2  }
0x4a: {  	v47 =	vmul.f32 v42, v42;
	v48 =	vadd.f32 v5, v4;
	v49 =	vadd.f32 v7, v6  }
0x4b: {  	v50 =	vmul.f32 v43, v43;
	v51 =	vadd.f32 v9, v8;
	v52 =	vadd.f32 v11, v10  }
0x4c: {  	v53 =	vmul.f32 v44, v44;
	v0 =	vadd.f32 v47, v0;
	v1 =	vadd.f32 v48, v46  }
0x4d: {  	v54 =	vadd.f32 v51, v49;
	v55 =	vadd.f32 v50, v52  }
0x4e: {  	v56 =	vmul.f32 v45, v45;
	v1 =	vadd.f32 v1, v53  }
0x4f: {  	v2 =	vadd.f32 v55, v54;
	v0 =	vmul.f32 $3.333333430e-01, v0  }
0x50: {  	[tilespmem:s23+$0x10010] =	vst v56;
	v1 =	vmul.f32 $2.000000030e-01, v1  }
0x51: {  	[tilespmem:s23+$0x10090] =	vst v0;
	v57 =	vmul.f32 $1.428571490e-01, v2  }
0x52: {  	[tilespmem:s23+$0x10110] =	vst v1  }
0x53: {  	[tilespmem:s23+$0x10190] =	vst v57  }
0x54: {  	v0 =	vld [tilespmem:s22+$0xFFFFFCA0]  }
0x55: {  	v1 =	vld [tilespmem:s22+$0xFFFFFD20]  }
0x56: {  	v58 =	vld [tilespmem:s22+$0xFFFFFE20]  }
0x57: {  	v59 =	vld [tilespmem:s22+$0xFFFFFEA0]  }
0x58: {  	v4 =	vld [tilespmem:s22+$0xFFFFFF20]  }
0x59: {  	v60 =	vld [tilespmem:s22+$0xFFFFFFA0]  }
0x5a: {  	v61 =	vld [tilespmem:s22+$0xA0]  }
0x5b: {  	v62 =	vld [tilespmem:s22+$0x120]  }
0x5c: {  	v63 =	vld [tilespmem:s22+$0x1A0]  }
0x5d: {  	v16 =	vld [tilespmem:s22+$0x220]  }
0x5e: {  	v17 =	vld [tilespmem:s22+$0x2A0];
	v0 =	vmul.f32 v0, v0  }
0x5f: {  	v18 =	vld [tilespmem:s22+$0x320];
	v1 =	vmul.f32 v1, v1;
	v2 =	vmul.f32 v58, v58  }
0x60: {  	v19 =	vld [tilespmem:s22+$0xFFFFFDA0];
	v3 =	vmul.f32 v59, v59;
	v4 =	vmul.f32 v4, v4  }
0x61: {  	v20 =	vld [tilespmem:s22+$0x3A0];
	v5 =	vmul.f32 v60, v60;
	v6 =	vmul.f32 v61, v61  }
0x62: {  	v21 =	vld [tilespmem:s22+$0x20];
	v7 =	vmul.f32 v62, v62;
	v8 =	vmul.f32 v63, v63  }
0x63: {  	v9 =	vmul.f32 v16, v16;
	v10 =	vmul.f32 v17, v17  }
0x64: {  	v22 =	vld [tilespmem:s22+$0xFFFFFC20];
	v11 =	vmul.f32 v18, v18;
	v0 =	vadd.f32 v1, v0;
	v23 =	vadd.f32 v3, v2  }
0x65: {  	v24 =	vmul.f32 v19, v19;
	v25 =	vadd.f32 v5, v4;
	v26 =	vadd.f32 v7, v6  }
0x66: {  	v27 =	vmul.f32 v20, v20;
	v28 =	vadd.f32 v9, v8;
	v29 =	vadd.f32 v11, v10  }
0x67: {  	v30 =	vmul.f32 v21, v21;
	v0 =	vadd.f32 v24, v0;
	v1 =	vadd.f32 v25, v23  }
0x68: {  	v31 =	vadd.f32 v28, v26;
	v32 =	vadd.f32 v27, v29  }
0x69: {  	v33 =	vmul.f32 v22, v22;
	v1 =	vadd.f32 v1, v30  }
0x6a: {  	v2 =	vadd.f32 v32, v31;
	v0 =	vmul.f32 $3.333333430e-01, v0  }
0x6b: {  	[tilespmem:s23+$0x10020] =	vst v33;
	v1 =	vmul.f32 $2.000000030e-01, v1  }
0x6c: {  	[tilespmem:s23+$0x100A0] =	vst v0;
	v34 =	vmul.f32 $1.428571490e-01, v2  }
0x6d: {  	[tilespmem:s23+$0x10120] =	vst v1  }
0x6e: {  	[tilespmem:s23+$0x101A0] =	vst v34  }
0x6f: {  	v0 =	vld [tilespmem:s22+$0xFFFFFCB0]  }
0x70: {  	v1 =	vld [tilespmem:s22+$0xFFFFFD30]  }
0x71: {  	v35 =	vld [tilespmem:s22+$0xFFFFFE30]  }
0x72: {  	v36 =	vld [tilespmem:s22+$0xFFFFFEB0]  }
0x73: {  	v4 =	vld [tilespmem:s22+$0xFFFFFF30]  }
0x74: {  	v37 =	vld [tilespmem:s22+$0xFFFFFFB0]  }
0x75: {  	v38 =	vld [tilespmem:s22+$0xB0]  }
0x76: {  	v39 =	vld [tilespmem:s22+$0x130]  }
0x77: {  	v40 =	vld [tilespmem:s22+$0x1B0]  }
0x78: {  	v41 =	vld [tilespmem:s22+$0x230]  }
0x79: {  	v42 =	vld [tilespmem:s22+$0x2B0];
	v0 =	vmul.f32 v0, v0  }
0x7a: {  	v43 =	vld [tilespmem:s22+$0x330];
	v1 =	vmul.f32 v1, v1;
	v2 =	vmul.f32 v35, v35  }
0x7b: {  	v44 =	vld [tilespmem:s22+$0xFFFFFDB0];
	v3 =	vmul.f32 v36, v36;
	v4 =	vmul.f32 v4, v4  }
0x7c: {  	v45 =	vld [tilespmem:s22+$0x3B0];
	v5 =	vmul.f32 v37, v37;
	v6 =	vmul.f32 v38, v38  }
0x7d: {  	v46 =	vld [tilespmem:s22+$0x30];
	v7 =	vmul.f32 v39, v39;
	v8 =	vmul.f32 v40, v40  }
0x7e: {  	v9 =	vmul.f32 v41, v41;
	v10 =	vmul.f32 v42, v42  }
0x7f: {  	v47 =	vld [tilespmem:s22+$0xFFFFFC30];
	v11 =	vmul.f32 v43, v43;
	v0 =	vadd.f32 v1, v0;
	v48 =	vadd.f32 v3, v2  }
0x80: {  	v49 =	vmul.f32 v44, v44;
	v50 =	vadd.f32 v5, v4;
	v51 =	vadd.f32 v7, v6  }
0x81: {  	v52 =	vmul.f32 v45, v45;
	v53 =	vadd.f32 v9, v8;
	v54 =	vadd.f32 v11, v10  }
0x82: {  	v55 =	vmul.f32 v46, v46;
	v0 =	vadd.f32 v49, v0;
	v1 =	vadd.f32 v50, v48  }
0x83: {  	v56 =	vadd.f32 v53, v51;
	v57 =	vadd.f32 v52, v54  }
0x84: {  	v58 =	vmul.f32 v47, v47;
	v1 =	vadd.f32 v1, v55  }
0x85: {  	v2 =	vadd.f32 v57, v56;
	v0 =	vmul.f32 $3.333333430e-01, v0  }
0x86: {  	[tilespmem:s23+$0x10030] =	vst v58;
	v1 =	vmul.f32 $2.000000030e-01, v1  }
0x87: {  	[tilespmem:s23+$0x100B0] =	vst v0;
	v59 =	vmul.f32 $1.428571490e-01, v2  }
0x88: {  	[tilespmem:s23+$0x10130] =	vst v1  }
0x89: {  	[tilespmem:s23+$0x101B0] =	vst v59  }
0x8a: {  	v0 =	vld [tilespmem:s22+$0xFFFFFCC0]  }
0x8b: {  	v1 =	vld [tilespmem:s22+$0xFFFFFD40]  }
0x8c: {  	v60 =	vld [tilespmem:s22+$0xFFFFFE40]  }
0x8d: {  	v61 =	vld [tilespmem:s22+$0xFFFFFEC0]  }
0x8e: {  	v4 =	vld [tilespmem:s22+$0xFFFFFF40]  }
0x8f: {  	v62 =	vld [tilespmem:s22+$0xFFFFFFC0]  }
0x90: {  	v63 =	vld [tilespmem:s22+$0xC0]  }
0x91: {  	v16 =	vld [tilespmem:s22+$0x140]  }
0x92: {  	v17 =	vld [tilespmem:s22+$0x1C0]  }
0x93: {  	v18 =	vld [tilespmem:s22+$0x240]  }
0x94: {  	v19 =	vld [tilespmem:s22+$0x2C0];
	v0 =	vmul.f32 v0, v0  }
0x95: {  	v20 =	vld [tilespmem:s22+$0x340];
	v1 =	vmul.f32 v1, v1;
	v2 =	vmul.f32 v60, v60  }
0x96: {  	v21 =	vld [tilespmem:s22+$0xFFFFFDC0];
	v3 =	vmul.f32 v61, v61;
	v4 =	vmul.f32 v4, v4  }
0x97: {  	v22 =	vld [tilespmem:s22+$0x3C0];
	v5 =	vmul.f32 v62, v62;
	v6 =	vmul.f32 v63, v63  }
0x98: {  	v23 =	vld [tilespmem:s22+$0x40];
	v7 =	vmul.f32 v16, v16;
	v8 =	vmul.f32 v17, v17  }
0x99: {  	v9 =	vmul.f32 v18, v18;
	v10 =	vmul.f32 v19, v19  }
0x9a: {  	v24 =	vld [tilespmem:s22+$0xFFFFFC40];
	v11 =	vmul.f32 v20, v20;
	v0 =	vadd.f32 v1, v0;
	v25 =	vadd.f32 v3, v2  }
0x9b: {  	v26 =	vmul.f32 v21, v21;
	v27 =	vadd.f32 v5, v4;
	v28 =	vadd.f32 v7, v6  }
0x9c: {  	v29 =	vmul.f32 v22, v22;
	v30 =	vadd.f32 v9, v8;
	v31 =	vadd.f32 v11, v10  }
0x9d: {  	v32 =	vmul.f32 v23, v23;
	v0 =	vadd.f32 v26, v0;
	v1 =	vadd.f32 v27, v25  }
0x9e: {  	v33 =	vadd.f32 v30, v28;
	v34 =	vadd.f32 v29, v31  }
0x9f: {  	v35 =	vmul.f32 v24, v24;
	v1 =	vadd.f32 v1, v32  }
0xa0: {  	v2 =	vadd.f32 v34, v33;
	v0 =	vmul.f32 $3.333333430e-01, v0  }
0xa1: {  	[tilespmem:s23+$0x10040] =	vst v35;
	v1 =	vmul.f32 $2.000000030e-01, v1  }
0xa2: {  	[tilespmem:s23+$0x100C0] =	vst v0;
	v36 =	vmul.f32 $1.428571490e-01, v2  }
0xa3: {  	[tilespmem:s23+$0x10140] =	vst v1  }
0xa4: {  	[tilespmem:s23+$0x101C0] =	vst v36  }
0xa5: {  	v0 =	vld [tilespmem:s22+$0xFFFFFCD0]  }
0xa6: {  	v1 =	vld [tilespmem:s22+$0xFFFFFD50]  }
0xa7: {  	v37 =	vld [tilespmem:s22+$0xFFFFFE50]  }
0xa8: {  	v38 =	vld [tilespmem:s22+$0xFFFFFED0]  }
0xa9: {  	v4 =	vld [tilespmem:s22+$0xFFFFFF50]  }
0xaa: {  	v39 =	vld [tilespmem:s22+$0xFFFFFFD0]  }
0xab: {  	v40 =	vld [tilespmem:s22+$0xD0]  }
0xac: {  	v41 =	vld [tilespmem:s22+$0x150]  }
0xad: {  	v42 =	vld [tilespmem:s22+$0x1D0]  }
0xae: {  	v43 =	vld [tilespmem:s22+$0x250]  }
0xaf: {  	v44 =	vld [tilespmem:s22+$0x2D0];
	v0 =	vmul.f32 v0, v0  }
0xb0: {  	v45 =	vld [tilespmem:s22+$0x350];
	v1 =	vmul.f32 v1, v1;
	v2 =	vmul.f32 v37, v37  }
0xb1: {  	v46 =	vld [tilespmem:s22+$0xFFFFFDD0];
	v3 =	vmul.f32 v38, v38;
	v4 =	vmul.f32 v4, v4  }
0xb2: {  	v47 =	vld [tilespmem:s22+$0x3D0];
	v5 =	vmul.f32 v39, v39;
	v6 =	vmul.f32 v40, v40  }
0xb3: {  	v48 =	vld [tilespmem:s22+$0x50];
	v7 =	vmul.f32 v41, v41;
	v8 =	vmul.f32 v42, v42  }
0xb4: {  	v9 =	vmul.f32 v43, v43;
	v10 =	vmul.f32 v44, v44  }
0xb5: {  	v49 =	vld [tilespmem:s22+$0xFFFFFC50];
	v11 =	vmul.f32 v45, v45;
	v0 =	vadd.f32 v1, v0;
	v50 =	vadd.f32 v3, v2  }
0xb6: {  	v51 =	vmul.f32 v46, v46;
	v52 =	vadd.f32 v5, v4;
	v53 =	vadd.f32 v7, v6  }
0xb7: {  	v54 =	vmul.f32 v47, v47;
	v55 =	vadd.f32 v9, v8;
	v56 =	vadd.f32 v11, v10  }
0xb8: {  	v57 =	vmul.f32 v48, v48;
	v0 =	vadd.f32 v51, v0;
	v1 =	vadd.f32 v52, v50  }
0xb9: {  	v58 =	vadd.f32 v55, v53;
	v59 =	vadd.f32 v54, v56  }
0xba: {  	v60 =	vmul.f32 v49, v49;
	v1 =	vadd.f32 v1, v57  }
0xbb: {  	v2 =	vadd.f32 v59, v58;
	v0 =	vmul.f32 $3.333333430e-01, v0  }
0xbc: {  	[tilespmem:s23+$0x10050] =	vst v60;
	v1 =	vmul.f32 $2.000000030e-01, v1  }
0xbd: {  	[tilespmem:s23+$0x100D0] =	vst v0;
	v61 =	vmul.f32 $1.428571490e-01, v2  }
0xbe: {  	[tilespmem:s23+$0x10150] =	vst v1  }
0xbf: {  	[tilespmem:s23+$0x101D0] =	vst v61  }
0xc0: {  	v0 =	vld [tilespmem:s22+$0xFFFFFCE0]  }
0xc1: {  	v1 =	vld [tilespmem:s22+$0xFFFFFD60]  }
0xc2: {  	v62 =	vld [tilespmem:s22+$0xFFFFFE60]  }
0xc3: {  	v63 =	vld [tilespmem:s22+$0xFFFFFEE0]  }
0xc4: {  	v4 =	vld [tilespmem:s22+$0xFFFFFF60]  }
0xc5: {  	v16 =	vld [tilespmem:s22+$0xFFFFFFE0]  }
0xc6: {  	v17 =	vld [tilespmem:s22+$0xE0]  }
0xc7: {  	v18 =	vld [tilespmem:s22+$0x160]  }
0xc8: {  	v19 =	vld [tilespmem:s22+$0x1E0]  }
0xc9: {  	v20 =	vld [tilespmem:s22+$0x260]  }
0xca: {  	v21 =	vld [tilespmem:s22+$0x2E0];
	v0 =	vmul.f32 v0, v0  }
0xcb: {  	v22 =	vld [tilespmem:s22+$0x360];
	v1 =	vmul.f32 v1, v1;
	v2 =	vmul.f32 v62, v62  }
0xcc: {  	v23 =	vld [tilespmem:s22+$0xFFFFFDE0];
	v3 =	vmul.f32 v63, v63;
	v4 =	vmul.f32 v4, v4  }
0xcd: {  	v24 =	vld [tilespmem:s22+$0x3E0];
	v5 =	vmul.f32 v16, v16;
	v6 =	vmul.f32 v17, v17  }
0xce: {  	v25 =	vld [tilespmem:s22+$0x60];
	v7 =	vmul.f32 v18, v18;
	v8 =	vmul.f32 v19, v19  }
0xcf: {  	v9 =	vmul.f32 v20, v20;
	v10 =	vmul.f32 v21, v21  }
0xd0: {  	v26 =	vld [tilespmem:s22+$0xFFFFFC60];
	v11 =	vmul.f32 v22, v22;
	v0 =	vadd.f32 v1, v0;
	v27 =	vadd.f32 v3, v2  }
0xd1: {  	v28 =	vmul.f32 v23, v23;
	v29 =	vadd.f32 v5, v4;
	v30 =	vadd.f32 v7, v6  }
0xd2: {  	v31 =	vmul.f32 v24, v24;
	v32 =	vadd.f32 v9, v8;
	v33 =	vadd.f32 v11, v10  }
0xd3: {  	v34 =	vmul.f32 v25, v25;
	v0 =	vadd.f32 v28, v0;
	v1 =	vadd.f32 v29, v27  }
0xd4: {  	v35 =	vadd.f32 v32, v30;
	v36 =	vadd.f32 v31, v33  }
0xd5: {  	v37 =	vmul.f32 v26, v26;
	v1 =	vadd.f32 v1, v34  }
0xd6: {  	v2 =	vadd.f32 v36, v35;
	v0 =	vmul.f32 $3.333333430e-01, v0  }
0xd7: {  	[tilespmem:s23+$0x10060] =	vst v37;
	v1 =	vmul.f32 $2.000000030e-01, v1  }
0xd8: {  	[tilespmem:s23+$0x100E0] =	vst v0;
	v38 =	vmul.f32 $1.428571490e-01, v2  }
0xd9: {  	[tilespmem:s23+$0x10160] =	vst v1  }
0xda: {  	[tilespmem:s23+$0x101E0] =	vst v38  }
0xdb: {  	v0 =	vld [tilespmem:s22+$0xFFFFFCF0]  }
0xdc: {  	v1 =	vld [tilespmem:s22+$0xFFFFFD70]  }
0xdd: {  	v39 =	vld [tilespmem:s22+$0xFFFFFE70]  }
0xde: {  	v40 =	vld [tilespmem:s22+$0xFFFFFEF0]  }
0xdf: {  	v4 =	vld [tilespmem:s22+$0xFFFFFF70]  }
0xe0: {  	v41 =	vld [tilespmem:s22+$0xFFFFFFF0]  }
0xe1: {  	v42 =	vld [tilespmem:s22+$0xF0]  }
0xe2: {  	v43 =	vld [tilespmem:s22+$0x170]  }
0xe3: {  	v44 =	vld [tilespmem:s22+$0x1F0]  }
0xe4: {  	v45 =	vld [tilespmem:s22+$0x270]  }
0xe5: {  	v46 =	vld [tilespmem:s22+$0x2F0];
	v0 =	vmul.f32 v0, v0  }
0xe6: {  	v47 =	vld [tilespmem:s22+$0x370];
	v1 =	vmul.f32 v1, v1;
	v2 =	vmul.f32 v39, v39  }
0xe7: {  	v48 =	vld [tilespmem:s22+$0xFFFFFDF0];
	v3 =	vmul.f32 v40, v40;
	v4 =	vmul.f32 v4, v4  }
0xe8: {  	v49 =	vld [tilespmem:s22+$0x3F0];
	v5 =	vmul.f32 v41, v41;
	v6 =	vmul.f32 v42, v42  }
0xe9: {  	v50 =	vld [tilespmem:s22+$0x70];
	v7 =	vmul.f32 v43, v43;
	v8 =	vmul.f32 v44, v44  }
0xea: {  	v9 =	vmul.f32 v45, v45;
	v10 =	vmul.f32 v46, v46  }
0xeb: {  	v51 =	vld [tilespmem:s22+$0xFFFFFC70];
	v11 =	vmul.f32 v47, v47;
	v0 =	vadd.f32 v1, v0;
	v52 =	vadd.f32 v3, v2  }
0xec: {  	v53 =	vmul.f32 v48, v48;
	v54 =	vadd.f32 v5, v4;
	v55 =	vadd.f32 v7, v6  }
0xed: {  	v56 =	vmul.f32 v49, v49;
	v57 =	vadd.f32 v9, v8;
	v58 =	vadd.f32 v11, v10  }
0xee: {  	v59 =	vmul.f32 v50, v50;
	v0 =	vadd.f32 v53, v0;
	v1 =	vadd.f32 v54, v52  }
0xef: {  	v60 =	vadd.f32 v57, v55;
	v61 =	vadd.f32 v56, v58  }
0xf0: {  	p1 =	sne.s32 s21, $0x7800;
	v62 =	vmul.f32 v51, v51;
	v1 =	vadd.f32 v1, v59  }
.Ltmp2:
0xf1: {  	v2 =	vadd.f32 v61, v60;
	v0 =	vmul.f32 $3.333333430e-01, v0;
	(pc) =	sbr.rel @p1 .LBB2_3-.Ltmp2, $4  }
0xf2: {  	[tilespmem:s23+$0x10070] =	vst v62;
	v1 =	vmul.f32 $2.000000030e-01, v1  }
0xf3: {  	[tilespmem:s23+$0x100F0] =	vst v0;
	v63 =	vmul.f32 $1.428571490e-01, v2  }
0xf4: {  	[tilespmem:s23+$0x10170] =	vst v1  }
0xf5: {  	s21 =	sadd.s32 $0x800, s21;
	s22 =	sadd.s32 $0x800, s22;
	[tilespmem:s23+$0x101F0] =	vst v63  }
0xf6: {  	p1 =	sne.s32 s19, $0x3  }
.Ltmp3:
0xf7: {  	_ = 	snop;
	(pc) =	sbr.rel @p1 .LBB2_6-.Ltmp3, $4  }
0xf8: {  	_ = 	snop  }
0xf9: {  	s21 =	sshll.u32 s19, $0x10  }
0xfa: {  	s22 =	sadd.s32 s21, s6  }
0xfb: {  	[hbm4b:s22+s2] =	stream.linear.scatter [tilespmem:s13], [sflag:$0x3], $0x2000, $0x38;
	[tilespmem:$0x14000] =	vst v63  }
.Ltmp4:
0xfc: {  	(pc) =	sbr.rel .LBB2_7-.Ltmp4, $4  }
0xfd: {  	_ = 	snop  }
0xfe: {  	_ =	swait.ge [sflag:s14], $0x8000  }
0xff: {  	[sflag:s14] =	ssyncset.done $0x0  }
0x100: {  	[sflag:s14] =	ssyncadd.s32 $0xFFFF8000  }
.LBB2_6:
.Ltmp5:
0x101: {  	s22 =	sadd.s32 s20, s7;
	(pc) =	sbr.rel @p0 .LBB2_8-.Ltmp5, $4  }
0x102: {  	[tilespmem:s2], [sflag:$0x1] =	stream.linear.gather [hbm4b:s22+s2], $0x8000, $0x38;
	[tilespmem:$0x14000] =	vst v63  }
0x103: {  	_ =	swait.ge [sflag:s14], $0x8000  }
0x104: {  	[sflag:s14] =	ssyncset.done $0x0  }
0x105: {  	[sflag:s14] =	ssyncadd.s32 $0xFFFF8000  }
.LBB2_7:
0x106: {  	_ =	swait.ge [sflag:s15], $0x2000  }
0x107: {  	[sflag:s15] =	ssyncset.done $0x0  }
0x108: {  	[sflag:s15] =	ssyncadd.s32 $0xFFFFE000  }
.LBB2_8:
0x109: {  	s22 =	simm.s32 $0x0;
	s23 =	simm.s32 $0x8400  }
.LBB2_9:
0x10a: {  	v0 =	vld [tilespmem:s23+$0xFFFFFC80]  }
0x10b: {  	v1 =	vld [tilespmem:s23+$0xFFFFFD00]  }
0x10c: {  	v2 =	vld [tilespmem:s23+$0xFFFFFE00]  }
0x10d: {  	v3 =	vld [tilespmem:s23+$0xFFFFFE80]  }
0x10e: {  	v4 =	vld [tilespmem:s23+$0xFFFFFF00]  }
0x10f: {  	v5 =	vld [tilespmem:s23+$0xFFFFFF80]  }
0x110: {  	v6 =	vld [tilespmem:s23+$0x80]  }
0x111: {  	v7 =	vld [tilespmem:s23+$0x100]  }
0x112: {  	v8 =	vld [tilespmem:s23+$0x180]  }
0x113: {  	v9 =	vld [tilespmem:s23+$0x200]  }
0x114: {  	v10 =	vld [tilespmem:s23+$0x280];
	v0 =	vmul.f32 v0, v0  }
0x115: {  	v11 =	vld [tilespmem:s23+$0x300];
	v1 =	vmul.f32 v1, v1;
	v2 =	vmul.f32 v2, v2  }
0x116: {  	v12 =	vld [tilespmem:s23+$0xFFFFFD80];
	v3 =	vmul.f32 v3, v3;
	v4 =	vmul.f32 v4, v4  }
0x117: {  	v13 =	vld [tilespmem:s23+$0x380];
	v5 =	vmul.f32 v5, v5;
	v6 =	vmul.f32 v6, v6  }
0x118: {  	v14 =	vld [tilespmem:s23+$0x0];
	v7 =	vmul.f32 v7, v7;
	v8 =	vmul.f32 v8, v8  }
0x119: {  	v9 =	vmul.f32 v9, v9;
	v10 =	vmul.f32 v10, v10  }
0x11a: {  	v15 =	vld [tilespmem:s23+$0xFFFFFC00];
	v11 =	vmul.f32 v11, v11;
	v0 =	vadd.f32 v1, v0;
	v21 =	vadd.f32 v3, v2  }
0x11b: {  	v22 =	vmul.f32 v12, v12;
	v23 =	vadd.f32 v5, v4;
	v24 =	vadd.f32 v7, v6  }
0x11c: {  	v25 =	vmul.f32 v13, v13;
	v26 =	vadd.f32 v9, v8;
	v27 =	vadd.f32 v11, v10  }
0x11d: {  	v28 =	vmul.f32 v14, v14;
	v0 =	vadd.f32 v22, v0;
	v1 =	vadd.f32 v23, v21  }
0x11e: {  	v29 =	vadd.f32 v26, v24;
	v30 =	vadd.f32 v25, v27  }
0x11f: {  	v31 =	vmul.f32 v15, v15;
	v1 =	vadd.f32 v1, v28  }
0x120: {  	s24 =	sshra.s32 s22, $0x2;
	v2 =	vadd.f32 v30, v29;
	v0 =	vmul.f32 $3.333333430e-01, v0  }
0x121: {  	[tilespmem:s24+$0x12000] =	vst v31;
	v1 =	vmul.f32 $2.000000030e-01, v1  }
0x122: {  	[tilespmem:s24+$0x12080] =	vst v0;
	v32 =	vmul.f32 $1.428571490e-01, v2  }
0x123: {  	[tilespmem:s24+$0x12100] =	vst v1  }
0x124: {  	[tilespmem:s24+$0x12180] =	vst v32  }
0x125: {  	v0 =	vld [tilespmem:s23+$0xFFFFFC90]  }
0x126: {  	v1 =	vld [tilespmem:s23+$0xFFFFFD10]  }
0x127: {  	v33 =	vld [tilespmem:s23+$0xFFFFFE10]  }
0x128: {  	v34 =	vld [tilespmem:s23+$0xFFFFFE90]  }
0x129: {  	v4 =	vld [tilespmem:s23+$0xFFFFFF10]  }
0x12a: {  	v35 =	vld [tilespmem:s23+$0xFFFFFF90]  }
0x12b: {  	v36 =	vld [tilespmem:s23+$0x90]  }
0x12c: {  	v37 =	vld [tilespmem:s23+$0x110]  }
0x12d: {  	v38 =	vld [tilespmem:s23+$0x190]  }
0x12e: {  	v39 =	vld [tilespmem:s23+$0x210]  }
0x12f: {  	v40 =	vld [tilespmem:s23+$0x290];
	v0 =	vmul.f32 v0, v0  }
0x130: {  	v41 =	vld [tilespmem:s23+$0x310];
	v1 =	vmul.f32 v1, v1;
	v2 =	vmul.f32 v33, v33  }
0x131: {  	v42 =	vld [tilespmem:s23+$0xFFFFFD90];
	v3 =	vmul.f32 v34, v34;
	v4 =	vmul.f32 v4, v4  }
0x132: {  	v43 =	vld [tilespmem:s23+$0x390];
	v5 =	vmul.f32 v35, v35;
	v6 =	vmul.f32 v36, v36  }
0x133: {  	v44 =	vld [tilespmem:s23+$0x10];
	v7 =	vmul.f32 v37, v37;
	v8 =	vmul.f32 v38, v38  }
0x134: {  	v9 =	vmul.f32 v39, v39;
	v10 =	vmul.f32 v40, v40  }
0x135: {  	v45 =	vld [tilespmem:s23+$0xFFFFFC10];
	v11 =	vmul.f32 v41, v41;
	v0 =	vadd.f32 v1, v0;
	v46 =	vadd.f32 v3, v2  }
0x136: {  	v47 =	vmul.f32 v42, v42;
	v48 =	vadd.f32 v5, v4;
	v49 =	vadd.f32 v7, v6  }
0x137: {  	v50 =	vmul.f32 v43, v43;
	v51 =	vadd.f32 v9, v8;
	v52 =	vadd.f32 v11, v10  }
0x138: {  	v53 =	vmul.f32 v44, v44;
	v0 =	vadd.f32 v47, v0;
	v1 =	vadd.f32 v48, v46  }
0x139: {  	v54 =	vadd.f32 v51, v49;
	v55 =	vadd.f32 v50, v52  }
0x13a: {  	v56 =	vmul.f32 v45, v45;
	v1 =	vadd.f32 v1, v53  }
0x13b: {  	v2 =	vadd.f32 v55, v54;
	v0 =	vmul.f32 $3.333333430e-01, v0  }
0x13c: {  	[tilespmem:s24+$0x12010] =	vst v56;
	v1 =	vmul.f32 $2.000000030e-01, v1  }
0x13d: {  	[tilespmem:s24+$0x12090] =	vst v0;
	v57 =	vmul.f32 $1.428571490e-01, v2  }
0x13e: {  	[tilespmem:s24+$0x12110] =	vst v1  }
0x13f: {  	[tilespmem:s24+$0x12190] =	vst v57  }
0x140: {  	v0 =	vld [tilespmem:s23+$0xFFFFFCA0]  }
0x141: {  	v1 =	vld [tilespmem:s23+$0xFFFFFD20]  }
0x142: {  	v58 =	vld [tilespmem:s23+$0xFFFFFE20]  }
0x143: {  	v59 =	vld [tilespmem:s23+$0xFFFFFEA0]  }
0x144: {  	v4 =	vld [tilespmem:s23+$0xFFFFFF20]  }
0x145: {  	v60 =	vld [tilespmem:s23+$0xFFFFFFA0]  }
0x146: {  	v61 =	vld [tilespmem:s23+$0xA0]  }
0x147: {  	v62 =	vld [tilespmem:s23+$0x120]  }
0x148: {  	v63 =	vld [tilespmem:s23+$0x1A0]  }
0x149: {  	v16 =	vld [tilespmem:s23+$0x220]  }
0x14a: {  	v17 =	vld [tilespmem:s23+$0x2A0];
	v0 =	vmul.f32 v0, v0  }
0x14b: {  	v18 =	vld [tilespmem:s23+$0x320];
	v1 =	vmul.f32 v1, v1;
	v2 =	vmul.f32 v58, v58  }
0x14c: {  	v19 =	vld [tilespmem:s23+$0xFFFFFDA0];
	v3 =	vmul.f32 v59, v59;
	v4 =	vmul.f32 v4, v4  }
0x14d: {  	v20 =	vld [tilespmem:s23+$0x3A0];
	v5 =	vmul.f32 v60, v60;
	v6 =	vmul.f32 v61, v61  }
0x14e: {  	v21 =	vld [tilespmem:s23+$0x20];
	v7 =	vmul.f32 v62, v62;
	v8 =	vmul.f32 v63, v63  }
0x14f: {  	v9 =	vmul.f32 v16, v16;
	v10 =	vmul.f32 v17, v17  }
0x150: {  	v22 =	vld [tilespmem:s23+$0xFFFFFC20];
	v11 =	vmul.f32 v18, v18;
	v0 =	vadd.f32 v1, v0;
	v23 =	vadd.f32 v3, v2  }
0x151: {  	v24 =	vmul.f32 v19, v19;
	v25 =	vadd.f32 v5, v4;
	v26 =	vadd.f32 v7, v6  }
0x152: {  	v27 =	vmul.f32 v20, v20;
	v28 =	vadd.f32 v9, v8;
	v29 =	vadd.f32 v11, v10  }
0x153: {  	v30 =	vmul.f32 v21, v21;
	v0 =	vadd.f32 v24, v0;
	v1 =	vadd.f32 v25, v23  }
0x154: {  	v31 =	vadd.f32 v28, v26;
	v32 =	vadd.f32 v27, v29  }
0x155: {  	v33 =	vmul.f32 v22, v22;
	v1 =	vadd.f32 v1, v30  }
0x156: {  	v2 =	vadd.f32 v32, v31;
	v0 =	vmul.f32 $3.333333430e-01, v0  }
0x157: {  	[tilespmem:s24+$0x12020] =	vst v33;
	v1 =	vmul.f32 $2.000000030e-01, v1  }
0x158: {  	[tilespmem:s24+$0x120A0] =	vst v0;
	v34 =	vmul.f32 $1.428571490e-01, v2  }
0x159: {  	[tilespmem:s24+$0x12120] =	vst v1  }
0x15a: {  	[tilespmem:s24+$0x121A0] =	vst v34  }
0x15b: {  	v0 =	vld [tilespmem:s23+$0xFFFFFCB0]  }
0x15c: {  	v1 =	vld [tilespmem:s23+$0xFFFFFD30]  }
0x15d: {  	v35 =	vld [tilespmem:s23+$0xFFFFFE30]  }
0x15e: {  	v36 =	vld [tilespmem:s23+$0xFFFFFEB0]  }
0x15f: {  	v4 =	vld [tilespmem:s23+$0xFFFFFF30]  }
0x160: {  	v37 =	vld [tilespmem:s23+$0xFFFFFFB0]  }
0x161: {  	v38 =	vld [tilespmem:s23+$0xB0]  }
0x162: {  	v39 =	vld [tilespmem:s23+$0x130]  }
0x163: {  	v40 =	vld [tilespmem:s23+$0x1B0]  }
0x164: {  	v41 =	vld [tilespmem:s23+$0x230]  }
0x165: {  	v42 =	vld [tilespmem:s23+$0x2B0];
	v0 =	vmul.f32 v0, v0  }
0x166: {  	v43 =	vld [tilespmem:s23+$0x330];
	v1 =	vmul.f32 v1, v1;
	v2 =	vmul.f32 v35, v35  }
0x167: {  	v44 =	vld [tilespmem:s23+$0xFFFFFDB0];
	v3 =	vmul.f32 v36, v36;
	v4 =	vmul.f32 v4, v4  }
0x168: {  	v45 =	vld [tilespmem:s23+$0x3B0];
	v5 =	vmul.f32 v37, v37;
	v6 =	vmul.f32 v38, v38  }
0x169: {  	v46 =	vld [tilespmem:s23+$0x30];
	v7 =	vmul.f32 v39, v39;
	v8 =	vmul.f32 v40, v40  }
0x16a: {  	v9 =	vmul.f32 v41, v41;
	v10 =	vmul.f32 v42, v42  }
0x16b: {  	v47 =	vld [tilespmem:s23+$0xFFFFFC30];
	v11 =	vmul.f32 v43, v43;
	v0 =	vadd.f32 v1, v0;
	v48 =	vadd.f32 v3, v2  }
0x16c: {  	v49 =	vmul.f32 v44, v44;
	v50 =	vadd.f32 v5, v4;
	v51 =	vadd.f32 v7, v6  }
0x16d: {  	v52 =	vmul.f32 v45, v45;
	v53 =	vadd.f32 v9, v8;
	v54 =	vadd.f32 v11, v10  }
0x16e: {  	v55 =	vmul.f32 v46, v46;
	v0 =	vadd.f32 v49, v0;
	v1 =	vadd.f32 v50, v48  }
0x16f: {  	v56 =	vadd.f32 v53, v51;
	v57 =	vadd.f32 v52, v54  }
0x170: {  	v58 =	vmul.f32 v47, v47;
	v1 =	vadd.f32 v1, v55  }
0x171: {  	v2 =	vadd.f32 v57, v56;
	v0 =	vmul.f32 $3.333333430e-01, v0  }
0x172: {  	[tilespmem:s24+$0x12030] =	vst v58;
	v1 =	vmul.f32 $2.000000030e-01, v1  }
0x173: {  	[tilespmem:s24+$0x120B0] =	vst v0;
	v59 =	vmul.f32 $1.428571490e-01, v2  }
0x174: {  	[tilespmem:s24+$0x12130] =	vst v1  }
0x175: {  	[tilespmem:s24+$0x121B0] =	vst v59  }
0x176: {  	v0 =	vld [tilespmem:s23+$0xFFFFFCC0]  }
0x177: {  	v1 =	vld [tilespmem:s23+$0xFFFFFD40]  }
0x178: {  	v60 =	vld [tilespmem:s23+$0xFFFFFE40]  }
0x179: {  	v61 =	vld [tilespmem:s23+$0xFFFFFEC0]  }
0x17a: {  	v4 =	vld [tilespmem:s23+$0xFFFFFF40]  }
0x17b: {  	v62 =	vld [tilespmem:s23+$0xFFFFFFC0]  }
0x17c: {  	v63 =	vld [tilespmem:s23+$0xC0]  }
0x17d: {  	v16 =	vld [tilespmem:s23+$0x140]  }
0x17e: {  	v17 =	vld [tilespmem:s23+$0x1C0]  }
0x17f: {  	v18 =	vld [tilespmem:s23+$0x240]  }
0x180: {  	v19 =	vld [tilespmem:s23+$0x2C0];
	v0 =	vmul.f32 v0, v0  }
0x181: {  	v20 =	vld [tilespmem:s23+$0x340];
	v1 =	vmul.f32 v1, v1;
	v2 =	vmul.f32 v60, v60  }
0x182: {  	v21 =	vld [tilespmem:s23+$0xFFFFFDC0];
	v3 =	vmul.f32 v61, v61;
	v4 =	vmul.f32 v4, v4  }
0x183: {  	v22 =	vld [tilespmem:s23+$0x3C0];
	v5 =	vmul.f32 v62, v62;
	v6 =	vmul.f32 v63, v63  }
0x184: {  	v23 =	vld [tilespmem:s23+$0x40];
	v7 =	vmul.f32 v16, v16;
	v8 =	vmul.f32 v17, v17  }
0x185: {  	v9 =	vmul.f32 v18, v18;
	v10 =	vmul.f32 v19, v19  }
0x186: {  	v24 =	vld [tilespmem:s23+$0xFFFFFC40];
	v11 =	vmul.f32 v20, v20;
	v0 =	vadd.f32 v1, v0;
	v25 =	vadd.f32 v3, v2  }
0x187: {  	v26 =	vmul.f32 v21, v21;
	v27 =	vadd.f32 v5, v4;
	v28 =	vadd.f32 v7, v6  }
0x188: {  	v29 =	vmul.f32 v22, v22;
	v30 =	vadd.f32 v9, v8;
	v31 =	vadd.f32 v11, v10  }
0x189: {  	v32 =	vmul.f32 v23, v23;
	v0 =	vadd.f32 v26, v0;
	v1 =	vadd.f32 v27, v25  }
0x18a: {  	v33 =	vadd.f32 v30, v28;
	v34 =	vadd.f32 v29, v31  }
0x18b: {  	v35 =	vmul.f32 v24, v24;
	v1 =	vadd.f32 v1, v32  }
0x18c: {  	v2 =	vadd.f32 v34, v33;
	v0 =	vmul.f32 $3.333333430e-01, v0  }
0x18d: {  	[tilespmem:s24+$0x12040] =	vst v35;
	v1 =	vmul.f32 $2.000000030e-01, v1  }
0x18e: {  	[tilespmem:s24+$0x120C0] =	vst v0;
	v36 =	vmul.f32 $1.428571490e-01, v2  }
0x18f: {  	[tilespmem:s24+$0x12140] =	vst v1  }
0x190: {  	[tilespmem:s24+$0x121C0] =	vst v36  }
0x191: {  	v0 =	vld [tilespmem:s23+$0xFFFFFCD0]  }
0x192: {  	v1 =	vld [tilespmem:s23+$0xFFFFFD50]  }
0x193: {  	v37 =	vld [tilespmem:s23+$0xFFFFFE50]  }
0x194: {  	v38 =	vld [tilespmem:s23+$0xFFFFFED0]  }
0x195: {  	v4 =	vld [tilespmem:s23+$0xFFFFFF50]  }
0x196: {  	v39 =	vld [tilespmem:s23+$0xFFFFFFD0]  }
0x197: {  	v40 =	vld [tilespmem:s23+$0xD0]  }
0x198: {  	v41 =	vld [tilespmem:s23+$0x150]  }
0x199: {  	v42 =	vld [tilespmem:s23+$0x1D0]  }
0x19a: {  	v43 =	vld [tilespmem:s23+$0x250]  }
0x19b: {  	v44 =	vld [tilespmem:s23+$0x2D0];
	v0 =	vmul.f32 v0, v0  }
0x19c: {  	v45 =	vld [tilespmem:s23+$0x350];
	v1 =	vmul.f32 v1, v1;
	v2 =	vmul.f32 v37, v37  }
0x19d: {  	v46 =	vld [tilespmem:s23+$0xFFFFFDD0];
	v3 =	vmul.f32 v38, v38;
	v4 =	vmul.f32 v4, v4  }
0x19e: {  	v47 =	vld [tilespmem:s23+$0x3D0];
	v5 =	vmul.f32 v39, v39;
	v6 =	vmul.f32 v40, v40  }
0x19f: {  	v48 =	vld [tilespmem:s23+$0x50];
	v7 =	vmul.f32 v41, v41;
	v8 =	vmul.f32 v42, v42  }
0x1a0: {  	v9 =	vmul.f32 v43, v43;
	v10 =	vmul.f32 v44, v44  }
0x1a1: {  	v49 =	vld [tilespmem:s23+$0xFFFFFC50];
	v11 =	vmul.f32 v45, v45;
	v0 =	vadd.f32 v1, v0;
	v50 =	vadd.f32 v3, v2  }
0x1a2: {  	v51 =	vmul.f32 v46, v46;
	v52 =	vadd.f32 v5, v4;
	v53 =	vadd.f32 v7, v6  }
0x1a3: {  	v54 =	vmul.f32 v47, v47;
	v55 =	vadd.f32 v9, v8;
	v56 =	vadd.f32 v11, v10  }
0x1a4: {  	v57 =	vmul.f32 v48, v48;
	v0 =	vadd.f32 v51, v0;
	v1 =	vadd.f32 v52, v50  }
0x1a5: {  	v58 =	vadd.f32 v55, v53;
	v59 =	vadd.f32 v54, v56  }
0x1a6: {  	v60 =	vmul.f32 v49, v49;
	v1 =	vadd.f32 v1, v57  }
0x1a7: {  	v2 =	vadd.f32 v59, v58;
	v0 =	vmul.f32 $3.333333430e-01, v0  }
0x1a8: {  	[tilespmem:s24+$0x12050] =	vst v60;
	v1 =	vmul.f32 $2.000000030e-01, v1  }
0x1a9: {  	[tilespmem:s24+$0x120D0] =	vst v0;
	v61 =	vmul.f32 $1.428571490e-01, v2  }
0x1aa: {  	[tilespmem:s24+$0x12150] =	vst v1  }
0x1ab: {  	[tilespmem:s24+$0x121D0] =	vst v61  }
0x1ac: {  	v0 =	vld [tilespmem:s23+$0xFFFFFCE0]  }
0x1ad: {  	v1 =	vld [tilespmem:s23+$0xFFFFFD60]  }
0x1ae: {  	v62 =	vld [tilespmem:s23+$0xFFFFFE60]  }
0x1af: {  	v63 =	vld [tilespmem:s23+$0xFFFFFEE0]  }
0x1b0: {  	v4 =	vld [tilespmem:s23+$0xFFFFFF60]  }
0x1b1: {  	v16 =	vld [tilespmem:s23+$0xFFFFFFE0]  }
0x1b2: {  	v17 =	vld [tilespmem:s23+$0xE0]  }
0x1b3: {  	v18 =	vld [tilespmem:s23+$0x160]  }
0x1b4: {  	v19 =	vld [tilespmem:s23+$0x1E0]  }
0x1b5: {  	v20 =	vld [tilespmem:s23+$0x260]  }
0x1b6: {  	v21 =	vld [tilespmem:s23+$0x2E0];
	v0 =	vmul.f32 v0, v0  }
0x1b7: {  	v22 =	vld [tilespmem:s23+$0x360];
	v1 =	vmul.f32 v1, v1;
	v2 =	vmul.f32 v62, v62  }
0x1b8: {  	v23 =	vld [tilespmem:s23+$0xFFFFFDE0];
	v3 =	vmul.f32 v63, v63;
	v4 =	vmul.f32 v4, v4  }
0x1b9: {  	v24 =	vld [tilespmem:s23+$0x3E0];
	v5 =	vmul.f32 v16, v16;
	v6 =	vmul.f32 v17, v17  }
0x1ba: {  	v25 =	vld [tilespmem:s23+$0x60];
	v7 =	vmul.f32 v18, v18;
	v8 =	vmul.f32 v19, v19  }
0x1bb: {  	v9 =	vmul.f32 v20, v20;
	v10 =	vmul.f32 v21, v21  }
0x1bc: {  	v26 =	vld [tilespmem:s23+$0xFFFFFC60];
	v11 =	vmul.f32 v22, v22;
	v0 =	vadd.f32 v1, v0;
	v27 =	vadd.f32 v3, v2  }
0x1bd: {  	v28 =	vmul.f32 v23, v23;
	v29 =	vadd.f32 v5, v4;
	v30 =	vadd.f32 v7, v6  }
0x1be: {  	v31 =	vmul.f32 v24, v24;
	v32 =	vadd.f32 v9, v8;
	v33 =	vadd.f32 v11, v10  }
0x1bf: {  	v34 =	vmul.f32 v25, v25;
	v0 =	vadd.f32 v28, v0;
	v1 =	vadd.f32 v29, v27  }
0x1c0: {  	v35 =	vadd.f32 v32, v30;
	v36 =	vadd.f32 v31, v33  }
0x1c1: {  	v37 =	vmul.f32 v26, v26;
	v1 =	vadd.f32 v1, v34  }
0x1c2: {  	v2 =	vadd.f32 v36, v35;
	v0 =	vmul.f32 $3.333333430e-01, v0  }
0x1c3: {  	[tilespmem:s24+$0x12060] =	vst v37;
	v1 =	vmul.f32 $2.000000030e-01, v1  }
0x1c4: {  	[tilespmem:s24+$0x120E0] =	vst v0;
	v38 =	vmul.f32 $1.428571490e-01, v2  }
0x1c5: {  	[tilespmem:s24+$0x12160] =	vst v1  }
0x1c6: {  	[tilespmem:s24+$0x121E0] =	vst v38  }
0x1c7: {  	v0 =	vld [tilespmem:s23+$0xFFFFFCF0]  }
0x1c8: {  	v1 =	vld [tilespmem:s23+$0xFFFFFD70]  }
0x1c9: {  	v39 =	vld [tilespmem:s23+$0xFFFFFE70]  }
0x1ca: {  	v40 =	vld [tilespmem:s23+$0xFFFFFEF0]  }
0x1cb: {  	v4 =	vld [tilespmem:s23+$0xFFFFFF70]  }
0x1cc: {  	v41 =	vld [tilespmem:s23+$0xFFFFFFF0]  }
0x1cd: {  	v42 =	vld [tilespmem:s23+$0xF0]  }
0x1ce: {  	v43 =	vld [tilespmem:s23+$0x170]  }
0x1cf: {  	v44 =	vld [tilespmem:s23+$0x1F0]  }
0x1d0: {  	v45 =	vld [tilespmem:s23+$0x270]  }
0x1d1: {  	v46 =	vld [tilespmem:s23+$0x2F0];
	v0 =	vmul.f32 v0, v0  }
0x1d2: {  	v47 =	vld [tilespmem:s23+$0x370];
	v1 =	vmul.f32 v1, v1;
	v2 =	vmul.f32 v39, v39  }
0x1d3: {  	v48 =	vld [tilespmem:s23+$0xFFFFFDF0];
	v3 =	vmul.f32 v40, v40;
	v4 =	vmul.f32 v4, v4  }
0x1d4: {  	v49 =	vld [tilespmem:s23+$0x3F0];
	v5 =	vmul.f32 v41, v41;
	v6 =	vmul.f32 v42, v42  }
0x1d5: {  	v50 =	vld [tilespmem:s23+$0x70];
	v7 =	vmul.f32 v43, v43;
	v8 =	vmul.f32 v44, v44  }
0x1d6: {  	v9 =	vmul.f32 v45, v45;
	v10 =	vmul.f32 v46, v46  }
0x1d7: {  	v51 =	vld [tilespmem:s23+$0xFFFFFC70];
	v11 =	vmul.f32 v47, v47;
	v0 =	vadd.f32 v1, v0;
	v52 =	vadd.f32 v3, v2  }
0x1d8: {  	v53 =	vmul.f32 v48, v48;
	v54 =	vadd.f32 v5, v4;
	v55 =	vadd.f32 v7, v6  }
0x1d9: {  	v56 =	vmul.f32 v49, v49;
	v57 =	vadd.f32 v9, v8;
	v58 =	vadd.f32 v11, v10  }
0x1da: {  	v59 =	vmul.f32 v50, v50;
	v0 =	vadd.f32 v53, v0;
	v1 =	vadd.f32 v54, v52  }
0x1db: {  	v60 =	vadd.f32 v57, v55;
	v61 =	vadd.f32 v56, v58  }
0x1dc: {  	p0 =	sne.s32 s22, $0x7800;
	v62 =	vmul.f32 v51, v51;
	v1 =	vadd.f32 v1, v59  }
.Ltmp6:
0x1dd: {  	v2 =	vadd.f32 v61, v60;
	v0 =	vmul.f32 $3.333333430e-01, v0;
	(pc) =	sbr.rel @p0 .LBB2_9-.Ltmp6, $4  }
0x1de: {  	[tilespmem:s24+$0x12070] =	vst v62;
	v1 =	vmul.f32 $2.000000030e-01, v1  }
0x1df: {  	[tilespmem:s24+$0x120F0] =	vst v0;
	v63 =	vmul.f32 $1.428571490e-01, v2  }
0x1e0: {  	[tilespmem:s24+$0x12170] =	vst v1  }
0x1e1: {  	s22 =	sadd.s32 $0x800, s22;
	s23 =	sadd.s32 $0x800, s23;
	[tilespmem:s24+$0x121F0] =	vst v63  }
0x1e2: {  	p0 =	seq.s32 s19, $0x3  }
.Ltmp7:
0x1e3: {  	_ = 	snop;
	(pc) =	sbr.rel @p0 .LBB2_12-.Ltmp7, $4  }
0x1e4: {  	_ = 	snop  }
0x1e5: {  	s21 =	sor.u32 s10, s21  }
0x1e6: {  	s21 =	sadd.s32 s3, s21  }
0x1e7: {  	[hbm4b:s21+s2] =	stream.linear.scatter [tilespmem:s16], [sflag:$0x4], $0x2000, $0x38;
	[tilespmem:$0x14000] =	vst v63  }
.Ltmp8:
0x1e8: {  	(pc) =	sbr.rel .LBB2_2-.Ltmp8, $3  }
0x1e9: {  	_ =	sdelay $0x1  }
0x1ea: {  	s20 =	sadd.s32 s20, s8;
	s19 =	sadd.s32 $0x1, s19  }
0x1eb: {  	[tilespmem:s11], [sflag:$0x2] =	stream.linear.gather [hbm4b:s20+s2], $0x8000, $0x38;
	[tilespmem:$0x14000] =	vst v63  }
.LBB2_13:
0x1ec: {  	_ =	sfence.sel $0x180000  }
0x1ed: {  	[bflag:$0x0] =	sbarrier.arrive $0xFFFF  }
0x1ee: {  	p0 =	sne.s32 s1, $0x0;
	_ =	strace $0x90000047  }
0x1ef: {  	s0 =	sadd.s32 @!p0 $0x100000, s0;
	[bflag:$0x2] =	sbarrier.arrive $0xFFFF  }
0x1f0: {  	[sflag:s0] =	ssyncadd.tile.s32 @!p0 $0x1;
	_ =	shalt  }
.Lfunc_end2:
_tile_overlayer_lowered:
.L_overlay_start_2:
0x1f1: {  	(tag) =	ssettag $0x2  }
0x1f2: {  	s0 =	rddreg [dreg:$0x0];
	s2 =	stileid.u32  }
0x1f3: {  	s1 =	rddreg [dreg:$0x1];
	p0 =	sne.s32 s2, $0x0  }
0x1f4: {  	s3 =	rddreg [dreg:$0x2];
	[bflag:$0x3] =	sbarrier.arrive $0xFFFF;
	s2 =	simm.s32 @!p0 $0x1C05  }
0x1f5: {  	[timem:s3], [sflag:s2] =	dma.local @!p0 [hbm:s0], s1  }
0x1f6: {  	s0 =	simm.s32 @!p0 $0x5  }
0x1f7: {  	_ =	swait.ge @!p0 [sflag:s0], s1  }
0x1f8: {  	s1 =	ssub.s32 @!p0 $0x0, s1;
	[sflag:s0] =	ssyncset.done @!p0 $0x0  }
0x1f9: {  	[sflag:s0] =	ssyncadd.s32 @!p0 s1  }
0x1fa: {  	[bflag:$0x3] =	sbarrier.arrive $0xFFFF  }
0x1fb: {  	_ =	shalt  }

</sc_bundles>
